<compile_context>
chip_gen: v7x
topology: tpu7x:2x2x1
jax: 0.10.2.dev20260603
libtpu: 0.0.44.dev20260713+nightly
codegen_flags: <defaults>
</compile_context>

<pallas_src>
import functools

import jax
import jax.numpy as jnp
from jax import lax
from jax.experimental import pallas as pl
from jax.experimental.pallas import tpu as pltpu
from jax.experimental.pallas import tpu_sc as plsc

N = 200000
W = 128
NFULL = N // W
TAIL = N - NFULL * W
H = 20.0
BW = 16384


def _weights(t):
    s = 1.0 - t
    t2 = t * t
    t3 = t2 * t
    s2 = s * s
    s3 = s2 * s
    w0 = s3 * (1.0 / 6.0)
    w1 = 0.5 * t3 - t2 + 2.0 / 3.0
    w2 = 0.5 * s3 - s2 + 2.0 / 3.0
    w3 = t3 * (1.0 / 6.0)
    d0 = s2 * (-0.5 * H)
    d1 = (1.5 * H * t - 2.0 * H) * t
    d2 = (2.0 * H - 1.5 * H * s) * s
    d3 = t2 * (0.5 * H)
    return (w0, w1, w2, w3), (d0, d1, d2, d3)


def _frac(r):
    f = r - r.astype(jnp.int32).astype(jnp.float32)
    return jnp.where(f < 0.0, f + 1.0, f)



_mesh = plsc.VectorSubcoreMesh(core_axis_name="c", subcore_axis_name="s")


@functools.partial(
    pl.kernel,
    mesh=_mesh,
    out_type=[jax.ShapeDtypeStruct((64, N), jnp.float32)],
    scratch_types=[
        pltpu.VMEM((2, 3 * W), jnp.float32),
        pltpu.VMEM((2, 64, W), jnp.float32),
        pltpu.SemaphoreType.DMA((2,)),
        pltpu.SemaphoreType.DMA((2,)),
    ],
    compiler_params=pltpu.CompilerParams(needs_layout_passes=False),
)
def _sc_shapef(xs, ys, zs, sf_out, pv, sfb, in_sem, out_sem):
    wid = lax.axis_index("s") * 2 + lax.axis_index("c")
    nb = jnp.where(wid < 26, 49, 48)

    def in_copies(k, slot):
        c0 = (wid + 32 * k) * W
        return (
            pltpu.make_async_copy(xs.at[pl.ds(c0, W)], pv.at[slot, pl.ds(0, W)], in_sem.at[slot]),
            pltpu.make_async_copy(ys.at[pl.ds(c0, W)], pv.at[slot, pl.ds(W, W)], in_sem.at[slot]),
            pltpu.make_async_copy(zs.at[pl.ds(c0, W)], pv.at[slot, pl.ds(2 * W, W)], in_sem.at[slot]),
        )

    def out_copies(k, slot):
        c0 = (wid + 32 * k) * W
        return (
            pltpu.make_async_copy(sfb.at[slot], sf_out.at[:, pl.ds(c0, W)], out_sem.at[slot]),
        )

    def compute_groups(slot, ngroups):
        def group_body(g, carry):
            p0 = g * 16
            tx = _frac(pv[slot, pl.ds(p0, 16)] * H)
            ty = _frac(pv[slot, pl.ds(W + p0, 16)] * H)
            tz = _frac(pv[slot, pl.ds(2 * W + p0, 16)] * H)
            wx, _ = _weights(tx)
            wy, _ = _weights(ty)
            wz, _ = _weights(tz)
            for a0 in range(4):
                for a1 in range(4):
                    xy = wx[a0] * wy[a1]
                    for a2 in range(4):
                        j = a0 * 16 + a1 * 4 + a2
                        sfb[slot, j, pl.ds(p0, 16)] = xy * wz[a2]
            return carry

        lax.fori_loop(0, ngroups, group_body, 0)

    for c in in_copies(0, 0):
        c.start()

    def block_body(k, carry):
        slot = lax.rem(k, 2)

        @pl.when(k + 1 < nb)
        def _prefetch():
            for c in in_copies(k + 1, 1 - slot):
                c.start()

        for c in in_copies(k, slot):
            c.wait()

        @pl.when(k >= 2)
        def _drain_out():
            for c in out_copies(k - 2, slot):
                c.wait()

        compute_groups(slot, W // 16)
        for c in out_copies(k, slot):
            c.start()
        return carry

    lax.fori_loop(0, nb, block_body, 0)

    for c in out_copies(nb - 2, lax.rem(nb - 2, 2)):
        c.wait()
    for c in out_copies(nb - 1, lax.rem(nb - 1, 2)):
        c.wait()

    @pl.when(wid == 31)
    def _tail():
        c0 = NFULL * W
        pltpu.sync_copy(xs.at[pl.ds(c0, TAIL)], pv.at[0, pl.ds(0, TAIL)])
        pltpu.sync_copy(ys.at[pl.ds(c0, TAIL)], pv.at[0, pl.ds(W, TAIL)])
        pltpu.sync_copy(zs.at[pl.ds(c0, TAIL)], pv.at[0, pl.ds(2 * W, TAIL)])
        compute_groups(0, TAIL // 16)
        def row_copy(j, carry):
            pltpu.sync_copy(sfb.at[0, j, pl.ds(0, TAIL)], sf_out.at[j, pl.ds(c0, TAIL)])
            return carry

        lax.fori_loop(0, 64, row_copy, 0)




def _tc_grad_body(p_ref, g_ref):
    t = _frac(p_ref[...] * H)
    w, d = _weights(t)

    def rows16(vs):
        return jnp.concatenate(
            [jnp.broadcast_to(v, (16, BW)) for v in vs], axis=0
        )

    def rows4x4(vs):
        blk = jnp.concatenate([jnp.broadcast_to(v, (4, BW)) for v in vs], axis=0)
        return jnp.tile(blk, (4, 1))

    def rows1x16(vs):
        blk = jnp.stack(vs, axis=0)
        return jnp.tile(blk, (16, 1))

    WX = rows16([w[a][0] for a in range(4)])
    DWX = rows16([d[a][0] for a in range(4)])
    WY = rows4x4([w[a][1] for a in range(4)])
    DWY = rows4x4([d[a][1] for a in range(4)])
    WZ = rows1x16([w[a][2] for a in range(4)])
    DWZ = rows1x16([d[a][2] for a in range(4)])
    g_ref[0] = DWX * (WY * WZ)
    g_ref[1] = WX * (DWY * WZ)
    g_ref[2] = (WX * WY) * DWZ


_tc_grad = pl.pallas_call(
    _tc_grad_body,
    grid=(pl.cdiv(N, BW),),
    in_specs=[
        pl.BlockSpec((3, BW), lambda i: (0, i)),
    ],
    out_specs=pl.BlockSpec((3, 64, BW), lambda i: (0, 0, i)),
    out_shape=jax.ShapeDtypeStruct((3, 64, N), jnp.float32),
)


def _split_body(p_ref, x_ref, y_ref, z_ref):
    x_ref[...] = p_ref[0]
    y_ref[...] = p_ref[1]
    z_ref[...] = p_ref[2]


_tc_split = pl.pallas_call(
    _split_body,
    out_shape=[jax.ShapeDtypeStruct((N,), jnp.float32)] * 3,
)


def kernel(position_stack):
    pos_t = position_stack.astype(jnp.float32).T
    xs, ys, zs = _tc_split(pos_t)
    (sf_t,) = _sc_shapef(xs, ys, zs)
    gr_t = _tc_grad(pos_t)
    return sf_t.T, gr_t.transpose(2, 1, 0)

# --- scband reference (transcript-rebuilt; emitter-appended) ---
"""Pipeline reference for scband-cubic-shape-function-85280870629635 (READ-ONLY COPY).

The authoritative reference and input builder live on the scoring server;
editing this copy changes nothing except your own understanding.
"""

import jax, jax.numpy as jnp
import numpy as np

DIM = 3
WINDOW = 64
INV_CELL = 20.0
ORIGIN = np.array([0.0, 0.0, 0.0], dtype=np.float32)
NUM_POINTS = 200000


def setup_inputs(seed: int = 0) -> dict:
    key = jax.random.key(seed)
    position_stack = jax.random.uniform(key, (NUM_POINTS, DIM), dtype=jnp.float32)
    return {"position_stack": position_stack}


def _basis_dbasis(x, h):
    # middle_splines branch (jax.lax.switch index=0 in the original is constant)
    c1 = (x >= -2.0) & (x < -1.0)
    c2 = (x >= -1.0) & (x < 0.0)
    c3 = (x >= 0.0) & (x < 1.0)
    c4 = (x >= 1.0) & (x < 2.0)
    basis = jnp.where(
        c1, ((1.0 / 6.0 * x + 1.0) * x + 2.0) * x + 4.0 / 3.0,
        jnp.where(
            c2, (-0.5 * x - 1.0) * x * x + 2.0 / 3.0,
            jnp.where(
                c3, (0.5 * x - 1.0) * x * x + 2.0 / 3.0,
                jnp.where(c4, ((-1.0 / 6.0 * x + 1.0) * x - 2.0) * x + 4.0 / 3.0, 0.0),
            ),
        ),
    )
    dbasis = jnp.where(
        c1, h * ((0.5 * x + 2.0) * x + 2.0),
        jnp.where(
            c2, h * (-3.0 / 2.0 * x - 2.0) * x,
            jnp.where(
                c3, h * (3.0 / 2.0 * x - 2.0) * x,
                jnp.where(c4, h * ((-0.5 * x + 2.0) * x - 2.0), 0.0),
            ),
        ),
    )
    return basis, dbasis


def reference(position_stack):
    origin = jnp.asarray(ORIGIN, dtype=position_stack.dtype)
    h = jnp.float32(INV_CELL)
    # 4x4x4 cubic-spline stencil offsets relative to floor(rel_pos): -1..2
    r = jnp.arange(-1, 3, dtype=jnp.float32)
    offs = jnp.stack(jnp.meshgrid(r, r, r, indexing="ij"), axis=-1).reshape(-1, DIM)  # [64,3]

    def per_particle(pos):
        rel_pos = (pos - origin) * INV_CELL  # [3]
        base = jnp.floor(rel_pos)

        def per_node(off):
            grid_pos = base + off
            dist = rel_pos - grid_pos  # in [-2, 2]
            basis, dbasis = _basis_dbasis(dist, h)
            shapef = jnp.prod(basis)
            shapef_grad = jnp.array([
                dbasis[0] * basis[1] * basis[2],
                dbasis[1] * basis[0] * basis[2],
                dbasis[2] * basis[0] * basis[1],
            ])
            return shapef, shapef_grad

        sf, sg = jax.vmap(per_node)(offs)  # [64], [64,3]
        return sf, sg

    shapef_stack, shapef_grad_stack = jax.vmap(per_particle)(position_stack)
    return shapef_stack, shapef_grad_stack

if __name__ == "__main__":
    import jax
    _d = setup_inputs()
    print(jax.jit(kernel)(*tuple(_d.values())))

</pallas_src>

<mosaic_0001>
#map = affine_map<(d0, d1) -> (0)>
#map1 = affine_map<(d0, d1) -> (0, 0)>
module attributes {stable_mosaic.version = 14 : i64} {
  func.func @_sc_shapef(%arg0: i32, %arg1: i32, %arg2: memref<200000xf32, #tpu.memory_space<hbm>>, %arg3: memref<200000xf32, #tpu.memory_space<hbm>>, %arg4: memref<200000xf32, #tpu.memory_space<hbm>>, %arg5: memref<64x200000xf32, #tpu.memory_space<hbm>>, %arg6: memref<2x384xf32, #tpu.memory_space<vmem>>, %arg7: memref<2x64x128xf32, #tpu.memory_space<vmem>>, %arg8: memref<2x!tpu.dma_semaphore, #tpu.memory_space<semaphore_mem>>, %arg9: memref<2x!tpu.dma_semaphore, #tpu.memory_space<semaphore_mem>>) attributes {dimension_semantics = [#tpu.dimension_semantics<core_parallel>, #tpu.dimension_semantics<subcore_parallel>], iteration_bounds = array<i64: 2, 16>, scalar_prefetch = 0 : i64, scratch_operands = 4 : i64, tpu.core_type = #tpu.core_type<sc_vector_subcore>, window_params = [{transform_indices = #map}, {transform_indices = #map}, {transform_indices = #map}, {transform_indices = #map1}]} {
    %mul3A = arith.constant 2 : i32
    %mul3A_0 = arith.muli %arg1, %mul3A : i32
    %add3A = arith.addi %mul3A_0, %arg0 : i32
    %lt3A = arith.constant 26 : i32
    %lt3A_1 = arith.cmpi slt, %add3A, %lt3A : i32
    %jit3A = arith.constant 49 : i32
    %jit3A_2 = arith.constant 48 : i32
    %select_n3A = arith.select %lt3A_1, %jit3A, %jit3A_2 : i32
    %add3A_3 = arith.constant 0 : i32
    %add3A_4 = arith.addi %add3A, %add3A_3 : i32
    %mul3A_5 = arith.constant 128 : i32
    %mul3A_6 = arith.muli %add3A_4, %mul3A_5 : i32
    %dma_start3A = arith.constant 0 : i32
    %dma_start3A_7 = arith.constant 0 : i32
    %dma_start3A_8 = arith.constant 0 : i32
    %dma_start3A_9 = tpu.memref_slice %arg6[%dma_start3A, %dma_start3A_8] : memref<2x384xf32, #tpu.memory_space<vmem>> -> memref<1x128xf32, #tpu.memory_space<vmem>>
    %dma_start3A_10 = tpu.memref_squeeze %dma_start3A_9 : memref<1x128xf32, #tpu.memory_space<vmem>> -> memref<128xf32, #tpu.memory_space<vmem>>
    %dma_start3A_11 = tpu.memref_slice %arg2[%mul3A_6] : memref<200000xf32, #tpu.memory_space<hbm>> -> memref<128xf32, #tpu.memory_space<hbm>>
    %dma_start3A_12 = tpu.memref_slice %arg8[%dma_start3A_7] : memref<2x!tpu.dma_semaphore, #tpu.memory_space<semaphore_mem>> -> memref<1x!tpu.dma_semaphore, #tpu.memory_space<semaphore_mem>>
    %dma_start3A_13 = tpu.memref_squeeze %dma_start3A_12 : memref<1x!tpu.dma_semaphore, #tpu.memory_space<semaphore_mem>> -> memref<!tpu.dma_semaphore, #tpu.memory_space<semaphore_mem>>
    %dma_start3A_14 = arith.constant 0 : i32
    %dma_start3A_15 = tpu.memref_slice %arg6[%dma_start3A, %dma_start3A_14] : memref<2x384xf32, #tpu.memory_space<vmem>> -> memref<1x128xf32, #tpu.memory_space<vmem>>
    %dma_start3A_16 = tpu.memref_squeeze %dma_start3A_15 : memref<1x128xf32, #tpu.memory_space<vmem>> -> memref<128xf32, #tpu.memory_space<vmem>>
    %dma_start3A_17 = tpu.memref_slice %arg2[%mul3A_6] : memref<200000xf32, #tpu.memory_space<hbm>> -> memref<128xf32, #tpu.memory_space<hbm>>
    tpu.enqueue_dma source(%dma_start3A_17 : memref<128xf32, #tpu.memory_space<hbm>>) target(%dma_start3A_16 : memref<128xf32, #tpu.memory_space<vmem>>) target_semaphore(%dma_start3A_13 : memref<!tpu.dma_semaphore, #tpu.memory_space<semaphore_mem>>)
    %dma_start3A_18 = arith.constant 0 : i32
    %dma_start3A_19 = arith.constant 0 : i32
    %dma_start3A_20 = arith.constant 128 : i32
    %dma_start3A_21 = tpu.memref_slice %arg6[%dma_start3A_18, %dma_start3A_20] : memref<2x384xf32, #tpu.memory_space<vmem>> -> memref<1x128xf32, #tpu.memory_space<vmem>>
    %dma_start3A_22 = tpu.memref_squeeze %dma_start3A_21 : memref<1x128xf32, #tpu.memory_space<vmem>> -> memref<128xf32, #tpu.memory_space<vmem>>
    %dma_start3A_23 = tpu.memref_slice %arg3[%mul3A_6] : memref<200000xf32, #tpu.memory_space<hbm>> -> memref<128xf32, #tpu.memory_space<hbm>>
    %dma_start3A_24 = tpu.memref_slice %arg8[%dma_start3A_19] : memref<2x!tpu.dma_semaphore, #tpu.memory_space<semaphore_mem>> -> memref<1x!tpu.dma_semaphore, #tpu.memory_space<semaphore_mem>>
    %dma_start3A_25 = tpu.memref_squeeze %dma_start3A_24 : memref<1x!tpu.dma_semaphore, #tpu.memory_space<semaphore_mem>> -> memref<!tpu.dma_semaphore, #tpu.memory_space<semaphore_mem>>
    %dma_start3A_26 = arith.constant 128 : i32
    %dma_start3A_27 = tpu.memref_slice %arg6[%dma_start3A_18, %dma_start3A_26] : memref<2x384xf32, #tpu.memory_space<vmem>> -> memref<1x128xf32, #tpu.memory_space<vmem>>
    %dma_start3A_28 = tpu.memref_squeeze %dma_start3A_27 : memref<1x128xf32, #tpu.memory_space<vmem>> -> memref<128xf32, #tpu.memory_space<vmem>>
    %dma_start3A_29 = tpu.memref_slice %arg3[%mul3A_6] : memref<200000xf32, #tpu.memory_space<hbm>> -> memref<128xf32, #tpu.memory_space<hbm>>
    tpu.enqueue_dma source(%dma_start3A_29 : memref<128xf32, #tpu.memory_space<hbm>>) target(%dma_start3A_28 : memref<128xf32, #tpu.memory_space<vmem>>) target_semaphore(%dma_start3A_25 : memref<!tpu.dma_semaphore, #tpu.memory_space<semaphore_mem>>)
    %dma_start3A_30 = arith.constant 0 : i32
    %dma_start3A_31 = arith.constant 0 : i32
    %dma_start3A_32 = arith.constant 256 : i32
    %dma_start3A_33 = tpu.memref_slice %arg6[%dma_start3A_30, %dma_start3A_32] : memref<2x384xf32, #tpu.memory_space<vmem>> -> memref<1x128xf32, #tpu.memory_space<vmem>>
    %dma_start3A_34 = tpu.memref_squeeze %dma_start3A_33 : memref<1x128xf32, #tpu.memory_space<vmem>> -> memref<128xf32, #tpu.memory_space<vmem>>
    %dma_start3A_35 = tpu.memref_slice %arg4[%mul3A_6] : memref<200000xf32, #tpu.memory_space<hbm>> -> memref<128xf32, #tpu.memory_space<hbm>>
    %dma_start3A_36 = tpu.memref_slice %arg8[%dma_start3A_31] : memref<2x!tpu.dma_semaphore, #tpu.memory_space<semaphore_mem>> -> memref<1x!tpu.dma_semaphore, #tpu.memory_space<semaphore_mem>>
    %dma_start3A_37 = tpu.memref_squeeze %dma_start3A_36 : memref<1x!tpu.dma_semaphore, #tpu.memory_space<semaphore_mem>> -> memref<!tpu.dma_semaphore, #tpu.memory_space<semaphore_mem>>
    %dma_start3A_38 = arith.constant 256 : i32
    %dma_start3A_39 = tpu.memref_slice %arg6[%dma_start3A_30, %dma_start3A_38] : memref<2x384xf32, #tpu.memory_space<vmem>> -> memref<1x128xf32, #tpu.memory_space<vmem>>
    %dma_start3A_40 = tpu.memref_squeeze %dma_start3A_39 : memref<1x128xf32, #tpu.memory_space<vmem>> -> memref<128xf32, #tpu.memory_space<vmem>>
    %dma_start3A_41 = tpu.memref_slice %arg4[%mul3A_6] : memref<200000xf32, #tpu.memory_space<hbm>> -> memref<128xf32, #tpu.memory_space<hbm>>
    tpu.enqueue_dma source(%dma_start3A_41 : memref<128xf32, #tpu.memory_space<hbm>>) target(%dma_start3A_40 : memref<128xf32, #tpu.memory_space<vmem>>) target_semaphore(%dma_start3A_37 : memref<!tpu.dma_semaphore, #tpu.memory_space<semaphore_mem>>)
    %while3A = arith.constant 0 : i32
    %while3A_42 = arith.constant 0 : i32
    %while3A_43 = arith.subi %select_n3A, %while3A_42 : i32
    %while3A_44 = arith.addi %while3A_42, %while3A_43 : i32
    %while3A_45 = arith.constant 1 : i32
    %while3A_46 = arith.divsi %while3A_43, %while3A_45 : i32
    %while3A_47 = arith.muli %while3A_46, %while3A_45 : i32
    %while3A_48 = arith.addi %while3A_42, %while3A_47 : i32
    %while3A_49 = arith.constant 1 : i32
    scf.for %while3A_100 = %while3A_42 to %while3A_48 step %while3A_49  : i32 {
      %rem3A_101 = arith.constant 2 : i32
      %rem3A_102 = arith.remsi %while3A_100, %rem3A_101 : i32
      %add3A_103 = arith.constant 1 : i32
      %add3A_104 = arith.addi %while3A_100, %add3A_103 : i32
      %lt3A_105 = arith.cmpi slt, %add3A_104, %select_n3A : i32
      %convert_element_type3A_106 = arith.extui %lt3A_105 : i1 to i32
      %cond3A_107 = arith.constant 0 : i32
      %cond3A_108 = arith.cmpi ne, %convert_element_type3A_106, %cond3A_107 : i32
      scf.if %cond3A_108 {
        %add3A_172 = arith.constant 1 : i32
        %add3A_173 = arith.addi %while3A_100, %add3A_172 : i32
        %sub3A_174 = arith.constant 1 : i32
        %sub3A_175 = arith.subi %sub3A_174, %rem3A_102 : i32
        %mul3A_176 = arith.constant 32 : i32
        %mul3A_177 = arith.muli %mul3A_176, %add3A_173 : i32
        %add3A_178 = arith.addi %add3A, %mul3A_177 : i32
        %mul3A_179 = arith.constant 128 : i32
        %mul3A_180 = arith.muli %add3A_178, %mul3A_179 : i32
        %dma_start3A_181 = arith.constant 0 : i32
        %dma_start3A_182 = tpu.memref_slice %arg6[%sub3A_175, %dma_start3A_181] : memref<2x384xf32, #tpu.memory_space<vmem>> -> memref<1x128xf32, #tpu.memory_space<vmem>>
        %dma_start3A_183 = tpu.memref_squeeze %dma_start3A_182 : memref<1x128xf32, #tpu.memory_space<vmem>> -> memref<128xf32, #tpu.memory_space<vmem>>
        %dma_start3A_184 = tpu.memref_slice %arg2[%mul3A_180] : memref<200000xf32, #tpu.memory_space<hbm>> -> memref<128xf32, #tpu.memory_space<hbm>>
        %dma_start3A_185 = tpu.memref_slice %arg8[%sub3A_175] : memref<2x!tpu.dma_semaphore, #tpu.memory_space<semaphore_mem>> -> memref<1x!tpu.dma_semaphore, #tpu.memory_space<semaphore_mem>>
        %dma_start3A_186 = tpu.memref_squeeze %dma_start3A_185 : memref<1x!tpu.dma_semaphore, #tpu.memory_space<semaphore_mem>> -> memref<!tpu.dma_semaphore, #tpu.memory_space<semaphore_mem>>
        %dma_start3A_187 = arith.constant 0 : i32
        %dma_start3A_188 = tpu.memref_slice %arg6[%sub3A_175, %dma_start3A_187] : memref<2x384xf32, #tpu.memory_space<vmem>> -> memref<1x128xf32, #tpu.memory_space<vmem>>
        %dma_start3A_189 = tpu.memref_squeeze %dma_start3A_188 : memref<1x128xf32, #tpu.memory_space<vmem>> -> memref<128xf32, #tpu.memory_space<vmem>>
        %dma_start3A_190 = tpu.memref_slice %arg2[%mul3A_180] : memref<200000xf32, #tpu.memory_space<hbm>> -> memref<128xf32, #tpu.memory_space<hbm>>
        tpu.enqueue_dma source(%dma_start3A_190 : memref<128xf32, #tpu.memory_space<hbm>>) target(%dma_start3A_189 : memref<128xf32, #tpu.memory_space<vmem>>) target_semaphore(%dma_start3A_186 : memref<!tpu.dma_semaphore, #tpu.memory_space<semaphore_mem>>)
        %dma_start3A_191 = arith.constant 128 : i32
        %dma_start3A_192 = tpu.memref_slice %arg6[%sub3A_175, %dma_start3A_191] : memref<2x384xf32, #tpu.memory_space<vmem>> -> memref<1x128xf32, #tpu.memory_space<vmem>>
        %dma_start3A_193 = tpu.memref_squeeze %dma_start3A_192 : memref<1x128xf32, #tpu.memory_space<vmem>> -> memref<128xf32, #tpu.memory_space<vmem>>
        %dma_start3A_194 = tpu.memref_slice %arg3[%mul3A_180] : memref<200000xf32, #tpu.memory_space<hbm>> -> memref<128xf32, #tpu.memory_space<hbm>>
        %dma_start3A_195 = tpu.memref_slice %arg8[%sub3A_175] : memref<2x!tpu.dma_semaphore, #tpu.memory_space<semaphore_mem>> -> memref<1x!tpu.dma_semaphore, #tpu.memory_space<semaphore_mem>>
        %dma_start3A_196 = tpu.memref_squeeze %dma_start3A_195 : memref<1x!tpu.dma_semaphore, #tpu.memory_space<semaphore_mem>> -> memref<!tpu.dma_semaphore, #tpu.memory_space<semaphore_mem>>
        %dma_start3A_197 = arith.constant 128 : i32
        %dma_start3A_198 = tpu.memref_slice %arg6[%sub3A_175, %dma_start3A_197] : memref<2x384xf32, #tpu.memory_space<vmem>> -> memref<1x128xf32, #tpu.memory_space<vmem>>
        %dma_start3A_199 = tpu.memref_squeeze %dma_start3A_198 : memref<1x128xf32, #tpu.memory_space<vmem>> -> memref<128xf32, #tpu.memory_space<vmem>>
        %dma_start3A_200 = tpu.memref_slice %arg3[%mul3A_180] : memref<200000xf32, #tpu.memory_space<hbm>> -> memref<128xf32, #tpu.memory_space<hbm>>
        tpu.enqueue_dma source(%dma_start3A_200 : memref<128xf32, #tpu.memory_space<hbm>>) target(%dma_start3A_199 : memref<128xf32, #tpu.memory_space<vmem>>) target_semaphore(%dma_start3A_196 : memref<!tpu.dma_semaphore, #tpu.memory_space<semaphore_mem>>)
        %dma_start3A_201 = arith.constant 256 : i32
        %dma_start3A_202 = tpu.memref_slice %arg6[%sub3A_175, %dma_start3A_201] : memref<2x384xf32, #tpu.memory_space<vmem>> -> memref<1x128xf32, #tpu.memory_space<vmem>>
        %dma_start3A_203 = tpu.memref_squeeze %dma_start3A_202 : memref<1x128xf32, #tpu.memory_space<vmem>> -> memref<128xf32, #tpu.memory_space<vmem>>
        %dma_start3A_204 = tpu.memref_slice %arg4[%mul3A_180] : memref<200000xf32, #tpu.memory_space<hbm>> -> memref<128xf32, #tpu.memory_space<hbm>>
        %dma_start3A_205 = tpu.memref_slice %arg8[%sub3A_175] : memref<2x!tpu.dma_semaphore, #tpu.memory_space<semaphore_mem>> -> memref<1x!tpu.dma_semaphore, #tpu.memory_space<semaphore_mem>>
        %dma_start3A_206 = tpu.memref_squeeze %dma_start3A_205 : memref<1x!tpu.dma_semaphore, #tpu.memory_space<semaphore_mem>> -> memref<!tpu.dma_semaphore, #tpu.memory_space<semaphore_mem>>
        %dma_start3A_207 = arith.constant 256 : i32
        %dma_start3A_208 = tpu.memref_slice %arg6[%sub3A_175, %dma_start3A_207] : memref<2x384xf32, #tpu.memory_space<vmem>> -> memref<1x128xf32, #tpu.memory_space<vmem>>
        %dma_start3A_209 = tpu.memref_squeeze %dma_start3A_208 : memref<1x128xf32, #tpu.memory_space<vmem>> -> memref<128xf32, #tpu.memory_space<vmem>>
        %dma_start3A_210 = tpu.memref_slice %arg4[%mul3A_180] : memref<200000xf32, #tpu.memory_space<hbm>> -> memref<128xf32, #tpu.memory_space<hbm>>
        tpu.enqueue_dma source(%dma_start3A_210 : memref<128xf32, #tpu.memory_space<hbm>>) target(%dma_start3A_209 : memref<128xf32, #tpu.memory_space<vmem>>) target_semaphore(%dma_start3A_206 : memref<!tpu.dma_semaphore, #tpu.memory_space<semaphore_mem>>)
      } else {
      }
      %mul3A_109 = arith.constant 32 : i32
      %mul3A_110 = arith.muli %mul3A_109, %while3A_100 : i32
      %add3A_111 = arith.addi %add3A, %mul3A_110 : i32
      %mul3A_112 = arith.constant 128 : i32
      %mul3A_113 = arith.muli %add3A_111, %mul3A_112 : i32
      %dma_wait3A_114 = arith.constant 0 : i32
      %dma_wait3A_115 = tpu.memref_slice %arg6[%rem3A_102, %dma_wait3A_114] : memref<2x384xf32, #tpu.memory_space<vmem>> -> memref<1x128xf32, #tpu.memory_space<vmem>>
      %dma_wait3A_116 = tpu.memref_squeeze %dma_wait3A_115 : memref<1x128xf32, #tpu.memory_space<vmem>> -> memref<128xf32, #tpu.memory_space<vmem>>
      %dma_wait3A_117 = tpu.memref_slice %arg2[%mul3A_113] : memref<200000xf32, #tpu.memory_space<hbm>> -> memref<128xf32, #tpu.memory_space<hbm>>
      %dma_wait3A_118 = tpu.memref_slice %arg8[%rem3A_102] : memref<2x!tpu.dma_semaphore, #tpu.memory_space<semaphore_mem>> -> memref<1x!tpu.dma_semaphore, #tpu.memory_space<semaphore_mem>>
      %dma_wait3A_119 = tpu.memref_squeeze %dma_wait3A_118 : memref<1x!tpu.dma_semaphore, #tpu.memory_space<semaphore_mem>> -> memref<!tpu.dma_semaphore, #tpu.memory_space<semaphore_mem>>
      %dma_wait3A_120 = arith.constant 0 : i32
      %dma_wait3A_121 = tpu.memref_slice %arg6[%rem3A_102, %dma_wait3A_120] : memref<2x384xf32, #tpu.memory_space<vmem>> -> memref<1x128xf32, #tpu.memory_space<vmem>>
      %dma_wait3A_122 = tpu.memref_squeeze %dma_wait3A_121 : memref<1x128xf32, #tpu.memory_space<vmem>> -> memref<128xf32, #tpu.memory_space<vmem>>
      %dma_wait3A_123 = tpu.memref_slice %arg2[%mul3A_113] : memref<200000xf32, #tpu.memory_space<hbm>> -> memref<128xf32, #tpu.memory_space<hbm>>
      tpu.wait_dma2 semaphore(%dma_wait3A_119 : memref<!tpu.dma_semaphore, #tpu.memory_space<semaphore_mem>>) src(%dma_wait3A_123 : memref<128xf32, #tpu.memory_space<hbm>>) dst(%dma_wait3A_122 : memref<128xf32, #tpu.memory_space<vmem>>)
      %dma_wait3A_124 = arith.constant 128 : i32
      %dma_wait3A_125 = tpu.memref_slice %arg6[%rem3A_102, %dma_wait3A_124] : memref<2x384xf32, #tpu.memory_space<vmem>> -> memref<1x128xf32, #tpu.memory_space<vmem>>
      %dma_wait3A_126 = tpu.memref_squeeze %dma_wait3A_125 : memref<1x128xf32, #tpu.memory_space<vmem>> -> memref<128xf32, #tpu.memory_space<vmem>>
      %dma_wait3A_127 = tpu.memref_slice %arg3[%mul3A_113] : memref<200000xf32, #tpu.memory_space<hbm>> -> memref<128xf32, #tpu.memory_space<hbm>>
      %dma_wait3A_128 = tpu.memref_slice %arg8[%rem3A_102] : memref<2x!tpu.dma_semaphore, #tpu.memory_space<semaphore_mem>> -> memref<1x!tpu.dma_semaphore, #tpu.memory_space<semaphore_mem>>
      %dma_wait3A_129 = tpu.memref_squeeze %dma_wait3A_128 : memref<1x!tpu.dma_semaphore, #tpu.memory_space<semaphore_mem>> -> memref<!tpu.dma_semaphore, #tpu.memory_space<semaphore_mem>>
      %dma_wait3A_130 = arith.constant 128 : i32
      %dma_wait3A_131 = tpu.memref_slice %arg6[%rem3A_102, %dma_wait3A_130] : memref<2x384xf32, #tpu.memory_space<vmem>> -> memref<1x128xf32, #tpu.memory_space<vmem>>
      %dma_wait3A_132 = tpu.memref_squeeze %dma_wait3A_131 : memref<1x128xf32, #tpu.memory_space<vmem>> -> memref<128xf32, #tpu.memory_space<vmem>>
      %dma_wait3A_133 = tpu.memref_slice %arg3[%mul3A_113] : memref<200000xf32, #tpu.memory_space<hbm>> -> memref<128xf32, #tpu.memory_space<hbm>>
      tpu.wait_dma2 semaphore(%dma_wait3A_129 : memref<!tpu.dma_semaphore, #tpu.memory_space<semaphore_mem>>) src(%dma_wait3A_133 : memref<128xf32, #tpu.memory_space<hbm>>) dst(%dma_wait3A_132 : memref<128xf32, #tpu.memory_space<vmem>>)
      %dma_wait3A_134 = arith.constant 256 : i32
      %dma_wait3A_135 = tpu.memref_slice %arg6[%rem3A_102, %dma_wait3A_134] : memref<2x384xf32, #tpu.memory_space<vmem>> -> memref<1x128xf32, #tpu.memory_space<vmem>>
      %dma_wait3A_136 = tpu.memref_squeeze %dma_wait3A_135 : memref<1x128xf32, #tpu.memory_space<vmem>> -> memref<128xf32, #tpu.memory_space<vmem>>
      %dma_wait3A_137 = tpu.memref_slice %arg4[%mul3A_113] : memref<200000xf32, #tpu.memory_space<hbm>> -> memref<128xf32, #tpu.memory_space<hbm>>
      %dma_wait3A_138 = tpu.memref_slice %arg8[%rem3A_102] : memref<2x!tpu.dma_semaphore, #tpu.memory_space<semaphore_mem>> -> memref<1x!tpu.dma_semaphore, #tpu.memory_space<semaphore_mem>>
      %dma_wait3A_139 = tpu.memref_squeeze %dma_wait3A_138 : memref<1x!tpu.dma_semaphore, #tpu.memory_space<semaphore_mem>> -> memref<!tpu.dma_semaphore, #tpu.memory_space<semaphore_mem>>
      %dma_wait3A_140 = arith.constant 256 : i32
      %dma_wait3A_141 = tpu.memref_slice %arg6[%rem3A_102, %dma_wait3A_140] : memref<2x384xf32, #tpu.memory_space<vmem>> -> memref<1x128xf32, #tpu.memory_space<vmem>>
      %dma_wait3A_142 = tpu.memref_squeeze %dma_wait3A_141 : memref<1x128xf32, #tpu.memory_space<vmem>> -> memref<128xf32, #tpu.memory_space<vmem>>
      %dma_wait3A_143 = tpu.memref_slice %arg4[%mul3A_113] : memref<200000xf32, #tpu.memory_space<hbm>> -> memref<128xf32, #tpu.memory_space<hbm>>
      tpu.wait_dma2 semaphore(%dma_wait3A_139 : memref<!tpu.dma_semaphore, #tpu.memory_space<semaphore_mem>>) src(%dma_wait3A_143 : memref<128xf32, #tpu.memory_space<hbm>>) dst(%dma_wait3A_142 : memref<128xf32, #tpu.memory_space<vmem>>)
      %ge3A = arith.constant 2 : i32
      %ge3A_144 = arith.cmpi sge, %while3A_100, %ge3A : i32
      %convert_element_type3A_145 = arith.extui %ge3A_144 : i1 to i32
      %cond3A_146 = arith.constant 0 : i32
      %cond3A_147 = arith.cmpi ne, %convert_element_type3A_145, %cond3A_146 : i32
      scf.if %cond3A_147 {
        %sub3A_172 = arith.constant 2 : i32
        %sub3A_173 = arith.subi %while3A_100, %sub3A_172 : i32
        %mul3A_174 = arith.constant 32 : i32
        %mul3A_175 = arith.muli %mul3A_174, %sub3A_173 : i32
        %add3A_176 = arith.addi %add3A, %mul3A_175 : i32
        %mul3A_177 = arith.constant 128 : i32
        %mul3A_178 = arith.muli %add3A_176, %mul3A_177 : i32
        %dma_wait3A_179 = arith.constant 0 : i32
        %dma_wait3A_180 = arith.constant 0 : i32
        %dma_wait3A_181 = tpu.memref_slice %arg7[%rem3A_102, %dma_wait3A_179, %dma_wait3A_180] : memref<2x64x128xf32, #tpu.memory_space<vmem>> -> memref<1x64x128xf32, #tpu.memory_space<vmem>>
        %dma_wait3A_182 = tpu.memref_squeeze %dma_wait3A_181 : memref<1x64x128xf32, #tpu.memory_space<vmem>> -> memref<64x128xf32, #tpu.memory_space<vmem>>
        %dma_wait3A_183 = arith.constant 0 : i32
        %dma_wait3A_184 = tpu.memref_slice %arg5[%dma_wait3A_183, %mul3A_178] : memref<64x200000xf32, #tpu.memory_space<hbm>> -> memref<64x128xf32, #tpu.memory_space<hbm>>
        %dma_wait3A_185 = tpu.memref_slice %arg9[%rem3A_102] : memref<2x!tpu.dma_semaphore, #tpu.memory_space<semaphore_mem>> -> memref<1x!tpu.dma_semaphore, #tpu.memory_space<semaphore_mem>>
        %dma_wait3A_186 = tpu.memref_squeeze %dma_wait3A_185 : memref<1x!tpu.dma_semaphore, #tpu.memory_space<semaphore_mem>> -> memref<!tpu.dma_semaphore, #tpu.memory_space<semaphore_mem>>
        %dma_wait3A_187 = arith.constant 0 : i32
        %dma_wait3A_188 = tpu.memref_slice %arg5[%dma_wait3A_187, %mul3A_178] : memref<64x200000xf32, #tpu.memory_space<hbm>> -> memref<64x128xf32, #tpu.memory_space<hbm>>
        %dma_wait3A_189 = arith.constant 0 : i32
        %dma_wait3A_190 = arith.constant 0 : i32
        %dma_wait3A_191 = tpu.memref_slice %arg7[%rem3A_102, %dma_wait3A_189, %dma_wait3A_190] : memref<2x64x128xf32, #tpu.memory_space<vmem>> -> memref<1x64x128xf32, #tpu.memory_space<vmem>>
        %dma_wait3A_192 = tpu.memref_squeeze %dma_wait3A_191 : memref<1x64x128xf32, #tpu.memory_space<vmem>> -> memref<64x128xf32, #tpu.memory_space<vmem>>
        tpu.wait_dma2 semaphore(%dma_wait3A_186 : memref<!tpu.dma_semaphore, #tpu.memory_space<semaphore_mem>>) src(%dma_wait3A_192 : memref<64x128xf32, #tpu.memory_space<vmem>>) dst(%dma_wait3A_188 : memref<64x128xf32, #tpu.memory_space<hbm>>)
      } else {
      }
      %scan3A = arith.constant 0 : i32
      %scan3A_148 = arith.constant 0 : i32
      %scan3A_149 = arith.constant 8 : i32
      %scan3A_150 = arith.addi %scan3A_148, %scan3A_149 : i32
      %scan3A_151 = arith.constant 1 : i32
      scf.for %scan3A_172 = %scan3A_148 to %scan3A_150 step %scan3A_151  : i32 {
        %mul3A_173 = arith.constant 16 : i32
        %mul3A_174 = arith.muli %scan3A_172, %mul3A_173 : i32
        %get3A = arith.index_cast %rem3A_102 : i32 to index
        %get3A_175 = arith.index_cast %mul3A_174 : i32 to index
        %get3A_176 = tpu.vector_load %arg6[%get3A, %get3A_175] {strides = array<i32>} : memref<2x384xf32, #tpu.memory_space<vmem>>, vector<16xf32>,
        %mul3A_177 = arith.constant 2.000000e+01 : f32
        %mul3A_178 = vector.broadcast %mul3A_177 : f32 to vector<16xf32>
        %mul3A_179 = arith.mulf %get3A_176, %mul3A_178 : vector<16xf32>
        %convert_element_type3A_180 = arith.fptosi %mul3A_179 : vector<16xf32> to vector<16xi32>
        %convert_element_type3A_181 = arith.sitofp %convert_element_type3A_180 : vector<16xi32> to vector<16xf32>
        %sub3A_182 = arith.subf %mul3A_179, %convert_element_type3A_181 : vector<16xf32>
        %lt3A_183 = arith.constant 0.000000e+00 : f32
        %lt3A_184 = vector.broadcast %lt3A_183 : f32 to vector<16xf32>
        %lt3A_185 = arith.cmpf olt, %sub3A_182, %lt3A_184 : vector<16xf32>
        %add3A_186 = arith.constant 1.000000e+00 : f32
        %add3A_187 = vector.broadcast %add3A_186 : f32 to vector<16xf32>
        %add3A_188 = arith.addf %sub3A_182, %add3A_187 : vector<16xf32>
        %select_n3A_189 = arith.select %lt3A_185, %add3A_188, %sub3A_182 : vector<16xi1>, vector<16xf32>
        %add3A_190 = arith.constant 128 : i32
        %add3A_191 = arith.addi %add3A_190, %mul3A_174 : i32
        %get3A_192 = arith.index_cast %rem3A_102 : i32 to index
        %get3A_193 = arith.index_cast %add3A_191 : i32 to index
        %get3A_194 = tpu.vector_load %arg6[%get3A_192, %get3A_193] {strides = array<i32>} : memref<2x384xf32, #tpu.memory_space<vmem>>, vector<16xf32>,
        %mul3A_195 = arith.constant 2.000000e+01 : f32
        %mul3A_196 = vector.broadcast %mul3A_195 : f32 to vector<16xf32>
        %mul3A_197 = arith.mulf %get3A_194, %mul3A_196 : vector<16xf32>
        %convert_element_type3A_198 = arith.fptosi %mul3A_197 : vector<16xf32> to vector<16xi32>
        %convert_element_type3A_199 = arith.sitofp %convert_element_type3A_198 : vector<16xi32> to vector<16xf32>
        %sub3A_200 = arith.subf %mul3A_197, %convert_element_type3A_199 : vector<16xf32>
        %lt3A_201 = arith.constant 0.000000e+00 : f32
        %lt3A_202 = vector.broadcast %lt3A_201 : f32 to vector<16xf32>
        %lt3A_203 = arith.cmpf olt, %sub3A_200, %lt3A_202 : vector<16xf32>
        %add3A_204 = arith.constant 1.000000e+00 : f32
        %add3A_205 = vector.broadcast %add3A_204 : f32 to vector<16xf32>
        %add3A_206 = arith.addf %sub3A_200, %add3A_205 : vector<16xf32>
        %select_n3A_207 = arith.select %lt3A_203, %add3A_206, %sub3A_200 : vector<16xi1>, vector<16xf32>
        %add3A_208 = arith.constant 256 : i32
        %add3A_209 = arith.addi %add3A_208, %mul3A_174 : i32
        %get3A_210 = arith.index_cast %rem3A_102 : i32 to index
        %get3A_211 = arith.index_cast %add3A_209 : i32 to index
        %get3A_212 = tpu.vector_load %arg6[%get3A_210, %get3A_211] {strides = array<i32>} : memref<2x384xf32, #tpu.memory_space<vmem>>, vector<16xf32>,
        %mul3A_213 = arith.constant 2.000000e+01 : f32
        %mul3A_214 = vector.broadcast %mul3A_213 : f32 to vector<16xf32>
        %mul3A_215 = arith.mulf %get3A_212, %mul3A_214 : vector<16xf32>
        %convert_element_type3A_216 = arith.fptosi %mul3A_215 : vector<16xf32> to vector<16xi32>
        %convert_element_type3A_217 = arith.sitofp %convert_element_type3A_216 : vector<16xi32> to vector<16xf32>
        %sub3A_218 = arith.subf %mul3A_215, %convert_element_type3A_217 : vector<16xf32>
        %lt3A_219 = arith.constant 0.000000e+00 : f32
        %lt3A_220 = vector.broadcast %lt3A_219 : f32 to vector<16xf32>
        %lt3A_221 = arith.cmpf olt, %sub3A_218, %lt3A_220 : vector<16xf32>
        %add3A_222 = arith.constant 1.000000e+00 : f32
        %add3A_223 = vector.broadcast %add3A_222 : f32 to vector<16xf32>
        %add3A_224 = arith.addf %sub3A_218, %add3A_223 : vector<16xf32>
        %select_n3A_225 = arith.select %lt3A_221, %add3A_224, %sub3A_218 : vector<16xi1>, vector<16xf32>
        %sub3A_226 = arith.constant 1.000000e+00 : f32
        %sub3A_227 = vector.broadcast %sub3A_226 : f32 to vector<16xf32>
        %sub3A_228 = arith.subf %sub3A_227, %select_n3A_189 : vector<16xf32>
        %mul3A_229 = arith.mulf %select_n3A_189, %select_n3A_189 : vector<16xf32>
        %mul3A_230 = arith.mulf %mul3A_229, %select_n3A_189 : vector<16xf32>
        %mul3A_231 = arith.mulf %sub3A_228, %sub3A_228 : vector<16xf32>
        %mul3A_232 = arith.mulf %mul3A_231, %sub3A_228 : vector<16xf32>
        %mul3A_233 = arith.constant 0.166666672 : f32
        %mul3A_234 = vector.broadcast %mul3A_233 : f32 to vector<16xf32>
        %mul3A_235 = arith.mulf %mul3A_232, %mul3A_234 : vector<16xf32>
        %mul3A_236 = arith.constant 5.000000e-01 : f32
        %mul3A_237 = vector.broadcast %mul3A_236 : f32 to vector<16xf32>
        %mul3A_238 = arith.mulf %mul3A_237, %mul3A_230 : vector<16xf32>
        %sub3A_239 = arith.subf %mul3A_238, %mul3A_229 : vector<16xf32>
        %add3A_240 = arith.constant 0.666666686 : f32
        %add3A_241 = vector.broadcast %add3A_240 : f32 to vector<16xf32>
        %add3A_242 = arith.addf %sub3A_239, %add3A_241 : vector<16xf32>
        %mul3A_243 = arith.constant 5.000000e-01 : f32
        %mul3A_244 = vector.broadcast %mul3A_243 : f32 to vector<16xf32>
        %mul3A_245 = arith.mulf %mul3A_244, %mul3A_232 : vector<16xf32>
        %sub3A_246 = arith.subf %mul3A_245, %mul3A_231 : vector<16xf32>
        %add3A_247 = arith.constant 0.666666686 : f32
        %add3A_248 = vector.broadcast %add3A_247 : f32 to vector<16xf32>
        %add3A_249 = arith.addf %sub3A_246, %add3A_248 : vector<16xf32>
        %mul3A_250 = arith.constant 0.166666672 : f32
        %mul3A_251 = vector.broadcast %mul3A_250 : f32 to vector<16xf32>
        %mul3A_252 = arith.mulf %mul3A_230, %mul3A_251 : vector<16xf32>
        %mul3A_253 = arith.constant -1.000000e+01 : f32
        %mul3A_254 = vector.broadcast %mul3A_253 : f32 to vector<16xf32>
        %mul3A_255 = arith.mulf %mul3A_231, %mul3A_254 : vector<16xf32>
        %mul3A_256 = arith.constant 3.000000e+01 : f32
        %mul3A_257 = vector.broadcast %mul3A_256 : f32 to vector<16xf32>
        %mul3A_258 = arith.mulf %mul3A_257, %select_n3A_189 : vector<16xf32>
        %sub3A_259 = arith.constant 4.000000e+01 : f32
        %sub3A_260 = vector.broadcast %sub3A_259 : f32 to vector<16xf32>
        %sub3A_261 = arith.subf %mul3A_258, %sub3A_260 : vector<16xf32>
        %mul3A_262 = arith.mulf %sub3A_261, %select_n3A_189 : vector<16xf32>
        %mul3A_263 = arith.constant 3.000000e+01 : f32
        %mul3A_264 = vector.broadcast %mul3A_263 : f32 to vector<16xf32>
        %mul3A_265 = arith.mulf %mul3A_264, %sub3A_228 : vector<16xf32>
        %sub3A_266 = arith.constant 4.000000e+01 : f32
        %sub3A_267 = vector.broadcast %sub3A_266 : f32 to vector<16xf32>
        %sub3A_268 = arith.subf %sub3A_267, %mul3A_265 : vector<16xf32>
        %mul3A_269 = arith.mulf %sub3A_268, %sub3A_228 : vector<16xf32>
        %mul3A_270 = arith.constant 1.000000e+01 : f32
        %mul3A_271 = vector.broadcast %mul3A_270 : f32 to vector<16xf32>
        %mul3A_272 = arith.mulf %mul3A_229, %mul3A_271 : vector<16xf32>
        %sub3A_273 = arith.constant 1.000000e+00 : f32
        %sub3A_274 = vector.broadcast %sub3A_273 : f32 to vector<16xf32>
        %sub3A_275 = arith.subf %sub3A_274, %select_n3A_207 : vector<16xf32>
        %mul3A_276 = arith.mulf %select_n3A_207, %select_n3A_207 : vector<16xf32>
        %mul3A_277 = arith.mulf %mul3A_276, %select_n3A_207 : vector<16xf32>
        %mul3A_278 = arith.mulf %sub3A_275, %sub3A_275 : vector<16xf32>
        %mul3A_279 = arith.mulf %mul3A_278, %sub3A_275 : vector<16xf32>
        %mul3A_280 = arith.constant 0.166666672 : f32
        %mul3A_281 = vector.broadcast %mul3A_280 : f32 to vector<16xf32>
        %mul3A_282 = arith.mulf %mul3A_279, %mul3A_281 : vector<16xf32>
        %mul3A_283 = arith.constant 5.000000e-01 : f32
        %mul3A_284 = vector.broadcast %mul3A_283 : f32 to vector<16xf32>
        %mul3A_285 = arith.mulf %mul3A_284, %mul3A_277 : vector<16xf32>
        %sub3A_286 = arith.subf %mul3A_285, %mul3A_276 : vector<16xf32>
        %add3A_287 = arith.constant 0.666666686 : f32
        %add3A_288 = vector.broadcast %add3A_287 : f32 to vector<16xf32>
        %add3A_289 = arith.addf %sub3A_286, %add3A_288 : vector<16xf32>
        %mul3A_290 = arith.constant 5.000000e-01 : f32
        %mul3A_291 = vector.broadcast %mul3A_290 : f32 to vector<16xf32>
        %mul3A_292 = arith.mulf %mul3A_291, %mul3A_279 : vector<16xf32>
        %sub3A_293 = arith.subf %mul3A_292, %mul3A_278 : vector<16xf32>
        %add3A_294 = arith.constant 0.666666686 : f32
        %add3A_295 = vector.broadcast %add3A_294 : f32 to vector<16xf32>
        %add3A_296 = arith.addf %sub3A_293, %add3A_295 : vector<16xf32>
        %mul3A_297 = arith.constant 0.166666672 : f32
        %mul3A_298 = vector.broadcast %mul3A_297 : f32 to vector<16xf32>
        %mul3A_299 = arith.mulf %mul3A_277, %mul3A_298 : vector<16xf32>
        %mul3A_300 = arith.constant -1.000000e+01 : f32
        %mul3A_301 = vector.broadcast %mul3A_300 : f32 to vector<16xf32>
        %mul3A_302 = arith.mulf %mul3A_278, %mul3A_301 : vector<16xf32>
        %mul3A_303 = arith.constant 3.000000e+01 : f32
        %mul3A_304 = vector.broadcast %mul3A_303 : f32 to vector<16xf32>
        %mul3A_305 = arith.mulf %mul3A_304, %select_n3A_207 : vector<16xf32>
        %sub3A_306 = arith.constant 4.000000e+01 : f32
        %sub3A_307 = vector.broadcast %sub3A_306 : f32 to vector<16xf32>
        %sub3A_308 = arith.subf %mul3A_305, %sub3A_307 : vector<16xf32>
        %mul3A_309 = arith.mulf %sub3A_308, %select_n3A_207 : vector<16xf32>
        %mul3A_310 = arith.constant 3.000000e+01 : f32
        %mul3A_311 = vector.broadcast %mul3A_310 : f32 to vector<16xf32>
        %mul3A_312 = arith.mulf %mul3A_311, %sub3A_275 : vector<16xf32>
        %sub3A_313 = arith.constant 4.000000e+01 : f32
        %sub3A_314 = vector.broadcast %sub3A_313 : f32 to vector<16xf32>
        %sub3A_315 = arith.subf %sub3A_314, %mul3A_312 : vector<16xf32>
        %mul3A_316 = arith.mulf %sub3A_315, %sub3A_275 : vector<16xf32>
        %mul3A_317 = arith.constant 1.000000e+01 : f32
        %mul3A_318 = vector.broadcast %mul3A_317 : f32 to vector<16xf32>
        %mul3A_319 = arith.mulf %mul3A_276, %mul3A_318 : vector<16xf32>
        %sub3A_320 = arith.constant 1.000000e+00 : f32
        %sub3A_321 = vector.broadcast %sub3A_320 : f32 to vector<16xf32>
        %sub3A_322 = arith.subf %sub3A_321, %select_n3A_225 : vector<16xf32>
        %mul3A_323 = arith.mulf %select_n3A_225, %select_n3A_225 : vector<16xf32>
        %mul3A_324 = arith.mulf %mul3A_323, %select_n3A_225 : vector<16xf32>
        %mul3A_325 = arith.mulf %sub3A_322, %sub3A_322 : vector<16xf32>
        %mul3A_326 = arith.mulf %mul3A_325, %sub3A_322 : vector<16xf32>
        %mul3A_327 = arith.constant 0.166666672 : f32
        %mul3A_328 = vector.broadcast %mul3A_327 : f32 to vector<16xf32>
        %mul3A_329 = arith.mulf %mul3A_326, %mul3A_328 : vector<16xf32>
        %mul3A_330 = arith.constant 5.000000e-01 : f32
        %mul3A_331 = vector.broadcast %mul3A_330 : f32 to vector<16xf32>
        %mul3A_332 = arith.mulf %mul3A_331, %mul3A_324 : vector<16xf32>
        %sub3A_333 = arith.subf %mul3A_332, %mul3A_323 : vector<16xf32>
        %add3A_334 = arith.constant 0.666666686 : f32
        %add3A_335 = vector.broadcast %add3A_334 : f32 to vector<16xf32>
        %add3A_336 = arith.addf %sub3A_333, %add3A_335 : vector<16xf32>
        %mul3A_337 = arith.constant 5.000000e-01 : f32
        %mul3A_338 = vector.broadcast %mul3A_337 : f32 to vector<16xf32>
        %mul3A_339 = arith.mulf %mul3A_338, %mul3A_326 : vector<16xf32>
        %sub3A_340 = arith.subf %mul3A_339, %mul3A_325 : vector<16xf32>
        %add3A_341 = arith.constant 0.666666686 : f32
        %add3A_342 = vector.broadcast %add3A_341 : f32 to vector<16xf32>
        %add3A_343 = arith.addf %sub3A_340, %add3A_342 : vector<16xf32>
        %mul3A_344 = arith.constant 0.166666672 : f32
        %mul3A_345 = vector.broadcast %mul3A_344 : f32 to vector<16xf32>
        %mul3A_346 = arith.mulf %mul3A_324, %mul3A_345 : vector<16xf32>
        %mul3A_347 = arith.constant -1.000000e+01 : f32
        %mul3A_348 = vector.broadcast %mul3A_347 : f32 to vector<16xf32>
        %mul3A_349 = arith.mulf %mul3A_325, %mul3A_348 : vector<16xf32>
        %mul3A_350 = arith.constant 3.000000e+01 : f32
        %mul3A_351 = vector.broadcast %mul3A_350 : f32 to vector<16xf32>
        %mul3A_352 = arith.mulf %mul3A_351, %select_n3A_225 : vector<16xf32>
        %sub3A_353 = arith.constant 4.000000e+01 : f32
        %sub3A_354 = vector.broadcast %sub3A_353 : f32 to vector<16xf32>
        %sub3A_355 = arith.subf %mul3A_352, %sub3A_354 : vector<16xf32>
        %mul3A_356 = arith.mulf %sub3A_355, %select_n3A_225 : vector<16xf32>
        %mul3A_357 = arith.constant 3.000000e+01 : f32
        %mul3A_358 = vector.broadcast %mul3A_357 : f32 to vector<16xf32>
        %mul3A_359 = arith.mulf %mul3A_358, %sub3A_322 : vector<16xf32>
        %sub3A_360 = arith.constant 4.000000e+01 : f32
        %sub3A_361 = vector.broadcast %sub3A_360 : f32 to vector<16xf32>
        %sub3A_362 = arith.subf %sub3A_361, %mul3A_359 : vector<16xf32>
        %mul3A_363 = arith.mulf %sub3A_362, %sub3A_322 : vector<16xf32>
        %mul3A_364 = arith.constant 1.000000e+01 : f32
        %mul3A_365 = vector.broadcast %mul3A_364 : f32 to vector<16xf32>
        %mul3A_366 = arith.mulf %mul3A_323, %mul3A_365 : vector<16xf32>
        %mul3A_367 = arith.mulf %mul3A_235, %mul3A_282 : vector<16xf32>
        %mul3A_368 = arith.mulf %mul3A_367, %mul3A_329 : vector<16xf32>
        %swap3A = arith.constant 0 : i32
        %swap3A_369 = arith.index_cast %rem3A_102 : i32 to index
        %swap3A_370 = arith.index_cast %swap3A : i32 to index
        %swap3A_371 = arith.index_cast %mul3A_174 : i32 to index
        %swap3A_372 = tpu.vector_load %arg7[%swap3A_369, %swap3A_370, %swap3A_371] {strides = array<i32>} : memref<2x64x128xf32, #tpu.memory_space<vmem>>, vector<16xf32>,
        tpu.vector_store %arg7[%swap3A_369, %swap3A_370, %swap3A_371], %mul3A_368 {strides = array<i32>} : memref<2x64x128xf32, #tpu.memory_space<vmem>>, vector<16xf32>,
        %mul3A_373 = arith.mulf %mul3A_367, %add3A_336 : vector<16xf32>
        %swap3A_374 = arith.constant 1 : i32
        %swap3A_375 = arith.index_cast %rem3A_102 : i32 to index
        %swap3A_376 = arith.index_cast %swap3A_374 : i32 to index
        %swap3A_377 = arith.index_cast %mul3A_174 : i32 to index
        %swap3A_378 = tpu.vector_load %arg7[%swap3A_375, %swap3A_376, %swap3A_377] {strides = array<i32>} : memref<2x64x128xf32, #tpu.memory_space<vmem>>, vector<16xf32>,
        tpu.vector_store %arg7[%swap3A_375, %swap3A_376, %swap3A_377], %mul3A_373 {strides = array<i32>} : memref<2x64x128xf32, #tpu.memory_space<vmem>>, vector<16xf32>,
        %mul3A_379 = arith.mulf %mul3A_367, %add3A_343 : vector<16xf32>
        %swap3A_380 = arith.constant 2 : i32
        %swap3A_381 = arith.index_cast %rem3A_102 : i32 to index
        %swap3A_382 = arith.index_cast %swap3A_380 : i32 to index
        %swap3A_383 = arith.index_cast %mul3A_174 : i32 to index
        %swap3A_384 = tpu.vector_load %arg7[%swap3A_381, %swap3A_382, %swap3A_383] {strides = array<i32>} : memref<2x64x128xf32, #tpu.memory_space<vmem>>, vector<16xf32>,
        tpu.vector_store %arg7[%swap3A_381, %swap3A_382, %swap3A_383], %mul3A_379 {strides = array<i32>} : memref<2x64x128xf32, #tpu.memory_space<vmem>>, vector<16xf32>,
        %mul3A_385 = arith.mulf %mul3A_367, %mul3A_346 : vector<16xf32>
        %swap3A_386 = arith.constant 3 : i32
        %swap3A_387 = arith.index_cast %rem3A_102 : i32 to index
        %swap3A_388 = arith.index_cast %swap3A_386 : i32 to index
        %swap3A_389 = arith.index_cast %mul3A_174 : i32 to index
        %swap3A_390 = tpu.vector_load %arg7[%swap3A_387, %swap3A_388, %swap3A_389] {strides = array<i32>} : memref<2x64x128xf32, #tpu.memory_space<vmem>>, vector<16xf32>,
        tpu.vector_store %arg7[%swap3A_387, %swap3A_388, %swap3A_389], %mul3A_385 {strides = array<i32>} : memref<2x64x128xf32, #tpu.memory_space<vmem>>, vector<16xf32>,
        %mul3A_391 = arith.mulf %mul3A_235, %add3A_289 : vector<16xf32>
        %mul3A_392 = arith.mulf %mul3A_391, %mul3A_329 : vector<16xf32>
        %swap3A_393 = arith.constant 4 : i32
        %swap3A_394 = arith.index_cast %rem3A_102 : i32 to index
        %swap3A_395 = arith.index_cast %swap3A_393 : i32 to index
        %swap3A_396 = arith.index_cast %mul3A_174 : i32 to index
        %swap3A_397 = tpu.vector_load %arg7[%swap3A_394, %swap3A_395, %swap3A_396] {strides = array<i32>} : memref<2x64x128xf32, #tpu.memory_space<vmem>>, vector<16xf32>,
        tpu.vector_store %arg7[%swap3A_394, %swap3A_395, %swap3A_396], %mul3A_392 {strides = array<i32>} : memref<2x64x128xf32, #tpu.memory_space<vmem>>, vector<16xf32>,
        %mul3A_398 = arith.mulf %mul3A_391, %add3A_336 : vector<16xf32>
        %swap3A_399 = arith.constant 5 : i32
        %swap3A_400 = arith.index_cast %rem3A_102 : i32 to index
        %swap3A_401 = arith.index_cast %swap3A_399 : i32 to index
        %swap3A_402 = arith.index_cast %mul3A_174 : i32 to index
        %swap3A_403 = tpu.vector_load %arg7[%swap3A_400, %swap3A_401, %swap3A_402] {strides = array<i32>} : memref<2x64x128xf32, #tpu.memory_space<vmem>>, vector<16xf32>,
        tpu.vector_store %arg7[%swap3A_400, %swap3A_401, %swap3A_402], %mul3A_398 {strides = array<i32>} : memref<2x64x128xf32, #tpu.memory_space<vmem>>, vector<16xf32>,
        %mul3A_404 = arith.mulf %mul3A_391, %add3A_343 : vector<16xf32>
        %swap3A_405 = arith.constant 6 : i32
        %swap3A_406 = arith.index_cast %rem3A_102 : i32 to index
        %swap3A_407 = arith.index_cast %swap3A_405 : i32 to index
        %swap3A_408 = arith.index_cast %mul3A_174 : i32 to index
        %swap3A_409 = tpu.vector_load %arg7[%swap3A_406, %swap3A_407, %swap3A_408] {strides = array<i32>} : memref<2x64x128xf32, #tpu.memory_space<vmem>>, vector<16xf32>,
        tpu.vector_store %arg7[%swap3A_406, %swap3A_407, %swap3A_408], %mul3A_404 {strides = array<i32>} : memref<2x64x128xf32, #tpu.memory_space<vmem>>, vector<16xf32>,
        %mul3A_410 = arith.mulf %mul3A_391, %mul3A_346 : vector<16xf32>
        %swap3A_411 = arith.constant 7 : i32
        %swap3A_412 = arith.index_cast %rem3A_102 : i32 to index
        %swap3A_413 = arith.index_cast %swap3A_411 : i32 to index
        %swap3A_414 = arith.index_cast %mul3A_174 : i32 to index
        %swap3A_415 = tpu.vector_load %arg7[%swap3A_412, %swap3A_413, %swap3A_414] {strides = array<i32>} : memref<2x64x128xf32, #tpu.memory_space<vmem>>, vector<16xf32>,
        tpu.vector_store %arg7[%swap3A_412, %swap3A_413, %swap3A_414], %mul3A_410 {strides = array<i32>} : memref<2x64x128xf32, #tpu.memory_space<vmem>>, vector<16xf32>,
        %mul3A_416 = arith.mulf %mul3A_235, %add3A_296 : vector<16xf32>
        %mul3A_417 = arith.mulf %mul3A_416, %mul3A_329 : vector<16xf32>
        %swap3A_418 = arith.constant 8 : i32
        %swap3A_419 = arith.index_cast %rem3A_102 : i32 to index
        %swap3A_420 = arith.index_cast %swap3A_418 : i32 to index
        %swap3A_421 = arith.index_cast %mul3A_174 : i32 to index
        %swap3A_422 = tpu.vector_load %arg7[%swap3A_419, %swap3A_420, %swap3A_421] {strides = array<i32>} : memref<2x64x128xf32, #tpu.memory_space<vmem>>, vector<16xf32>,
        tpu.vector_store %arg7[%swap3A_419, %swap3A_420, %swap3A_421], %mul3A_417 {strides = array<i32>} : memref<2x64x128xf32, #tpu.memory_space<vmem>>, vector<16xf32>,
        %mul3A_423 = arith.mulf %mul3A_416, %add3A_336 : vector<16xf32>
        %swap3A_424 = arith.constant 9 : i32
        %swap3A_425 = arith.index_cast %rem3A_102 : i32 to index
        %swap3A_426 = arith.index_cast %swap3A_424 : i32 to index
        %swap3A_427 = arith.index_cast %mul3A_174 : i32 to index
        %swap3A_428 = tpu.vector_load %arg7[%swap3A_425, %swap3A_426, %swap3A_427] {strides = array<i32>} : memref<2x64x128xf32, #tpu.memory_space<vmem>>, vector<16xf32>,
        tpu.vector_store %arg7[%swap3A_425, %swap3A_426, %swap3A_427], %mul3A_423 {strides = array<i32>} : memref<2x64x128xf32, #tpu.memory_space<vmem>>, vector<16xf32>,
        %mul3A_429 = arith.mulf %mul3A_416, %add3A_343 : vector<16xf32>
        %swap3A_430 = arith.constant 10 : i32
        %swap3A_431 = arith.index_cast %rem3A_102 : i32 to index
        %swap3A_432 = arith.index_cast %swap3A_430 : i32 to index
        %swap3A_433 = arith.index_cast %mul3A_174 : i32 to index
        %swap3A_434 = tpu.vector_load %arg7[%swap3A_431, %swap3A_432, %swap3A_433] {strides = array<i32>} : memref<2x64x128xf32, #tpu.memory_space<vmem>>, vector<16xf32>,
        tpu.vector_store %arg7[%swap3A_431, %swap3A_432, %swap3A_433], %mul3A_429 {strides = array<i32>} : memref<2x64x128xf32, #tpu.memory_space<vmem>>, vector<16xf32>,
        %mul3A_435 = arith.mulf %mul3A_416, %mul3A_346 : vector<16xf32>
        %swap3A_436 = arith.constant 11 : i32
        %swap3A_437 = arith.index_cast %rem3A_102 : i32 to index
        %swap3A_438 = arith.index_cast %swap3A_436 : i32 to index
        %swap3A_439 = arith.index_cast %mul3A_174 : i32 to index
        %swap3A_440 = tpu.vector_load %arg7[%swap3A_437, %swap3A_438, %swap3A_439] {strides = array<i32>} : memref<2x64x128xf32, #tpu.memory_space<vmem>>, vector<16xf32>,
        tpu.vector_store %arg7[%swap3A_437, %swap3A_438, %swap3A_439], %mul3A_435 {strides = array<i32>} : memref<2x64x128xf32, #tpu.memory_space<vmem>>, vector<16xf32>,
        %mul3A_441 = arith.mulf %mul3A_235, %mul3A_299 : vector<16xf32>
        %mul3A_442 = arith.mulf %mul3A_441, %mul3A_329 : vector<16xf32>
        %swap3A_443 = arith.constant 12 : i32
        %swap3A_444 = arith.index_cast %rem3A_102 : i32 to index
        %swap3A_445 = arith.index_cast %swap3A_443 : i32 to index
        %swap3A_446 = arith.index_cast %mul3A_174 : i32 to index
        %swap3A_447 = tpu.vector_load %arg7[%swap3A_444, %swap3A_445, %swap3A_446] {strides = array<i32>} : memref<2x64x128xf32, #tpu.memory_space<vmem>>, vector<16xf32>,
        tpu.vector_store %arg7[%swap3A_444, %swap3A_445, %swap3A_446], %mul3A_442 {strides = array<i32>} : memref<2x64x128xf32, #tpu.memory_space<vmem>>, vector<16xf32>,
        %mul3A_448 = arith.mulf %mul3A_441, %add3A_336 : vector<16xf32>
        %swap3A_449 = arith.constant 13 : i32
        %swap3A_450 = arith.index_cast %rem3A_102 : i32 to index
        %swap3A_451 = arith.index_cast %swap3A_449 : i32 to index
        %swap3A_452 = arith.index_cast %mul3A_174 : i32 to index
        %swap3A_453 = tpu.vector_load %arg7[%swap3A_450, %swap3A_451, %swap3A_452] {strides = array<i32>} : memref<2x64x128xf32, #tpu.memory_space<vmem>>, vector<16xf32>,
        tpu.vector_store %arg7[%swap3A_450, %swap3A_451, %swap3A_452], %mul3A_448 {strides = array<i32>} : memref<2x64x128xf32, #tpu.memory_space<vmem>>, vector<16xf32>,
        %mul3A_454 = arith.mulf %mul3A_441, %add3A_343 : vector<16xf32>
        %swap3A_455 = arith.constant 14 : i32
        %swap3A_456 = arith.index_cast %rem3A_102 : i32 to index
        %swap3A_457 = arith.index_cast %swap3A_455 : i32 to index
        %swap3A_458 = arith.index_cast %mul3A_174 : i32 to index
        %swap3A_459 = tpu.vector_load %arg7[%swap3A_456, %swap3A_457, %swap3A_458] {strides = array<i32>} : memref<2x64x128xf32, #tpu.memory_space<vmem>>, vector<16xf32>,
        tpu.vector_store %arg7[%swap3A_456, %swap3A_457, %swap3A_458], %mul3A_454 {strides = array<i32>} : memref<2x64x128xf32, #tpu.memory_space<vmem>>, vector<16xf32>,
        %mul3A_460 = arith.mulf %mul3A_441, %mul3A_346 : vector<16xf32>
        %swap3A_461 = arith.constant 15 : i32
        %swap3A_462 = arith.index_cast %rem3A_102 : i32 to index
        %swap3A_463 = arith.index_cast %swap3A_461 : i32 to index
        %swap3A_464 = arith.index_cast %mul3A_174 : i32 to index
        %swap3A_465 = tpu.vector_load %arg7[%swap3A_462, %swap3A_463, %swap3A_464] {strides = array<i32>} : memref<2x64x128xf32, #tpu.memory_space<vmem>>, vector<16xf32>,
        tpu.vector_store %arg7[%swap3A_462, %swap3A_463, %swap3A_464], %mul3A_460 {strides = array<i32>} : memref<2x64x128xf32, #tpu.memory_space<vmem>>, vector<16xf32>,
        %mul3A_466 = arith.mulf %add3A_242, %mul3A_282 : vector<16xf32>
        %mul3A_467 = arith.mulf %mul3A_466, %mul3A_329 : vector<16xf32>
        %swap3A_468 = arith.constant 16 : i32
        %swap3A_469 = arith.index_cast %rem3A_102 : i32 to index
        %swap3A_470 = arith.index_cast %swap3A_468 : i32 to index
        %swap3A_471 = arith.index_cast %mul3A_174 : i32 to index
        %swap3A_472 = tpu.vector_load %arg7[%swap3A_469, %swap3A_470, %swap3A_471] {strides = array<i32>} : memref<2x64x128xf32, #tpu.memory_space<vmem>>, vector<16xf32>,
        tpu.vector_store %arg7[%swap3A_469, %swap3A_470, %swap3A_471], %mul3A_467 {strides = array<i32>} : memref<2x64x128xf32, #tpu.memory_space<vmem>>, vector<16xf32>,
        %mul3A_473 = arith.mulf %mul3A_466, %add3A_336 : vector<16xf32>
        %swap3A_474 = arith.constant 17 : i32
        %swap3A_475 = arith.index_cast %rem3A_102 : i32 to index
        %swap3A_476 = arith.index_cast %swap3A_474 : i32 to index
        %swap3A_477 = arith.index_cast %mul3A_174 : i32 to index
        %swap3A_478 = tpu.vector_load %arg7[%swap3A_475, %swap3A_476, %swap3A_477] {strides = array<i32>} : memref<2x64x128xf32, #tpu.memory_space<vmem>>, vector<16xf32>,
        tpu.vector_store %arg7[%swap3A_475, %swap3A_476, %swap3A_477], %mul3A_473 {strides = array<i32>} : memref<2x64x128xf32, #tpu.memory_space<vmem>>, vector<16xf32>,
        %mul3A_479 = arith.mulf %mul3A_466, %add3A_343 : vector<16xf32>
        %swap3A_480 = arith.constant 18 : i32
        %swap3A_481 = arith.index_cast %rem3A_102 : i32 to index
        %swap3A_482 = arith.index_cast %swap3A_480 : i32 to index
        %swap3A_483 = arith.index_cast %mul3A_174 : i32 to index
        %swap3A_484 = tpu.vector_load %arg7[%swap3A_481, %swap3A_482, %swap3A_483] {strides = array<i32>} : memref<2x64x128xf32, #tpu.memory_space<vmem>>, vector<16xf32>,
        tpu.vector_store %arg7[%swap3A_481, %swap3A_482, %swap3A_483], %mul3A_479 {strides = array<i32>} : memref<2x64x128xf32, #tpu.memory_space<vmem>>, vector<16xf32>,
        %mul3A_485 = arith.mulf %mul3A_466, %mul3A_346 : vector<16xf32>
        %swap3A_486 = arith.constant 19 : i32
        %swap3A_487 = arith.index_cast %rem3A_102 : i32 to index
        %swap3A_488 = arith.index_cast %swap3A_486 : i32 to index
        %swap3A_489 = arith.index_cast %mul3A_174 : i32 to index
        %swap3A_490 = tpu.vector_load %arg7[%swap3A_487, %swap3A_488, %swap3A_489] {strides = array<i32>} : memref<2x64x128xf32, #tpu.memory_space<vmem>>, vector<16xf32>,
        tpu.vector_store %arg7[%swap3A_487, %swap3A_488, %swap3A_489], %mul3A_485 {strides = array<i32>} : memref<2x64x128xf32, #tpu.memory_space<vmem>>, vector<16xf32>,
        %mul3A_491 = arith.mulf %add3A_242, %add3A_289 : vector<16xf32>
        %mul3A_492 = arith.mulf %mul3A_491, %mul3A_329 : vector<16xf32>
        %swap3A_493 = arith.constant 20 : i32
        %swap3A_494 = arith.index_cast %rem3A_102 : i32 to index
        %swap3A_495 = arith.index_cast %swap3A_493 : i32 to index
        %swap3A_496 = arith.index_cast %mul3A_174 : i32 to index
        %swap3A_497 = tpu.vector_load %arg7[%swap3A_494, %swap3A_495, %swap3A_496] {strides = array<i32>} : memref<2x64x128xf32, #tpu.memory_space<vmem>>, vector<16xf32>,
        tpu.vector_store %arg7[%swap3A_494, %swap3A_495, %swap3A_496], %mul3A_492 {strides = array<i32>} : memref<2x64x128xf32, #tpu.memory_space<vmem>>, vector<16xf32>,
        %mul3A_498 = arith.mulf %mul3A_491, %add3A_336 : vector<16xf32>
        %swap3A_499 = arith.constant 21 : i32
        %swap3A_500 = arith.index_cast %rem3A_102 : i32 to index
        %swap3A_501 = arith.index_cast %swap3A_499 : i32 to index
        %swap3A_502 = arith.index_cast %mul3A_174 : i32 to index
        %swap3A_503 = tpu.vector_load %arg7[%swap3A_500, %swap3A_501, %swap3A_502] {strides = array<i32>} : memref<2x64x128xf32, #tpu.memory_space<vmem>>, vector<16xf32>,
        tpu.vector_store %arg7[%swap3A_500, %swap3A_501, %swap3A_502], %mul3A_498 {strides = array<i32>} : memref<2x64x128xf32, #tpu.memory_space<vmem>>, vector<16xf32>,
        %mul3A_504 = arith.mulf %mul3A_491, %add3A_343 : vector<16xf32>
        %swap3A_505 = arith.constant 22 : i32
        %swap3A_506 = arith.index_cast %rem3A_102 : i32 to index
        %swap3A_507 = arith.index_cast %swap3A_505 : i32 to index
        %swap3A_508 = arith.index_cast %mul3A_174 : i32 to index
        %swap3A_509 = tpu.vector_load %arg7[%swap3A_506, %swap3A_507, %swap3A_508] {strides = array<i32>} : memref<2x64x128xf32, #tpu.memory_space<vmem>>, vector<16xf32>,
        tpu.vector_store %arg7[%swap3A_506, %swap3A_507, %swap3A_508], %mul3A_504 {strides = array<i32>} : memref<2x64x128xf32, #tpu.memory_space<vmem>>, vector<16xf32>,
        %mul3A_510 = arith.mulf %mul3A_491, %mul3A_346 : vector<16xf32>
        %swap3A_511 = arith.constant 23 : i32
        %swap3A_512 = arith.index_cast %rem3A_102 : i32 to index
        %swap3A_513 = arith.index_cast %swap3A_511 : i32 to index
        %swap3A_514 = arith.index_cast %mul3A_174 : i32 to index
        %swap3A_515 = tpu.vector_load %arg7[%swap3A_512, %swap3A_513, %swap3A_514] {strides = array<i32>} : memref<2x64x128xf32, #tpu.memory_space<vmem>>, vector<16xf32>,
        tpu.vector_store %arg7[%swap3A_512, %swap3A_513, %swap3A_514], %mul3A_510 {strides = array<i32>} : memref<2x64x128xf32, #tpu.memory_space<vmem>>, vector<16xf32>,
        %mul3A_516 = arith.mulf %add3A_242, %add3A_296 : vector<16xf32>
        %mul3A_517 = arith.mulf %mul3A_516, %mul3A_329 : vector<16xf32>
        %swap3A_518 = arith.constant 24 : i32
        %swap3A_519 = arith.index_cast %rem3A_102 : i32 to index
        %swap3A_520 = arith.index_cast %swap3A_518 : i32 to index
        %swap3A_521 = arith.index_cast %mul3A_174 : i32 to index
        %swap3A_522 = tpu.vector_load %arg7[%swap3A_519, %swap3A_520, %swap3A_521] {strides = array<i32>} : memref<2x64x128xf32, #tpu.memory_space<vmem>>, vector<16xf32>,
        tpu.vector_store %arg7[%swap3A_519, %swap3A_520, %swap3A_521], %mul3A_517 {strides = array<i32>} : memref<2x64x128xf32, #tpu.memory_space<vmem>>, vector<16xf32>,
        %mul3A_523 = arith.mulf %mul3A_516, %add3A_336 : vector<16xf32>
        %swap3A_524 = arith.constant 25 : i32
        %swap3A_525 = arith.index_cast %rem3A_102 : i32 to index
        %swap3A_526 = arith.index_cast %swap3A_524 : i32 to index
        %swap3A_527 = arith.index_cast %mul3A_174 : i32 to index
        %swap3A_528 = tpu.vector_load %arg7[%swap3A_525, %swap3A_526, %swap3A_527] {strides = array<i32>} : memref<2x64x128xf32, #tpu.memory_space<vmem>>, vector<16xf32>,
        tpu.vector_store %arg7[%swap3A_525, %swap3A_526, %swap3A_527], %mul3A_523 {strides = array<i32>} : memref<2x64x128xf32, #tpu.memory_space<vmem>>, vector<16xf32>,
        %mul3A_529 = arith.mulf %mul3A_516, %add3A_343 : vector<16xf32>
        %swap3A_530 = arith.constant 26 : i32
        %swap3A_531 = arith.index_cast %rem3A_102 : i32 to index
        %swap3A_532 = arith.index_cast %swap3A_530 : i32 to index
        %swap3A_533 = arith.index_cast %mul3A_174 : i32 to index
        %swap3A_534 = tpu.vector_load %arg7[%swap3A_531, %swap3A_532, %swap3A_533] {strides = array<i32>} : memref<2x64x128xf32, #tpu.memory_space<vmem>>, vector<16xf32>,
        tpu.vector_store %arg7[%swap3A_531, %swap3A_532, %swap3A_533], %mul3A_529 {strides = array<i32>} : memref<2x64x128xf32, #tpu.memory_space<vmem>>, vector<16xf32>,
        %mul3A_535 = arith.mulf %mul3A_516, %mul3A_346 : vector<16xf32>
        %swap3A_536 = arith.constant 27 : i32
        %swap3A_537 = arith.index_cast %rem3A_102 : i32 to index
        %swap3A_538 = arith.index_cast %swap3A_536 : i32 to index
        %swap3A_539 = arith.index_cast %mul3A_174 : i32 to index
        %swap3A_540 = tpu.vector_load %arg7[%swap3A_537, %swap3A_538, %swap3A_539] {strides = array<i32>} : memref<2x64x128xf32, #tpu.memory_space<vmem>>, vector<16xf32>,
        tpu.vector_store %arg7[%swap3A_537, %swap3A_538, %swap3A_539], %mul3A_535 {strides = array<i32>} : memref<2x64x128xf32, #tpu.memory_space<vmem>>, vector<16xf32>,
        %mul3A_541 = arith.mulf %add3A_242, %mul3A_299 : vector<16xf32>
        %mul3A_542 = arith.mulf %mul3A_541, %mul3A_329 : vector<16xf32>
        %swap3A_543 = arith.constant 28 : i32
        %swap3A_544 = arith.index_cast %rem3A_102 : i32 to index
        %swap3A_545 = arith.index_cast %swap3A_543 : i32 to index
        %swap3A_546 = arith.index_cast %mul3A_174 : i32 to index
        %swap3A_547 = tpu.vector_load %arg7[%swap3A_544, %swap3A_545, %swap3A_546] {strides = array<i32>} : memref<2x64x128xf32, #tpu.memory_space<vmem>>, vector<16xf32>,
        tpu.vector_store %arg7[%swap3A_544, %swap3A_545, %swap3A_546], %mul3A_542 {strides = array<i32>} : memref<2x64x128xf32, #tpu.memory_space<vmem>>, vector<16xf32>,
        %mul3A_548 = arith.mulf %mul3A_541, %add3A_336 : vector<16xf32>
        %swap3A_549 = arith.constant 29 : i32
        %swap3A_550 = arith.index_cast %rem3A_102 : i32 to index
        %swap3A_551 = arith.index_cast %swap3A_549 : i32 to index
        %swap3A_552 = arith.index_cast %mul3A_174 : i32 to index
        %swap3A_553 = tpu.vector_load %arg7[%swap3A_550, %swap3A_551, %swap3A_552] {strides = array<i32>} : memref<2x64x128xf32, #tpu.memory_space<vmem>>, vector<16xf32>,
        tpu.vector_store %arg7[%swap3A_550, %swap3A_551, %swap3A_552], %mul3A_548 {strides = array<i32>} : memref<2x64x128xf32, #tpu.memory_space<vmem>>, vector<16xf32>,
        %mul3A_554 = arith.mulf %mul3A_541, %add3A_343 : vector<16xf32>
        %swap3A_555 = arith.constant 30 : i32
        %swap3A_556 = arith.index_cast %rem3A_102 : i32 to index
        %swap3A_557 = arith.index_cast %swap3A_555 : i32 to index
        %swap3A_558 = arith.index_cast %mul3A_174 : i32 to index
        %swap3A_559 = tpu.vector_load %arg7[%swap3A_556, %swap3A_557, %swap3A_558] {strides = array<i32>} : memref<2x64x128xf32, #tpu.memory_space<vmem>>, vector<16xf32>,
        tpu.vector_store %arg7[%swap3A_556, %swap3A_557, %swap3A_558], %mul3A_554 {strides = array<i32>} : memref<2x64x128xf32, #tpu.memory_space<vmem>>, vector<16xf32>,
        %mul3A_560 = arith.mulf %mul3A_541, %mul3A_346 : vector<16xf32>
        %swap3A_561 = arith.constant 31 : i32
        %swap3A_562 = arith.index_cast %rem3A_102 : i32 to index
        %swap3A_563 = arith.index_cast %swap3A_561 : i32 to index
        %swap3A_564 = arith.index_cast %mul3A_174 : i32 to index
        %swap3A_565 = tpu.vector_load %arg7[%swap3A_562, %swap3A_563, %swap3A_564] {strides = array<i32>} : memref<2x64x128xf32, #tpu.memory_space<vmem>>, vector<16xf32>,
        tpu.vector_store %arg7[%swap3A_562, %swap3A_563, %swap3A_564], %mul3A_560 {strides = array<i32>} : memref<2x64x128xf32, #tpu.memory_space<vmem>>, vector<16xf32>,
        %mul3A_566 = arith.mulf %add3A_249, %mul3A_282 : vector<16xf32>
        %mul3A_567 = arith.mulf %mul3A_566, %mul3A_329 : vector<16xf32>
        %swap3A_568 = arith.constant 32 : i32
        %swap3A_569 = arith.index_cast %rem3A_102 : i32 to index
        %swap3A_570 = arith.index_cast %swap3A_568 : i32 to index
        %swap3A_571 = arith.index_cast %mul3A_174 : i32 to index
        %swap3A_572 = tpu.vector_load %arg7[%swap3A_569, %swap3A_570, %swap3A_571] {strides = array<i32>} : memref<2x64x128xf32, #tpu.memory_space<vmem>>, vector<16xf32>,
        tpu.vector_store %arg7[%swap3A_569, %swap3A_570, %swap3A_571], %mul3A_567 {strides = array<i32>} : memref<2x64x128xf32, #tpu.memory_space<vmem>>, vector<16xf32>,
        %mul3A_573 = arith.mulf %mul3A_566, %add3A_336 : vector<16xf32>
        %swap3A_574 = arith.constant 33 : i32
        %swap3A_575 = arith.index_cast %rem3A_102 : i32 to index
        %swap3A_576 = arith.index_cast %swap3A_574 : i32 to index
        %swap3A_577 = arith.index_cast %mul3A_174 : i32 to index
        %swap3A_578 = tpu.vector_load %arg7[%swap3A_575, %swap3A_576, %swap3A_577] {strides = array<i32>} : memref<2x64x128xf32, #tpu.memory_space<vmem>>, vector<16xf32>,
        tpu.vector_store %arg7[%swap3A_575, %swap3A_576, %swap3A_577], %mul3A_573 {strides = array<i32>} : memref<2x64x128xf32, #tpu.memory_space<vmem>>, vector<16xf32>,
        %mul3A_579 = arith.mulf %mul3A_566, %add3A_343 : vector<16xf32>
        %swap3A_580 = arith.constant 34 : i32
        %swap3A_581 = arith.index_cast %rem3A_102 : i32 to index
        %swap3A_582 = arith.index_cast %swap3A_580 : i32 to index
        %swap3A_583 = arith.index_cast %mul3A_174 : i32 to index
        %swap3A_584 = tpu.vector_load %arg7[%swap3A_581, %swap3A_582, %swap3A_583] {strides = array<i32>} : memref<2x64x128xf32, #tpu.memory_space<vmem>>, vector<16xf32>,
        tpu.vector_store %arg7[%swap3A_581, %swap3A_582, %swap3A_583], %mul3A_579 {strides = array<i32>} : memref<2x64x128xf32, #tpu.memory_space<vmem>>, vector<16xf32>,
        %mul3A_585 = arith.mulf %mul3A_566, %mul3A_346 : vector<16xf32>
        %swap3A_586 = arith.constant 35 : i32
        %swap3A_587 = arith.index_cast %rem3A_102 : i32 to index
        %swap3A_588 = arith.index_cast %swap3A_586 : i32 to index
        %swap3A_589 = arith.index_cast %mul3A_174 : i32 to index
        %swap3A_590 = tpu.vector_load %arg7[%swap3A_587, %swap3A_588, %swap3A_589] {strides = array<i32>} : memref<2x64x128xf32, #tpu.memory_space<vmem>>, vector<16xf32>,
        tpu.vector_store %arg7[%swap3A_587, %swap3A_588, %swap3A_589], %mul3A_585 {strides = array<i32>} : memref<2x64x128xf32, #tpu.memory_space<vmem>>, vector<16xf32>,
        %mul3A_591 = arith.mulf %add3A_249, %add3A_289 : vector<16xf32>
        %mul3A_592 = arith.mulf %mul3A_591, %mul3A_329 : vector<16xf32>
        %swap3A_593 = arith.constant 36 : i32
        %swap3A_594 = arith.index_cast %rem3A_102 : i32 to index
        %swap3A_595 = arith.index_cast %swap3A_593 : i32 to index
        %swap3A_596 = arith.index_cast %mul3A_174 : i32 to index
        %swap3A_597 = tpu.vector_load %arg7[%swap3A_594, %swap3A_595, %swap3A_596] {strides = array<i32>} : memref<2x64x128xf32, #tpu.memory_space<vmem>>, vector<16xf32>,
        tpu.vector_store %arg7[%swap3A_594, %swap3A_595, %swap3A_596], %mul3A_592 {strides = array<i32>} : memref<2x64x128xf32, #tpu.memory_space<vmem>>, vector<16xf32>,
        %mul3A_598 = arith.mulf %mul3A_591, %add3A_336 : vector<16xf32>
        %swap3A_599 = arith.constant 37 : i32
        %swap3A_600 = arith.index_cast %rem3A_102 : i32 to index
        %swap3A_601 = arith.index_cast %swap3A_599 : i32 to index
        %swap3A_602 = arith.index_cast %mul3A_174 : i32 to index
        %swap3A_603 = tpu.vector_load %arg7[%swap3A_600, %swap3A_601, %swap3A_602] {strides = array<i32>} : memref<2x64x128xf32, #tpu.memory_space<vmem>>, vector<16xf32>,
        tpu.vector_store %arg7[%swap3A_600, %swap3A_601, %swap3A_602], %mul3A_598 {strides = array<i32>} : memref<2x64x128xf32, #tpu.memory_space<vmem>>, vector<16xf32>,
        %mul3A_604 = arith.mulf %mul3A_591, %add3A_343 : vector<16xf32>
        %swap3A_605 = arith.constant 38 : i32
        %swap3A_606 = arith.index_cast %rem3A_102 : i32 to index
        %swap3A_607 = arith.index_cast %swap3A_605 : i32 to index
        %swap3A_608 = arith.index_cast %mul3A_174 : i32 to index
        %swap3A_609 = tpu.vector_load %arg7[%swap3A_606, %swap3A_607, %swap3A_608] {strides = array<i32>} : memref<2x64x128xf32, #tpu.memory_space<vmem>>, vector<16xf32>,
        tpu.vector_store %arg7[%swap3A_606, %swap3A_607, %swap3A_608], %mul3A_604 {strides = array<i32>} : memref<2x64x128xf32, #tpu.memory_space<vmem>>, vector<16xf32>,
        %mul3A_610 = arith.mulf %mul3A_591, %mul3A_346 : vector<16xf32>
        %swap3A_611 = arith.constant 39 : i32
        %swap3A_612 = arith.index_cast %rem3A_102 : i32 to index
        %swap3A_613 = arith.index_cast %swap3A_611 : i32 to index
        %swap3A_614 = arith.index_cast %mul3A_174 : i32 to index
        %swap3A_615 = tpu.vector_load %arg7[%swap3A_612, %swap3A_613, %swap3A_614] {strides = array<i32>} : memref<2x64x128xf32, #tpu.memory_space<vmem>>, vector<16xf32>,
        tpu.vector_store %arg7[%swap3A_612, %swap3A_613, %swap3A_614], %mul3A_610 {strides = array<i32>} : memref<2x64x128xf32, #tpu.memory_space<vmem>>, vector<16xf32>,
        %mul3A_616 = arith.mulf %add3A_249, %add3A_296 : vector<16xf32>
        %mul3A_617 = arith.mulf %mul3A_616, %mul3A_329 : vector<16xf32>
        %swap3A_618 = arith.constant 40 : i32
        %swap3A_619 = arith.index_cast %rem3A_102 : i32 to index
        %swap3A_620 = arith.index_cast %swap3A_618 : i32 to index
        %swap3A_621 = arith.index_cast %mul3A_174 : i32 to index
        %swap3A_622 = tpu.vector_load %arg7[%swap3A_619, %swap3A_620, %swap3A_621] {strides = array<i32>} : memref<2x64x128xf32, #tpu.memory_space<vmem>>, vector<16xf32>,
        tpu.vector_store %arg7[%swap3A_619, %swap3A_620, %swap3A_621], %mul3A_617 {strides = array<i32>} : memref<2x64x128xf32, #tpu.memory_space<vmem>>, vector<16xf32>,
        %mul3A_623 = arith.mulf %mul3A_616, %add3A_336 : vector<16xf32>
        %swap3A_624 = arith.constant 41 : i32
        %swap3A_625 = arith.index_cast %rem3A_102 : i32 to index
        %swap3A_626 = arith.index_cast %swap3A_624 : i32 to index
        %swap3A_627 = arith.index_cast %mul3A_174 : i32 to index
        %swap3A_628 = tpu.vector_load %arg7[%swap3A_625, %swap3A_626, %swap3A_627] {strides = array<i32>} : memref<2x64x128xf32, #tpu.memory_space<vmem>>, vector<16xf32>,
        tpu.vector_store %arg7[%swap3A_625, %swap3A_626, %swap3A_627], %mul3A_623 {strides = array<i32>} : memref<2x64x128xf32, #tpu.memory_space<vmem>>, vector<16xf32>,
        %mul3A_629 = arith.mulf %mul3A_616, %add3A_343 : vector<16xf32>
        %swap3A_630 = arith.constant 42 : i32
        %swap3A_631 = arith.index_cast %rem3A_102 : i32 to index
        %swap3A_632 = arith.index_cast %swap3A_630 : i32 to index
        %swap3A_633 = arith.index_cast %mul3A_174 : i32 to index
        %swap3A_634 = tpu.vector_load %arg7[%swap3A_631, %swap3A_632, %swap3A_633] {strides = array<i32>} : memref<2x64x128xf32, #tpu.memory_space<vmem>>, vector<16xf32>,
        tpu.vector_store %arg7[%swap3A_631, %swap3A_632, %swap3A_633], %mul3A_629 {strides = array<i32>} : memref<2x64x128xf32, #tpu.memory_space<vmem>>, vector<16xf32>,
        %mul3A_635 = arith.mulf %mul3A_616, %mul3A_346 : vector<16xf32>
        %swap3A_636 = arith.constant 43 : i32
        %swap3A_637 = arith.index_cast %rem3A_102 : i32 to index
        %swap3A_638 = arith.index_cast %swap3A_636 : i32 to index
        %swap3A_639 = arith.index_cast %mul3A_174 : i32 to index
        %swap3A_640 = tpu.vector_load %arg7[%swap3A_637, %swap3A_638, %swap3A_639] {strides = array<i32>} : memref<2x64x128xf32, #tpu.memory_space<vmem>>, vector<16xf32>,
        tpu.vector_store %arg7[%swap3A_637, %swap3A_638, %swap3A_639], %mul3A_635 {strides = array<i32>} : memref<2x64x128xf32, #tpu.memory_space<vmem>>, vector<16xf32>,
        %mul3A_641 = arith.mulf %add3A_249, %mul3A_299 : vector<16xf32>
        %mul3A_642 = arith.mulf %mul3A_641, %mul3A_329 : vector<16xf32>
        %swap3A_643 = arith.constant 44 : i32
        %swap3A_644 = arith.index_cast %rem3A_102 : i32 to index
        %swap3A_645 = arith.index_cast %swap3A_643 : i32 to index
        %swap3A_646 = arith.index_cast %mul3A_174 : i32 to index
        %swap3A_647 = tpu.vector_load %arg7[%swap3A_644, %swap3A_645, %swap3A_646] {strides = array<i32>} : memref<2x64x128xf32, #tpu.memory_space<vmem>>, vector<16xf32>,
        tpu.vector_store %arg7[%swap3A_644, %swap3A_645, %swap3A_646], %mul3A_642 {strides = array<i32>} : memref<2x64x128xf32, #tpu.memory_space<vmem>>, vector<16xf32>,
        %mul3A_648 = arith.mulf %mul3A_641, %add3A_336 : vector<16xf32>
        %swap3A_649 = arith.constant 45 : i32
        %swap3A_650 = arith.index_cast %rem3A_102 : i32 to index
        %swap3A_651 = arith.index_cast %swap3A_649 : i32 to index
        %swap3A_652 = arith.index_cast %mul3A_174 : i32 to index
        %swap3A_653 = tpu.vector_load %arg7[%swap3A_650, %swap3A_651, %swap3A_652] {strides = array<i32>} : memref<2x64x128xf32, #tpu.memory_space<vmem>>, vector<16xf32>,
        tpu.vector_store %arg7[%swap3A_650, %swap3A_651, %swap3A_652], %mul3A_648 {strides = array<i32>} : memref<2x64x128xf32, #tpu.memory_space<vmem>>, vector<16xf32>,
        %mul3A_654 = arith.mulf %mul3A_641, %add3A_343 : vector<16xf32>
        %swap3A_655 = arith.constant 46 : i32
        %swap3A_656 = arith.index_cast %rem3A_102 : i32 to index
        %swap3A_657 = arith.index_cast %swap3A_655 : i32 to index
        %swap3A_658 = arith.index_cast %mul3A_174 : i32 to index
        %swap3A_659 = tpu.vector_load %arg7[%swap3A_656, %swap3A_657, %swap3A_658] {strides = array<i32>} : memref<2x64x128xf32, #tpu.memory_space<vmem>>, vector<16xf32>,
        tpu.vector_store %arg7[%swap3A_656, %swap3A_657, %swap3A_658], %mul3A_654 {strides = array<i32>} : memref<2x64x128xf32, #tpu.memory_space<vmem>>, vector<16xf32>,
        %mul3A_660 = arith.mulf %mul3A_641, %mul3A_346 : vector<16xf32>
        %swap3A_661 = arith.constant 47 : i32
        %swap3A_662 = arith.index_cast %rem3A_102 : i32 to index
        %swap3A_663 = arith.index_cast %swap3A_661 : i32 to index
        %swap3A_664 = arith.index_cast %mul3A_174 : i32 to index
        %swap3A_665 = tpu.vector_load %arg7[%swap3A_662, %swap3A_663, %swap3A_664] {strides = array<i32>} : memref<2x64x128xf32, #tpu.memory_space<vmem>>, vector<16xf32>,
        tpu.vector_store %arg7[%swap3A_662, %swap3A_663, %swap3A_664], %mul3A_660 {strides = array<i32>} : memref<2x64x128xf32, #tpu.memory_space<vmem>>, vector<16xf32>,
        %mul3A_666 = arith.mulf %mul3A_252, %mul3A_282 : vector<16xf32>
        %mul3A_667 = arith.mulf %mul3A_666, %mul3A_329 : vector<16xf32>
        %swap3A_668 = arith.constant 48 : i32
        %swap3A_669 = arith.index_cast %rem3A_102 : i32 to index
        %swap3A_670 = arith.index_cast %swap3A_668 : i32 to index
        %swap3A_671 = arith.index_cast %mul3A_174 : i32 to index
        %swap3A_672 = tpu.vector_load %arg7[%swap3A_669, %swap3A_670, %swap3A_671] {strides = array<i32>} : memref<2x64x128xf32, #tpu.memory_space<vmem>>, vector<16xf32>,
        tpu.vector_store %arg7[%swap3A_669, %swap3A_670, %swap3A_671], %mul3A_667 {strides = array<i32>} : memref<2x64x128xf32, #tpu.memory_space<vmem>>, vector<16xf32>,
        %mul3A_673 = arith.mulf %mul3A_666, %add3A_336 : vector<16xf32>
        %swap3A_674 = arith.constant 49 : i32
        %swap3A_675 = arith.index_cast %rem3A_102 : i32 to index
        %swap3A_676 = arith.index_cast %swap3A_674 : i32 to index
        %swap3A_677 = arith.index_cast %mul3A_174 : i32 to index
        %swap3A_678 = tpu.vector_load %arg7[%swap3A_675, %swap3A_676, %swap3A_677] {strides = array<i32>} : memref<2x64x128xf32, #tpu.memory_space<vmem>>, vector<16xf32>,
        tpu.vector_store %arg7[%swap3A_675, %swap3A_676, %swap3A_677], %mul3A_673 {strides = array<i32>} : memref<2x64x128xf32, #tpu.memory_space<vmem>>, vector<16xf32>,
        %mul3A_679 = arith.mulf %mul3A_666, %add3A_343 : vector<16xf32>
        %swap3A_680 = arith.constant 50 : i32
        %swap3A_681 = arith.index_cast %rem3A_102 : i32 to index
        %swap3A_682 = arith.index_cast %swap3A_680 : i32 to index
        %swap3A_683 = arith.index_cast %mul3A_174 : i32 to index
        %swap3A_684 = tpu.vector_load %arg7[%swap3A_681, %swap3A_682, %swap3A_683] {strides = array<i32>} : memref<2x64x128xf32, #tpu.memory_space<vmem>>, vector<16xf32>,
        tpu.vector_store %arg7[%swap3A_681, %swap3A_682, %swap3A_683], %mul3A_679 {strides = array<i32>} : memref<2x64x128xf32, #tpu.memory_space<vmem>>, vector<16xf32>,
        %mul3A_685 = arith.mulf %mul3A_666, %mul3A_346 : vector<16xf32>
        %swap3A_686 = arith.constant 51 : i32
        %swap3A_687 = arith.index_cast %rem3A_102 : i32 to index
        %swap3A_688 = arith.index_cast %swap3A_686 : i32 to index
        %swap3A_689 = arith.index_cast %mul3A_174 : i32 to index
        %swap3A_690 = tpu.vector_load %arg7[%swap3A_687, %swap3A_688, %swap3A_689] {strides = array<i32>} : memref<2x64x128xf32, #tpu.memory_space<vmem>>, vector<16xf32>,
        tpu.vector_store %arg7[%swap3A_687, %swap3A_688, %swap3A_689], %mul3A_685 {strides = array<i32>} : memref<2x64x128xf32, #tpu.memory_space<vmem>>, vector<16xf32>,
        %mul3A_691 = arith.mulf %mul3A_252, %add3A_289 : vector<16xf32>
        %mul3A_692 = arith.mulf %mul3A_691, %mul3A_329 : vector<16xf32>
        %swap3A_693 = arith.constant 52 : i32
        %swap3A_694 = arith.index_cast %rem3A_102 : i32 to index
        %swap3A_695 = arith.index_cast %swap3A_693 : i32 to index
        %swap3A_696 = arith.index_cast %mul3A_174 : i32 to index
        %swap3A_697 = tpu.vector_load %arg7[%swap3A_694, %swap3A_695, %swap3A_696] {strides = array<i32>} : memref<2x64x128xf32, #tpu.memory_space<vmem>>, vector<16xf32>,
        tpu.vector_store %arg7[%swap3A_694, %swap3A_695, %swap3A_696], %mul3A_692 {strides = array<i32>} : memref<2x64x128xf32, #tpu.memory_space<vmem>>, vector<16xf32>,
        %mul3A_698 = arith.mulf %mul3A_691, %add3A_336 : vector<16xf32>
        %swap3A_699 = arith.constant 53 : i32
        %swap3A_700 = arith.index_cast %rem3A_102 : i32 to index
        %swap3A_701 = arith.index_cast %swap3A_699 : i32 to index
        %swap3A_702 = arith.index_cast %mul3A_174 : i32 to index
        %swap3A_703 = tpu.vector_load %arg7[%swap3A_700, %swap3A_701, %swap3A_702] {strides = array<i32>} : memref<2x64x128xf32, #tpu.memory_space<vmem>>, vector<16xf32>,
        tpu.vector_store %arg7[%swap3A_700, %swap3A_701, %swap3A_702], %mul3A_698 {strides = array<i32>} : memref<2x64x128xf32, #tpu.memory_space<vmem>>, vector<16xf32>,
        %mul3A_704 = arith.mulf %mul3A_691, %add3A_343 : vector<16xf32>
        %swap3A_705 = arith.constant 54 : i32
        %swap3A_706 = arith.index_cast %rem3A_102 : i32 to index
        %swap3A_707 = arith.index_cast %swap3A_705 : i32 to index
        %swap3A_708 = arith.index_cast %mul3A_174 : i32 to index
        %swap3A_709 = tpu.vector_load %arg7[%swap3A_706, %swap3A_707, %swap3A_708] {strides = array<i32>} : memref<2x64x128xf32, #tpu.memory_space<vmem>>, vector<16xf32>,
        tpu.vector_store %arg7[%swap3A_706, %swap3A_707, %swap3A_708], %mul3A_704 {strides = array<i32>} : memref<2x64x128xf32, #tpu.memory_space<vmem>>, vector<16xf32>,
        %mul3A_710 = arith.mulf %mul3A_691, %mul3A_346 : vector<16xf32>
        %swap3A_711 = arith.constant 55 : i32
        %swap3A_712 = arith.index_cast %rem3A_102 : i32 to index
        %swap3A_713 = arith.index_cast %swap3A_711 : i32 to index
        %swap3A_714 = arith.index_cast %mul3A_174 : i32 to index
        %swap3A_715 = tpu.vector_load %arg7[%swap3A_712, %swap3A_713, %swap3A_714] {strides = array<i32>} : memref<2x64x128xf32, #tpu.memory_space<vmem>>, vector<16xf32>,
        tpu.vector_store %arg7[%swap3A_712, %swap3A_713, %swap3A_714], %mul3A_710 {strides = array<i32>} : memref<2x64x128xf32, #tpu.memory_space<vmem>>, vector<16xf32>,
        %mul3A_716 = arith.mulf %mul3A_252, %add3A_296 : vector<16xf32>
        %mul3A_717 = arith.mulf %mul3A_716, %mul3A_329 : vector<16xf32>
        %swap3A_718 = arith.constant 56 : i32
        %swap3A_719 = arith.index_cast %rem3A_102 : i32 to index
        %swap3A_720 = arith.index_cast %swap3A_718 : i32 to index
        %swap3A_721 = arith.index_cast %mul3A_174 : i32 to index
        %swap3A_722 = tpu.vector_load %arg7[%swap3A_719, %swap3A_720, %swap3A_721] {strides = array<i32>} : memref<2x64x128xf32, #tpu.memory_space<vmem>>, vector<16xf32>,
        tpu.vector_store %arg7[%swap3A_719, %swap3A_720, %swap3A_721], %mul3A_717 {strides = array<i32>} : memref<2x64x128xf32, #tpu.memory_space<vmem>>, vector<16xf32>,
        %mul3A_723 = arith.mulf %mul3A_716, %add3A_336 : vector<16xf32>
        %swap3A_724 = arith.constant 57 : i32
        %swap3A_725 = arith.index_cast %rem3A_102 : i32 to index
        %swap3A_726 = arith.index_cast %swap3A_724 : i32 to index
        %swap3A_727 = arith.index_cast %mul3A_174 : i32 to index
        %swap3A_728 = tpu.vector_load %arg7[%swap3A_725, %swap3A_726, %swap3A_727] {strides = array<i32>} : memref<2x64x128xf32, #tpu.memory_space<vmem>>, vector<16xf32>,
        tpu.vector_store %arg7[%swap3A_725, %swap3A_726, %swap3A_727], %mul3A_723 {strides = array<i32>} : memref<2x64x128xf32, #tpu.memory_space<vmem>>, vector<16xf32>,
        %mul3A_729 = arith.mulf %mul3A_716, %add3A_343 : vector<16xf32>
        %swap3A_730 = arith.constant 58 : i32
        %swap3A_731 = arith.index_cast %rem3A_102 : i32 to index
        %swap3A_732 = arith.index_cast %swap3A_730 : i32 to index
        %swap3A_733 = arith.index_cast %mul3A_174 : i32 to index
        %swap3A_734 = tpu.vector_load %arg7[%swap3A_731, %swap3A_732, %swap3A_733] {strides = array<i32>} : memref<2x64x128xf32, #tpu.memory_space<vmem>>, vector<16xf32>,
        tpu.vector_store %arg7[%swap3A_731, %swap3A_732, %swap3A_733], %mul3A_729 {strides = array<i32>} : memref<2x64x128xf32, #tpu.memory_space<vmem>>, vector<16xf32>,
        %mul3A_735 = arith.mulf %mul3A_716, %mul3A_346 : vector<16xf32>
        %swap3A_736 = arith.constant 59 : i32
        %swap3A_737 = arith.index_cast %rem3A_102 : i32 to index
        %swap3A_738 = arith.index_cast %swap3A_736 : i32 to index
        %swap3A_739 = arith.index_cast %mul3A_174 : i32 to index
        %swap3A_740 = tpu.vector_load %arg7[%swap3A_737, %swap3A_738, %swap3A_739] {strides = array<i32>} : memref<2x64x128xf32, #tpu.memory_space<vmem>>, vector<16xf32>,
        tpu.vector_store %arg7[%swap3A_737, %swap3A_738, %swap3A_739], %mul3A_735 {strides = array<i32>} : memref<2x64x128xf32, #tpu.memory_space<vmem>>, vector<16xf32>,
        %mul3A_741 = arith.mulf %mul3A_252, %mul3A_299 : vector<16xf32>
        %mul3A_742 = arith.mulf %mul3A_741, %mul3A_329 : vector<16xf32>
        %swap3A_743 = arith.constant 60 : i32
        %swap3A_744 = arith.index_cast %rem3A_102 : i32 to index
        %swap3A_745 = arith.index_cast %swap3A_743 : i32 to index
        %swap3A_746 = arith.index_cast %mul3A_174 : i32 to index
        %swap3A_747 = tpu.vector_load %arg7[%swap3A_744, %swap3A_745, %swap3A_746] {strides = array<i32>} : memref<2x64x128xf32, #tpu.memory_space<vmem>>, vector<16xf32>,
        tpu.vector_store %arg7[%swap3A_744, %swap3A_745, %swap3A_746], %mul3A_742 {strides = array<i32>} : memref<2x64x128xf32, #tpu.memory_space<vmem>>, vector<16xf32>,
        %mul3A_748 = arith.mulf %mul3A_741, %add3A_336 : vector<16xf32>
        %swap3A_749 = arith.constant 61 : i32
        %swap3A_750 = arith.index_cast %rem3A_102 : i32 to index
        %swap3A_751 = arith.index_cast %swap3A_749 : i32 to index
        %swap3A_752 = arith.index_cast %mul3A_174 : i32 to index
        %swap3A_753 = tpu.vector_load %arg7[%swap3A_750, %swap3A_751, %swap3A_752] {strides = array<i32>} : memref<2x64x128xf32, #tpu.memory_space<vmem>>, vector<16xf32>,
        tpu.vector_store %arg7[%swap3A_750, %swap3A_751, %swap3A_752], %mul3A_748 {strides = array<i32>} : memref<2x64x128xf32, #tpu.memory_space<vmem>>, vector<16xf32>,
        %mul3A_754 = arith.mulf %mul3A_741, %add3A_343 : vector<16xf32>
        %swap3A_755 = arith.constant 62 : i32
        %swap3A_756 = arith.index_cast %rem3A_102 : i32 to index
        %swap3A_757 = arith.index_cast %swap3A_755 : i32 to index
        %swap3A_758 = arith.index_cast %mul3A_174 : i32 to index
        %swap3A_759 = tpu.vector_load %arg7[%swap3A_756, %swap3A_757, %swap3A_758] {strides = array<i32>} : memref<2x64x128xf32, #tpu.memory_space<vmem>>, vector<16xf32>,
        tpu.vector_store %arg7[%swap3A_756, %swap3A_757, %swap3A_758], %mul3A_754 {strides = array<i32>} : memref<2x64x128xf32, #tpu.memory_space<vmem>>, vector<16xf32>,
        %mul3A_760 = arith.mulf %mul3A_741, %mul3A_346 : vector<16xf32>
        %swap3A_761 = arith.constant 63 : i32
        %swap3A_762 = arith.index_cast %rem3A_102 : i32 to index
        %swap3A_763 = arith.index_cast %swap3A_761 : i32 to index
        %swap3A_764 = arith.index_cast %mul3A_174 : i32 to index
        %swap3A_765 = tpu.vector_load %arg7[%swap3A_762, %swap3A_763, %swap3A_764] {strides = array<i32>} : memref<2x64x128xf32, #tpu.memory_space<vmem>>, vector<16xf32>,
        tpu.vector_store %arg7[%swap3A_762, %swap3A_763, %swap3A_764], %mul3A_760 {strides = array<i32>} : memref<2x64x128xf32, #tpu.memory_space<vmem>>, vector<16xf32>,
      }
      %scan3A_152 = arith.constant 8 : i32
      %mul3A_153 = arith.constant 32 : i32
      %mul3A_154 = arith.muli %mul3A_153, %while3A_100 : i32
      %add3A_155 = arith.addi %add3A, %mul3A_154 : i32
      %mul3A_156 = arith.constant 128 : i32
      %mul3A_157 = arith.muli %add3A_155, %mul3A_156 : i32
      %dma_start3A_158 = arith.constant 0 : i32
      %dma_start3A_159 = arith.constant 0 : i32
      %dma_start3A_160 = tpu.memref_slice %arg7[%rem3A_102, %dma_start3A_158, %dma_start3A_159] : memref<2x64x128xf32, #tpu.memory_space<vmem>> -> memref<1x64x128xf32, #tpu.memory_space<vmem>>
      %dma_start3A_161 = tpu.memref_squeeze %dma_start3A_160 : memref<1x64x128xf32, #tpu.memory_space<vmem>> -> memref<64x128xf32, #tpu.memory_space<vmem>>
      %dma_start3A_162 = arith.constant 0 : i32
      %dma_start3A_163 = tpu.memref_slice %arg5[%dma_start3A_162, %mul3A_157] : memref<64x200000xf32, #tpu.memory_space<hbm>> -> memref<64x128xf32, #tpu.memory_space<hbm>>
      %dma_start3A_164 = tpu.memref_slice %arg9[%rem3A_102] : memref<2x!tpu.dma_semaphore, #tpu.memory_space<semaphore_mem>> -> memref<1x!tpu.dma_semaphore, #tpu.memory_space<semaphore_mem>>
      %dma_start3A_165 = tpu.memref_squeeze %dma_start3A_164 : memref<1x!tpu.dma_semaphore, #tpu.memory_space<semaphore_mem>> -> memref<!tpu.dma_semaphore, #tpu.memory_space<semaphore_mem>>
      %dma_start3A_166 = arith.constant 0 : i32
      %dma_start3A_167 = tpu.memref_slice %arg5[%dma_start3A_166, %mul3A_157] : memref<64x200000xf32, #tpu.memory_space<hbm>> -> memref<64x128xf32, #tpu.memory_space<hbm>>
      %dma_start3A_168 = arith.constant 0 : i32
      %dma_start3A_169 = arith.constant 0 : i32
      %dma_start3A_170 = tpu.memref_slice %arg7[%rem3A_102, %dma_start3A_168, %dma_start3A_169] : memref<2x64x128xf32, #tpu.memory_space<vmem>> -> memref<1x64x128xf32, #tpu.memory_space<vmem>>
      %dma_start3A_171 = tpu.memref_squeeze %dma_start3A_170 : memref<1x64x128xf32, #tpu.memory_space<vmem>> -> memref<64x128xf32, #tpu.memory_space<vmem>>
      tpu.enqueue_dma source(%dma_start3A_171 : memref<64x128xf32, #tpu.memory_space<vmem>>) target(%dma_start3A_167 : memref<64x128xf32, #tpu.memory_space<hbm>>) target_semaphore(%dma_start3A_165 : memref<!tpu.dma_semaphore, #tpu.memory_space<semaphore_mem>>)
    }
    %while3A_50 = arith.constant 1 : i32
    scf.for %while3A_100 = %while3A_48 to %while3A_44 step %while3A_50  : i32 {
      %rem3A_101 = arith.constant 2 : i32
      %rem3A_102 = arith.remsi %while3A_100, %rem3A_101 : i32
      %add3A_103 = arith.constant 1 : i32
      %add3A_104 = arith.addi %while3A_100, %add3A_103 : i32
      %lt3A_105 = arith.cmpi slt, %add3A_104, %select_n3A : i32
      %convert_element_type3A_106 = arith.extui %lt3A_105 : i1 to i32
      %cond3A_107 = arith.constant 0 : i32
      %cond3A_108 = arith.cmpi ne, %convert_element_type3A_106, %cond3A_107 : i32
      scf.if %cond3A_108 {
        %add3A_172 = arith.constant 1 : i32
        %add3A_173 = arith.addi %while3A_100, %add3A_172 : i32
        %sub3A_174 = arith.constant 1 : i32
        %sub3A_175 = arith.subi %sub3A_174, %rem3A_102 : i32
        %mul3A_176 = arith.constant 32 : i32
        %mul3A_177 = arith.muli %mul3A_176, %add3A_173 : i32
        %add3A_178 = arith.addi %add3A, %mul3A_177 : i32
        %mul3A_179 = arith.constant 128 : i32
        %mul3A_180 = arith.muli %add3A_178, %mul3A_179 : i32
        %dma_start3A_181 = arith.constant 0 : i32
        %dma_start3A_182 = tpu.memref_slice %arg6[%sub3A_175, %dma_start3A_181] : memref<2x384xf32, #tpu.memory_space<vmem>> -> memref<1x128xf32, #tpu.memory_space<vmem>>
        %dma_start3A_183 = tpu.memref_squeeze %dma_start3A_182 : memref<1x128xf32, #tpu.memory_space<vmem>> -> memref<128xf32, #tpu.memory_space<vmem>>
        %dma_start3A_184 = tpu.memref_slice %arg2[%mul3A_180] : memref<200000xf32, #tpu.memory_space<hbm>> -> memref<128xf32, #tpu.memory_space<hbm>>
        %dma_start3A_185 = tpu.memref_slice %arg8[%sub3A_175] : memref<2x!tpu.dma_semaphore, #tpu.memory_space<semaphore_mem>> -> memref<1x!tpu.dma_semaphore, #tpu.memory_space<semaphore_mem>>
        %dma_start3A_186 = tpu.memref_squeeze %dma_start3A_185 : memref<1x!tpu.dma_semaphore, #tpu.memory_space<semaphore_mem>> -> memref<!tpu.dma_semaphore, #tpu.memory_space<semaphore_mem>>
        %dma_start3A_187 = arith.constant 0 : i32
        %dma_start3A_188 = tpu.memref_slice %arg6[%sub3A_175, %dma_start3A_187] : memref<2x384xf32, #tpu.memory_space<vmem>> -> memref<1x128xf32, #tpu.memory_space<vmem>>
        %dma_start3A_189 = tpu.memref_squeeze %dma_start3A_188 : memref<1x128xf32, #tpu.memory_space<vmem>> -> memref<128xf32, #tpu.memory_space<vmem>>
        %dma_start3A_190 = tpu.memref_slice %arg2[%mul3A_180] : memref<200000xf32, #tpu.memory_space<hbm>> -> memref<128xf32, #tpu.memory_space<hbm>>
        tpu.enqueue_dma source(%dma_start3A_190 : memref<128xf32, #tpu.memory_space<hbm>>) target(%dma_start3A_189 : memref<128xf32, #tpu.memory_space<vmem>>) target_semaphore(%dma_start3A_186 : memref<!tpu.dma_semaphore, #tpu.memory_space<semaphore_mem>>)
        %dma_start3A_191 = arith.constant 128 : i32
        %dma_start3A_192 = tpu.memref_slice %arg6[%sub3A_175, %dma_start3A_191] : memref<2x384xf32, #tpu.memory_space<vmem>> -> memref<1x128xf32, #tpu.memory_space<vmem>>
        %dma_start3A_193 = tpu.memref_squeeze %dma_start3A_192 : memref<1x128xf32, #tpu.memory_space<vmem>> -> memref<128xf32, #tpu.memory_space<vmem>>
        %dma_start3A_194 = tpu.memref_slice %arg3[%mul3A_180] : memref<200000xf32, #tpu.memory_space<hbm>> -> memref<128xf32, #tpu.memory_space<hbm>>
        %dma_start3A_195 = tpu.memref_slice %arg8[%sub3A_175] : memref<2x!tpu.dma_semaphore, #tpu.memory_space<semaphore_mem>> -> memref<1x!tpu.dma_semaphore, #tpu.memory_space<semaphore_mem>>
        %dma_start3A_196 = tpu.memref_squeeze %dma_start3A_195 : memref<1x!tpu.dma_semaphore, #tpu.memory_space<semaphore_mem>> -> memref<!tpu.dma_semaphore, #tpu.memory_space<semaphore_mem>>
        %dma_start3A_197 = arith.constant 128 : i32
        %dma_start3A_198 = tpu.memref_slice %arg6[%sub3A_175, %dma_start3A_197] : memref<2x384xf32, #tpu.memory_space<vmem>> -> memref<1x128xf32, #tpu.memory_space<vmem>>
        %dma_start3A_199 = tpu.memref_squeeze %dma_start3A_198 : memref<1x128xf32, #tpu.memory_space<vmem>> -> memref<128xf32, #tpu.memory_space<vmem>>
        %dma_start3A_200 = tpu.memref_slice %arg3[%mul3A_180] : memref<200000xf32, #tpu.memory_space<hbm>> -> memref<128xf32, #tpu.memory_space<hbm>>
        tpu.enqueue_dma source(%dma_start3A_200 : memref<128xf32, #tpu.memory_space<hbm>>) target(%dma_start3A_199 : memref<128xf32, #tpu.memory_space<vmem>>) target_semaphore(%dma_start3A_196 : memref<!tpu.dma_semaphore, #tpu.memory_space<semaphore_mem>>)
        %dma_start3A_201 = arith.constant 256 : i32
        %dma_start3A_202 = tpu.memref_slice %arg6[%sub3A_175, %dma_start3A_201] : memref<2x384xf32, #tpu.memory_space<vmem>> -> memref<1x128xf32, #tpu.memory_space<vmem>>
        %dma_start3A_203 = tpu.memref_squeeze %dma_start3A_202 : memref<1x128xf32, #tpu.memory_space<vmem>> -> memref<128xf32, #tpu.memory_space<vmem>>
        %dma_start3A_204 = tpu.memref_slice %arg4[%mul3A_180] : memref<200000xf32, #tpu.memory_space<hbm>> -> memref<128xf32, #tpu.memory_space<hbm>>
        %dma_start3A_205 = tpu.memref_slice %arg8[%sub3A_175] : memref<2x!tpu.dma_semaphore, #tpu.memory_space<semaphore_mem>> -> memref<1x!tpu.dma_semaphore, #tpu.memory_space<semaphore_mem>>
        %dma_start3A_206 = tpu.memref_squeeze %dma_start3A_205 : memref<1x!tpu.dma_semaphore, #tpu.memory_space<semaphore_mem>> -> memref<!tpu.dma_semaphore, #tpu.memory_space<semaphore_mem>>
        %dma_start3A_207 = arith.constant 256 : i32
        %dma_start3A_208 = tpu.memref_slice %arg6[%sub3A_175, %dma_start3A_207] : memref<2x384xf32, #tpu.memory_space<vmem>> -> memref<1x128xf32, #tpu.memory_space<vmem>>
        %dma_start3A_209 = tpu.memref_squeeze %dma_start3A_208 : memref<1x128xf32, #tpu.memory_space<vmem>> -> memref<128xf32, #tpu.memory_space<vmem>>
        %dma_start3A_210 = tpu.memref_slice %arg4[%mul3A_180] : memref<200000xf32, #tpu.memory_space<hbm>> -> memref<128xf32, #tpu.memory_space<hbm>>
        tpu.enqueue_dma source(%dma_start3A_210 : memref<128xf32, #tpu.memory_space<hbm>>) target(%dma_start3A_209 : memref<128xf32, #tpu.memory_space<vmem>>) target_semaphore(%dma_start3A_206 : memref<!tpu.dma_semaphore, #tpu.memory_space<semaphore_mem>>)
      } else {
      }
      %mul3A_109 = arith.constant 32 : i32
      %mul3A_110 = arith.muli %mul3A_109, %while3A_100 : i32
      %add3A_111 = arith.addi %add3A, %mul3A_110 : i32
      %mul3A_112 = arith.constant 128 : i32
      %mul3A_113 = arith.muli %add3A_111, %mul3A_112 : i32
      %dma_wait3A_114 = arith.constant 0 : i32
      %dma_wait3A_115 = tpu.memref_slice %arg6[%rem3A_102, %dma_wait3A_114] : memref<2x384xf32, #tpu.memory_space<vmem>> -> memref<1x128xf32, #tpu.memory_space<vmem>>
      %dma_wait3A_116 = tpu.memref_squeeze %dma_wait3A_115 : memref<1x128xf32, #tpu.memory_space<vmem>> -> memref<128xf32, #tpu.memory_space<vmem>>
      %dma_wait3A_117 = tpu.memref_slice %arg2[%mul3A_113] : memref<200000xf32, #tpu.memory_space<hbm>> -> memref<128xf32, #tpu.memory_space<hbm>>
      %dma_wait3A_118 = tpu.memref_slice %arg8[%rem3A_102] : memref<2x!tpu.dma_semaphore, #tpu.memory_space<semaphore_mem>> -> memref<1x!tpu.dma_semaphore, #tpu.memory_space<semaphore_mem>>
      %dma_wait3A_119 = tpu.memref_squeeze %dma_wait3A_118 : memref<1x!tpu.dma_semaphore, #tpu.memory_space<semaphore_mem>> -> memref<!tpu.dma_semaphore, #tpu.memory_space<semaphore_mem>>
      %dma_wait3A_120 = arith.constant 0 : i32
      %dma_wait3A_121 = tpu.memref_slice %arg6[%rem3A_102, %dma_wait3A_120] : memref<2x384xf32, #tpu.memory_space<vmem>> -> memref<1x128xf32, #tpu.memory_space<vmem>>
      %dma_wait3A_122 = tpu.memref_squeeze %dma_wait3A_121 : memref<1x128xf32, #tpu.memory_space<vmem>> -> memref<128xf32, #tpu.memory_space<vmem>>
      %dma_wait3A_123 = tpu.memref_slice %arg2[%mul3A_113] : memref<200000xf32, #tpu.memory_space<hbm>> -> memref<128xf32, #tpu.memory_space<hbm>>
      tpu.wait_dma2 semaphore(%dma_wait3A_119 : memref<!tpu.dma_semaphore, #tpu.memory_space<semaphore_mem>>) src(%dma_wait3A_123 : memref<128xf32, #tpu.memory_space<hbm>>) dst(%dma_wait3A_122 : memref<128xf32, #tpu.memory_space<vmem>>)
      %dma_wait3A_124 = arith.constant 128 : i32
      %dma_wait3A_125 = tpu.memref_slice %arg6[%rem3A_102, %dma_wait3A_124] : memref<2x384xf32, #tpu.memory_space<vmem>> -> memref<1x128xf32, #tpu.memory_space<vmem>>
      %dma_wait3A_126 = tpu.memref_squeeze %dma_wait3A_125 : memref<1x128xf32, #tpu.memory_space<vmem>> -> memref<128xf32, #tpu.memory_space<vmem>>
      %dma_wait3A_127 = tpu.memref_slice %arg3[%mul3A_113] : memref<200000xf32, #tpu.memory_space<hbm>> -> memref<128xf32, #tpu.memory_space<hbm>>
      %dma_wait3A_128 = tpu.memref_slice %arg8[%rem3A_102] : memref<2x!tpu.dma_semaphore, #tpu.memory_space<semaphore_mem>> -> memref<1x!tpu.dma_semaphore, #tpu.memory_space<semaphore_mem>>
      %dma_wait3A_129 = tpu.memref_squeeze %dma_wait3A_128 : memref<1x!tpu.dma_semaphore, #tpu.memory_space<semaphore_mem>> -> memref<!tpu.dma_semaphore, #tpu.memory_space<semaphore_mem>>
      %dma_wait3A_130 = arith.constant 128 : i32
      %dma_wait3A_131 = tpu.memref_slice %arg6[%rem3A_102, %dma_wait3A_130] : memref<2x384xf32, #tpu.memory_space<vmem>> -> memref<1x128xf32, #tpu.memory_space<vmem>>
      %dma_wait3A_132 = tpu.memref_squeeze %dma_wait3A_131 : memref<1x128xf32, #tpu.memory_space<vmem>> -> memref<128xf32, #tpu.memory_space<vmem>>
      %dma_wait3A_133 = tpu.memref_slice %arg3[%mul3A_113] : memref<200000xf32, #tpu.memory_space<hbm>> -> memref<128xf32, #tpu.memory_space<hbm>>
      tpu.wait_dma2 semaphore(%dma_wait3A_129 : memref<!tpu.dma_semaphore, #tpu.memory_space<semaphore_mem>>) src(%dma_wait3A_133 : memref<128xf32, #tpu.memory_space<hbm>>) dst(%dma_wait3A_132 : memref<128xf32, #tpu.memory_space<vmem>>)
      %dma_wait3A_134 = arith.constant 256 : i32
      %dma_wait3A_135 = tpu.memref_slice %arg6[%rem3A_102, %dma_wait3A_134] : memref<2x384xf32, #tpu.memory_space<vmem>> -> memref<1x128xf32, #tpu.memory_space<vmem>>
      %dma_wait3A_136 = tpu.memref_squeeze %dma_wait3A_135 : memref<1x128xf32, #tpu.memory_space<vmem>> -> memref<128xf32, #tpu.memory_space<vmem>>
      %dma_wait3A_137 = tpu.memref_slice %arg4[%mul3A_113] : memref<200000xf32, #tpu.memory_space<hbm>> -> memref<128xf32, #tpu.memory_space<hbm>>
      %dma_wait3A_138 = tpu.memref_slice %arg8[%rem3A_102] : memref<2x!tpu.dma_semaphore, #tpu.memory_space<semaphore_mem>> -> memref<1x!tpu.dma_semaphore, #tpu.memory_space<semaphore_mem>>
      %dma_wait3A_139 = tpu.memref_squeeze %dma_wait3A_138 : memref<1x!tpu.dma_semaphore, #tpu.memory_space<semaphore_mem>> -> memref<!tpu.dma_semaphore, #tpu.memory_space<semaphore_mem>>
      %dma_wait3A_140 = arith.constant 256 : i32
      %dma_wait3A_141 = tpu.memref_slice %arg6[%rem3A_102, %dma_wait3A_140] : memref<2x384xf32, #tpu.memory_space<vmem>> -> memref<1x128xf32, #tpu.memory_space<vmem>>
      %dma_wait3A_142 = tpu.memref_squeeze %dma_wait3A_141 : memref<1x128xf32, #tpu.memory_space<vmem>> -> memref<128xf32, #tpu.memory_space<vmem>>
      %dma_wait3A_143 = tpu.memref_slice %arg4[%mul3A_113] : memref<200000xf32, #tpu.memory_space<hbm>> -> memref<128xf32, #tpu.memory_space<hbm>>
      tpu.wait_dma2 semaphore(%dma_wait3A_139 : memref<!tpu.dma_semaphore, #tpu.memory_space<semaphore_mem>>) src(%dma_wait3A_143 : memref<128xf32, #tpu.memory_space<hbm>>) dst(%dma_wait3A_142 : memref<128xf32, #tpu.memory_space<vmem>>)
      %ge3A = arith.constant 2 : i32
      %ge3A_144 = arith.cmpi sge, %while3A_100, %ge3A : i32
      %convert_element_type3A_145 = arith.extui %ge3A_144 : i1 to i32
      %cond3A_146 = arith.constant 0 : i32
      %cond3A_147 = arith.cmpi ne, %convert_element_type3A_145, %cond3A_146 : i32
      scf.if %cond3A_147 {
        %sub3A_172 = arith.constant 2 : i32
        %sub3A_173 = arith.subi %while3A_100, %sub3A_172 : i32
        %mul3A_174 = arith.constant 32 : i32
        %mul3A_175 = arith.muli %mul3A_174, %sub3A_173 : i32
        %add3A_176 = arith.addi %add3A, %mul3A_175 : i32
        %mul3A_177 = arith.constant 128 : i32
        %mul3A_178 = arith.muli %add3A_176, %mul3A_177 : i32
        %dma_wait3A_179 = arith.constant 0 : i32
        %dma_wait3A_180 = arith.constant 0 : i32
        %dma_wait3A_181 = tpu.memref_slice %arg7[%rem3A_102, %dma_wait3A_179, %dma_wait3A_180] : memref<2x64x128xf32, #tpu.memory_space<vmem>> -> memref<1x64x128xf32, #tpu.memory_space<vmem>>
        %dma_wait3A_182 = tpu.memref_squeeze %dma_wait3A_181 : memref<1x64x128xf32, #tpu.memory_space<vmem>> -> memref<64x128xf32, #tpu.memory_space<vmem>>
        %dma_wait3A_183 = arith.constant 0 : i32
        %dma_wait3A_184 = tpu.memref_slice %arg5[%dma_wait3A_183, %mul3A_178] : memref<64x200000xf32, #tpu.memory_space<hbm>> -> memref<64x128xf32, #tpu.memory_space<hbm>>
        %dma_wait3A_185 = tpu.memref_slice %arg9[%rem3A_102] : memref<2x!tpu.dma_semaphore, #tpu.memory_space<semaphore_mem>> -> memref<1x!tpu.dma_semaphore, #tpu.memory_space<semaphore_mem>>
        %dma_wait3A_186 = tpu.memref_squeeze %dma_wait3A_185 : memref<1x!tpu.dma_semaphore, #tpu.memory_space<semaphore_mem>> -> memref<!tpu.dma_semaphore, #tpu.memory_space<semaphore_mem>>
        %dma_wait3A_187 = arith.constant 0 : i32
        %dma_wait3A_188 = tpu.memref_slice %arg5[%dma_wait3A_187, %mul3A_178] : memref<64x200000xf32, #tpu.memory_space<hbm>> -> memref<64x128xf32, #tpu.memory_space<hbm>>
        %dma_wait3A_189 = arith.constant 0 : i32
        %dma_wait3A_190 = arith.constant 0 : i32
        %dma_wait3A_191 = tpu.memref_slice %arg7[%rem3A_102, %dma_wait3A_189, %dma_wait3A_190] : memref<2x64x128xf32, #tpu.memory_space<vmem>> -> memref<1x64x128xf32, #tpu.memory_space<vmem>>
        %dma_wait3A_192 = tpu.memref_squeeze %dma_wait3A_191 : memref<1x64x128xf32, #tpu.memory_space<vmem>> -> memref<64x128xf32, #tpu.memory_space<vmem>>
        tpu.wait_dma2 semaphore(%dma_wait3A_186 : memref<!tpu.dma_semaphore, #tpu.memory_space<semaphore_mem>>) src(%dma_wait3A_192 : memref<64x128xf32, #tpu.memory_space<vmem>>) dst(%dma_wait3A_188 : memref<64x128xf32, #tpu.memory_space<hbm>>)
      } else {
      }
      %scan3A = arith.constant 0 : i32
      %scan3A_148 = arith.constant 0 : i32
      %scan3A_149 = arith.constant 8 : i32
      %scan3A_150 = arith.addi %scan3A_148, %scan3A_149 : i32
      %scan3A_151 = arith.constant 1 : i32
      scf.for %scan3A_172 = %scan3A_148 to %scan3A_150 step %scan3A_151  : i32 {
        %mul3A_173 = arith.constant 16 : i32
        %mul3A_174 = arith.muli %scan3A_172, %mul3A_173 : i32
        %get3A = arith.index_cast %rem3A_102 : i32 to index
        %get3A_175 = arith.index_cast %mul3A_174 : i32 to index
        %get3A_176 = tpu.vector_load %arg6[%get3A, %get3A_175] {strides = array<i32>} : memref<2x384xf32, #tpu.memory_space<vmem>>, vector<16xf32>,
        %mul3A_177 = arith.constant 2.000000e+01 : f32
        %mul3A_178 = vector.broadcast %mul3A_177 : f32 to vector<16xf32>
        %mul3A_179 = arith.mulf %get3A_176, %mul3A_178 : vector<16xf32>
        %convert_element_type3A_180 = arith.fptosi %mul3A_179 : vector<16xf32> to vector<16xi32>
        %convert_element_type3A_181 = arith.sitofp %convert_element_type3A_180 : vector<16xi32> to vector<16xf32>
        %sub3A_182 = arith.subf %mul3A_179, %convert_element_type3A_181 : vector<16xf32>
        %lt3A_183 = arith.constant 0.000000e+00 : f32
        %lt3A_184 = vector.broadcast %lt3A_183 : f32 to vector<16xf32>
        %lt3A_185 = arith.cmpf olt, %sub3A_182, %lt3A_184 : vector<16xf32>
        %add3A_186 = arith.constant 1.000000e+00 : f32
        %add3A_187 = vector.broadcast %add3A_186 : f32 to vector<16xf32>
        %add3A_188 = arith.addf %sub3A_182, %add3A_187 : vector<16xf32>
        %select_n3A_189 = arith.select %lt3A_185, %add3A_188, %sub3A_182 : vector<16xi1>, vector<16xf32>
        %add3A_190 = arith.constant 128 : i32
        %add3A_191 = arith.addi %add3A_190, %mul3A_174 : i32
        %get3A_192 = arith.index_cast %rem3A_102 : i32 to index
        %get3A_193 = arith.index_cast %add3A_191 : i32 to index
        %get3A_194 = tpu.vector_load %arg6[%get3A_192, %get3A_193] {strides = array<i32>} : memref<2x384xf32, #tpu.memory_space<vmem>>, vector<16xf32>,
        %mul3A_195 = arith.constant 2.000000e+01 : f32
        %mul3A_196 = vector.broadcast %mul3A_195 : f32 to vector<16xf32>
        %mul3A_197 = arith.mulf %get3A_194, %mul3A_196 : vector<16xf32>
        %convert_element_type3A_198 = arith.fptosi %mul3A_197 : vector<16xf32> to vector<16xi32>
        %convert_element_type3A_199 = arith.sitofp %convert_element_type3A_198 : vector<16xi32> to vector<16xf32>
        %sub3A_200 = arith.subf %mul3A_197, %convert_element_type3A_199 : vector<16xf32>
        %lt3A_201 = arith.constant 0.000000e+00 : f32
        %lt3A_202 = vector.broadcast %lt3A_201 : f32 to vector<16xf32>
        %lt3A_203 = arith.cmpf olt, %sub3A_200, %lt3A_202 : vector<16xf32>
        %add3A_204 = arith.constant 1.000000e+00 : f32
        %add3A_205 = vector.broadcast %add3A_204 : f32 to vector<16xf32>
        %add3A_206 = arith.addf %sub3A_200, %add3A_205 : vector<16xf32>
        %select_n3A_207 = arith.select %lt3A_203, %add3A_206, %sub3A_200 : vector<16xi1>, vector<16xf32>
        %add3A_208 = arith.constant 256 : i32
        %add3A_209 = arith.addi %add3A_208, %mul3A_174 : i32
        %get3A_210 = arith.index_cast %rem3A_102 : i32 to index
        %get3A_211 = arith.index_cast %add3A_209 : i32 to index
        %get3A_212 = tpu.vector_load %arg6[%get3A_210, %get3A_211] {strides = array<i32>} : memref<2x384xf32, #tpu.memory_space<vmem>>, vector<16xf32>,
        %mul3A_213 = arith.constant 2.000000e+01 : f32
        %mul3A_214 = vector.broadcast %mul3A_213 : f32 to vector<16xf32>
        %mul3A_215 = arith.mulf %get3A_212, %mul3A_214 : vector<16xf32>
        %convert_element_type3A_216 = arith.fptosi %mul3A_215 : vector<16xf32> to vector<16xi32>
        %convert_element_type3A_217 = arith.sitofp %convert_element_type3A_216 : vector<16xi32> to vector<16xf32>
        %sub3A_218 = arith.subf %mul3A_215, %convert_element_type3A_217 : vector<16xf32>
        %lt3A_219 = arith.constant 0.000000e+00 : f32
        %lt3A_220 = vector.broadcast %lt3A_219 : f32 to vector<16xf32>
        %lt3A_221 = arith.cmpf olt, %sub3A_218, %lt3A_220 : vector<16xf32>
        %add3A_222 = arith.constant 1.000000e+00 : f32
        %add3A_223 = vector.broadcast %add3A_222 : f32 to vector<16xf32>
        %add3A_224 = arith.addf %sub3A_218, %add3A_223 : vector<16xf32>
        %select_n3A_225 = arith.select %lt3A_221, %add3A_224, %sub3A_218 : vector<16xi1>, vector<16xf32>
        %sub3A_226 = arith.constant 1.000000e+00 : f32
        %sub3A_227 = vector.broadcast %sub3A_226 : f32 to vector<16xf32>
        %sub3A_228 = arith.subf %sub3A_227, %select_n3A_189 : vector<16xf32>
        %mul3A_229 = arith.mulf %select_n3A_189, %select_n3A_189 : vector<16xf32>
        %mul3A_230 = arith.mulf %mul3A_229, %select_n3A_189 : vector<16xf32>
        %mul3A_231 = arith.mulf %sub3A_228, %sub3A_228 : vector<16xf32>
        %mul3A_232 = arith.mulf %mul3A_231, %sub3A_228 : vector<16xf32>
        %mul3A_233 = arith.constant 0.166666672 : f32
        %mul3A_234 = vector.broadcast %mul3A_233 : f32 to vector<16xf32>
        %mul3A_235 = arith.mulf %mul3A_232, %mul3A_234 : vector<16xf32>
        %mul3A_236 = arith.constant 5.000000e-01 : f32
        %mul3A_237 = vector.broadcast %mul3A_236 : f32 to vector<16xf32>
        %mul3A_238 = arith.mulf %mul3A_237, %mul3A_230 : vector<16xf32>
        %sub3A_239 = arith.subf %mul3A_238, %mul3A_229 : vector<16xf32>
        %add3A_240 = arith.constant 0.666666686 : f32
        %add3A_241 = vector.broadcast %add3A_240 : f32 to vector<16xf32>
        %add3A_242 = arith.addf %sub3A_239, %add3A_241 : vector<16xf32>
        %mul3A_243 = arith.constant 5.000000e-01 : f32
        %mul3A_244 = vector.broadcast %mul3A_243 : f32 to vector<16xf32>
        %mul3A_245 = arith.mulf %mul3A_244, %mul3A_232 : vector<16xf32>
        %sub3A_246 = arith.subf %mul3A_245, %mul3A_231 : vector<16xf32>
        %add3A_247 = arith.constant 0.666666686 : f32
        %add3A_248 = vector.broadcast %add3A_247 : f32 to vector<16xf32>
        %add3A_249 = arith.addf %sub3A_246, %add3A_248 : vector<16xf32>
        %mul3A_250 = arith.constant 0.166666672 : f32
        %mul3A_251 = vector.broadcast %mul3A_250 : f32 to vector<16xf32>
        %mul3A_252 = arith.mulf %mul3A_230, %mul3A_251 : vector<16xf32>
        %mul3A_253 = arith.constant -1.000000e+01 : f32
        %mul3A_254 = vector.broadcast %mul3A_253 : f32 to vector<16xf32>
        %mul3A_255 = arith.mulf %mul3A_231, %mul3A_254 : vector<16xf32>
        %mul3A_256 = arith.constant 3.000000e+01 : f32
        %mul3A_257 = vector.broadcast %mul3A_256 : f32 to vector<16xf32>
        %mul3A_258 = arith.mulf %mul3A_257, %select_n3A_189 : vector<16xf32>
        %sub3A_259 = arith.constant 4.000000e+01 : f32
        %sub3A_260 = vector.broadcast %sub3A_259 : f32 to vector<16xf32>
        %sub3A_261 = arith.subf %mul3A_258, %sub3A_260 : vector<16xf32>
        %mul3A_262 = arith.mulf %sub3A_261, %select_n3A_189 : vector<16xf32>
        %mul3A_263 = arith.constant 3.000000e+01 : f32
        %mul3A_264 = vector.broadcast %mul3A_263 : f32 to vector<16xf32>
        %mul3A_265 = arith.mulf %mul3A_264, %sub3A_228 : vector<16xf32>
        %sub3A_266 = arith.constant 4.000000e+01 : f32
        %sub3A_267 = vector.broadcast %sub3A_266 : f32 to vector<16xf32>
        %sub3A_268 = arith.subf %sub3A_267, %mul3A_265 : vector<16xf32>
        %mul3A_269 = arith.mulf %sub3A_268, %sub3A_228 : vector<16xf32>
        %mul3A_270 = arith.constant 1.000000e+01 : f32
        %mul3A_271 = vector.broadcast %mul3A_270 : f32 to vector<16xf32>
        %mul3A_272 = arith.mulf %mul3A_229, %mul3A_271 : vector<16xf32>
        %sub3A_273 = arith.constant 1.000000e+00 : f32
        %sub3A_274 = vector.broadcast %sub3A_273 : f32 to vector<16xf32>
        %sub3A_275 = arith.subf %sub3A_274, %select_n3A_207 : vector<16xf32>
        %mul3A_276 = arith.mulf %select_n3A_207, %select_n3A_207 : vector<16xf32>
        %mul3A_277 = arith.mulf %mul3A_276, %select_n3A_207 : vector<16xf32>
        %mul3A_278 = arith.mulf %sub3A_275, %sub3A_275 : vector<16xf32>
        %mul3A_279 = arith.mulf %mul3A_278, %sub3A_275 : vector<16xf32>
        %mul3A_280 = arith.constant 0.166666672 : f32
        %mul3A_281 = vector.broadcast %mul3A_280 : f32 to vector<16xf32>
        %mul3A_282 = arith.mulf %mul3A_279, %mul3A_281 : vector<16xf32>
        %mul3A_283 = arith.constant 5.000000e-01 : f32
        %mul3A_284 = vector.broadcast %mul3A_283 : f32 to vector<16xf32>
        %mul3A_285 = arith.mulf %mul3A_284, %mul3A_277 : vector<16xf32>
        %sub3A_286 = arith.subf %mul3A_285, %mul3A_276 : vector<16xf32>
        %add3A_287 = arith.constant 0.666666686 : f32
        %add3A_288 = vector.broadcast %add3A_287 : f32 to vector<16xf32>
        %add3A_289 = arith.addf %sub3A_286, %add3A_288 : vector<16xf32>
        %mul3A_290 = arith.constant 5.000000e-01 : f32
        %mul3A_291 = vector.broadcast %mul3A_290 : f32 to vector<16xf32>
        %mul3A_292 = arith.mulf %mul3A_291, %mul3A_279 : vector<16xf32>
        %sub3A_293 = arith.subf %mul3A_292, %mul3A_278 : vector<16xf32>
        %add3A_294 = arith.constant 0.666666686 : f32
        %add3A_295 = vector.broadcast %add3A_294 : f32 to vector<16xf32>
        %add3A_296 = arith.addf %sub3A_293, %add3A_295 : vector<16xf32>
        %mul3A_297 = arith.constant 0.166666672 : f32
        %mul3A_298 = vector.broadcast %mul3A_297 : f32 to vector<16xf32>
        %mul3A_299 = arith.mulf %mul3A_277, %mul3A_298 : vector<16xf32>
        %mul3A_300 = arith.constant -1.000000e+01 : f32
        %mul3A_301 = vector.broadcast %mul3A_300 : f32 to vector<16xf32>
        %mul3A_302 = arith.mulf %mul3A_278, %mul3A_301 : vector<16xf32>
        %mul3A_303 = arith.constant 3.000000e+01 : f32
        %mul3A_304 = vector.broadcast %mul3A_303 : f32 to vector<16xf32>
        %mul3A_305 = arith.mulf %mul3A_304, %select_n3A_207 : vector<16xf32>
        %sub3A_306 = arith.constant 4.000000e+01 : f32
        %sub3A_307 = vector.broadcast %sub3A_306 : f32 to vector<16xf32>
        %sub3A_308 = arith.subf %mul3A_305, %sub3A_307 : vector<16xf32>
        %mul3A_309 = arith.mulf %sub3A_308, %select_n3A_207 : vector<16xf32>
        %mul3A_310 = arith.constant 3.000000e+01 : f32
        %mul3A_311 = vector.broadcast %mul3A_310 : f32 to vector<16xf32>
        %mul3A_312 = arith.mulf %mul3A_311, %sub3A_275 : vector<16xf32>
        %sub3A_313 = arith.constant 4.000000e+01 : f32
        %sub3A_314 = vector.broadcast %sub3A_313 : f32 to vector<16xf32>
        %sub3A_315 = arith.subf %sub3A_314, %mul3A_312 : vector<16xf32>
        %mul3A_316 = arith.mulf %sub3A_315, %sub3A_275 : vector<16xf32>
        %mul3A_317 = arith.constant 1.000000e+01 : f32
        %mul3A_318 = vector.broadcast %mul3A_317 : f32 to vector<16xf32>
        %mul3A_319 = arith.mulf %mul3A_276, %mul3A_318 : vector<16xf32>
        %sub3A_320 = arith.constant 1.000000e+00 : f32
        %sub3A_321 = vector.broadcast %sub3A_320 : f32 to vector<16xf32>
        %sub3A_322 = arith.subf %sub3A_321, %select_n3A_225 : vector<16xf32>
        %mul3A_323 = arith.mulf %select_n3A_225, %select_n3A_225 : vector<16xf32>
        %mul3A_324 = arith.mulf %mul3A_323, %select_n3A_225 : vector<16xf32>
        %mul3A_325 = arith.mulf %sub3A_322, %sub3A_322 : vector<16xf32>
        %mul3A_326 = arith.mulf %mul3A_325, %sub3A_322 : vector<16xf32>
        %mul3A_327 = arith.constant 0.166666672 : f32
        %mul3A_328 = vector.broadcast %mul3A_327 : f32 to vector<16xf32>
        %mul3A_329 = arith.mulf %mul3A_326, %mul3A_328 : vector<16xf32>
        %mul3A_330 = arith.constant 5.000000e-01 : f32
        %mul3A_331 = vector.broadcast %mul3A_330 : f32 to vector<16xf32>
        %mul3A_332 = arith.mulf %mul3A_331, %mul3A_324 : vector<16xf32>
        %sub3A_333 = arith.subf %mul3A_332, %mul3A_323 : vector<16xf32>
        %add3A_334 = arith.constant 0.666666686 : f32
        %add3A_335 = vector.broadcast %add3A_334 : f32 to vector<16xf32>
        %add3A_336 = arith.addf %sub3A_333, %add3A_335 : vector<16xf32>
        %mul3A_337 = arith.constant 5.000000e-01 : f32
        %mul3A_338 = vector.broadcast %mul3A_337 : f32 to vector<16xf32>
        %mul3A_339 = arith.mulf %mul3A_338, %mul3A_326 : vector<16xf32>
        %sub3A_340 = arith.subf %mul3A_339, %mul3A_325 : vector<16xf32>
        %add3A_341 = arith.constant 0.666666686 : f32
        %add3A_342 = vector.broadcast %add3A_341 : f32 to vector<16xf32>
        %add3A_343 = arith.addf %sub3A_340, %add3A_342 : vector<16xf32>
        %mul3A_344 = arith.constant 0.166666672 : f32
        %mul3A_345 = vector.broadcast %mul3A_344 : f32 to vector<16xf32>
        %mul3A_346 = arith.mulf %mul3A_324, %mul3A_345 : vector<16xf32>
        %mul3A_347 = arith.constant -1.000000e+01 : f32
        %mul3A_348 = vector.broadcast %mul3A_347 : f32 to vector<16xf32>
        %mul3A_349 = arith.mulf %mul3A_325, %mul3A_348 : vector<16xf32>
        %mul3A_350 = arith.constant 3.000000e+01 : f32
        %mul3A_351 = vector.broadcast %mul3A_350 : f32 to vector<16xf32>
        %mul3A_352 = arith.mulf %mul3A_351, %select_n3A_225 : vector<16xf32>
        %sub3A_353 = arith.constant 4.000000e+01 : f32
        %sub3A_354 = vector.broadcast %sub3A_353 : f32 to vector<16xf32>
        %sub3A_355 = arith.subf %mul3A_352, %sub3A_354 : vector<16xf32>
        %mul3A_356 = arith.mulf %sub3A_355, %select_n3A_225 : vector<16xf32>
        %mul3A_357 = arith.constant 3.000000e+01 : f32
        %mul3A_358 = vector.broadcast %mul3A_357 : f32 to vector<16xf32>
        %mul3A_359 = arith.mulf %mul3A_358, %sub3A_322 : vector<16xf32>
        %sub3A_360 = arith.constant 4.000000e+01 : f32
        %sub3A_361 = vector.broadcast %sub3A_360 : f32 to vector<16xf32>
        %sub3A_362 = arith.subf %sub3A_361, %mul3A_359 : vector<16xf32>
        %mul3A_363 = arith.mulf %sub3A_362, %sub3A_322 : vector<16xf32>
        %mul3A_364 = arith.constant 1.000000e+01 : f32
        %mul3A_365 = vector.broadcast %mul3A_364 : f32 to vector<16xf32>
        %mul3A_366 = arith.mulf %mul3A_323, %mul3A_365 : vector<16xf32>
        %mul3A_367 = arith.mulf %mul3A_235, %mul3A_282 : vector<16xf32>
        %mul3A_368 = arith.mulf %mul3A_367, %mul3A_329 : vector<16xf32>
        %swap3A = arith.constant 0 : i32
        %swap3A_369 = arith.index_cast %rem3A_102 : i32 to index
        %swap3A_370 = arith.index_cast %swap3A : i32 to index
        %swap3A_371 = arith.index_cast %mul3A_174 : i32 to index
        %swap3A_372 = tpu.vector_load %arg7[%swap3A_369, %swap3A_370, %swap3A_371] {strides = array<i32>} : memref<2x64x128xf32, #tpu.memory_space<vmem>>, vector<16xf32>,
        tpu.vector_store %arg7[%swap3A_369, %swap3A_370, %swap3A_371], %mul3A_368 {strides = array<i32>} : memref<2x64x128xf32, #tpu.memory_space<vmem>>, vector<16xf32>,
        %mul3A_373 = arith.mulf %mul3A_367, %add3A_336 : vector<16xf32>
        %swap3A_374 = arith.constant 1 : i32
        %swap3A_375 = arith.index_cast %rem3A_102 : i32 to index
        %swap3A_376 = arith.index_cast %swap3A_374 : i32 to index
        %swap3A_377 = arith.index_cast %mul3A_174 : i32 to index
        %swap3A_378 = tpu.vector_load %arg7[%swap3A_375, %swap3A_376, %swap3A_377] {strides = array<i32>} : memref<2x64x128xf32, #tpu.memory_space<vmem>>, vector<16xf32>,
        tpu.vector_store %arg7[%swap3A_375, %swap3A_376, %swap3A_377], %mul3A_373 {strides = array<i32>} : memref<2x64x128xf32, #tpu.memory_space<vmem>>, vector<16xf32>,
        %mul3A_379 = arith.mulf %mul3A_367, %add3A_343 : vector<16xf32>
        %swap3A_380 = arith.constant 2 : i32
        %swap3A_381 = arith.index_cast %rem3A_102 : i32 to index
        %swap3A_382 = arith.index_cast %swap3A_380 : i32 to index
        %swap3A_383 = arith.index_cast %mul3A_174 : i32 to index
        %swap3A_384 = tpu.vector_load %arg7[%swap3A_381, %swap3A_382, %swap3A_383] {strides = array<i32>} : memref<2x64x128xf32, #tpu.memory_space<vmem>>, vector<16xf32>,
        tpu.vector_store %arg7[%swap3A_381, %swap3A_382, %swap3A_383], %mul3A_379 {strides = array<i32>} : memref<2x64x128xf32, #tpu.memory_space<vmem>>, vector<16xf32>,
        %mul3A_385 = arith.mulf %mul3A_367, %mul3A_346 : vector<16xf32>
        %swap3A_386 = arith.constant 3 : i32
        %swap3A_387 = arith.index_cast %rem3A_102 : i32 to index
        %swap3A_388 = arith.index_cast %swap3A_386 : i32 to index
        %swap3A_389 = arith.index_cast %mul3A_174 : i32 to index
        %swap3A_390 = tpu.vector_load %arg7[%swap3A_387, %swap3A_388, %swap3A_389] {strides = array<i32>} : memref<2x64x128xf32, #tpu.memory_space<vmem>>, vector<16xf32>,
        tpu.vector_store %arg7[%swap3A_387, %swap3A_388, %swap3A_389], %mul3A_385 {strides = array<i32>} : memref<2x64x128xf32, #tpu.memory_space<vmem>>, vector<16xf32>,
        %mul3A_391 = arith.mulf %mul3A_235, %add3A_289 : vector<16xf32>
        %mul3A_392 = arith.mulf %mul3A_391, %mul3A_329 : vector<16xf32>
        %swap3A_393 = arith.constant 4 : i32
        %swap3A_394 = arith.index_cast %rem3A_102 : i32 to index
        %swap3A_395 = arith.index_cast %swap3A_393 : i32 to index
        %swap3A_396 = arith.index_cast %mul3A_174 : i32 to index
        %swap3A_397 = tpu.vector_load %arg7[%swap3A_394, %swap3A_395, %swap3A_396] {strides = array<i32>} : memref<2x64x128xf32, #tpu.memory_space<vmem>>, vector<16xf32>,
        tpu.vector_store %arg7[%swap3A_394, %swap3A_395, %swap3A_396], %mul3A_392 {strides = array<i32>} : memref<2x64x128xf32, #tpu.memory_space<vmem>>, vector<16xf32>,
        %mul3A_398 = arith.mulf %mul3A_391, %add3A_336 : vector<16xf32>
        %swap3A_399 = arith.constant 5 : i32
        %swap3A_400 = arith.index_cast %rem3A_102 : i32 to index
        %swap3A_401 = arith.index_cast %swap3A_399 : i32 to index
        %swap3A_402 = arith.index_cast %mul3A_174 : i32 to index
        %swap3A_403 = tpu.vector_load %arg7[%swap3A_400, %swap3A_401, %swap3A_402] {strides = array<i32>} : memref<2x64x128xf32, #tpu.memory_space<vmem>>, vector<16xf32>,
        tpu.vector_store %arg7[%swap3A_400, %swap3A_401, %swap3A_402], %mul3A_398 {strides = array<i32>} : memref<2x64x128xf32, #tpu.memory_space<vmem>>, vector<16xf32>,
        %mul3A_404 = arith.mulf %mul3A_391, %add3A_343 : vector<16xf32>
        %swap3A_405 = arith.constant 6 : i32
        %swap3A_406 = arith.index_cast %rem3A_102 : i32 to index
        %swap3A_407 = arith.index_cast %swap3A_405 : i32 to index
        %swap3A_408 = arith.index_cast %mul3A_174 : i32 to index
        %swap3A_409 = tpu.vector_load %arg7[%swap3A_406, %swap3A_407, %swap3A_408] {strides = array<i32>} : memref<2x64x128xf32, #tpu.memory_space<vmem>>, vector<16xf32>,
        tpu.vector_store %arg7[%swap3A_406, %swap3A_407, %swap3A_408], %mul3A_404 {strides = array<i32>} : memref<2x64x128xf32, #tpu.memory_space<vmem>>, vector<16xf32>,
        %mul3A_410 = arith.mulf %mul3A_391, %mul3A_346 : vector<16xf32>
        %swap3A_411 = arith.constant 7 : i32
        %swap3A_412 = arith.index_cast %rem3A_102 : i32 to index
        %swap3A_413 = arith.index_cast %swap3A_411 : i32 to index
        %swap3A_414 = arith.index_cast %mul3A_174 : i32 to index
        %swap3A_415 = tpu.vector_load %arg7[%swap3A_412, %swap3A_413, %swap3A_414] {strides = array<i32>} : memref<2x64x128xf32, #tpu.memory_space<vmem>>, vector<16xf32>,
        tpu.vector_store %arg7[%swap3A_412, %swap3A_413, %swap3A_414], %mul3A_410 {strides = array<i32>} : memref<2x64x128xf32, #tpu.memory_space<vmem>>, vector<16xf32>,
        %mul3A_416 = arith.mulf %mul3A_235, %add3A_296 : vector<16xf32>
        %mul3A_417 = arith.mulf %mul3A_416, %mul3A_329 : vector<16xf32>
        %swap3A_418 = arith.constant 8 : i32
        %swap3A_419 = arith.index_cast %rem3A_102 : i32 to index
        %swap3A_420 = arith.index_cast %swap3A_418 : i32 to index
        %swap3A_421 = arith.index_cast %mul3A_174 : i32 to index
        %swap3A_422 = tpu.vector_load %arg7[%swap3A_419, %swap3A_420, %swap3A_421] {strides = array<i32>} : memref<2x64x128xf32, #tpu.memory_space<vmem>>, vector<16xf32>,
        tpu.vector_store %arg7[%swap3A_419, %swap3A_420, %swap3A_421], %mul3A_417 {strides = array<i32>} : memref<2x64x128xf32, #tpu.memory_space<vmem>>, vector<16xf32>,
        %mul3A_423 = arith.mulf %mul3A_416, %add3A_336 : vector<16xf32>
        %swap3A_424 = arith.constant 9 : i32
        %swap3A_425 = arith.index_cast %rem3A_102 : i32 to index
        %swap3A_426 = arith.index_cast %swap3A_424 : i32 to index
        %swap3A_427 = arith.index_cast %mul3A_174 : i32 to index
        %swap3A_428 = tpu.vector_load %arg7[%swap3A_425, %swap3A_426, %swap3A_427] {strides = array<i32>} : memref<2x64x128xf32, #tpu.memory_space<vmem>>, vector<16xf32>,
        tpu.vector_store %arg7[%swap3A_425, %swap3A_426, %swap3A_427], %mul3A_423 {strides = array<i32>} : memref<2x64x128xf32, #tpu.memory_space<vmem>>, vector<16xf32>,
        %mul3A_429 = arith.mulf %mul3A_416, %add3A_343 : vector<16xf32>
        %swap3A_430 = arith.constant 10 : i32
        %swap3A_431 = arith.index_cast %rem3A_102 : i32 to index
        %swap3A_432 = arith.index_cast %swap3A_430 : i32 to index
        %swap3A_433 = arith.index_cast %mul3A_174 : i32 to index
        %swap3A_434 = tpu.vector_load %arg7[%swap3A_431, %swap3A_432, %swap3A_433] {strides = array<i32>} : memref<2x64x128xf32, #tpu.memory_space<vmem>>, vector<16xf32>,
        tpu.vector_store %arg7[%swap3A_431, %swap3A_432, %swap3A_433], %mul3A_429 {strides = array<i32>} : memref<2x64x128xf32, #tpu.memory_space<vmem>>, vector<16xf32>,
        %mul3A_435 = arith.mulf %mul3A_416, %mul3A_346 : vector<16xf32>
        %swap3A_436 = arith.constant 11 : i32
        %swap3A_437 = arith.index_cast %rem3A_102 : i32 to index
        %swap3A_438 = arith.index_cast %swap3A_436 : i32 to index
        %swap3A_439 = arith.index_cast %mul3A_174 : i32 to index
        %swap3A_440 = tpu.vector_load %arg7[%swap3A_437, %swap3A_438, %swap3A_439] {strides = array<i32>} : memref<2x64x128xf32, #tpu.memory_space<vmem>>, vector<16xf32>,
        tpu.vector_store %arg7[%swap3A_437, %swap3A_438, %swap3A_439], %mul3A_435 {strides = array<i32>} : memref<2x64x128xf32, #tpu.memory_space<vmem>>, vector<16xf32>,
        %mul3A_441 = arith.mulf %mul3A_235, %mul3A_299 : vector<16xf32>
        %mul3A_442 = arith.mulf %mul3A_441, %mul3A_329 : vector<16xf32>
        %swap3A_443 = arith.constant 12 : i32
        %swap3A_444 = arith.index_cast %rem3A_102 : i32 to index
        %swap3A_445 = arith.index_cast %swap3A_443 : i32 to index
        %swap3A_446 = arith.index_cast %mul3A_174 : i32 to index
        %swap3A_447 = tpu.vector_load %arg7[%swap3A_444, %swap3A_445, %swap3A_446] {strides = array<i32>} : memref<2x64x128xf32, #tpu.memory_space<vmem>>, vector<16xf32>,
        tpu.vector_store %arg7[%swap3A_444, %swap3A_445, %swap3A_446], %mul3A_442 {strides = array<i32>} : memref<2x64x128xf32, #tpu.memory_space<vmem>>, vector<16xf32>,
        %mul3A_448 = arith.mulf %mul3A_441, %add3A_336 : vector<16xf32>
        %swap3A_449 = arith.constant 13 : i32
        %swap3A_450 = arith.index_cast %rem3A_102 : i32 to index
        %swap3A_451 = arith.index_cast %swap3A_449 : i32 to index
        %swap3A_452 = arith.index_cast %mul3A_174 : i32 to index
        %swap3A_453 = tpu.vector_load %arg7[%swap3A_450, %swap3A_451, %swap3A_452] {strides = array<i32>} : memref<2x64x128xf32, #tpu.memory_space<vmem>>, vector<16xf32>,
        tpu.vector_store %arg7[%swap3A_450, %swap3A_451, %swap3A_452], %mul3A_448 {strides = array<i32>} : memref<2x64x128xf32, #tpu.memory_space<vmem>>, vector<16xf32>,
        %mul3A_454 = arith.mulf %mul3A_441, %add3A_343 : vector<16xf32>
        %swap3A_455 = arith.constant 14 : i32
        %swap3A_456 = arith.index_cast %rem3A_102 : i32 to index
        %swap3A_457 = arith.index_cast %swap3A_455 : i32 to index
        %swap3A_458 = arith.index_cast %mul3A_174 : i32 to index
        %swap3A_459 = tpu.vector_load %arg7[%swap3A_456, %swap3A_457, %swap3A_458] {strides = array<i32>} : memref<2x64x128xf32, #tpu.memory_space<vmem>>, vector<16xf32>,
        tpu.vector_store %arg7[%swap3A_456, %swap3A_457, %swap3A_458], %mul3A_454 {strides = array<i32>} : memref<2x64x128xf32, #tpu.memory_space<vmem>>, vector<16xf32>,
        %mul3A_460 = arith.mulf %mul3A_441, %mul3A_346 : vector<16xf32>
        %swap3A_461 = arith.constant 15 : i32
        %swap3A_462 = arith.index_cast %rem3A_102 : i32 to index
        %swap3A_463 = arith.index_cast %swap3A_461 : i32 to index
        %swap3A_464 = arith.index_cast %mul3A_174 : i32 to index
        %swap3A_465 = tpu.vector_load %arg7[%swap3A_462, %swap3A_463, %swap3A_464] {strides = array<i32>} : memref<2x64x128xf32, #tpu.memory_space<vmem>>, vector<16xf32>,
        tpu.vector_store %arg7[%swap3A_462, %swap3A_463, %swap3A_464], %mul3A_460 {strides = array<i32>} : memref<2x64x128xf32, #tpu.memory_space<vmem>>, vector<16xf32>,
        %mul3A_466 = arith.mulf %add3A_242, %mul3A_282 : vector<16xf32>
        %mul3A_467 = arith.mulf %mul3A_466, %mul3A_329 : vector<16xf32>
        %swap3A_468 = arith.constant 16 : i32
        %swap3A_469 = arith.index_cast %rem3A_102 : i32 to index
        %swap3A_470 = arith.index_cast %swap3A_468 : i32 to index
        %swap3A_471 = arith.index_cast %mul3A_174 : i32 to index
        %swap3A_472 = tpu.vector_load %arg7[%swap3A_469, %swap3A_470, %swap3A_471] {strides = array<i32>} : memref<2x64x128xf32, #tpu.memory_space<vmem>>, vector<16xf32>,
        tpu.vector_store %arg7[%swap3A_469, %swap3A_470, %swap3A_471], %mul3A_467 {strides = array<i32>} : memref<2x64x128xf32, #tpu.memory_space<vmem>>, vector<16xf32>,
        %mul3A_473 = arith.mulf %mul3A_466, %add3A_336 : vector<16xf32>
        %swap3A_474 = arith.constant 17 : i32
        %swap3A_475 = arith.index_cast %rem3A_102 : i32 to index
        %swap3A_476 = arith.index_cast %swap3A_474 : i32 to index
        %swap3A_477 = arith.index_cast %mul3A_174 : i32 to index
        %swap3A_478 = tpu.vector_load %arg7[%swap3A_475, %swap3A_476, %swap3A_477] {strides = array<i32>} : memref<2x64x128xf32, #tpu.memory_space<vmem>>, vector<16xf32>,
        tpu.vector_store %arg7[%swap3A_475, %swap3A_476, %swap3A_477], %mul3A_473 {strides = array<i32>} : memref<2x64x128xf32, #tpu.memory_space<vmem>>, vector<16xf32>,
        %mul3A_479 = arith.mulf %mul3A_466, %add3A_343 : vector<16xf32>
        %swap3A_480 = arith.constant 18 : i32
        %swap3A_481 = arith.index_cast %rem3A_102 : i32 to index
        %swap3A_482 = arith.index_cast %swap3A_480 : i32 to index
        %swap3A_483 = arith.index_cast %mul3A_174 : i32 to index
        %swap3A_484 = tpu.vector_load %arg7[%swap3A_481, %swap3A_482, %swap3A_483] {strides = array<i32>} : memref<2x64x128xf32, #tpu.memory_space<vmem>>, vector<16xf32>,
        tpu.vector_store %arg7[%swap3A_481, %swap3A_482, %swap3A_483], %mul3A_479 {strides = array<i32>} : memref<2x64x128xf32, #tpu.memory_space<vmem>>, vector<16xf32>,
        %mul3A_485 = arith.mulf %mul3A_466, %mul3A_346 : vector<16xf32>
        %swap3A_486 = arith.constant 19 : i32
        %swap3A_487 = arith.index_cast %rem3A_102 : i32 to index
        %swap3A_488 = arith.index_cast %swap3A_486 : i32 to index
        %swap3A_489 = arith.index_cast %mul3A_174 : i32 to index
        %swap3A_490 = tpu.vector_load %arg7[%swap3A_487, %swap3A_488, %swap3A_489] {strides = array<i32>} : memref<2x64x128xf32, #tpu.memory_space<vmem>>, vector<16xf32>,
        tpu.vector_store %arg7[%swap3A_487, %swap3A_488, %swap3A_489], %mul3A_485 {strides = array<i32>} : memref<2x64x128xf32, #tpu.memory_space<vmem>>, vector<16xf32>,
        %mul3A_491 = arith.mulf %add3A_242, %add3A_289 : vector<16xf32>
        %mul3A_492 = arith.mulf %mul3A_491, %mul3A_329 : vector<16xf32>
        %swap3A_493 = arith.constant 20 : i32
        %swap3A_494 = arith.index_cast %rem3A_102 : i32 to index
        %swap3A_495 = arith.index_cast %swap3A_493 : i32 to index
        %swap3A_496 = arith.index_cast %mul3A_174 : i32 to index
        %swap3A_497 = tpu.vector_load %arg7[%swap3A_494, %swap3A_495, %swap3A_496] {strides = array<i32>} : memref<2x64x128xf32, #tpu.memory_space<vmem>>, vector<16xf32>,
        tpu.vector_store %arg7[%swap3A_494, %swap3A_495, %swap3A_496], %mul3A_492 {strides = array<i32>} : memref<2x64x128xf32, #tpu.memory_space<vmem>>, vector<16xf32>,
        %mul3A_498 = arith.mulf %mul3A_491, %add3A_336 : vector<16xf32>
        %swap3A_499 = arith.constant 21 : i32
        %swap3A_500 = arith.index_cast %rem3A_102 : i32 to index
        %swap3A_501 = arith.index_cast %swap3A_499 : i32 to index
        %swap3A_502 = arith.index_cast %mul3A_174 : i32 to index
        %swap3A_503 = tpu.vector_load %arg7[%swap3A_500, %swap3A_501, %swap3A_502] {strides = array<i32>} : memref<2x64x128xf32, #tpu.memory_space<vmem>>, vector<16xf32>,
        tpu.vector_store %arg7[%swap3A_500, %swap3A_501, %swap3A_502], %mul3A_498 {strides = array<i32>} : memref<2x64x128xf32, #tpu.memory_space<vmem>>, vector<16xf32>,
        %mul3A_504 = arith.mulf %mul3A_491, %add3A_343 : vector<16xf32>
        %swap3A_505 = arith.constant 22 : i32
        %swap3A_506 = arith.index_cast %rem3A_102 : i32 to index
        %swap3A_507 = arith.index_cast %swap3A_505 : i32 to index
        %swap3A_508 = arith.index_cast %mul3A_174 : i32 to index
        %swap3A_509 = tpu.vector_load %arg7[%swap3A_506, %swap3A_507, %swap3A_508] {strides = array<i32>} : memref<2x64x128xf32, #tpu.memory_space<vmem>>, vector<16xf32>,
        tpu.vector_store %arg7[%swap3A_506, %swap3A_507, %swap3A_508], %mul3A_504 {strides = array<i32>} : memref<2x64x128xf32, #tpu.memory_space<vmem>>, vector<16xf32>,
        %mul3A_510 = arith.mulf %mul3A_491, %mul3A_346 : vector<16xf32>
        %swap3A_511 = arith.constant 23 : i32
        %swap3A_512 = arith.index_cast %rem3A_102 : i32 to index
        %swap3A_513 = arith.index_cast %swap3A_511 : i32 to index
        %swap3A_514 = arith.index_cast %mul3A_174 : i32 to index
        %swap3A_515 = tpu.vector_load %arg7[%swap3A_512, %swap3A_513, %swap3A_514] {strides = array<i32>} : memref<2x64x128xf32, #tpu.memory_space<vmem>>, vector<16xf32>,
        tpu.vector_store %arg7[%swap3A_512, %swap3A_513, %swap3A_514], %mul3A_510 {strides = array<i32>} : memref<2x64x128xf32, #tpu.memory_space<vmem>>, vector<16xf32>,
        %mul3A_516 = arith.mulf %add3A_242, %add3A_296 : vector<16xf32>
        %mul3A_517 = arith.mulf %mul3A_516, %mul3A_329 : vector<16xf32>
        %swap3A_518 = arith.constant 24 : i32
        %swap3A_519 = arith.index_cast %rem3A_102 : i32 to index
        %swap3A_520 = arith.index_cast %swap3A_518 : i32 to index
        %swap3A_521 = arith.index_cast %mul3A_174 : i32 to index
        %swap3A_522 = tpu.vector_load %arg7[%swap3A_519, %swap3A_520, %swap3A_521] {strides = array<i32>} : memref<2x64x128xf32, #tpu.memory_space<vmem>>, vector<16xf32>,
        tpu.vector_store %arg7[%swap3A_519, %swap3A_520, %swap3A_521], %mul3A_517 {strides = array<i32>} : memref<2x64x128xf32, #tpu.memory_space<vmem>>, vector<16xf32>,
        %mul3A_523 = arith.mulf %mul3A_516, %add3A_336 : vector<16xf32>
        %swap3A_524 = arith.constant 25 : i32
        %swap3A_525 = arith.index_cast %rem3A_102 : i32 to index
        %swap3A_526 = arith.index_cast %swap3A_524 : i32 to index
        %swap3A_527 = arith.index_cast %mul3A_174 : i32 to index
        %swap3A_528 = tpu.vector_load %arg7[%swap3A_525, %swap3A_526, %swap3A_527] {strides = array<i32>} : memref<2x64x128xf32, #tpu.memory_space<vmem>>, vector<16xf32>,
        tpu.vector_store %arg7[%swap3A_525, %swap3A_526, %swap3A_527], %mul3A_523 {strides = array<i32>} : memref<2x64x128xf32, #tpu.memory_space<vmem>>, vector<16xf32>,
        %mul3A_529 = arith.mulf %mul3A_516, %add3A_343 : vector<16xf32>
        %swap3A_530 = arith.constant 26 : i32
        %swap3A_531 = arith.index_cast %rem3A_102 : i32 to index
        %swap3A_532 = arith.index_cast %swap3A_530 : i32 to index
        %swap3A_533 = arith.index_cast %mul3A_174 : i32 to index
        %swap3A_534 = tpu.vector_load %arg7[%swap3A_531, %swap3A_532, %swap3A_533] {strides = array<i32>} : memref<2x64x128xf32, #tpu.memory_space<vmem>>, vector<16xf32>,
        tpu.vector_store %arg7[%swap3A_531, %swap3A_532, %swap3A_533], %mul3A_529 {strides = array<i32>} : memref<2x64x128xf32, #tpu.memory_space<vmem>>, vector<16xf32>,
        %mul3A_535 = arith.mulf %mul3A_516, %mul3A_346 : vector<16xf32>
        %swap3A_536 = arith.constant 27 : i32
        %swap3A_537 = arith.index_cast %rem3A_102 : i32 to index
        %swap3A_538 = arith.index_cast %swap3A_536 : i32 to index
        %swap3A_539 = arith.index_cast %mul3A_174 : i32 to index
        %swap3A_540 = tpu.vector_load %arg7[%swap3A_537, %swap3A_538, %swap3A_539] {strides = array<i32>} : memref<2x64x128xf32, #tpu.memory_space<vmem>>, vector<16xf32>,
        tpu.vector_store %arg7[%swap3A_537, %swap3A_538, %swap3A_539], %mul3A_535 {strides = array<i32>} : memref<2x64x128xf32, #tpu.memory_space<vmem>>, vector<16xf32>,
        %mul3A_541 = arith.mulf %add3A_242, %mul3A_299 : vector<16xf32>
        %mul3A_542 = arith.mulf %mul3A_541, %mul3A_329 : vector<16xf32>
        %swap3A_543 = arith.constant 28 : i32
        %swap3A_544 = arith.index_cast %rem3A_102 : i32 to index
        %swap3A_545 = arith.index_cast %swap3A_543 : i32 to index
        %swap3A_546 = arith.index_cast %mul3A_174 : i32 to index
        %swap3A_547 = tpu.vector_load %arg7[%swap3A_544, %swap3A_545, %swap3A_546] {strides = array<i32>} : memref<2x64x128xf32, #tpu.memory_space<vmem>>, vector<16xf32>,
        tpu.vector_store %arg7[%swap3A_544, %swap3A_545, %swap3A_546], %mul3A_542 {strides = array<i32>} : memref<2x64x128xf32, #tpu.memory_space<vmem>>, vector<16xf32>,
        %mul3A_548 = arith.mulf %mul3A_541, %add3A_336 : vector<16xf32>
        %swap3A_549 = arith.constant 29 : i32
        %swap3A_550 = arith.index_cast %rem3A_102 : i32 to index
        %swap3A_551 = arith.index_cast %swap3A_549 : i32 to index
        %swap3A_552 = arith.index_cast %mul3A_174 : i32 to index
        %swap3A_553 = tpu.vector_load %arg7[%swap3A_550, %swap3A_551, %swap3A_552] {strides = array<i32>} : memref<2x64x128xf32, #tpu.memory_space<vmem>>, vector<16xf32>,
        tpu.vector_store %arg7[%swap3A_550, %swap3A_551, %swap3A_552], %mul3A_548 {strides = array<i32>} : memref<2x64x128xf32, #tpu.memory_space<vmem>>, vector<16xf32>,
        %mul3A_554 = arith.mulf %mul3A_541, %add3A_343 : vector<16xf32>
        %swap3A_555 = arith.constant 30 : i32
        %swap3A_556 = arith.index_cast %rem3A_102 : i32 to index
        %swap3A_557 = arith.index_cast %swap3A_555 : i32 to index
        %swap3A_558 = arith.index_cast %mul3A_174 : i32 to index
        %swap3A_559 = tpu.vector_load %arg7[%swap3A_556, %swap3A_557, %swap3A_558] {strides = array<i32>} : memref<2x64x128xf32, #tpu.memory_space<vmem>>, vector<16xf32>,
        tpu.vector_store %arg7[%swap3A_556, %swap3A_557, %swap3A_558], %mul3A_554 {strides = array<i32>} : memref<2x64x128xf32, #tpu.memory_space<vmem>>, vector<16xf32>,
        %mul3A_560 = arith.mulf %mul3A_541, %mul3A_346 : vector<16xf32>
        %swap3A_561 = arith.constant 31 : i32
        %swap3A_562 = arith.index_cast %rem3A_102 : i32 to index
        %swap3A_563 = arith.index_cast %swap3A_561 : i32 to index
        %swap3A_564 = arith.index_cast %mul3A_174 : i32 to index
        %swap3A_565 = tpu.vector_load %arg7[%swap3A_562, %swap3A_563, %swap3A_564] {strides = array<i32>} : memref<2x64x128xf32, #tpu.memory_space<vmem>>, vector<16xf32>,
        tpu.vector_store %arg7[%swap3A_562, %swap3A_563, %swap3A_564], %mul3A_560 {strides = array<i32>} : memref<2x64x128xf32, #tpu.memory_space<vmem>>, vector<16xf32>,
        %mul3A_566 = arith.mulf %add3A_249, %mul3A_282 : vector<16xf32>
        %mul3A_567 = arith.mulf %mul3A_566, %mul3A_329 : vector<16xf32>
        %swap3A_568 = arith.constant 32 : i32
        %swap3A_569 = arith.index_cast %rem3A_102 : i32 to index
        %swap3A_570 = arith.index_cast %swap3A_568 : i32 to index
        %swap3A_571 = arith.index_cast %mul3A_174 : i32 to index
        %swap3A_572 = tpu.vector_load %arg7[%swap3A_569, %swap3A_570, %swap3A_571] {strides = array<i32>} : memref<2x64x128xf32, #tpu.memory_space<vmem>>, vector<16xf32>,
        tpu.vector_store %arg7[%swap3A_569, %swap3A_570, %swap3A_571], %mul3A_567 {strides = array<i32>} : memref<2x64x128xf32, #tpu.memory_space<vmem>>, vector<16xf32>,
        %mul3A_573 = arith.mulf %mul3A_566, %add3A_336 : vector<16xf32>
        %swap3A_574 = arith.constant 33 : i32
        %swap3A_575 = arith.index_cast %rem3A_102 : i32 to index
        %swap3A_576 = arith.index_cast %swap3A_574 : i32 to index
        %swap3A_577 = arith.index_cast %mul3A_174 : i32 to index
        %swap3A_578 = tpu.vector_load %arg7[%swap3A_575, %swap3A_576, %swap3A_577] {strides = array<i32>} : memref<2x64x128xf32, #tpu.memory_space<vmem>>, vector<16xf32>,
        tpu.vector_store %arg7[%swap3A_575, %swap3A_576, %swap3A_577], %mul3A_573 {strides = array<i32>} : memref<2x64x128xf32, #tpu.memory_space<vmem>>, vector<16xf32>,
        %mul3A_579 = arith.mulf %mul3A_566, %add3A_343 : vector<16xf32>
        %swap3A_580 = arith.constant 34 : i32
        %swap3A_581 = arith.index_cast %rem3A_102 : i32 to index
        %swap3A_582 = arith.index_cast %swap3A_580 : i32 to index
        %swap3A_583 = arith.index_cast %mul3A_174 : i32 to index
        %swap3A_584 = tpu.vector_load %arg7[%swap3A_581, %swap3A_582, %swap3A_583] {strides = array<i32>} : memref<2x64x128xf32, #tpu.memory_space<vmem>>, vector<16xf32>,
        tpu.vector_store %arg7[%swap3A_581, %swap3A_582, %swap3A_583], %mul3A_579 {strides = array<i32>} : memref<2x64x128xf32, #tpu.memory_space<vmem>>, vector<16xf32>,
        %mul3A_585 = arith.mulf %mul3A_566, %mul3A_346 : vector<16xf32>
        %swap3A_586 = arith.constant 35 : i32
        %swap3A_587 = arith.index_cast %rem3A_102 : i32 to index
        %swap3A_588 = arith.index_cast %swap3A_586 : i32 to index
        %swap3A_589 = arith.index_cast %mul3A_174 : i32 to index
        %swap3A_590 = tpu.vector_load %arg7[%swap3A_587, %swap3A_588, %swap3A_589] {strides = array<i32>} : memref<2x64x128xf32, #tpu.memory_space<vmem>>, vector<16xf32>,
        tpu.vector_store %arg7[%swap3A_587, %swap3A_588, %swap3A_589], %mul3A_585 {strides = array<i32>} : memref<2x64x128xf32, #tpu.memory_space<vmem>>, vector<16xf32>,
        %mul3A_591 = arith.mulf %add3A_249, %add3A_289 : vector<16xf32>
        %mul3A_592 = arith.mulf %mul3A_591, %mul3A_329 : vector<16xf32>
        %swap3A_593 = arith.constant 36 : i32
        %swap3A_594 = arith.index_cast %rem3A_102 : i32 to index
        %swap3A_595 = arith.index_cast %swap3A_593 : i32 to index
        %swap3A_596 = arith.index_cast %mul3A_174 : i32 to index
        %swap3A_597 = tpu.vector_load %arg7[%swap3A_594, %swap3A_595, %swap3A_596] {strides = array<i32>} : memref<2x64x128xf32, #tpu.memory_space<vmem>>, vector<16xf32>,
        tpu.vector_store %arg7[%swap3A_594, %swap3A_595, %swap3A_596], %mul3A_592 {strides = array<i32>} : memref<2x64x128xf32, #tpu.memory_space<vmem>>, vector<16xf32>,
        %mul3A_598 = arith.mulf %mul3A_591, %add3A_336 : vector<16xf32>
        %swap3A_599 = arith.constant 37 : i32
        %swap3A_600 = arith.index_cast %rem3A_102 : i32 to index
        %swap3A_601 = arith.index_cast %swap3A_599 : i32 to index
        %swap3A_602 = arith.index_cast %mul3A_174 : i32 to index
        %swap3A_603 = tpu.vector_load %arg7[%swap3A_600, %swap3A_601, %swap3A_602] {strides = array<i32>} : memref<2x64x128xf32, #tpu.memory_space<vmem>>, vector<16xf32>,
        tpu.vector_store %arg7[%swap3A_600, %swap3A_601, %swap3A_602], %mul3A_598 {strides = array<i32>} : memref<2x64x128xf32, #tpu.memory_space<vmem>>, vector<16xf32>,
        %mul3A_604 = arith.mulf %mul3A_591, %add3A_343 : vector<16xf32>
        %swap3A_605 = arith.constant 38 : i32
        %swap3A_606 = arith.index_cast %rem3A_102 : i32 to index
        %swap3A_607 = arith.index_cast %swap3A_605 : i32 to index
        %swap3A_608 = arith.index_cast %mul3A_174 : i32 to index
        %swap3A_609 = tpu.vector_load %arg7[%swap3A_606, %swap3A_607, %swap3A_608] {strides = array<i32>} : memref<2x64x128xf32, #tpu.memory_space<vmem>>, vector<16xf32>,
        tpu.vector_store %arg7[%swap3A_606, %swap3A_607, %swap3A_608], %mul3A_604 {strides = array<i32>} : memref<2x64x128xf32, #tpu.memory_space<vmem>>, vector<16xf32>,
        %mul3A_610 = arith.mulf %mul3A_591, %mul3A_346 : vector<16xf32>
        %swap3A_611 = arith.constant 39 : i32
        %swap3A_612 = arith.index_cast %rem3A_102 : i32 to index
        %swap3A_613 = arith.index_cast %swap3A_611 : i32 to index
        %swap3A_614 = arith.index_cast %mul3A_174 : i32 to index
        %swap3A_615 = tpu.vector_load %arg7[%swap3A_612, %swap3A_613, %swap3A_614] {strides = array<i32>} : memref<2x64x128xf32, #tpu.memory_space<vmem>>, vector<16xf32>,
        tpu.vector_store %arg7[%swap3A_612, %swap3A_613, %swap3A_614], %mul3A_610 {strides = array<i32>} : memref<2x64x128xf32, #tpu.memory_space<vmem>>, vector<16xf32>,
        %mul3A_616 = arith.mulf %add3A_249, %add3A_296 : vector<16xf32>
        %mul3A_617 = arith.mulf %mul3A_616, %mul3A_329 : vector<16xf32>
        %swap3A_618 = arith.constant 40 : i32
        %swap3A_619 = arith.index_cast %rem3A_102 : i32 to index
        %swap3A_620 = arith.index_cast %swap3A_618 : i32 to index
        %swap3A_621 = arith.index_cast %mul3A_174 : i32 to index
        %swap3A_622 = tpu.vector_load %arg7[%swap3A_619, %swap3A_620, %swap3A_621] {strides = array<i32>} : memref<2x64x128xf32, #tpu.memory_space<vmem>>, vector<16xf32>,
        tpu.vector_store %arg7[%swap3A_619, %swap3A_620, %swap3A_621], %mul3A_617 {strides = array<i32>} : memref<2x64x128xf32, #tpu.memory_space<vmem>>, vector<16xf32>,
        %mul3A_623 = arith.mulf %mul3A_616, %add3A_336 : vector<16xf32>
        %swap3A_624 = arith.constant 41 : i32
        %swap3A_625 = arith.index_cast %rem3A_102 : i32 to index
        %swap3A_626 = arith.index_cast %swap3A_624 : i32 to index
        %swap3A_627 = arith.index_cast %mul3A_174 : i32 to index
        %swap3A_628 = tpu.vector_load %arg7[%swap3A_625, %swap3A_626, %swap3A_627] {strides = array<i32>} : memref<2x64x128xf32, #tpu.memory_space<vmem>>, vector<16xf32>,
        tpu.vector_store %arg7[%swap3A_625, %swap3A_626, %swap3A_627], %mul3A_623 {strides = array<i32>} : memref<2x64x128xf32, #tpu.memory_space<vmem>>, vector<16xf32>,
        %mul3A_629 = arith.mulf %mul3A_616, %add3A_343 : vector<16xf32>
        %swap3A_630 = arith.constant 42 : i32
        %swap3A_631 = arith.index_cast %rem3A_102 : i32 to index
        %swap3A_632 = arith.index_cast %swap3A_630 : i32 to index
        %swap3A_633 = arith.index_cast %mul3A_174 : i32 to index
        %swap3A_634 = tpu.vector_load %arg7[%swap3A_631, %swap3A_632, %swap3A_633] {strides = array<i32>} : memref<2x64x128xf32, #tpu.memory_space<vmem>>, vector<16xf32>,
        tpu.vector_store %arg7[%swap3A_631, %swap3A_632, %swap3A_633], %mul3A_629 {strides = array<i32>} : memref<2x64x128xf32, #tpu.memory_space<vmem>>, vector<16xf32>,
        %mul3A_635 = arith.mulf %mul3A_616, %mul3A_346 : vector<16xf32>
        %swap3A_636 = arith.constant 43 : i32
        %swap3A_637 = arith.index_cast %rem3A_102 : i32 to index
        %swap3A_638 = arith.index_cast %swap3A_636 : i32 to index
        %swap3A_639 = arith.index_cast %mul3A_174 : i32 to index
        %swap3A_640 = tpu.vector_load %arg7[%swap3A_637, %swap3A_638, %swap3A_639] {strides = array<i32>} : memref<2x64x128xf32, #tpu.memory_space<vmem>>, vector<16xf32>,
        tpu.vector_store %arg7[%swap3A_637, %swap3A_638, %swap3A_639], %mul3A_635 {strides = array<i32>} : memref<2x64x128xf32, #tpu.memory_space<vmem>>, vector<16xf32>,
        %mul3A_641 = arith.mulf %add3A_249, %mul3A_299 : vector<16xf32>
        %mul3A_642 = arith.mulf %mul3A_641, %mul3A_329 : vector<16xf32>
        %swap3A_643 = arith.constant 44 : i32
        %swap3A_644 = arith.index_cast %rem3A_102 : i32 to index
        %swap3A_645 = arith.index_cast %swap3A_643 : i32 to index
        %swap3A_646 = arith.index_cast %mul3A_174 : i32 to index
        %swap3A_647 = tpu.vector_load %arg7[%swap3A_644, %swap3A_645, %swap3A_646] {strides = array<i32>} : memref<2x64x128xf32, #tpu.memory_space<vmem>>, vector<16xf32>,
        tpu.vector_store %arg7[%swap3A_644, %swap3A_645, %swap3A_646], %mul3A_642 {strides = array<i32>} : memref<2x64x128xf32, #tpu.memory_space<vmem>>, vector<16xf32>,
        %mul3A_648 = arith.mulf %mul3A_641, %add3A_336 : vector<16xf32>
        %swap3A_649 = arith.constant 45 : i32
        %swap3A_650 = arith.index_cast %rem3A_102 : i32 to index
        %swap3A_651 = arith.index_cast %swap3A_649 : i32 to index
        %swap3A_652 = arith.index_cast %mul3A_174 : i32 to index
        %swap3A_653 = tpu.vector_load %arg7[%swap3A_650, %swap3A_651, %swap3A_652] {strides = array<i32>} : memref<2x64x128xf32, #tpu.memory_space<vmem>>, vector<16xf32>,
        tpu.vector_store %arg7[%swap3A_650, %swap3A_651, %swap3A_652], %mul3A_648 {strides = array<i32>} : memref<2x64x128xf32, #tpu.memory_space<vmem>>, vector<16xf32>,
        %mul3A_654 = arith.mulf %mul3A_641, %add3A_343 : vector<16xf32>
        %swap3A_655 = arith.constant 46 : i32
        %swap3A_656 = arith.index_cast %rem3A_102 : i32 to index
        %swap3A_657 = arith.index_cast %swap3A_655 : i32 to index
        %swap3A_658 = arith.index_cast %mul3A_174 : i32 to index
        %swap3A_659 = tpu.vector_load %arg7[%swap3A_656, %swap3A_657, %swap3A_658] {strides = array<i32>} : memref<2x64x128xf32, #tpu.memory_space<vmem>>, vector<16xf32>,
        tpu.vector_store %arg7[%swap3A_656, %swap3A_657, %swap3A_658], %mul3A_654 {strides = array<i32>} : memref<2x64x128xf32, #tpu.memory_space<vmem>>, vector<16xf32>,
        %mul3A_660 = arith.mulf %mul3A_641, %mul3A_346 : vector<16xf32>
        %swap3A_661 = arith.constant 47 : i32
        %swap3A_662 = arith.index_cast %rem3A_102 : i32 to index
        %swap3A_663 = arith.index_cast %swap3A_661 : i32 to index
        %swap3A_664 = arith.index_cast %mul3A_174 : i32 to index
        %swap3A_665 = tpu.vector_load %arg7[%swap3A_662, %swap3A_663, %swap3A_664] {strides = array<i32>} : memref<2x64x128xf32, #tpu.memory_space<vmem>>, vector<16xf32>,
        tpu.vector_store %arg7[%swap3A_662, %swap3A_663, %swap3A_664], %mul3A_660 {strides = array<i32>} : memref<2x64x128xf32, #tpu.memory_space<vmem>>, vector<16xf32>,
        %mul3A_666 = arith.mulf %mul3A_252, %mul3A_282 : vector<16xf32>
        %mul3A_667 = arith.mulf %mul3A_666, %mul3A_329 : vector<16xf32>
        %swap3A_668 = arith.constant 48 : i32
        %swap3A_669 = arith.index_cast %rem3A_102 : i32 to index
        %swap3A_670 = arith.index_cast %swap3A_668 : i32 to index
        %swap3A_671 = arith.index_cast %mul3A_174 : i32 to index
        %swap3A_672 = tpu.vector_load %arg7[%swap3A_669, %swap3A_670, %swap3A_671] {strides = array<i32>} : memref<2x64x128xf32, #tpu.memory_space<vmem>>, vector<16xf32>,
        tpu.vector_store %arg7[%swap3A_669, %swap3A_670, %swap3A_671], %mul3A_667 {strides = array<i32>} : memref<2x64x128xf32, #tpu.memory_space<vmem>>, vector<16xf32>,
        %mul3A_673 = arith.mulf %mul3A_666, %add3A_336 : vector<16xf32>
        %swap3A_674 = arith.constant 49 : i32
        %swap3A_675 = arith.index_cast %rem3A_102 : i32 to index
        %swap3A_676 = arith.index_cast %swap3A_674 : i32 to index
        %swap3A_677 = arith.index_cast %mul3A_174 : i32 to index
        %swap3A_678 = tpu.vector_load %arg7[%swap3A_675, %swap3A_676, %swap3A_677] {strides = array<i32>} : memref<2x64x128xf32, #tpu.memory_space<vmem>>, vector<16xf32>,
        tpu.vector_store %arg7[%swap3A_675, %swap3A_676, %swap3A_677], %mul3A_673 {strides = array<i32>} : memref<2x64x128xf32, #tpu.memory_space<vmem>>, vector<16xf32>,
        %mul3A_679 = arith.mulf %mul3A_666, %add3A_343 : vector<16xf32>
        %swap3A_680 = arith.constant 50 : i32
        %swap3A_681 = arith.index_cast %rem3A_102 : i32 to index
        %swap3A_682 = arith.index_cast %swap3A_680 : i32 to index
        %swap3A_683 = arith.index_cast %mul3A_174 : i32 to index
        %swap3A_684 = tpu.vector_load %arg7[%swap3A_681, %swap3A_682, %swap3A_683] {strides = array<i32>} : memref<2x64x128xf32, #tpu.memory_space<vmem>>, vector<16xf32>,
        tpu.vector_store %arg7[%swap3A_681, %swap3A_682, %swap3A_683], %mul3A_679 {strides = array<i32>} : memref<2x64x128xf32, #tpu.memory_space<vmem>>, vector<16xf32>,
        %mul3A_685 = arith.mulf %mul3A_666, %mul3A_346 : vector<16xf32>
        %swap3A_686 = arith.constant 51 : i32
        %swap3A_687 = arith.index_cast %rem3A_102 : i32 to index
        %swap3A_688 = arith.index_cast %swap3A_686 : i32 to index
        %swap3A_689 = arith.index_cast %mul3A_174 : i32 to index
        %swap3A_690 = tpu.vector_load %arg7[%swap3A_687, %swap3A_688, %swap3A_689] {strides = array<i32>} : memref<2x64x128xf32, #tpu.memory_space<vmem>>, vector<16xf32>,
        tpu.vector_store %arg7[%swap3A_687, %swap3A_688, %swap3A_689], %mul3A_685 {strides = array<i32>} : memref<2x64x128xf32, #tpu.memory_space<vmem>>, vector<16xf32>,
        %mul3A_691 = arith.mulf %mul3A_252, %add3A_289 : vector<16xf32>
        %mul3A_692 = arith.mulf %mul3A_691, %mul3A_329 : vector<16xf32>
        %swap3A_693 = arith.constant 52 : i32
        %swap3A_694 = arith.index_cast %rem3A_102 : i32 to index
        %swap3A_695 = arith.index_cast %swap3A_693 : i32 to index
        %swap3A_696 = arith.index_cast %mul3A_174 : i32 to index
        %swap3A_697 = tpu.vector_load %arg7[%swap3A_694, %swap3A_695, %swap3A_696] {strides = array<i32>} : memref<2x64x128xf32, #tpu.memory_space<vmem>>, vector<16xf32>,
        tpu.vector_store %arg7[%swap3A_694, %swap3A_695, %swap3A_696], %mul3A_692 {strides = array<i32>} : memref<2x64x128xf32, #tpu.memory_space<vmem>>, vector<16xf32>,
        %mul3A_698 = arith.mulf %mul3A_691, %add3A_336 : vector<16xf32>
        %swap3A_699 = arith.constant 53 : i32
        %swap3A_700 = arith.index_cast %rem3A_102 : i32 to index
        %swap3A_701 = arith.index_cast %swap3A_699 : i32 to index
        %swap3A_702 = arith.index_cast %mul3A_174 : i32 to index
        %swap3A_703 = tpu.vector_load %arg7[%swap3A_700, %swap3A_701, %swap3A_702] {strides = array<i32>} : memref<2x64x128xf32, #tpu.memory_space<vmem>>, vector<16xf32>,
        tpu.vector_store %arg7[%swap3A_700, %swap3A_701, %swap3A_702], %mul3A_698 {strides = array<i32>} : memref<2x64x128xf32, #tpu.memory_space<vmem>>, vector<16xf32>,
        %mul3A_704 = arith.mulf %mul3A_691, %add3A_343 : vector<16xf32>
        %swap3A_705 = arith.constant 54 : i32
        %swap3A_706 = arith.index_cast %rem3A_102 : i32 to index
        %swap3A_707 = arith.index_cast %swap3A_705 : i32 to index
        %swap3A_708 = arith.index_cast %mul3A_174 : i32 to index
        %swap3A_709 = tpu.vector_load %arg7[%swap3A_706, %swap3A_707, %swap3A_708] {strides = array<i32>} : memref<2x64x128xf32, #tpu.memory_space<vmem>>, vector<16xf32>,
        tpu.vector_store %arg7[%swap3A_706, %swap3A_707, %swap3A_708], %mul3A_704 {strides = array<i32>} : memref<2x64x128xf32, #tpu.memory_space<vmem>>, vector<16xf32>,
        %mul3A_710 = arith.mulf %mul3A_691, %mul3A_346 : vector<16xf32>
        %swap3A_711 = arith.constant 55 : i32
        %swap3A_712 = arith.index_cast %rem3A_102 : i32 to index
        %swap3A_713 = arith.index_cast %swap3A_711 : i32 to index
        %swap3A_714 = arith.index_cast %mul3A_174 : i32 to index
        %swap3A_715 = tpu.vector_load %arg7[%swap3A_712, %swap3A_713, %swap3A_714] {strides = array<i32>} : memref<2x64x128xf32, #tpu.memory_space<vmem>>, vector<16xf32>,
        tpu.vector_store %arg7[%swap3A_712, %swap3A_713, %swap3A_714], %mul3A_710 {strides = array<i32>} : memref<2x64x128xf32, #tpu.memory_space<vmem>>, vector<16xf32>,
        %mul3A_716 = arith.mulf %mul3A_252, %add3A_296 : vector<16xf32>
        %mul3A_717 = arith.mulf %mul3A_716, %mul3A_329 : vector<16xf32>
        %swap3A_718 = arith.constant 56 : i32
        %swap3A_719 = arith.index_cast %rem3A_102 : i32 to index
        %swap3A_720 = arith.index_cast %swap3A_718 : i32 to index
        %swap3A_721 = arith.index_cast %mul3A_174 : i32 to index
        %swap3A_722 = tpu.vector_load %arg7[%swap3A_719, %swap3A_720, %swap3A_721] {strides = array<i32>} : memref<2x64x128xf32, #tpu.memory_space<vmem>>, vector<16xf32>,
        tpu.vector_store %arg7[%swap3A_719, %swap3A_720, %swap3A_721], %mul3A_717 {strides = array<i32>} : memref<2x64x128xf32, #tpu.memory_space<vmem>>, vector<16xf32>,
        %mul3A_723 = arith.mulf %mul3A_716, %add3A_336 : vector<16xf32>
        %swap3A_724 = arith.constant 57 : i32
        %swap3A_725 = arith.index_cast %rem3A_102 : i32 to index
        %swap3A_726 = arith.index_cast %swap3A_724 : i32 to index
        %swap3A_727 = arith.index_cast %mul3A_174 : i32 to index
        %swap3A_728 = tpu.vector_load %arg7[%swap3A_725, %swap3A_726, %swap3A_727] {strides = array<i32>} : memref<2x64x128xf32, #tpu.memory_space<vmem>>, vector<16xf32>,
        tpu.vector_store %arg7[%swap3A_725, %swap3A_726, %swap3A_727], %mul3A_723 {strides = array<i32>} : memref<2x64x128xf32, #tpu.memory_space<vmem>>, vector<16xf32>,
        %mul3A_729 = arith.mulf %mul3A_716, %add3A_343 : vector<16xf32>
        %swap3A_730 = arith.constant 58 : i32
        %swap3A_731 = arith.index_cast %rem3A_102 : i32 to index
        %swap3A_732 = arith.index_cast %swap3A_730 : i32 to index
        %swap3A_733 = arith.index_cast %mul3A_174 : i32 to index
        %swap3A_734 = tpu.vector_load %arg7[%swap3A_731, %swap3A_732, %swap3A_733] {strides = array<i32>} : memref<2x64x128xf32, #tpu.memory_space<vmem>>, vector<16xf32>,
        tpu.vector_store %arg7[%swap3A_731, %swap3A_732, %swap3A_733], %mul3A_729 {strides = array<i32>} : memref<2x64x128xf32, #tpu.memory_space<vmem>>, vector<16xf32>,
        %mul3A_735 = arith.mulf %mul3A_716, %mul3A_346 : vector<16xf32>
        %swap3A_736 = arith.constant 59 : i32
        %swap3A_737 = arith.index_cast %rem3A_102 : i32 to index
        %swap3A_738 = arith.index_cast %swap3A_736 : i32 to index
        %swap3A_739 = arith.index_cast %mul3A_174 : i32 to index
        %swap3A_740 = tpu.vector_load %arg7[%swap3A_737, %swap3A_738, %swap3A_739] {strides = array<i32>} : memref<2x64x128xf32, #tpu.memory_space<vmem>>, vector<16xf32>,
        tpu.vector_store %arg7[%swap3A_737, %swap3A_738, %swap3A_739], %mul3A_735 {strides = array<i32>} : memref<2x64x128xf32, #tpu.memory_space<vmem>>, vector<16xf32>,
        %mul3A_741 = arith.mulf %mul3A_252, %mul3A_299 : vector<16xf32>
        %mul3A_742 = arith.mulf %mul3A_741, %mul3A_329 : vector<16xf32>
        %swap3A_743 = arith.constant 60 : i32
        %swap3A_744 = arith.index_cast %rem3A_102 : i32 to index
        %swap3A_745 = arith.index_cast %swap3A_743 : i32 to index
        %swap3A_746 = arith.index_cast %mul3A_174 : i32 to index
        %swap3A_747 = tpu.vector_load %arg7[%swap3A_744, %swap3A_745, %swap3A_746] {strides = array<i32>} : memref<2x64x128xf32, #tpu.memory_space<vmem>>, vector<16xf32>,
        tpu.vector_store %arg7[%swap3A_744, %swap3A_745, %swap3A_746], %mul3A_742 {strides = array<i32>} : memref<2x64x128xf32, #tpu.memory_space<vmem>>, vector<16xf32>,
        %mul3A_748 = arith.mulf %mul3A_741, %add3A_336 : vector<16xf32>
        %swap3A_749 = arith.constant 61 : i32
        %swap3A_750 = arith.index_cast %rem3A_102 : i32 to index
        %swap3A_751 = arith.index_cast %swap3A_749 : i32 to index
        %swap3A_752 = arith.index_cast %mul3A_174 : i32 to index
        %swap3A_753 = tpu.vector_load %arg7[%swap3A_750, %swap3A_751, %swap3A_752] {strides = array<i32>} : memref<2x64x128xf32, #tpu.memory_space<vmem>>, vector<16xf32>,
        tpu.vector_store %arg7[%swap3A_750, %swap3A_751, %swap3A_752], %mul3A_748 {strides = array<i32>} : memref<2x64x128xf32, #tpu.memory_space<vmem>>, vector<16xf32>,
        %mul3A_754 = arith.mulf %mul3A_741, %add3A_343 : vector<16xf32>
        %swap3A_755 = arith.constant 62 : i32
        %swap3A_756 = arith.index_cast %rem3A_102 : i32 to index
        %swap3A_757 = arith.index_cast %swap3A_755 : i32 to index
        %swap3A_758 = arith.index_cast %mul3A_174 : i32 to index
        %swap3A_759 = tpu.vector_load %arg7[%swap3A_756, %swap3A_757, %swap3A_758] {strides = array<i32>} : memref<2x64x128xf32, #tpu.memory_space<vmem>>, vector<16xf32>,
        tpu.vector_store %arg7[%swap3A_756, %swap3A_757, %swap3A_758], %mul3A_754 {strides = array<i32>} : memref<2x64x128xf32, #tpu.memory_space<vmem>>, vector<16xf32>,
        %mul3A_760 = arith.mulf %mul3A_741, %mul3A_346 : vector<16xf32>
        %swap3A_761 = arith.constant 63 : i32
        %swap3A_762 = arith.index_cast %rem3A_102 : i32 to index
        %swap3A_763 = arith.index_cast %swap3A_761 : i32 to index
        %swap3A_764 = arith.index_cast %mul3A_174 : i32 to index
        %swap3A_765 = tpu.vector_load %arg7[%swap3A_762, %swap3A_763, %swap3A_764] {strides = array<i32>} : memref<2x64x128xf32, #tpu.memory_space<vmem>>, vector<16xf32>,
        tpu.vector_store %arg7[%swap3A_762, %swap3A_763, %swap3A_764], %mul3A_760 {strides = array<i32>} : memref<2x64x128xf32, #tpu.memory_space<vmem>>, vector<16xf32>,
      }
      %scan3A_152 = arith.constant 8 : i32
      %mul3A_153 = arith.constant 32 : i32
      %mul3A_154 = arith.muli %mul3A_153, %while3A_100 : i32
      %add3A_155 = arith.addi %add3A, %mul3A_154 : i32
      %mul3A_156 = arith.constant 128 : i32
      %mul3A_157 = arith.muli %add3A_155, %mul3A_156 : i32
      %dma_start3A_158 = arith.constant 0 : i32
      %dma_start3A_159 = arith.constant 0 : i32
      %dma_start3A_160 = tpu.memref_slice %arg7[%rem3A_102, %dma_start3A_158, %dma_start3A_159] : memref<2x64x128xf32, #tpu.memory_space<vmem>> -> memref<1x64x128xf32, #tpu.memory_space<vmem>>
      %dma_start3A_161 = tpu.memref_squeeze %dma_start3A_160 : memref<1x64x128xf32, #tpu.memory_space<vmem>> -> memref<64x128xf32, #tpu.memory_space<vmem>>
      %dma_start3A_162 = arith.constant 0 : i32
      %dma_start3A_163 = tpu.memref_slice %arg5[%dma_start3A_162, %mul3A_157] : memref<64x200000xf32, #tpu.memory_space<hbm>> -> memref<64x128xf32, #tpu.memory_space<hbm>>
      %dma_start3A_164 = tpu.memref_slice %arg9[%rem3A_102] : memref<2x!tpu.dma_semaphore, #tpu.memory_space<semaphore_mem>> -> memref<1x!tpu.dma_semaphore, #tpu.memory_space<semaphore_mem>>
      %dma_start3A_165 = tpu.memref_squeeze %dma_start3A_164 : memref<1x!tpu.dma_semaphore, #tpu.memory_space<semaphore_mem>> -> memref<!tpu.dma_semaphore, #tpu.memory_space<semaphore_mem>>
      %dma_start3A_166 = arith.constant 0 : i32
      %dma_start3A_167 = tpu.memref_slice %arg5[%dma_start3A_166, %mul3A_157] : memref<64x200000xf32, #tpu.memory_space<hbm>> -> memref<64x128xf32, #tpu.memory_space<hbm>>
      %dma_start3A_168 = arith.constant 0 : i32
      %dma_start3A_169 = arith.constant 0 : i32
      %dma_start3A_170 = tpu.memref_slice %arg7[%rem3A_102, %dma_start3A_168, %dma_start3A_169] : memref<2x64x128xf32, #tpu.memory_space<vmem>> -> memref<1x64x128xf32, #tpu.memory_space<vmem>>
      %dma_start3A_171 = tpu.memref_squeeze %dma_start3A_170 : memref<1x64x128xf32, #tpu.memory_space<vmem>> -> memref<64x128xf32, #tpu.memory_space<vmem>>
      tpu.enqueue_dma source(%dma_start3A_171 : memref<64x128xf32, #tpu.memory_space<vmem>>) target(%dma_start3A_167 : memref<64x128xf32, #tpu.memory_space<hbm>>) target_semaphore(%dma_start3A_165 : memref<!tpu.dma_semaphore, #tpu.memory_space<semaphore_mem>>)
    }
    %sub3A = arith.constant 2 : i32
    %sub3A_51 = arith.subi %select_n3A, %sub3A : i32
    %sub3A_52 = arith.constant 2 : i32
    %sub3A_53 = arith.subi %select_n3A, %sub3A_52 : i32
    %rem3A = arith.constant 2 : i32
    %rem3A_54 = arith.remsi %sub3A_53, %rem3A : i32
    %mul3A_55 = arith.constant 32 : i32
    %mul3A_56 = arith.muli %mul3A_55, %sub3A_51 : i32
    %add3A_57 = arith.addi %add3A, %mul3A_56 : i32
    %mul3A_58 = arith.constant 128 : i32
    %mul3A_59 = arith.muli %add3A_57, %mul3A_58 : i32
    %dma_wait3A = arith.constant 0 : i32
    %dma_wait3A_60 = arith.constant 0 : i32
    %dma_wait3A_61 = tpu.memref_slice %arg7[%rem3A_54, %dma_wait3A, %dma_wait3A_60] : memref<2x64x128xf32, #tpu.memory_space<vmem>> -> memref<1x64x128xf32, #tpu.memory_space<vmem>>
    %dma_wait3A_62 = tpu.memref_squeeze %dma_wait3A_61 : memref<1x64x128xf32, #tpu.memory_space<vmem>> -> memref<64x128xf32, #tpu.memory_space<vmem>>
    %dma_wait3A_63 = arith.constant 0 : i32
    %dma_wait3A_64 = tpu.memref_slice %arg5[%dma_wait3A_63, %mul3A_59] : memref<64x200000xf32, #tpu.memory_space<hbm>> -> memref<64x128xf32, #tpu.memory_space<hbm>>
    %dma_wait3A_65 = tpu.memref_slice %arg9[%rem3A_54] : memref<2x!tpu.dma_semaphore, #tpu.memory_space<semaphore_mem>> -> memref<1x!tpu.dma_semaphore, #tpu.memory_space<semaphore_mem>>
    %dma_wait3A_66 = tpu.memref_squeeze %dma_wait3A_65 : memref<1x!tpu.dma_semaphore, #tpu.memory_space<semaphore_mem>> -> memref<!tpu.dma_semaphore, #tpu.memory_space<semaphore_mem>>
    %dma_wait3A_67 = arith.constant 0 : i32
    %dma_wait3A_68 = tpu.memref_slice %arg5[%dma_wait3A_67, %mul3A_59] : memref<64x200000xf32, #tpu.memory_space<hbm>> -> memref<64x128xf32, #tpu.memory_space<hbm>>
    %dma_wait3A_69 = arith.constant 0 : i32
    %dma_wait3A_70 = arith.constant 0 : i32
    %dma_wait3A_71 = tpu.memref_slice %arg7[%rem3A_54, %dma_wait3A_69, %dma_wait3A_70] : memref<2x64x128xf32, #tpu.memory_space<vmem>> -> memref<1x64x128xf32, #tpu.memory_space<vmem>>
    %dma_wait3A_72 = tpu.memref_squeeze %dma_wait3A_71 : memref<1x64x128xf32, #tpu.memory_space<vmem>> -> memref<64x128xf32, #tpu.memory_space<vmem>>
    tpu.wait_dma2 semaphore(%dma_wait3A_66 : memref<!tpu.dma_semaphore, #tpu.memory_space<semaphore_mem>>) src(%dma_wait3A_72 : memref<64x128xf32, #tpu.memory_space<vmem>>) dst(%dma_wait3A_68 : memref<64x128xf32, #tpu.memory_space<hbm>>)
    %sub3A_73 = arith.constant 1 : i32
    %sub3A_74 = arith.subi %select_n3A, %sub3A_73 : i32
    %sub3A_75 = arith.constant 1 : i32
    %sub3A_76 = arith.subi %select_n3A, %sub3A_75 : i32
    %rem3A_77 = arith.constant 2 : i32
    %rem3A_78 = arith.remsi %sub3A_76, %rem3A_77 : i32
    %mul3A_79 = arith.constant 32 : i32
    %mul3A_80 = arith.muli %mul3A_79, %sub3A_74 : i32
    %add3A_81 = arith.addi %add3A, %mul3A_80 : i32
    %mul3A_82 = arith.constant 128 : i32
    %mul3A_83 = arith.muli %add3A_81, %mul3A_82 : i32
    %dma_wait3A_84 = arith.constant 0 : i32
    %dma_wait3A_85 = arith.constant 0 : i32
    %dma_wait3A_86 = tpu.memref_slice %arg7[%rem3A_78, %dma_wait3A_84, %dma_wait3A_85] : memref<2x64x128xf32, #tpu.memory_space<vmem>> -> memref<1x64x128xf32, #tpu.memory_space<vmem>>
    %dma_wait3A_87 = tpu.memref_squeeze %dma_wait3A_86 : memref<1x64x128xf32, #tpu.memory_space<vmem>> -> memref<64x128xf32, #tpu.memory_space<vmem>>
    %dma_wait3A_88 = arith.constant 0 : i32
    %dma_wait3A_89 = tpu.memref_slice %arg5[%dma_wait3A_88, %mul3A_83] : memref<64x200000xf32, #tpu.memory_space<hbm>> -> memref<64x128xf32, #tpu.memory_space<hbm>>
    %dma_wait3A_90 = tpu.memref_slice %arg9[%rem3A_78] : memref<2x!tpu.dma_semaphore, #tpu.memory_space<semaphore_mem>> -> memref<1x!tpu.dma_semaphore, #tpu.memory_space<semaphore_mem>>
    %dma_wait3A_91 = tpu.memref_squeeze %dma_wait3A_90 : memref<1x!tpu.dma_semaphore, #tpu.memory_space<semaphore_mem>> -> memref<!tpu.dma_semaphore, #tpu.memory_space<semaphore_mem>>
    %dma_wait3A_92 = arith.constant 0 : i32
    %dma_wait3A_93 = tpu.memref_slice %arg5[%dma_wait3A_92, %mul3A_83] : memref<64x200000xf32, #tpu.memory_space<hbm>> -> memref<64x128xf32, #tpu.memory_space<hbm>>
    %dma_wait3A_94 = arith.constant 0 : i32
    %dma_wait3A_95 = arith.constant 0 : i32
    %dma_wait3A_96 = tpu.memref_slice %arg7[%rem3A_78, %dma_wait3A_94, %dma_wait3A_95] : memref<2x64x128xf32, #tpu.memory_space<vmem>> -> memref<1x64x128xf32, #tpu.memory_space<vmem>>
    %dma_wait3A_97 = tpu.memref_squeeze %dma_wait3A_96 : memref<1x64x128xf32, #tpu.memory_space<vmem>> -> memref<64x128xf32, #tpu.memory_space<vmem>>
    tpu.wait_dma2 semaphore(%dma_wait3A_91 : memref<!tpu.dma_semaphore, #tpu.memory_space<semaphore_mem>>) src(%dma_wait3A_97 : memref<64x128xf32, #tpu.memory_space<vmem>>) dst(%dma_wait3A_93 : memref<64x128xf32, #tpu.memory_space<hbm>>)
    %eq3A = arith.constant 31 : i32
    %eq3A_98 = arith.cmpi eq, %add3A, %eq3A : i32
    %convert_element_type3A = arith.extui %eq3A_98 : i1 to i32
    %cond3A = arith.constant 0 : i32
    %cond3A_99 = arith.cmpi ne, %convert_element_type3A, %cond3A : i32
    scf.if %cond3A_99 {
      %run_scoped3A = arith.constant 0 : i32
      "tpu.region"() ({
        %run_scoped3A_113 = tpu.sem_alloc : memref<!tpu.dma_semaphore, #tpu.memory_space<semaphore_mem>>
        %dma_start3A_114 = arith.constant 0 : i32
        %dma_start3A_115 = tpu.memref_slice %arg6[%run_scoped3A, %dma_start3A_114] : memref<2x384xf32, #tpu.memory_space<vmem>> -> memref<1x64xf32, #tpu.memory_space<vmem>>
        %dma_start3A_116 = tpu.memref_squeeze %dma_start3A_115 : memref<1x64xf32, #tpu.memory_space<vmem>> -> memref<64xf32, #tpu.memory_space<vmem>>
        %dma_start3A_117 = arith.constant 199936 : i32
        %dma_start3A_118 = tpu.memref_slice %arg2[%dma_start3A_117] : memref<200000xf32, #tpu.memory_space<hbm>> -> memref<64xf32, #tpu.memory_space<hbm>>
        %dma_start3A_119 = arith.constant 0 : i32
        %dma_start3A_120 = tpu.memref_slice %arg6[%run_scoped3A, %dma_start3A_119] : memref<2x384xf32, #tpu.memory_space<vmem>> -> memref<1x64xf32, #tpu.memory_space<vmem>>
        %dma_start3A_121 = tpu.memref_squeeze %dma_start3A_120 : memref<1x64xf32, #tpu.memory_space<vmem>> -> memref<64xf32, #tpu.memory_space<vmem>>
        %dma_start3A_122 = arith.constant 199936 : i32
        %dma_start3A_123 = tpu.memref_slice %arg2[%dma_start3A_122] : memref<200000xf32, #tpu.memory_space<hbm>> -> memref<64xf32, #tpu.memory_space<hbm>>
        tpu.enqueue_dma source(%dma_start3A_123 : memref<64xf32, #tpu.memory_space<hbm>>) target(%dma_start3A_121 : memref<64xf32, #tpu.memory_space<vmem>>) target_semaphore(%run_scoped3A_113 : memref<!tpu.dma_semaphore, #tpu.memory_space<semaphore_mem>>)
        %dma_wait3A_124 = arith.constant 0 : i32
        %dma_wait3A_125 = tpu.memref_slice %arg6[%run_scoped3A, %dma_wait3A_124] : memref<2x384xf32, #tpu.memory_space<vmem>> -> memref<1x64xf32, #tpu.memory_space<vmem>>
        %dma_wait3A_126 = tpu.memref_squeeze %dma_wait3A_125 : memref<1x64xf32, #tpu.memory_space<vmem>> -> memref<64xf32, #tpu.memory_space<vmem>>
        %dma_wait3A_127 = arith.constant 199936 : i32
        %dma_wait3A_128 = tpu.memref_slice %arg2[%dma_wait3A_127] : memref<200000xf32, #tpu.memory_space<hbm>> -> memref<64xf32, #tpu.memory_space<hbm>>
        %dma_wait3A_129 = arith.constant 0 : i32
        %dma_wait3A_130 = tpu.memref_slice %arg6[%run_scoped3A, %dma_wait3A_129] : memref<2x384xf32, #tpu.memory_space<vmem>> -> memref<1x64xf32, #tpu.memory_space<vmem>>
        %dma_wait3A_131 = tpu.memref_squeeze %dma_wait3A_130 : memref<1x64xf32, #tpu.memory_space<vmem>> -> memref<64xf32, #tpu.memory_space<vmem>>
        %dma_wait3A_132 = arith.constant 199936 : i32
        %dma_wait3A_133 = tpu.memref_slice %arg2[%dma_wait3A_132] : memref<200000xf32, #tpu.memory_space<hbm>> -> memref<64xf32, #tpu.memory_space<hbm>>
        tpu.wait_dma2 semaphore(%run_scoped3A_113 : memref<!tpu.dma_semaphore, #tpu.memory_space<semaphore_mem>>) src(%dma_wait3A_133 : memref<64xf32, #tpu.memory_space<hbm>>) dst(%dma_wait3A_131 : memref<64xf32, #tpu.memory_space<vmem>>)
        tpu.yield
      }) : () -> ()
      %run_scoped3A_100 = arith.constant 0 : i32
      "tpu.region"() ({
        %run_scoped3A_113 = tpu.sem_alloc : memref<!tpu.dma_semaphore, #tpu.memory_space<semaphore_mem>>
        %dma_start3A_114 = arith.constant 128 : i32
        %dma_start3A_115 = tpu.memref_slice %arg6[%run_scoped3A_100, %dma_start3A_114] : memref<2x384xf32, #tpu.memory_space<vmem>> -> memref<1x64xf32, #tpu.memory_space<vmem>>
        %dma_start3A_116 = tpu.memref_squeeze %dma_start3A_115 : memref<1x64xf32, #tpu.memory_space<vmem>> -> memref<64xf32, #tpu.memory_space<vmem>>
        %dma_start3A_117 = arith.constant 199936 : i32
        %dma_start3A_118 = tpu.memref_slice %arg3[%dma_start3A_117] : memref<200000xf32, #tpu.memory_space<hbm>> -> memref<64xf32, #tpu.memory_space<hbm>>
        %dma_start3A_119 = arith.constant 128 : i32
        %dma_start3A_120 = tpu.memref_slice %arg6[%run_scoped3A_100, %dma_start3A_119] : memref<2x384xf32, #tpu.memory_space<vmem>> -> memref<1x64xf32, #tpu.memory_space<vmem>>
        %dma_start3A_121 = tpu.memref_squeeze %dma_start3A_120 : memref<1x64xf32, #tpu.memory_space<vmem>> -> memref<64xf32, #tpu.memory_space<vmem>>
        %dma_start3A_122 = arith.constant 199936 : i32
        %dma_start3A_123 = tpu.memref_slice %arg3[%dma_start3A_122] : memref<200000xf32, #tpu.memory_space<hbm>> -> memref<64xf32, #tpu.memory_space<hbm>>
        tpu.enqueue_dma source(%dma_start3A_123 : memref<64xf32, #tpu.memory_space<hbm>>) target(%dma_start3A_121 : memref<64xf32, #tpu.memory_space<vmem>>) target_semaphore(%run_scoped3A_113 : memref<!tpu.dma_semaphore, #tpu.memory_space<semaphore_mem>>)
        %dma_wait3A_124 = arith.constant 128 : i32
        %dma_wait3A_125 = tpu.memref_slice %arg6[%run_scoped3A_100, %dma_wait3A_124] : memref<2x384xf32, #tpu.memory_space<vmem>> -> memref<1x64xf32, #tpu.memory_space<vmem>>
        %dma_wait3A_126 = tpu.memref_squeeze %dma_wait3A_125 : memref<1x64xf32, #tpu.memory_space<vmem>> -> memref<64xf32, #tpu.memory_space<vmem>>
        %dma_wait3A_127 = arith.constant 199936 : i32
        %dma_wait3A_128 = tpu.memref_slice %arg3[%dma_wait3A_127] : memref<200000xf32, #tpu.memory_space<hbm>> -> memref<64xf32, #tpu.memory_space<hbm>>
        %dma_wait3A_129 = arith.constant 128 : i32
        %dma_wait3A_130 = tpu.memref_slice %arg6[%run_scoped3A_100, %dma_wait3A_129] : memref<2x384xf32, #tpu.memory_space<vmem>> -> memref<1x64xf32, #tpu.memory_space<vmem>>
        %dma_wait3A_131 = tpu.memref_squeeze %dma_wait3A_130 : memref<1x64xf32, #tpu.memory_space<vmem>> -> memref<64xf32, #tpu.memory_space<vmem>>
        %dma_wait3A_132 = arith.constant 199936 : i32
        %dma_wait3A_133 = tpu.memref_slice %arg3[%dma_wait3A_132] : memref<200000xf32, #tpu.memory_space<hbm>> -> memref<64xf32, #tpu.memory_space<hbm>>
        tpu.wait_dma2 semaphore(%run_scoped3A_113 : memref<!tpu.dma_semaphore, #tpu.memory_space<semaphore_mem>>) src(%dma_wait3A_133 : memref<64xf32, #tpu.memory_space<hbm>>) dst(%dma_wait3A_131 : memref<64xf32, #tpu.memory_space<vmem>>)
        tpu.yield
      }) : () -> ()
      %run_scoped3A_101 = arith.constant 0 : i32
      "tpu.region"() ({
        %run_scoped3A_113 = tpu.sem_alloc : memref<!tpu.dma_semaphore, #tpu.memory_space<semaphore_mem>>
        %dma_start3A_114 = arith.constant 256 : i32
        %dma_start3A_115 = tpu.memref_slice %arg6[%run_scoped3A_101, %dma_start3A_114] : memref<2x384xf32, #tpu.memory_space<vmem>> -> memref<1x64xf32, #tpu.memory_space<vmem>>
        %dma_start3A_116 = tpu.memref_squeeze %dma_start3A_115 : memref<1x64xf32, #tpu.memory_space<vmem>> -> memref<64xf32, #tpu.memory_space<vmem>>
        %dma_start3A_117 = arith.constant 199936 : i32
        %dma_start3A_118 = tpu.memref_slice %arg4[%dma_start3A_117] : memref<200000xf32, #tpu.memory_space<hbm>> -> memref<64xf32, #tpu.memory_space<hbm>>
        %dma_start3A_119 = arith.constant 256 : i32
        %dma_start3A_120 = tpu.memref_slice %arg6[%run_scoped3A_101, %dma_start3A_119] : memref<2x384xf32, #tpu.memory_space<vmem>> -> memref<1x64xf32, #tpu.memory_space<vmem>>
        %dma_start3A_121 = tpu.memref_squeeze %dma_start3A_120 : memref<1x64xf32, #tpu.memory_space<vmem>> -> memref<64xf32, #tpu.memory_space<vmem>>
        %dma_start3A_122 = arith.constant 199936 : i32
        %dma_start3A_123 = tpu.memref_slice %arg4[%dma_start3A_122] : memref<200000xf32, #tpu.memory_space<hbm>> -> memref<64xf32, #tpu.memory_space<hbm>>
        tpu.enqueue_dma source(%dma_start3A_123 : memref<64xf32, #tpu.memory_space<hbm>>) target(%dma_start3A_121 : memref<64xf32, #tpu.memory_space<vmem>>) target_semaphore(%run_scoped3A_113 : memref<!tpu.dma_semaphore, #tpu.memory_space<semaphore_mem>>)
        %dma_wait3A_124 = arith.constant 256 : i32
        %dma_wait3A_125 = tpu.memref_slice %arg6[%run_scoped3A_101, %dma_wait3A_124] : memref<2x384xf32, #tpu.memory_space<vmem>> -> memref<1x64xf32, #tpu.memory_space<vmem>>
        %dma_wait3A_126 = tpu.memref_squeeze %dma_wait3A_125 : memref<1x64xf32, #tpu.memory_space<vmem>> -> memref<64xf32, #tpu.memory_space<vmem>>
        %dma_wait3A_127 = arith.constant 199936 : i32
        %dma_wait3A_128 = tpu.memref_slice %arg4[%dma_wait3A_127] : memref<200000xf32, #tpu.memory_space<hbm>> -> memref<64xf32, #tpu.memory_space<hbm>>
        %dma_wait3A_129 = arith.constant 256 : i32
        %dma_wait3A_130 = tpu.memref_slice %arg6[%run_scoped3A_101, %dma_wait3A_129] : memref<2x384xf32, #tpu.memory_space<vmem>> -> memref<1x64xf32, #tpu.memory_space<vmem>>
        %dma_wait3A_131 = tpu.memref_squeeze %dma_wait3A_130 : memref<1x64xf32, #tpu.memory_space<vmem>> -> memref<64xf32, #tpu.memory_space<vmem>>
        %dma_wait3A_132 = arith.constant 199936 : i32
        %dma_wait3A_133 = tpu.memref_slice %arg4[%dma_wait3A_132] : memref<200000xf32, #tpu.memory_space<hbm>> -> memref<64xf32, #tpu.memory_space<hbm>>
        tpu.wait_dma2 semaphore(%run_scoped3A_113 : memref<!tpu.dma_semaphore, #tpu.memory_space<semaphore_mem>>) src(%dma_wait3A_133 : memref<64xf32, #tpu.memory_space<hbm>>) dst(%dma_wait3A_131 : memref<64xf32, #tpu.memory_space<vmem>>)
        tpu.yield
      }) : () -> ()
      %scan3A = arith.constant 0 : i32
      %scan3A_102 = arith.constant 0 : i32
      %scan3A_103 = arith.constant 4 : i32
      %scan3A_104 = arith.addi %scan3A_102, %scan3A_103 : i32
      %scan3A_105 = arith.constant 1 : i32
      scf.for %scan3A_113 = %scan3A_102 to %scan3A_104 step %scan3A_105  : i32 {
        %mul3A_114 = arith.constant 16 : i32
        %mul3A_115 = arith.muli %scan3A_113, %mul3A_114 : i32
        %get3A = arith.constant 0 : i32
        %get3A_116 = arith.index_cast %get3A : i32 to index
        %get3A_117 = arith.index_cast %mul3A_115 : i32 to index
        %get3A_118 = tpu.vector_load %arg6[%get3A_116, %get3A_117] {strides = array<i32>} : memref<2x384xf32, #tpu.memory_space<vmem>>, vector<16xf32>,
        %mul3A_119 = arith.constant 2.000000e+01 : f32
        %mul3A_120 = vector.broadcast %mul3A_119 : f32 to vector<16xf32>
        %mul3A_121 = arith.mulf %get3A_118, %mul3A_120 : vector<16xf32>
        %convert_element_type3A_122 = arith.fptosi %mul3A_121 : vector<16xf32> to vector<16xi32>
        %convert_element_type3A_123 = arith.sitofp %convert_element_type3A_122 : vector<16xi32> to vector<16xf32>
        %sub3A_124 = arith.subf %mul3A_121, %convert_element_type3A_123 : vector<16xf32>
        %lt3A_125 = arith.constant 0.000000e+00 : f32
        %lt3A_126 = vector.broadcast %lt3A_125 : f32 to vector<16xf32>
        %lt3A_127 = arith.cmpf olt, %sub3A_124, %lt3A_126 : vector<16xf32>
        %add3A_128 = arith.constant 1.000000e+00 : f32
        %add3A_129 = vector.broadcast %add3A_128 : f32 to vector<16xf32>
        %add3A_130 = arith.addf %sub3A_124, %add3A_129 : vector<16xf32>
        %select_n3A_131 = arith.select %lt3A_127, %add3A_130, %sub3A_124 : vector<16xi1>, vector<16xf32>
        %add3A_132 = arith.constant 128 : i32
        %add3A_133 = arith.addi %add3A_132, %mul3A_115 : i32
        %get3A_134 = arith.constant 0 : i32
        %get3A_135 = arith.index_cast %get3A_134 : i32 to index
        %get3A_136 = arith.index_cast %add3A_133 : i32 to index
        %get3A_137 = tpu.vector_load %arg6[%get3A_135, %get3A_136] {strides = array<i32>} : memref<2x384xf32, #tpu.memory_space<vmem>>, vector<16xf32>,
        %mul3A_138 = arith.constant 2.000000e+01 : f32
        %mul3A_139 = vector.broadcast %mul3A_138 : f32 to vector<16xf32>
        %mul3A_140 = arith.mulf %get3A_137, %mul3A_139 : vector<16xf32>
        %convert_element_type3A_141 = arith.fptosi %mul3A_140 : vector<16xf32> to vector<16xi32>
        %convert_element_type3A_142 = arith.sitofp %convert_element_type3A_141 : vector<16xi32> to vector<16xf32>
        %sub3A_143 = arith.subf %mul3A_140, %convert_element_type3A_142 : vector<16xf32>
        %lt3A_144 = arith.constant 0.000000e+00 : f32
        %lt3A_145 = vector.broadcast %lt3A_144 : f32 to vector<16xf32>
        %lt3A_146 = arith.cmpf olt, %sub3A_143, %lt3A_145 : vector<16xf32>
        %add3A_147 = arith.constant 1.000000e+00 : f32
        %add3A_148 = vector.broadcast %add3A_147 : f32 to vector<16xf32>
        %add3A_149 = arith.addf %sub3A_143, %add3A_148 : vector<16xf32>
        %select_n3A_150 = arith.select %lt3A_146, %add3A_149, %sub3A_143 : vector<16xi1>, vector<16xf32>
        %add3A_151 = arith.constant 256 : i32
        %add3A_152 = arith.addi %add3A_151, %mul3A_115 : i32
        %get3A_153 = arith.constant 0 : i32
        %get3A_154 = arith.index_cast %get3A_153 : i32 to index
        %get3A_155 = arith.index_cast %add3A_152 : i32 to index
        %get3A_156 = tpu.vector_load %arg6[%get3A_154, %get3A_155] {strides = array<i32>} : memref<2x384xf32, #tpu.memory_space<vmem>>, vector<16xf32>,
        %mul3A_157 = arith.constant 2.000000e+01 : f32
        %mul3A_158 = vector.broadcast %mul3A_157 : f32 to vector<16xf32>
        %mul3A_159 = arith.mulf %get3A_156, %mul3A_158 : vector<16xf32>
        %convert_element_type3A_160 = arith.fptosi %mul3A_159 : vector<16xf32> to vector<16xi32>
        %convert_element_type3A_161 = arith.sitofp %convert_element_type3A_160 : vector<16xi32> to vector<16xf32>
        %sub3A_162 = arith.subf %mul3A_159, %convert_element_type3A_161 : vector<16xf32>
        %lt3A_163 = arith.constant 0.000000e+00 : f32
        %lt3A_164 = vector.broadcast %lt3A_163 : f32 to vector<16xf32>
        %lt3A_165 = arith.cmpf olt, %sub3A_162, %lt3A_164 : vector<16xf32>
        %add3A_166 = arith.constant 1.000000e+00 : f32
        %add3A_167 = vector.broadcast %add3A_166 : f32 to vector<16xf32>
        %add3A_168 = arith.addf %sub3A_162, %add3A_167 : vector<16xf32>
        %select_n3A_169 = arith.select %lt3A_165, %add3A_168, %sub3A_162 : vector<16xi1>, vector<16xf32>
        %sub3A_170 = arith.constant 1.000000e+00 : f32
        %sub3A_171 = vector.broadcast %sub3A_170 : f32 to vector<16xf32>
        %sub3A_172 = arith.subf %sub3A_171, %select_n3A_131 : vector<16xf32>
        %mul3A_173 = arith.mulf %select_n3A_131, %select_n3A_131 : vector<16xf32>
        %mul3A_174 = arith.mulf %mul3A_173, %select_n3A_131 : vector<16xf32>
        %mul3A_175 = arith.mulf %sub3A_172, %sub3A_172 : vector<16xf32>
        %mul3A_176 = arith.mulf %mul3A_175, %sub3A_172 : vector<16xf32>
        %mul3A_177 = arith.constant 0.166666672 : f32
        %mul3A_178 = vector.broadcast %mul3A_177 : f32 to vector<16xf32>
        %mul3A_179 = arith.mulf %mul3A_176, %mul3A_178 : vector<16xf32>
        %mul3A_180 = arith.constant 5.000000e-01 : f32
        %mul3A_181 = vector.broadcast %mul3A_180 : f32 to vector<16xf32>
        %mul3A_182 = arith.mulf %mul3A_181, %mul3A_174 : vector<16xf32>
        %sub3A_183 = arith.subf %mul3A_182, %mul3A_173 : vector<16xf32>
        %add3A_184 = arith.constant 0.666666686 : f32
        %add3A_185 = vector.broadcast %add3A_184 : f32 to vector<16xf32>
        %add3A_186 = arith.addf %sub3A_183, %add3A_185 : vector<16xf32>
        %mul3A_187 = arith.constant 5.000000e-01 : f32
        %mul3A_188 = vector.broadcast %mul3A_187 : f32 to vector<16xf32>
        %mul3A_189 = arith.mulf %mul3A_188, %mul3A_176 : vector<16xf32>
        %sub3A_190 = arith.subf %mul3A_189, %mul3A_175 : vector<16xf32>
        %add3A_191 = arith.constant 0.666666686 : f32
        %add3A_192 = vector.broadcast %add3A_191 : f32 to vector<16xf32>
        %add3A_193 = arith.addf %sub3A_190, %add3A_192 : vector<16xf32>
        %mul3A_194 = arith.constant 0.166666672 : f32
        %mul3A_195 = vector.broadcast %mul3A_194 : f32 to vector<16xf32>
        %mul3A_196 = arith.mulf %mul3A_174, %mul3A_195 : vector<16xf32>
        %mul3A_197 = arith.constant -1.000000e+01 : f32
        %mul3A_198 = vector.broadcast %mul3A_197 : f32 to vector<16xf32>
        %mul3A_199 = arith.mulf %mul3A_175, %mul3A_198 : vector<16xf32>
        %mul3A_200 = arith.constant 3.000000e+01 : f32
        %mul3A_201 = vector.broadcast %mul3A_200 : f32 to vector<16xf32>
        %mul3A_202 = arith.mulf %mul3A_201, %select_n3A_131 : vector<16xf32>
        %sub3A_203 = arith.constant 4.000000e+01 : f32
        %sub3A_204 = vector.broadcast %sub3A_203 : f32 to vector<16xf32>
        %sub3A_205 = arith.subf %mul3A_202, %sub3A_204 : vector<16xf32>
        %mul3A_206 = arith.mulf %sub3A_205, %select_n3A_131 : vector<16xf32>
        %mul3A_207 = arith.constant 3.000000e+01 : f32
        %mul3A_208 = vector.broadcast %mul3A_207 : f32 to vector<16xf32>
        %mul3A_209 = arith.mulf %mul3A_208, %sub3A_172 : vector<16xf32>
        %sub3A_210 = arith.constant 4.000000e+01 : f32
        %sub3A_211 = vector.broadcast %sub3A_210 : f32 to vector<16xf32>
        %sub3A_212 = arith.subf %sub3A_211, %mul3A_209 : vector<16xf32>
        %mul3A_213 = arith.mulf %sub3A_212, %sub3A_172 : vector<16xf32>
        %mul3A_214 = arith.constant 1.000000e+01 : f32
        %mul3A_215 = vector.broadcast %mul3A_214 : f32 to vector<16xf32>
        %mul3A_216 = arith.mulf %mul3A_173, %mul3A_215 : vector<16xf32>
        %sub3A_217 = arith.constant 1.000000e+00 : f32
        %sub3A_218 = vector.broadcast %sub3A_217 : f32 to vector<16xf32>
        %sub3A_219 = arith.subf %sub3A_218, %select_n3A_150 : vector<16xf32>
        %mul3A_220 = arith.mulf %select_n3A_150, %select_n3A_150 : vector<16xf32>
        %mul3A_221 = arith.mulf %mul3A_220, %select_n3A_150 : vector<16xf32>
        %mul3A_222 = arith.mulf %sub3A_219, %sub3A_219 : vector<16xf32>
        %mul3A_223 = arith.mulf %mul3A_222, %sub3A_219 : vector<16xf32>
        %mul3A_224 = arith.constant 0.166666672 : f32
        %mul3A_225 = vector.broadcast %mul3A_224 : f32 to vector<16xf32>
        %mul3A_226 = arith.mulf %mul3A_223, %mul3A_225 : vector<16xf32>
        %mul3A_227 = arith.constant 5.000000e-01 : f32
        %mul3A_228 = vector.broadcast %mul3A_227 : f32 to vector<16xf32>
        %mul3A_229 = arith.mulf %mul3A_228, %mul3A_221 : vector<16xf32>
        %sub3A_230 = arith.subf %mul3A_229, %mul3A_220 : vector<16xf32>
        %add3A_231 = arith.constant 0.666666686 : f32
        %add3A_232 = vector.broadcast %add3A_231 : f32 to vector<16xf32>
        %add3A_233 = arith.addf %sub3A_230, %add3A_232 : vector<16xf32>
        %mul3A_234 = arith.constant 5.000000e-01 : f32
        %mul3A_235 = vector.broadcast %mul3A_234 : f32 to vector<16xf32>
        %mul3A_236 = arith.mulf %mul3A_235, %mul3A_223 : vector<16xf32>
        %sub3A_237 = arith.subf %mul3A_236, %mul3A_222 : vector<16xf32>
        %add3A_238 = arith.constant 0.666666686 : f32
        %add3A_239 = vector.broadcast %add3A_238 : f32 to vector<16xf32>
        %add3A_240 = arith.addf %sub3A_237, %add3A_239 : vector<16xf32>
        %mul3A_241 = arith.constant 0.166666672 : f32
        %mul3A_242 = vector.broadcast %mul3A_241 : f32 to vector<16xf32>
        %mul3A_243 = arith.mulf %mul3A_221, %mul3A_242 : vector<16xf32>
        %mul3A_244 = arith.constant -1.000000e+01 : f32
        %mul3A_245 = vector.broadcast %mul3A_244 : f32 to vector<16xf32>
        %mul3A_246 = arith.mulf %mul3A_222, %mul3A_245 : vector<16xf32>
        %mul3A_247 = arith.constant 3.000000e+01 : f32
        %mul3A_248 = vector.broadcast %mul3A_247 : f32 to vector<16xf32>
        %mul3A_249 = arith.mulf %mul3A_248, %select_n3A_150 : vector<16xf32>
        %sub3A_250 = arith.constant 4.000000e+01 : f32
        %sub3A_251 = vector.broadcast %sub3A_250 : f32 to vector<16xf32>
        %sub3A_252 = arith.subf %mul3A_249, %sub3A_251 : vector<16xf32>
        %mul3A_253 = arith.mulf %sub3A_252, %select_n3A_150 : vector<16xf32>
        %mul3A_254 = arith.constant 3.000000e+01 : f32
        %mul3A_255 = vector.broadcast %mul3A_254 : f32 to vector<16xf32>
        %mul3A_256 = arith.mulf %mul3A_255, %sub3A_219 : vector<16xf32>
        %sub3A_257 = arith.constant 4.000000e+01 : f32
        %sub3A_258 = vector.broadcast %sub3A_257 : f32 to vector<16xf32>
        %sub3A_259 = arith.subf %sub3A_258, %mul3A_256 : vector<16xf32>
        %mul3A_260 = arith.mulf %sub3A_259, %sub3A_219 : vector<16xf32>
        %mul3A_261 = arith.constant 1.000000e+01 : f32
        %mul3A_262 = vector.broadcast %mul3A_261 : f32 to vector<16xf32>
        %mul3A_263 = arith.mulf %mul3A_220, %mul3A_262 : vector<16xf32>
        %sub3A_264 = arith.constant 1.000000e+00 : f32
        %sub3A_265 = vector.broadcast %sub3A_264 : f32 to vector<16xf32>
        %sub3A_266 = arith.subf %sub3A_265, %select_n3A_169 : vector<16xf32>
        %mul3A_267 = arith.mulf %select_n3A_169, %select_n3A_169 : vector<16xf32>
        %mul3A_268 = arith.mulf %mul3A_267, %select_n3A_169 : vector<16xf32>
        %mul3A_269 = arith.mulf %sub3A_266, %sub3A_266 : vector<16xf32>
        %mul3A_270 = arith.mulf %mul3A_269, %sub3A_266 : vector<16xf32>
        %mul3A_271 = arith.constant 0.166666672 : f32
        %mul3A_272 = vector.broadcast %mul3A_271 : f32 to vector<16xf32>
        %mul3A_273 = arith.mulf %mul3A_270, %mul3A_272 : vector<16xf32>
        %mul3A_274 = arith.constant 5.000000e-01 : f32
        %mul3A_275 = vector.broadcast %mul3A_274 : f32 to vector<16xf32>
        %mul3A_276 = arith.mulf %mul3A_275, %mul3A_268 : vector<16xf32>
        %sub3A_277 = arith.subf %mul3A_276, %mul3A_267 : vector<16xf32>
        %add3A_278 = arith.constant 0.666666686 : f32
        %add3A_279 = vector.broadcast %add3A_278 : f32 to vector<16xf32>
        %add3A_280 = arith.addf %sub3A_277, %add3A_279 : vector<16xf32>
        %mul3A_281 = arith.constant 5.000000e-01 : f32
        %mul3A_282 = vector.broadcast %mul3A_281 : f32 to vector<16xf32>
        %mul3A_283 = arith.mulf %mul3A_282, %mul3A_270 : vector<16xf32>
        %sub3A_284 = arith.subf %mul3A_283, %mul3A_269 : vector<16xf32>
        %add3A_285 = arith.constant 0.666666686 : f32
        %add3A_286 = vector.broadcast %add3A_285 : f32 to vector<16xf32>
        %add3A_287 = arith.addf %sub3A_284, %add3A_286 : vector<16xf32>
        %mul3A_288 = arith.constant 0.166666672 : f32
        %mul3A_289 = vector.broadcast %mul3A_288 : f32 to vector<16xf32>
        %mul3A_290 = arith.mulf %mul3A_268, %mul3A_289 : vector<16xf32>
        %mul3A_291 = arith.constant -1.000000e+01 : f32
        %mul3A_292 = vector.broadcast %mul3A_291 : f32 to vector<16xf32>
        %mul3A_293 = arith.mulf %mul3A_269, %mul3A_292 : vector<16xf32>
        %mul3A_294 = arith.constant 3.000000e+01 : f32
        %mul3A_295 = vector.broadcast %mul3A_294 : f32 to vector<16xf32>
        %mul3A_296 = arith.mulf %mul3A_295, %select_n3A_169 : vector<16xf32>
        %sub3A_297 = arith.constant 4.000000e+01 : f32
        %sub3A_298 = vector.broadcast %sub3A_297 : f32 to vector<16xf32>
        %sub3A_299 = arith.subf %mul3A_296, %sub3A_298 : vector<16xf32>
        %mul3A_300 = arith.mulf %sub3A_299, %select_n3A_169 : vector<16xf32>
        %mul3A_301 = arith.constant 3.000000e+01 : f32
        %mul3A_302 = vector.broadcast %mul3A_301 : f32 to vector<16xf32>
        %mul3A_303 = arith.mulf %mul3A_302, %sub3A_266 : vector<16xf32>
        %sub3A_304 = arith.constant 4.000000e+01 : f32
        %sub3A_305 = vector.broadcast %sub3A_304 : f32 to vector<16xf32>
        %sub3A_306 = arith.subf %sub3A_305, %mul3A_303 : vector<16xf32>
        %mul3A_307 = arith.mulf %sub3A_306, %sub3A_266 : vector<16xf32>
        %mul3A_308 = arith.constant 1.000000e+01 : f32
        %mul3A_309 = vector.broadcast %mul3A_308 : f32 to vector<16xf32>
        %mul3A_310 = arith.mulf %mul3A_267, %mul3A_309 : vector<16xf32>
        %mul3A_311 = arith.mulf %mul3A_179, %mul3A_226 : vector<16xf32>
        %mul3A_312 = arith.mulf %mul3A_311, %mul3A_273 : vector<16xf32>
        %swap3A = arith.constant 0 : i32
        %swap3A_313 = arith.constant 0 : i32
        %swap3A_314 = arith.index_cast %swap3A : i32 to index
        %swap3A_315 = arith.index_cast %swap3A_313 : i32 to index
        %swap3A_316 = arith.index_cast %mul3A_115 : i32 to index
        %swap3A_317 = tpu.vector_load %arg7[%swap3A_314, %swap3A_315, %swap3A_316] {strides = array<i32>} : memref<2x64x128xf32, #tpu.memory_space<vmem>>, vector<16xf32>,
        tpu.vector_store %arg7[%swap3A_314, %swap3A_315, %swap3A_316], %mul3A_312 {strides = array<i32>} : memref<2x64x128xf32, #tpu.memory_space<vmem>>, vector<16xf32>,
        %mul3A_318 = arith.mulf %mul3A_311, %add3A_280 : vector<16xf32>
        %swap3A_319 = arith.constant 0 : i32
        %swap3A_320 = arith.constant 1 : i32
        %swap3A_321 = arith.index_cast %swap3A_319 : i32 to index
        %swap3A_322 = arith.index_cast %swap3A_320 : i32 to index
        %swap3A_323 = arith.index_cast %mul3A_115 : i32 to index
        %swap3A_324 = tpu.vector_load %arg7[%swap3A_321, %swap3A_322, %swap3A_323] {strides = array<i32>} : memref<2x64x128xf32, #tpu.memory_space<vmem>>, vector<16xf32>,
        tpu.vector_store %arg7[%swap3A_321, %swap3A_322, %swap3A_323], %mul3A_318 {strides = array<i32>} : memref<2x64x128xf32, #tpu.memory_space<vmem>>, vector<16xf32>,
        %mul3A_325 = arith.mulf %mul3A_311, %add3A_287 : vector<16xf32>
        %swap3A_326 = arith.constant 0 : i32
        %swap3A_327 = arith.constant 2 : i32
        %swap3A_328 = arith.index_cast %swap3A_326 : i32 to index
        %swap3A_329 = arith.index_cast %swap3A_327 : i32 to index
        %swap3A_330 = arith.index_cast %mul3A_115 : i32 to index
        %swap3A_331 = tpu.vector_load %arg7[%swap3A_328, %swap3A_329, %swap3A_330] {strides = array<i32>} : memref<2x64x128xf32, #tpu.memory_space<vmem>>, vector<16xf32>,
        tpu.vector_store %arg7[%swap3A_328, %swap3A_329, %swap3A_330], %mul3A_325 {strides = array<i32>} : memref<2x64x128xf32, #tpu.memory_space<vmem>>, vector<16xf32>,
        %mul3A_332 = arith.mulf %mul3A_311, %mul3A_290 : vector<16xf32>
        %swap3A_333 = arith.constant 0 : i32
        %swap3A_334 = arith.constant 3 : i32
        %swap3A_335 = arith.index_cast %swap3A_333 : i32 to index
        %swap3A_336 = arith.index_cast %swap3A_334 : i32 to index
        %swap3A_337 = arith.index_cast %mul3A_115 : i32 to index
        %swap3A_338 = tpu.vector_load %arg7[%swap3A_335, %swap3A_336, %swap3A_337] {strides = array<i32>} : memref<2x64x128xf32, #tpu.memory_space<vmem>>, vector<16xf32>,
        tpu.vector_store %arg7[%swap3A_335, %swap3A_336, %swap3A_337], %mul3A_332 {strides = array<i32>} : memref<2x64x128xf32, #tpu.memory_space<vmem>>, vector<16xf32>,
        %mul3A_339 = arith.mulf %mul3A_179, %add3A_233 : vector<16xf32>
        %mul3A_340 = arith.mulf %mul3A_339, %mul3A_273 : vector<16xf32>
        %swap3A_341 = arith.constant 0 : i32
        %swap3A_342 = arith.constant 4 : i32
        %swap3A_343 = arith.index_cast %swap3A_341 : i32 to index
        %swap3A_344 = arith.index_cast %swap3A_342 : i32 to index
        %swap3A_345 = arith.index_cast %mul3A_115 : i32 to index
        %swap3A_346 = tpu.vector_load %arg7[%swap3A_343, %swap3A_344, %swap3A_345] {strides = array<i32>} : memref<2x64x128xf32, #tpu.memory_space<vmem>>, vector<16xf32>,
        tpu.vector_store %arg7[%swap3A_343, %swap3A_344, %swap3A_345], %mul3A_340 {strides = array<i32>} : memref<2x64x128xf32, #tpu.memory_space<vmem>>, vector<16xf32>,
        %mul3A_347 = arith.mulf %mul3A_339, %add3A_280 : vector<16xf32>
        %swap3A_348 = arith.constant 0 : i32
        %swap3A_349 = arith.constant 5 : i32
        %swap3A_350 = arith.index_cast %swap3A_348 : i32 to index
        %swap3A_351 = arith.index_cast %swap3A_349 : i32 to index
        %swap3A_352 = arith.index_cast %mul3A_115 : i32 to index
        %swap3A_353 = tpu.vector_load %arg7[%swap3A_350, %swap3A_351, %swap3A_352] {strides = array<i32>} : memref<2x64x128xf32, #tpu.memory_space<vmem>>, vector<16xf32>,
        tpu.vector_store %arg7[%swap3A_350, %swap3A_351, %swap3A_352], %mul3A_347 {strides = array<i32>} : memref<2x64x128xf32, #tpu.memory_space<vmem>>, vector<16xf32>,
        %mul3A_354 = arith.mulf %mul3A_339, %add3A_287 : vector<16xf32>
        %swap3A_355 = arith.constant 0 : i32
        %swap3A_356 = arith.constant 6 : i32
        %swap3A_357 = arith.index_cast %swap3A_355 : i32 to index
        %swap3A_358 = arith.index_cast %swap3A_356 : i32 to index
        %swap3A_359 = arith.index_cast %mul3A_115 : i32 to index
        %swap3A_360 = tpu.vector_load %arg7[%swap3A_357, %swap3A_358, %swap3A_359] {strides = array<i32>} : memref<2x64x128xf32, #tpu.memory_space<vmem>>, vector<16xf32>,
        tpu.vector_store %arg7[%swap3A_357, %swap3A_358, %swap3A_359], %mul3A_354 {strides = array<i32>} : memref<2x64x128xf32, #tpu.memory_space<vmem>>, vector<16xf32>,
        %mul3A_361 = arith.mulf %mul3A_339, %mul3A_290 : vector<16xf32>
        %swap3A_362 = arith.constant 0 : i32
        %swap3A_363 = arith.constant 7 : i32
        %swap3A_364 = arith.index_cast %swap3A_362 : i32 to index
        %swap3A_365 = arith.index_cast %swap3A_363 : i32 to index
        %swap3A_366 = arith.index_cast %mul3A_115 : i32 to index
        %swap3A_367 = tpu.vector_load %arg7[%swap3A_364, %swap3A_365, %swap3A_366] {strides = array<i32>} : memref<2x64x128xf32, #tpu.memory_space<vmem>>, vector<16xf32>,
        tpu.vector_store %arg7[%swap3A_364, %swap3A_365, %swap3A_366], %mul3A_361 {strides = array<i32>} : memref<2x64x128xf32, #tpu.memory_space<vmem>>, vector<16xf32>,
        %mul3A_368 = arith.mulf %mul3A_179, %add3A_240 : vector<16xf32>
        %mul3A_369 = arith.mulf %mul3A_368, %mul3A_273 : vector<16xf32>
        %swap3A_370 = arith.constant 0 : i32
        %swap3A_371 = arith.constant 8 : i32
        %swap3A_372 = arith.index_cast %swap3A_370 : i32 to index
        %swap3A_373 = arith.index_cast %swap3A_371 : i32 to index
        %swap3A_374 = arith.index_cast %mul3A_115 : i32 to index
        %swap3A_375 = tpu.vector_load %arg7[%swap3A_372, %swap3A_373, %swap3A_374] {strides = array<i32>} : memref<2x64x128xf32, #tpu.memory_space<vmem>>, vector<16xf32>,
        tpu.vector_store %arg7[%swap3A_372, %swap3A_373, %swap3A_374], %mul3A_369 {strides = array<i32>} : memref<2x64x128xf32, #tpu.memory_space<vmem>>, vector<16xf32>,
        %mul3A_376 = arith.mulf %mul3A_368, %add3A_280 : vector<16xf32>
        %swap3A_377 = arith.constant 0 : i32
        %swap3A_378 = arith.constant 9 : i32
        %swap3A_379 = arith.index_cast %swap3A_377 : i32 to index
        %swap3A_380 = arith.index_cast %swap3A_378 : i32 to index
        %swap3A_381 = arith.index_cast %mul3A_115 : i32 to index
        %swap3A_382 = tpu.vector_load %arg7[%swap3A_379, %swap3A_380, %swap3A_381] {strides = array<i32>} : memref<2x64x128xf32, #tpu.memory_space<vmem>>, vector<16xf32>,
        tpu.vector_store %arg7[%swap3A_379, %swap3A_380, %swap3A_381], %mul3A_376 {strides = array<i32>} : memref<2x64x128xf32, #tpu.memory_space<vmem>>, vector<16xf32>,
        %mul3A_383 = arith.mulf %mul3A_368, %add3A_287 : vector<16xf32>
        %swap3A_384 = arith.constant 0 : i32
        %swap3A_385 = arith.constant 10 : i32
        %swap3A_386 = arith.index_cast %swap3A_384 : i32 to index
        %swap3A_387 = arith.index_cast %swap3A_385 : i32 to index
        %swap3A_388 = arith.index_cast %mul3A_115 : i32 to index
        %swap3A_389 = tpu.vector_load %arg7[%swap3A_386, %swap3A_387, %swap3A_388] {strides = array<i32>} : memref<2x64x128xf32, #tpu.memory_space<vmem>>, vector<16xf32>,
        tpu.vector_store %arg7[%swap3A_386, %swap3A_387, %swap3A_388], %mul3A_383 {strides = array<i32>} : memref<2x64x128xf32, #tpu.memory_space<vmem>>, vector<16xf32>,
        %mul3A_390 = arith.mulf %mul3A_368, %mul3A_290 : vector<16xf32>
        %swap3A_391 = arith.constant 0 : i32
        %swap3A_392 = arith.constant 11 : i32
        %swap3A_393 = arith.index_cast %swap3A_391 : i32 to index
        %swap3A_394 = arith.index_cast %swap3A_392 : i32 to index
        %swap3A_395 = arith.index_cast %mul3A_115 : i32 to index
        %swap3A_396 = tpu.vector_load %arg7[%swap3A_393, %swap3A_394, %swap3A_395] {strides = array<i32>} : memref<2x64x128xf32, #tpu.memory_space<vmem>>, vector<16xf32>,
        tpu.vector_store %arg7[%swap3A_393, %swap3A_394, %swap3A_395], %mul3A_390 {strides = array<i32>} : memref<2x64x128xf32, #tpu.memory_space<vmem>>, vector<16xf32>,
        %mul3A_397 = arith.mulf %mul3A_179, %mul3A_243 : vector<16xf32>
        %mul3A_398 = arith.mulf %mul3A_397, %mul3A_273 : vector<16xf32>
        %swap3A_399 = arith.constant 0 : i32
        %swap3A_400 = arith.constant 12 : i32
        %swap3A_401 = arith.index_cast %swap3A_399 : i32 to index
        %swap3A_402 = arith.index_cast %swap3A_400 : i32 to index
        %swap3A_403 = arith.index_cast %mul3A_115 : i32 to index
        %swap3A_404 = tpu.vector_load %arg7[%swap3A_401, %swap3A_402, %swap3A_403] {strides = array<i32>} : memref<2x64x128xf32, #tpu.memory_space<vmem>>, vector<16xf32>,
        tpu.vector_store %arg7[%swap3A_401, %swap3A_402, %swap3A_403], %mul3A_398 {strides = array<i32>} : memref<2x64x128xf32, #tpu.memory_space<vmem>>, vector<16xf32>,
        %mul3A_405 = arith.mulf %mul3A_397, %add3A_280 : vector<16xf32>
        %swap3A_406 = arith.constant 0 : i32
        %swap3A_407 = arith.constant 13 : i32
        %swap3A_408 = arith.index_cast %swap3A_406 : i32 to index
        %swap3A_409 = arith.index_cast %swap3A_407 : i32 to index
        %swap3A_410 = arith.index_cast %mul3A_115 : i32 to index
        %swap3A_411 = tpu.vector_load %arg7[%swap3A_408, %swap3A_409, %swap3A_410] {strides = array<i32>} : memref<2x64x128xf32, #tpu.memory_space<vmem>>, vector<16xf32>,
        tpu.vector_store %arg7[%swap3A_408, %swap3A_409, %swap3A_410], %mul3A_405 {strides = array<i32>} : memref<2x64x128xf32, #tpu.memory_space<vmem>>, vector<16xf32>,
        %mul3A_412 = arith.mulf %mul3A_397, %add3A_287 : vector<16xf32>
        %swap3A_413 = arith.constant 0 : i32
        %swap3A_414 = arith.constant 14 : i32
        %swap3A_415 = arith.index_cast %swap3A_413 : i32 to index
        %swap3A_416 = arith.index_cast %swap3A_414 : i32 to index
        %swap3A_417 = arith.index_cast %mul3A_115 : i32 to index
        %swap3A_418 = tpu.vector_load %arg7[%swap3A_415, %swap3A_416, %swap3A_417] {strides = array<i32>} : memref<2x64x128xf32, #tpu.memory_space<vmem>>, vector<16xf32>,
        tpu.vector_store %arg7[%swap3A_415, %swap3A_416, %swap3A_417], %mul3A_412 {strides = array<i32>} : memref<2x64x128xf32, #tpu.memory_space<vmem>>, vector<16xf32>,
        %mul3A_419 = arith.mulf %mul3A_397, %mul3A_290 : vector<16xf32>
        %swap3A_420 = arith.constant 0 : i32
        %swap3A_421 = arith.constant 15 : i32
        %swap3A_422 = arith.index_cast %swap3A_420 : i32 to index
        %swap3A_423 = arith.index_cast %swap3A_421 : i32 to index
        %swap3A_424 = arith.index_cast %mul3A_115 : i32 to index
        %swap3A_425 = tpu.vector_load %arg7[%swap3A_422, %swap3A_423, %swap3A_424] {strides = array<i32>} : memref<2x64x128xf32, #tpu.memory_space<vmem>>, vector<16xf32>,
        tpu.vector_store %arg7[%swap3A_422, %swap3A_423, %swap3A_424], %mul3A_419 {strides = array<i32>} : memref<2x64x128xf32, #tpu.memory_space<vmem>>, vector<16xf32>,
        %mul3A_426 = arith.mulf %add3A_186, %mul3A_226 : vector<16xf32>
        %mul3A_427 = arith.mulf %mul3A_426, %mul3A_273 : vector<16xf32>
        %swap3A_428 = arith.constant 0 : i32
        %swap3A_429 = arith.constant 16 : i32
        %swap3A_430 = arith.index_cast %swap3A_428 : i32 to index
        %swap3A_431 = arith.index_cast %swap3A_429 : i32 to index
        %swap3A_432 = arith.index_cast %mul3A_115 : i32 to index
        %swap3A_433 = tpu.vector_load %arg7[%swap3A_430, %swap3A_431, %swap3A_432] {strides = array<i32>} : memref<2x64x128xf32, #tpu.memory_space<vmem>>, vector<16xf32>,
        tpu.vector_store %arg7[%swap3A_430, %swap3A_431, %swap3A_432], %mul3A_427 {strides = array<i32>} : memref<2x64x128xf32, #tpu.memory_space<vmem>>, vector<16xf32>,
        %mul3A_434 = arith.mulf %mul3A_426, %add3A_280 : vector<16xf32>
        %swap3A_435 = arith.constant 0 : i32
        %swap3A_436 = arith.constant 17 : i32
        %swap3A_437 = arith.index_cast %swap3A_435 : i32 to index
        %swap3A_438 = arith.index_cast %swap3A_436 : i32 to index
        %swap3A_439 = arith.index_cast %mul3A_115 : i32 to index
        %swap3A_440 = tpu.vector_load %arg7[%swap3A_437, %swap3A_438, %swap3A_439] {strides = array<i32>} : memref<2x64x128xf32, #tpu.memory_space<vmem>>, vector<16xf32>,
        tpu.vector_store %arg7[%swap3A_437, %swap3A_438, %swap3A_439], %mul3A_434 {strides = array<i32>} : memref<2x64x128xf32, #tpu.memory_space<vmem>>, vector<16xf32>,
        %mul3A_441 = arith.mulf %mul3A_426, %add3A_287 : vector<16xf32>
        %swap3A_442 = arith.constant 0 : i32
        %swap3A_443 = arith.constant 18 : i32
        %swap3A_444 = arith.index_cast %swap3A_442 : i32 to index
        %swap3A_445 = arith.index_cast %swap3A_443 : i32 to index
        %swap3A_446 = arith.index_cast %mul3A_115 : i32 to index
        %swap3A_447 = tpu.vector_load %arg7[%swap3A_444, %swap3A_445, %swap3A_446] {strides = array<i32>} : memref<2x64x128xf32, #tpu.memory_space<vmem>>, vector<16xf32>,
        tpu.vector_store %arg7[%swap3A_444, %swap3A_445, %swap3A_446], %mul3A_441 {strides = array<i32>} : memref<2x64x128xf32, #tpu.memory_space<vmem>>, vector<16xf32>,
        %mul3A_448 = arith.mulf %mul3A_426, %mul3A_290 : vector<16xf32>
        %swap3A_449 = arith.constant 0 : i32
        %swap3A_450 = arith.constant 19 : i32
        %swap3A_451 = arith.index_cast %swap3A_449 : i32 to index
        %swap3A_452 = arith.index_cast %swap3A_450 : i32 to index
        %swap3A_453 = arith.index_cast %mul3A_115 : i32 to index
        %swap3A_454 = tpu.vector_load %arg7[%swap3A_451, %swap3A_452, %swap3A_453] {strides = array<i32>} : memref<2x64x128xf32, #tpu.memory_space<vmem>>, vector<16xf32>,
        tpu.vector_store %arg7[%swap3A_451, %swap3A_452, %swap3A_453], %mul3A_448 {strides = array<i32>} : memref<2x64x128xf32, #tpu.memory_space<vmem>>, vector<16xf32>,
        %mul3A_455 = arith.mulf %add3A_186, %add3A_233 : vector<16xf32>
        %mul3A_456 = arith.mulf %mul3A_455, %mul3A_273 : vector<16xf32>
        %swap3A_457 = arith.constant 0 : i32
        %swap3A_458 = arith.constant 20 : i32
        %swap3A_459 = arith.index_cast %swap3A_457 : i32 to index
        %swap3A_460 = arith.index_cast %swap3A_458 : i32 to index
        %swap3A_461 = arith.index_cast %mul3A_115 : i32 to index
        %swap3A_462 = tpu.vector_load %arg7[%swap3A_459, %swap3A_460, %swap3A_461] {strides = array<i32>} : memref<2x64x128xf32, #tpu.memory_space<vmem>>, vector<16xf32>,
        tpu.vector_store %arg7[%swap3A_459, %swap3A_460, %swap3A_461], %mul3A_456 {strides = array<i32>} : memref<2x64x128xf32, #tpu.memory_space<vmem>>, vector<16xf32>,
        %mul3A_463 = arith.mulf %mul3A_455, %add3A_280 : vector<16xf32>
        %swap3A_464 = arith.constant 0 : i32
        %swap3A_465 = arith.constant 21 : i32
        %swap3A_466 = arith.index_cast %swap3A_464 : i32 to index
        %swap3A_467 = arith.index_cast %swap3A_465 : i32 to index
        %swap3A_468 = arith.index_cast %mul3A_115 : i32 to index
        %swap3A_469 = tpu.vector_load %arg7[%swap3A_466, %swap3A_467, %swap3A_468] {strides = array<i32>} : memref<2x64x128xf32, #tpu.memory_space<vmem>>, vector<16xf32>,
        tpu.vector_store %arg7[%swap3A_466, %swap3A_467, %swap3A_468], %mul3A_463 {strides = array<i32>} : memref<2x64x128xf32, #tpu.memory_space<vmem>>, vector<16xf32>,
        %mul3A_470 = arith.mulf %mul3A_455, %add3A_287 : vector<16xf32>
        %swap3A_471 = arith.constant 0 : i32
        %swap3A_472 = arith.constant 22 : i32
        %swap3A_473 = arith.index_cast %swap3A_471 : i32 to index
        %swap3A_474 = arith.index_cast %swap3A_472 : i32 to index
        %swap3A_475 = arith.index_cast %mul3A_115 : i32 to index
        %swap3A_476 = tpu.vector_load %arg7[%swap3A_473, %swap3A_474, %swap3A_475] {strides = array<i32>} : memref<2x64x128xf32, #tpu.memory_space<vmem>>, vector<16xf32>,
        tpu.vector_store %arg7[%swap3A_473, %swap3A_474, %swap3A_475], %mul3A_470 {strides = array<i32>} : memref<2x64x128xf32, #tpu.memory_space<vmem>>, vector<16xf32>,
        %mul3A_477 = arith.mulf %mul3A_455, %mul3A_290 : vector<16xf32>
        %swap3A_478 = arith.constant 0 : i32
        %swap3A_479 = arith.constant 23 : i32
        %swap3A_480 = arith.index_cast %swap3A_478 : i32 to index
        %swap3A_481 = arith.index_cast %swap3A_479 : i32 to index
        %swap3A_482 = arith.index_cast %mul3A_115 : i32 to index
        %swap3A_483 = tpu.vector_load %arg7[%swap3A_480, %swap3A_481, %swap3A_482] {strides = array<i32>} : memref<2x64x128xf32, #tpu.memory_space<vmem>>, vector<16xf32>,
        tpu.vector_store %arg7[%swap3A_480, %swap3A_481, %swap3A_482], %mul3A_477 {strides = array<i32>} : memref<2x64x128xf32, #tpu.memory_space<vmem>>, vector<16xf32>,
        %mul3A_484 = arith.mulf %add3A_186, %add3A_240 : vector<16xf32>
        %mul3A_485 = arith.mulf %mul3A_484, %mul3A_273 : vector<16xf32>
        %swap3A_486 = arith.constant 0 : i32
        %swap3A_487 = arith.constant 24 : i32
        %swap3A_488 = arith.index_cast %swap3A_486 : i32 to index
        %swap3A_489 = arith.index_cast %swap3A_487 : i32 to index
        %swap3A_490 = arith.index_cast %mul3A_115 : i32 to index
        %swap3A_491 = tpu.vector_load %arg7[%swap3A_488, %swap3A_489, %swap3A_490] {strides = array<i32>} : memref<2x64x128xf32, #tpu.memory_space<vmem>>, vector<16xf32>,
        tpu.vector_store %arg7[%swap3A_488, %swap3A_489, %swap3A_490], %mul3A_485 {strides = array<i32>} : memref<2x64x128xf32, #tpu.memory_space<vmem>>, vector<16xf32>,
        %mul3A_492 = arith.mulf %mul3A_484, %add3A_280 : vector<16xf32>
        %swap3A_493 = arith.constant 0 : i32
        %swap3A_494 = arith.constant 25 : i32
        %swap3A_495 = arith.index_cast %swap3A_493 : i32 to index
        %swap3A_496 = arith.index_cast %swap3A_494 : i32 to index
        %swap3A_497 = arith.index_cast %mul3A_115 : i32 to index
        %swap3A_498 = tpu.vector_load %arg7[%swap3A_495, %swap3A_496, %swap3A_497] {strides = array<i32>} : memref<2x64x128xf32, #tpu.memory_space<vmem>>, vector<16xf32>,
        tpu.vector_store %arg7[%swap3A_495, %swap3A_496, %swap3A_497], %mul3A_492 {strides = array<i32>} : memref<2x64x128xf32, #tpu.memory_space<vmem>>, vector<16xf32>,
        %mul3A_499 = arith.mulf %mul3A_484, %add3A_287 : vector<16xf32>
        %swap3A_500 = arith.constant 0 : i32
        %swap3A_501 = arith.constant 26 : i32
        %swap3A_502 = arith.index_cast %swap3A_500 : i32 to index
        %swap3A_503 = arith.index_cast %swap3A_501 : i32 to index
        %swap3A_504 = arith.index_cast %mul3A_115 : i32 to index
        %swap3A_505 = tpu.vector_load %arg7[%swap3A_502, %swap3A_503, %swap3A_504] {strides = array<i32>} : memref<2x64x128xf32, #tpu.memory_space<vmem>>, vector<16xf32>,
        tpu.vector_store %arg7[%swap3A_502, %swap3A_503, %swap3A_504], %mul3A_499 {strides = array<i32>} : memref<2x64x128xf32, #tpu.memory_space<vmem>>, vector<16xf32>,
        %mul3A_506 = arith.mulf %mul3A_484, %mul3A_290 : vector<16xf32>
        %swap3A_507 = arith.constant 0 : i32
        %swap3A_508 = arith.constant 27 : i32
        %swap3A_509 = arith.index_cast %swap3A_507 : i32 to index
        %swap3A_510 = arith.index_cast %swap3A_508 : i32 to index
        %swap3A_511 = arith.index_cast %mul3A_115 : i32 to index
        %swap3A_512 = tpu.vector_load %arg7[%swap3A_509, %swap3A_510, %swap3A_511] {strides = array<i32>} : memref<2x64x128xf32, #tpu.memory_space<vmem>>, vector<16xf32>,
        tpu.vector_store %arg7[%swap3A_509, %swap3A_510, %swap3A_511], %mul3A_506 {strides = array<i32>} : memref<2x64x128xf32, #tpu.memory_space<vmem>>, vector<16xf32>,
        %mul3A_513 = arith.mulf %add3A_186, %mul3A_243 : vector<16xf32>
        %mul3A_514 = arith.mulf %mul3A_513, %mul3A_273 : vector<16xf32>
        %swap3A_515 = arith.constant 0 : i32
        %swap3A_516 = arith.constant 28 : i32
        %swap3A_517 = arith.index_cast %swap3A_515 : i32 to index
        %swap3A_518 = arith.index_cast %swap3A_516 : i32 to index
        %swap3A_519 = arith.index_cast %mul3A_115 : i32 to index
        %swap3A_520 = tpu.vector_load %arg7[%swap3A_517, %swap3A_518, %swap3A_519] {strides = array<i32>} : memref<2x64x128xf32, #tpu.memory_space<vmem>>, vector<16xf32>,
        tpu.vector_store %arg7[%swap3A_517, %swap3A_518, %swap3A_519], %mul3A_514 {strides = array<i32>} : memref<2x64x128xf32, #tpu.memory_space<vmem>>, vector<16xf32>,
        %mul3A_521 = arith.mulf %mul3A_513, %add3A_280 : vector<16xf32>
        %swap3A_522 = arith.constant 0 : i32
        %swap3A_523 = arith.constant 29 : i32
        %swap3A_524 = arith.index_cast %swap3A_522 : i32 to index
        %swap3A_525 = arith.index_cast %swap3A_523 : i32 to index
        %swap3A_526 = arith.index_cast %mul3A_115 : i32 to index
        %swap3A_527 = tpu.vector_load %arg7[%swap3A_524, %swap3A_525, %swap3A_526] {strides = array<i32>} : memref<2x64x128xf32, #tpu.memory_space<vmem>>, vector<16xf32>,
        tpu.vector_store %arg7[%swap3A_524, %swap3A_525, %swap3A_526], %mul3A_521 {strides = array<i32>} : memref<2x64x128xf32, #tpu.memory_space<vmem>>, vector<16xf32>,
        %mul3A_528 = arith.mulf %mul3A_513, %add3A_287 : vector<16xf32>
        %swap3A_529 = arith.constant 0 : i32
        %swap3A_530 = arith.constant 30 : i32
        %swap3A_531 = arith.index_cast %swap3A_529 : i32 to index
        %swap3A_532 = arith.index_cast %swap3A_530 : i32 to index
        %swap3A_533 = arith.index_cast %mul3A_115 : i32 to index
        %swap3A_534 = tpu.vector_load %arg7[%swap3A_531, %swap3A_532, %swap3A_533] {strides = array<i32>} : memref<2x64x128xf32, #tpu.memory_space<vmem>>, vector<16xf32>,
        tpu.vector_store %arg7[%swap3A_531, %swap3A_532, %swap3A_533], %mul3A_528 {strides = array<i32>} : memref<2x64x128xf32, #tpu.memory_space<vmem>>, vector<16xf32>,
        %mul3A_535 = arith.mulf %mul3A_513, %mul3A_290 : vector<16xf32>
        %swap3A_536 = arith.constant 0 : i32
        %swap3A_537 = arith.constant 31 : i32
        %swap3A_538 = arith.index_cast %swap3A_536 : i32 to index
        %swap3A_539 = arith.index_cast %swap3A_537 : i32 to index
        %swap3A_540 = arith.index_cast %mul3A_115 : i32 to index
        %swap3A_541 = tpu.vector_load %arg7[%swap3A_538, %swap3A_539, %swap3A_540] {strides = array<i32>} : memref<2x64x128xf32, #tpu.memory_space<vmem>>, vector<16xf32>,
        tpu.vector_store %arg7[%swap3A_538, %swap3A_539, %swap3A_540], %mul3A_535 {strides = array<i32>} : memref<2x64x128xf32, #tpu.memory_space<vmem>>, vector<16xf32>,
        %mul3A_542 = arith.mulf %add3A_193, %mul3A_226 : vector<16xf32>
        %mul3A_543 = arith.mulf %mul3A_542, %mul3A_273 : vector<16xf32>
        %swap3A_544 = arith.constant 0 : i32
        %swap3A_545 = arith.constant 32 : i32
        %swap3A_546 = arith.index_cast %swap3A_544 : i32 to index
        %swap3A_547 = arith.index_cast %swap3A_545 : i32 to index
        %swap3A_548 = arith.index_cast %mul3A_115 : i32 to index
        %swap3A_549 = tpu.vector_load %arg7[%swap3A_546, %swap3A_547, %swap3A_548] {strides = array<i32>} : memref<2x64x128xf32, #tpu.memory_space<vmem>>, vector<16xf32>,
        tpu.vector_store %arg7[%swap3A_546, %swap3A_547, %swap3A_548], %mul3A_543 {strides = array<i32>} : memref<2x64x128xf32, #tpu.memory_space<vmem>>, vector<16xf32>,
        %mul3A_550 = arith.mulf %mul3A_542, %add3A_280 : vector<16xf32>
        %swap3A_551 = arith.constant 0 : i32
        %swap3A_552 = arith.constant 33 : i32
        %swap3A_553 = arith.index_cast %swap3A_551 : i32 to index
        %swap3A_554 = arith.index_cast %swap3A_552 : i32 to index
        %swap3A_555 = arith.index_cast %mul3A_115 : i32 to index
        %swap3A_556 = tpu.vector_load %arg7[%swap3A_553, %swap3A_554, %swap3A_555] {strides = array<i32>} : memref<2x64x128xf32, #tpu.memory_space<vmem>>, vector<16xf32>,
        tpu.vector_store %arg7[%swap3A_553, %swap3A_554, %swap3A_555], %mul3A_550 {strides = array<i32>} : memref<2x64x128xf32, #tpu.memory_space<vmem>>, vector<16xf32>,
        %mul3A_557 = arith.mulf %mul3A_542, %add3A_287 : vector<16xf32>
        %swap3A_558 = arith.constant 0 : i32
        %swap3A_559 = arith.constant 34 : i32
        %swap3A_560 = arith.index_cast %swap3A_558 : i32 to index
        %swap3A_561 = arith.index_cast %swap3A_559 : i32 to index
        %swap3A_562 = arith.index_cast %mul3A_115 : i32 to index
        %swap3A_563 = tpu.vector_load %arg7[%swap3A_560, %swap3A_561, %swap3A_562] {strides = array<i32>} : memref<2x64x128xf32, #tpu.memory_space<vmem>>, vector<16xf32>,
        tpu.vector_store %arg7[%swap3A_560, %swap3A_561, %swap3A_562], %mul3A_557 {strides = array<i32>} : memref<2x64x128xf32, #tpu.memory_space<vmem>>, vector<16xf32>,
        %mul3A_564 = arith.mulf %mul3A_542, %mul3A_290 : vector<16xf32>
        %swap3A_565 = arith.constant 0 : i32
        %swap3A_566 = arith.constant 35 : i32
        %swap3A_567 = arith.index_cast %swap3A_565 : i32 to index
        %swap3A_568 = arith.index_cast %swap3A_566 : i32 to index
        %swap3A_569 = arith.index_cast %mul3A_115 : i32 to index
        %swap3A_570 = tpu.vector_load %arg7[%swap3A_567, %swap3A_568, %swap3A_569] {strides = array<i32>} : memref<2x64x128xf32, #tpu.memory_space<vmem>>, vector<16xf32>,
        tpu.vector_store %arg7[%swap3A_567, %swap3A_568, %swap3A_569], %mul3A_564 {strides = array<i32>} : memref<2x64x128xf32, #tpu.memory_space<vmem>>, vector<16xf32>,
        %mul3A_571 = arith.mulf %add3A_193, %add3A_233 : vector<16xf32>
        %mul3A_572 = arith.mulf %mul3A_571, %mul3A_273 : vector<16xf32>
        %swap3A_573 = arith.constant 0 : i32
        %swap3A_574 = arith.constant 36 : i32
        %swap3A_575 = arith.index_cast %swap3A_573 : i32 to index
        %swap3A_576 = arith.index_cast %swap3A_574 : i32 to index
        %swap3A_577 = arith.index_cast %mul3A_115 : i32 to index
        %swap3A_578 = tpu.vector_load %arg7[%swap3A_575, %swap3A_576, %swap3A_577] {strides = array<i32>} : memref<2x64x128xf32, #tpu.memory_space<vmem>>, vector<16xf32>,
        tpu.vector_store %arg7[%swap3A_575, %swap3A_576, %swap3A_577], %mul3A_572 {strides = array<i32>} : memref<2x64x128xf32, #tpu.memory_space<vmem>>, vector<16xf32>,
        %mul3A_579 = arith.mulf %mul3A_571, %add3A_280 : vector<16xf32>
        %swap3A_580 = arith.constant 0 : i32
        %swap3A_581 = arith.constant 37 : i32
        %swap3A_582 = arith.index_cast %swap3A_580 : i32 to index
        %swap3A_583 = arith.index_cast %swap3A_581 : i32 to index
        %swap3A_584 = arith.index_cast %mul3A_115 : i32 to index
        %swap3A_585 = tpu.vector_load %arg7[%swap3A_582, %swap3A_583, %swap3A_584] {strides = array<i32>} : memref<2x64x128xf32, #tpu.memory_space<vmem>>, vector<16xf32>,
        tpu.vector_store %arg7[%swap3A_582, %swap3A_583, %swap3A_584], %mul3A_579 {strides = array<i32>} : memref<2x64x128xf32, #tpu.memory_space<vmem>>, vector<16xf32>,
        %mul3A_586 = arith.mulf %mul3A_571, %add3A_287 : vector<16xf32>
        %swap3A_587 = arith.constant 0 : i32
        %swap3A_588 = arith.constant 38 : i32
        %swap3A_589 = arith.index_cast %swap3A_587 : i32 to index
        %swap3A_590 = arith.index_cast %swap3A_588 : i32 to index
        %swap3A_591 = arith.index_cast %mul3A_115 : i32 to index
        %swap3A_592 = tpu.vector_load %arg7[%swap3A_589, %swap3A_590, %swap3A_591] {strides = array<i32>} : memref<2x64x128xf32, #tpu.memory_space<vmem>>, vector<16xf32>,
        tpu.vector_store %arg7[%swap3A_589, %swap3A_590, %swap3A_591], %mul3A_586 {strides = array<i32>} : memref<2x64x128xf32, #tpu.memory_space<vmem>>, vector<16xf32>,
        %mul3A_593 = arith.mulf %mul3A_571, %mul3A_290 : vector<16xf32>
        %swap3A_594 = arith.constant 0 : i32
        %swap3A_595 = arith.constant 39 : i32
        %swap3A_596 = arith.index_cast %swap3A_594 : i32 to index
        %swap3A_597 = arith.index_cast %swap3A_595 : i32 to index
        %swap3A_598 = arith.index_cast %mul3A_115 : i32 to index
        %swap3A_599 = tpu.vector_load %arg7[%swap3A_596, %swap3A_597, %swap3A_598] {strides = array<i32>} : memref<2x64x128xf32, #tpu.memory_space<vmem>>, vector<16xf32>,
        tpu.vector_store %arg7[%swap3A_596, %swap3A_597, %swap3A_598], %mul3A_593 {strides = array<i32>} : memref<2x64x128xf32, #tpu.memory_space<vmem>>, vector<16xf32>,
        %mul3A_600 = arith.mulf %add3A_193, %add3A_240 : vector<16xf32>
        %mul3A_601 = arith.mulf %mul3A_600, %mul3A_273 : vector<16xf32>
        %swap3A_602 = arith.constant 0 : i32
        %swap3A_603 = arith.constant 40 : i32
        %swap3A_604 = arith.index_cast %swap3A_602 : i32 to index
        %swap3A_605 = arith.index_cast %swap3A_603 : i32 to index
        %swap3A_606 = arith.index_cast %mul3A_115 : i32 to index
        %swap3A_607 = tpu.vector_load %arg7[%swap3A_604, %swap3A_605, %swap3A_606] {strides = array<i32>} : memref<2x64x128xf32, #tpu.memory_space<vmem>>, vector<16xf32>,
        tpu.vector_store %arg7[%swap3A_604, %swap3A_605, %swap3A_606], %mul3A_601 {strides = array<i32>} : memref<2x64x128xf32, #tpu.memory_space<vmem>>, vector<16xf32>,
        %mul3A_608 = arith.mulf %mul3A_600, %add3A_280 : vector<16xf32>
        %swap3A_609 = arith.constant 0 : i32
        %swap3A_610 = arith.constant 41 : i32
        %swap3A_611 = arith.index_cast %swap3A_609 : i32 to index
        %swap3A_612 = arith.index_cast %swap3A_610 : i32 to index
        %swap3A_613 = arith.index_cast %mul3A_115 : i32 to index
        %swap3A_614 = tpu.vector_load %arg7[%swap3A_611, %swap3A_612, %swap3A_613] {strides = array<i32>} : memref<2x64x128xf32, #tpu.memory_space<vmem>>, vector<16xf32>,
        tpu.vector_store %arg7[%swap3A_611, %swap3A_612, %swap3A_613], %mul3A_608 {strides = array<i32>} : memref<2x64x128xf32, #tpu.memory_space<vmem>>, vector<16xf32>,
        %mul3A_615 = arith.mulf %mul3A_600, %add3A_287 : vector<16xf32>
        %swap3A_616 = arith.constant 0 : i32
        %swap3A_617 = arith.constant 42 : i32
        %swap3A_618 = arith.index_cast %swap3A_616 : i32 to index
        %swap3A_619 = arith.index_cast %swap3A_617 : i32 to index
        %swap3A_620 = arith.index_cast %mul3A_115 : i32 to index
        %swap3A_621 = tpu.vector_load %arg7[%swap3A_618, %swap3A_619, %swap3A_620] {strides = array<i32>} : memref<2x64x128xf32, #tpu.memory_space<vmem>>, vector<16xf32>,
        tpu.vector_store %arg7[%swap3A_618, %swap3A_619, %swap3A_620], %mul3A_615 {strides = array<i32>} : memref<2x64x128xf32, #tpu.memory_space<vmem>>, vector<16xf32>,
        %mul3A_622 = arith.mulf %mul3A_600, %mul3A_290 : vector<16xf32>
        %swap3A_623 = arith.constant 0 : i32
        %swap3A_624 = arith.constant 43 : i32
        %swap3A_625 = arith.index_cast %swap3A_623 : i32 to index
        %swap3A_626 = arith.index_cast %swap3A_624 : i32 to index
        %swap3A_627 = arith.index_cast %mul3A_115 : i32 to index
        %swap3A_628 = tpu.vector_load %arg7[%swap3A_625, %swap3A_626, %swap3A_627] {strides = array<i32>} : memref<2x64x128xf32, #tpu.memory_space<vmem>>, vector<16xf32>,
        tpu.vector_store %arg7[%swap3A_625, %swap3A_626, %swap3A_627], %mul3A_622 {strides = array<i32>} : memref<2x64x128xf32, #tpu.memory_space<vmem>>, vector<16xf32>,
        %mul3A_629 = arith.mulf %add3A_193, %mul3A_243 : vector<16xf32>
        %mul3A_630 = arith.mulf %mul3A_629, %mul3A_273 : vector<16xf32>
        %swap3A_631 = arith.constant 0 : i32
        %swap3A_632 = arith.constant 44 : i32
        %swap3A_633 = arith.index_cast %swap3A_631 : i32 to index
        %swap3A_634 = arith.index_cast %swap3A_632 : i32 to index
        %swap3A_635 = arith.index_cast %mul3A_115 : i32 to index
        %swap3A_636 = tpu.vector_load %arg7[%swap3A_633, %swap3A_634, %swap3A_635] {strides = array<i32>} : memref<2x64x128xf32, #tpu.memory_space<vmem>>, vector<16xf32>,
        tpu.vector_store %arg7[%swap3A_633, %swap3A_634, %swap3A_635], %mul3A_630 {strides = array<i32>} : memref<2x64x128xf32, #tpu.memory_space<vmem>>, vector<16xf32>,
        %mul3A_637 = arith.mulf %mul3A_629, %add3A_280 : vector<16xf32>
        %swap3A_638 = arith.constant 0 : i32
        %swap3A_639 = arith.constant 45 : i32
        %swap3A_640 = arith.index_cast %swap3A_638 : i32 to index
        %swap3A_641 = arith.index_cast %swap3A_639 : i32 to index
        %swap3A_642 = arith.index_cast %mul3A_115 : i32 to index
        %swap3A_643 = tpu.vector_load %arg7[%swap3A_640, %swap3A_641, %swap3A_642] {strides = array<i32>} : memref<2x64x128xf32, #tpu.memory_space<vmem>>, vector<16xf32>,
        tpu.vector_store %arg7[%swap3A_640, %swap3A_641, %swap3A_642], %mul3A_637 {strides = array<i32>} : memref<2x64x128xf32, #tpu.memory_space<vmem>>, vector<16xf32>,
        %mul3A_644 = arith.mulf %mul3A_629, %add3A_287 : vector<16xf32>
        %swap3A_645 = arith.constant 0 : i32
        %swap3A_646 = arith.constant 46 : i32
        %swap3A_647 = arith.index_cast %swap3A_645 : i32 to index
        %swap3A_648 = arith.index_cast %swap3A_646 : i32 to index
        %swap3A_649 = arith.index_cast %mul3A_115 : i32 to index
        %swap3A_650 = tpu.vector_load %arg7[%swap3A_647, %swap3A_648, %swap3A_649] {strides = array<i32>} : memref<2x64x128xf32, #tpu.memory_space<vmem>>, vector<16xf32>,
        tpu.vector_store %arg7[%swap3A_647, %swap3A_648, %swap3A_649], %mul3A_644 {strides = array<i32>} : memref<2x64x128xf32, #tpu.memory_space<vmem>>, vector<16xf32>,
        %mul3A_651 = arith.mulf %mul3A_629, %mul3A_290 : vector<16xf32>
        %swap3A_652 = arith.constant 0 : i32
        %swap3A_653 = arith.constant 47 : i32
        %swap3A_654 = arith.index_cast %swap3A_652 : i32 to index
        %swap3A_655 = arith.index_cast %swap3A_653 : i32 to index
        %swap3A_656 = arith.index_cast %mul3A_115 : i32 to index
        %swap3A_657 = tpu.vector_load %arg7[%swap3A_654, %swap3A_655, %swap3A_656] {strides = array<i32>} : memref<2x64x128xf32, #tpu.memory_space<vmem>>, vector<16xf32>,
        tpu.vector_store %arg7[%swap3A_654, %swap3A_655, %swap3A_656], %mul3A_651 {strides = array<i32>} : memref<2x64x128xf32, #tpu.memory_space<vmem>>, vector<16xf32>,
        %mul3A_658 = arith.mulf %mul3A_196, %mul3A_226 : vector<16xf32>
        %mul3A_659 = arith.mulf %mul3A_658, %mul3A_273 : vector<16xf32>
        %swap3A_660 = arith.constant 0 : i32
        %swap3A_661 = arith.constant 48 : i32
        %swap3A_662 = arith.index_cast %swap3A_660 : i32 to index
        %swap3A_663 = arith.index_cast %swap3A_661 : i32 to index
        %swap3A_664 = arith.index_cast %mul3A_115 : i32 to index
        %swap3A_665 = tpu.vector_load %arg7[%swap3A_662, %swap3A_663, %swap3A_664] {strides = array<i32>} : memref<2x64x128xf32, #tpu.memory_space<vmem>>, vector<16xf32>,
        tpu.vector_store %arg7[%swap3A_662, %swap3A_663, %swap3A_664], %mul3A_659 {strides = array<i32>} : memref<2x64x128xf32, #tpu.memory_space<vmem>>, vector<16xf32>,
        %mul3A_666 = arith.mulf %mul3A_658, %add3A_280 : vector<16xf32>
        %swap3A_667 = arith.constant 0 : i32
        %swap3A_668 = arith.constant 49 : i32
        %swap3A_669 = arith.index_cast %swap3A_667 : i32 to index
        %swap3A_670 = arith.index_cast %swap3A_668 : i32 to index
        %swap3A_671 = arith.index_cast %mul3A_115 : i32 to index
        %swap3A_672 = tpu.vector_load %arg7[%swap3A_669, %swap3A_670, %swap3A_671] {strides = array<i32>} : memref<2x64x128xf32, #tpu.memory_space<vmem>>, vector<16xf32>,
        tpu.vector_store %arg7[%swap3A_669, %swap3A_670, %swap3A_671], %mul3A_666 {strides = array<i32>} : memref<2x64x128xf32, #tpu.memory_space<vmem>>, vector<16xf32>,
        %mul3A_673 = arith.mulf %mul3A_658, %add3A_287 : vector<16xf32>
        %swap3A_674 = arith.constant 0 : i32
        %swap3A_675 = arith.constant 50 : i32
        %swap3A_676 = arith.index_cast %swap3A_674 : i32 to index
        %swap3A_677 = arith.index_cast %swap3A_675 : i32 to index
        %swap3A_678 = arith.index_cast %mul3A_115 : i32 to index
        %swap3A_679 = tpu.vector_load %arg7[%swap3A_676, %swap3A_677, %swap3A_678] {strides = array<i32>} : memref<2x64x128xf32, #tpu.memory_space<vmem>>, vector<16xf32>,
        tpu.vector_store %arg7[%swap3A_676, %swap3A_677, %swap3A_678], %mul3A_673 {strides = array<i32>} : memref<2x64x128xf32, #tpu.memory_space<vmem>>, vector<16xf32>,
        %mul3A_680 = arith.mulf %mul3A_658, %mul3A_290 : vector<16xf32>
        %swap3A_681 = arith.constant 0 : i32
        %swap3A_682 = arith.constant 51 : i32
        %swap3A_683 = arith.index_cast %swap3A_681 : i32 to index
        %swap3A_684 = arith.index_cast %swap3A_682 : i32 to index
        %swap3A_685 = arith.index_cast %mul3A_115 : i32 to index
        %swap3A_686 = tpu.vector_load %arg7[%swap3A_683, %swap3A_684, %swap3A_685] {strides = array<i32>} : memref<2x64x128xf32, #tpu.memory_space<vmem>>, vector<16xf32>,
        tpu.vector_store %arg7[%swap3A_683, %swap3A_684, %swap3A_685], %mul3A_680 {strides = array<i32>} : memref<2x64x128xf32, #tpu.memory_space<vmem>>, vector<16xf32>,
        %mul3A_687 = arith.mulf %mul3A_196, %add3A_233 : vector<16xf32>
        %mul3A_688 = arith.mulf %mul3A_687, %mul3A_273 : vector<16xf32>
        %swap3A_689 = arith.constant 0 : i32
        %swap3A_690 = arith.constant 52 : i32
        %swap3A_691 = arith.index_cast %swap3A_689 : i32 to index
        %swap3A_692 = arith.index_cast %swap3A_690 : i32 to index
        %swap3A_693 = arith.index_cast %mul3A_115 : i32 to index
        %swap3A_694 = tpu.vector_load %arg7[%swap3A_691, %swap3A_692, %swap3A_693] {strides = array<i32>} : memref<2x64x128xf32, #tpu.memory_space<vmem>>, vector<16xf32>,
        tpu.vector_store %arg7[%swap3A_691, %swap3A_692, %swap3A_693], %mul3A_688 {strides = array<i32>} : memref<2x64x128xf32, #tpu.memory_space<vmem>>, vector<16xf32>,
        %mul3A_695 = arith.mulf %mul3A_687, %add3A_280 : vector<16xf32>
        %swap3A_696 = arith.constant 0 : i32
        %swap3A_697 = arith.constant 53 : i32
        %swap3A_698 = arith.index_cast %swap3A_696 : i32 to index
        %swap3A_699 = arith.index_cast %swap3A_697 : i32 to index
        %swap3A_700 = arith.index_cast %mul3A_115 : i32 to index
        %swap3A_701 = tpu.vector_load %arg7[%swap3A_698, %swap3A_699, %swap3A_700] {strides = array<i32>} : memref<2x64x128xf32, #tpu.memory_space<vmem>>, vector<16xf32>,
        tpu.vector_store %arg7[%swap3A_698, %swap3A_699, %swap3A_700], %mul3A_695 {strides = array<i32>} : memref<2x64x128xf32, #tpu.memory_space<vmem>>, vector<16xf32>,
        %mul3A_702 = arith.mulf %mul3A_687, %add3A_287 : vector<16xf32>
        %swap3A_703 = arith.constant 0 : i32
        %swap3A_704 = arith.constant 54 : i32
        %swap3A_705 = arith.index_cast %swap3A_703 : i32 to index
        %swap3A_706 = arith.index_cast %swap3A_704 : i32 to index
        %swap3A_707 = arith.index_cast %mul3A_115 : i32 to index
        %swap3A_708 = tpu.vector_load %arg7[%swap3A_705, %swap3A_706, %swap3A_707] {strides = array<i32>} : memref<2x64x128xf32, #tpu.memory_space<vmem>>, vector<16xf32>,
        tpu.vector_store %arg7[%swap3A_705, %swap3A_706, %swap3A_707], %mul3A_702 {strides = array<i32>} : memref<2x64x128xf32, #tpu.memory_space<vmem>>, vector<16xf32>,
        %mul3A_709 = arith.mulf %mul3A_687, %mul3A_290 : vector<16xf32>
        %swap3A_710 = arith.constant 0 : i32
        %swap3A_711 = arith.constant 55 : i32
        %swap3A_712 = arith.index_cast %swap3A_710 : i32 to index
        %swap3A_713 = arith.index_cast %swap3A_711 : i32 to index
        %swap3A_714 = arith.index_cast %mul3A_115 : i32 to index
        %swap3A_715 = tpu.vector_load %arg7[%swap3A_712, %swap3A_713, %swap3A_714] {strides = array<i32>} : memref<2x64x128xf32, #tpu.memory_space<vmem>>, vector<16xf32>,
        tpu.vector_store %arg7[%swap3A_712, %swap3A_713, %swap3A_714], %mul3A_709 {strides = array<i32>} : memref<2x64x128xf32, #tpu.memory_space<vmem>>, vector<16xf32>,
        %mul3A_716 = arith.mulf %mul3A_196, %add3A_240 : vector<16xf32>
        %mul3A_717 = arith.mulf %mul3A_716, %mul3A_273 : vector<16xf32>
        %swap3A_718 = arith.constant 0 : i32
        %swap3A_719 = arith.constant 56 : i32
        %swap3A_720 = arith.index_cast %swap3A_718 : i32 to index
        %swap3A_721 = arith.index_cast %swap3A_719 : i32 to index
        %swap3A_722 = arith.index_cast %mul3A_115 : i32 to index
        %swap3A_723 = tpu.vector_load %arg7[%swap3A_720, %swap3A_721, %swap3A_722] {strides = array<i32>} : memref<2x64x128xf32, #tpu.memory_space<vmem>>, vector<16xf32>,
        tpu.vector_store %arg7[%swap3A_720, %swap3A_721, %swap3A_722], %mul3A_717 {strides = array<i32>} : memref<2x64x128xf32, #tpu.memory_space<vmem>>, vector<16xf32>,
        %mul3A_724 = arith.mulf %mul3A_716, %add3A_280 : vector<16xf32>
        %swap3A_725 = arith.constant 0 : i32
        %swap3A_726 = arith.constant 57 : i32
        %swap3A_727 = arith.index_cast %swap3A_725 : i32 to index
        %swap3A_728 = arith.index_cast %swap3A_726 : i32 to index
        %swap3A_729 = arith.index_cast %mul3A_115 : i32 to index
        %swap3A_730 = tpu.vector_load %arg7[%swap3A_727, %swap3A_728, %swap3A_729] {strides = array<i32>} : memref<2x64x128xf32, #tpu.memory_space<vmem>>, vector<16xf32>,
        tpu.vector_store %arg7[%swap3A_727, %swap3A_728, %swap3A_729], %mul3A_724 {strides = array<i32>} : memref<2x64x128xf32, #tpu.memory_space<vmem>>, vector<16xf32>,
        %mul3A_731 = arith.mulf %mul3A_716, %add3A_287 : vector<16xf32>
        %swap3A_732 = arith.constant 0 : i32
        %swap3A_733 = arith.constant 58 : i32
        %swap3A_734 = arith.index_cast %swap3A_732 : i32 to index
        %swap3A_735 = arith.index_cast %swap3A_733 : i32 to index
        %swap3A_736 = arith.index_cast %mul3A_115 : i32 to index
        %swap3A_737 = tpu.vector_load %arg7[%swap3A_734, %swap3A_735, %swap3A_736] {strides = array<i32>} : memref<2x64x128xf32, #tpu.memory_space<vmem>>, vector<16xf32>,
        tpu.vector_store %arg7[%swap3A_734, %swap3A_735, %swap3A_736], %mul3A_731 {strides = array<i32>} : memref<2x64x128xf32, #tpu.memory_space<vmem>>, vector<16xf32>,
        %mul3A_738 = arith.mulf %mul3A_716, %mul3A_290 : vector<16xf32>
        %swap3A_739 = arith.constant 0 : i32
        %swap3A_740 = arith.constant 59 : i32
        %swap3A_741 = arith.index_cast %swap3A_739 : i32 to index
        %swap3A_742 = arith.index_cast %swap3A_740 : i32 to index
        %swap3A_743 = arith.index_cast %mul3A_115 : i32 to index
        %swap3A_744 = tpu.vector_load %arg7[%swap3A_741, %swap3A_742, %swap3A_743] {strides = array<i32>} : memref<2x64x128xf32, #tpu.memory_space<vmem>>, vector<16xf32>,
        tpu.vector_store %arg7[%swap3A_741, %swap3A_742, %swap3A_743], %mul3A_738 {strides = array<i32>} : memref<2x64x128xf32, #tpu.memory_space<vmem>>, vector<16xf32>,
        %mul3A_745 = arith.mulf %mul3A_196, %mul3A_243 : vector<16xf32>
        %mul3A_746 = arith.mulf %mul3A_745, %mul3A_273 : vector<16xf32>
        %swap3A_747 = arith.constant 0 : i32
        %swap3A_748 = arith.constant 60 : i32
        %swap3A_749 = arith.index_cast %swap3A_747 : i32 to index
        %swap3A_750 = arith.index_cast %swap3A_748 : i32 to index
        %swap3A_751 = arith.index_cast %mul3A_115 : i32 to index
        %swap3A_752 = tpu.vector_load %arg7[%swap3A_749, %swap3A_750, %swap3A_751] {strides = array<i32>} : memref<2x64x128xf32, #tpu.memory_space<vmem>>, vector<16xf32>,
        tpu.vector_store %arg7[%swap3A_749, %swap3A_750, %swap3A_751], %mul3A_746 {strides = array<i32>} : memref<2x64x128xf32, #tpu.memory_space<vmem>>, vector<16xf32>,
        %mul3A_753 = arith.mulf %mul3A_745, %add3A_280 : vector<16xf32>
        %swap3A_754 = arith.constant 0 : i32
        %swap3A_755 = arith.constant 61 : i32
        %swap3A_756 = arith.index_cast %swap3A_754 : i32 to index
        %swap3A_757 = arith.index_cast %swap3A_755 : i32 to index
        %swap3A_758 = arith.index_cast %mul3A_115 : i32 to index
        %swap3A_759 = tpu.vector_load %arg7[%swap3A_756, %swap3A_757, %swap3A_758] {strides = array<i32>} : memref<2x64x128xf32, #tpu.memory_space<vmem>>, vector<16xf32>,
        tpu.vector_store %arg7[%swap3A_756, %swap3A_757, %swap3A_758], %mul3A_753 {strides = array<i32>} : memref<2x64x128xf32, #tpu.memory_space<vmem>>, vector<16xf32>,
        %mul3A_760 = arith.mulf %mul3A_745, %add3A_287 : vector<16xf32>
        %swap3A_761 = arith.constant 0 : i32
        %swap3A_762 = arith.constant 62 : i32
        %swap3A_763 = arith.index_cast %swap3A_761 : i32 to index
        %swap3A_764 = arith.index_cast %swap3A_762 : i32 to index
        %swap3A_765 = arith.index_cast %mul3A_115 : i32 to index
        %swap3A_766 = tpu.vector_load %arg7[%swap3A_763, %swap3A_764, %swap3A_765] {strides = array<i32>} : memref<2x64x128xf32, #tpu.memory_space<vmem>>, vector<16xf32>,
        tpu.vector_store %arg7[%swap3A_763, %swap3A_764, %swap3A_765], %mul3A_760 {strides = array<i32>} : memref<2x64x128xf32, #tpu.memory_space<vmem>>, vector<16xf32>,
        %mul3A_767 = arith.mulf %mul3A_745, %mul3A_290 : vector<16xf32>
        %swap3A_768 = arith.constant 0 : i32
        %swap3A_769 = arith.constant 63 : i32
        %swap3A_770 = arith.index_cast %swap3A_768 : i32 to index
        %swap3A_771 = arith.index_cast %swap3A_769 : i32 to index
        %swap3A_772 = arith.index_cast %mul3A_115 : i32 to index
        %swap3A_773 = tpu.vector_load %arg7[%swap3A_770, %swap3A_771, %swap3A_772] {strides = array<i32>} : memref<2x64x128xf32, #tpu.memory_space<vmem>>, vector<16xf32>,
        tpu.vector_store %arg7[%swap3A_770, %swap3A_771, %swap3A_772], %mul3A_767 {strides = array<i32>} : memref<2x64x128xf32, #tpu.memory_space<vmem>>, vector<16xf32>,
      }
      %scan3A_106 = arith.constant 4 : i32
      %scan3A_107 = arith.constant 0 : i32
      %scan3A_108 = arith.constant 0 : i32
      %scan3A_109 = arith.constant 64 : i32
      %scan3A_110 = arith.addi %scan3A_108, %scan3A_109 : i32
      %scan3A_111 = arith.constant 1 : i32
      scf.for %scan3A_113 = %scan3A_108 to %scan3A_110 step %scan3A_111  : i32 {
        %run_scoped3A_114 = arith.constant 0 : i32
        "tpu.region"() ({
          %run_scoped3A_115 = tpu.sem_alloc : memref<!tpu.dma_semaphore, #tpu.memory_space<semaphore_mem>>
          %dma_start3A_116 = arith.constant 0 : i32
          %dma_start3A_117 = tpu.memref_slice %arg7[%run_scoped3A_114, %scan3A_113, %dma_start3A_116] : memref<2x64x128xf32, #tpu.memory_space<vmem>> -> memref<1x1x64xf32, #tpu.memory_space<vmem>>
          %dma_start3A_118 = tpu.memref_squeeze %dma_start3A_117 : memref<1x1x64xf32, #tpu.memory_space<vmem>> -> memref<64xf32, #tpu.memory_space<vmem>>
          %dma_start3A_119 = arith.constant 199936 : i32
          %dma_start3A_120 = tpu.memref_slice %arg5[%scan3A_113, %dma_start3A_119] : memref<64x200000xf32, #tpu.memory_space<hbm>> -> memref<1x64xf32, #tpu.memory_space<hbm>>
          %dma_start3A_121 = tpu.memref_squeeze %dma_start3A_120 : memref<1x64xf32, #tpu.memory_space<hbm>> -> memref<64xf32, #tpu.memory_space<hbm>>
          %dma_start3A_122 = arith.constant 199936 : i32
          %dma_start3A_123 = tpu.memref_slice %arg5[%scan3A_113, %dma_start3A_122] : memref<64x200000xf32, #tpu.memory_space<hbm>> -> memref<1x64xf32, #tpu.memory_space<hbm>>
          %dma_start3A_124 = tpu.memref_squeeze %dma_start3A_123 : memref<1x64xf32, #tpu.memory_space<hbm>> -> memref<64xf32, #tpu.memory_space<hbm>>
          %dma_start3A_125 = arith.constant 0 : i32
          %dma_start3A_126 = tpu.memref_slice %arg7[%run_scoped3A_114, %scan3A_113, %dma_start3A_125] : memref<2x64x128xf32, #tpu.memory_space<vmem>> -> memref<1x1x64xf32, #tpu.memory_space<vmem>>
          %dma_start3A_127 = tpu.memref_squeeze %dma_start3A_126 : memref<1x1x64xf32, #tpu.memory_space<vmem>> -> memref<64xf32, #tpu.memory_space<vmem>>
          tpu.enqueue_dma source(%dma_start3A_127 : memref<64xf32, #tpu.memory_space<vmem>>) target(%dma_start3A_124 : memref<64xf32, #tpu.memory_space<hbm>>) target_semaphore(%run_scoped3A_115 : memref<!tpu.dma_semaphore, #tpu.memory_space<semaphore_mem>>)
          %dma_wait3A_128 = arith.constant 0 : i32
          %dma_wait3A_129 = tpu.memref_slice %arg7[%run_scoped3A_114, %scan3A_113, %dma_wait3A_128] : memref<2x64x128xf32, #tpu.memory_space<vmem>> -> memref<1x1x64xf32, #tpu.memory_space<vmem>>
          %dma_wait3A_130 = tpu.memref_squeeze %dma_wait3A_129 : memref<1x1x64xf32, #tpu.memory_space<vmem>> -> memref<64xf32, #tpu.memory_space<vmem>>
          %dma_wait3A_131 = arith.constant 199936 : i32
          %dma_wait3A_132 = tpu.memref_slice %arg5[%scan3A_113, %dma_wait3A_131] : memref<64x200000xf32, #tpu.memory_space<hbm>> -> memref<1x64xf32, #tpu.memory_space<hbm>>
          %dma_wait3A_133 = tpu.memref_squeeze %dma_wait3A_132 : memref<1x64xf32, #tpu.memory_space<hbm>> -> memref<64xf32, #tpu.memory_space<hbm>>
          %dma_wait3A_134 = arith.constant 199936 : i32
          %dma_wait3A_135 = tpu.memref_slice %arg5[%scan3A_113, %dma_wait3A_134] : memref<64x200000xf32, #tpu.memory_space<hbm>> -> memref<1x64xf32, #tpu.memory_space<hbm>>
          %dma_wait3A_136 = tpu.memref_squeeze %dma_wait3A_135 : memref<1x64xf32, #tpu.memory_space<hbm>> -> memref<64xf32, #tpu.memory_space<hbm>>
          %dma_wait3A_137 = arith.constant 0 : i32
          %dma_wait3A_138 = tpu.memref_slice %arg7[%run_scoped3A_114, %scan3A_113, %dma_wait3A_137] : memref<2x64x128xf32, #tpu.memory_space<vmem>> -> memref<1x1x64xf32, #tpu.memory_space<vmem>>
          %dma_wait3A_139 = tpu.memref_squeeze %dma_wait3A_138 : memref<1x1x64xf32, #tpu.memory_space<vmem>> -> memref<64xf32, #tpu.memory_space<vmem>>
          tpu.wait_dma2 semaphore(%run_scoped3A_115 : memref<!tpu.dma_semaphore, #tpu.memory_space<semaphore_mem>>) src(%dma_wait3A_139 : memref<64xf32, #tpu.memory_space<vmem>>) dst(%dma_wait3A_136 : memref<64xf32, #tpu.memory_space<hbm>>)
          tpu.yield
        }) : () -> ()
      }
      %scan3A_112 = arith.constant 64 : i32
    } else {
    }
    return
  }
}

module attributes {stable_mosaic.version = 14 : i64} {
  func.func @_tc_grad_body(%arg0: i32, %arg1: memref<3x16384xf32, #tpu.memory_space<vmem>>, %arg2: memref<3x64x16384xf32, #tpu.memory_space<vmem>>) attributes {dimension_semantics = [#tpu.dimension_semantics<arbitrary>], iteration_bounds = array<i64: 13>, scalar_prefetch = 0 : i64, scratch_operands = 0 : i64, tpu.core_type = #tpu.core_type<tc>, window_params = [{transform_indices = @transform_0, window_bounds = array<i64: 3, 16384>}, {transform_indices = @transform_1, window_bounds = array<i64: 3, 64, 16384>}]} {
    %get3A = arith.constant 0 : index
    %get3A_0 = arith.constant 0 : index
    %get3A_1 = vector.load %arg1[%get3A, %get3A_0] : memref<3x16384xf32, #tpu.memory_space<vmem>>, vector<3x16384xf32>
    %mul3A = arith.constant 2.000000e+01 : f32
    %mul3A_2 = vector.broadcast %mul3A : f32 to vector<3x16384xf32>
    %mul3A_3 = arith.mulf %get3A_1, %mul3A_2 : vector<3x16384xf32>
    %convert_element_type3A = arith.fptosi %mul3A_3 : vector<3x16384xf32> to vector<3x16384xi32>
    %convert_element_type3A_4 = arith.sitofp %convert_element_type3A : vector<3x16384xi32> to vector<3x16384xf32>
    %sub3A = arith.subf %mul3A_3, %convert_element_type3A_4 : vector<3x16384xf32>
    %lt3A = arith.constant 0.000000e+00 : f32
    %lt3A_5 = vector.broadcast %lt3A : f32 to vector<3x16384xf32>
    %lt3A_6 = arith.cmpf olt, %sub3A, %lt3A_5 : vector<3x16384xf32>
    %add3A = arith.constant 1.000000e+00 : f32
    %add3A_7 = vector.broadcast %add3A : f32 to vector<3x16384xf32>
    %add3A_8 = arith.addf %sub3A, %add3A_7 : vector<3x16384xf32>
    %select_n3A = arith.select %lt3A_6, %add3A_8, %sub3A : vector<3x16384xi1>, vector<3x16384xf32>
    %sub3A_9 = arith.constant 1.000000e+00 : f32
    %sub3A_10 = vector.broadcast %sub3A_9 : f32 to vector<3x16384xf32>
    %sub3A_11 = arith.subf %sub3A_10, %select_n3A : vector<3x16384xf32>
    %mul3A_12 = arith.mulf %select_n3A, %select_n3A : vector<3x16384xf32>
    %mul3A_13 = arith.mulf %mul3A_12, %select_n3A : vector<3x16384xf32>
    %mul3A_14 = arith.mulf %sub3A_11, %sub3A_11 : vector<3x16384xf32>
    %mul3A_15 = arith.mulf %mul3A_14, %sub3A_11 : vector<3x16384xf32>
    %mul3A_16 = arith.constant 0.166666672 : f32
    %mul3A_17 = vector.broadcast %mul3A_16 : f32 to vector<3x16384xf32>
    %mul3A_18 = arith.mulf %mul3A_15, %mul3A_17 : vector<3x16384xf32>
    %mul3A_19 = arith.constant 5.000000e-01 : f32
    %mul3A_20 = vector.broadcast %mul3A_19 : f32 to vector<3x16384xf32>
    %mul3A_21 = arith.mulf %mul3A_20, %mul3A_13 : vector<3x16384xf32>
    %sub3A_22 = arith.subf %mul3A_21, %mul3A_12 : vector<3x16384xf32>
    %add3A_23 = arith.constant 0.666666686 : f32
    %add3A_24 = vector.broadcast %add3A_23 : f32 to vector<3x16384xf32>
    %add3A_25 = arith.addf %sub3A_22, %add3A_24 : vector<3x16384xf32>
    %mul3A_26 = arith.constant 5.000000e-01 : f32
    %mul3A_27 = vector.broadcast %mul3A_26 : f32 to vector<3x16384xf32>
    %mul3A_28 = arith.mulf %mul3A_27, %mul3A_15 : vector<3x16384xf32>
    %sub3A_29 = arith.subf %mul3A_28, %mul3A_14 : vector<3x16384xf32>
    %add3A_30 = arith.constant 0.666666686 : f32
    %add3A_31 = vector.broadcast %add3A_30 : f32 to vector<3x16384xf32>
    %add3A_32 = arith.addf %sub3A_29, %add3A_31 : vector<3x16384xf32>
    %mul3A_33 = arith.constant 0.166666672 : f32
    %mul3A_34 = vector.broadcast %mul3A_33 : f32 to vector<3x16384xf32>
    %mul3A_35 = arith.mulf %mul3A_13, %mul3A_34 : vector<3x16384xf32>
    %mul3A_36 = arith.constant -1.000000e+01 : f32
    %mul3A_37 = vector.broadcast %mul3A_36 : f32 to vector<3x16384xf32>
    %mul3A_38 = arith.mulf %mul3A_14, %mul3A_37 : vector<3x16384xf32>
    %mul3A_39 = arith.constant 3.000000e+01 : f32
    %mul3A_40 = vector.broadcast %mul3A_39 : f32 to vector<3x16384xf32>
    %mul3A_41 = arith.mulf %mul3A_40, %select_n3A : vector<3x16384xf32>
    %sub3A_42 = arith.constant 4.000000e+01 : f32
    %sub3A_43 = vector.broadcast %sub3A_42 : f32 to vector<3x16384xf32>
    %sub3A_44 = arith.subf %mul3A_41, %sub3A_43 : vector<3x16384xf32>
    %mul3A_45 = arith.mulf %sub3A_44, %select_n3A : vector<3x16384xf32>
    %mul3A_46 = arith.constant 3.000000e+01 : f32
    %mul3A_47 = vector.broadcast %mul3A_46 : f32 to vector<3x16384xf32>
    %mul3A_48 = arith.mulf %mul3A_47, %sub3A_11 : vector<3x16384xf32>
    %sub3A_49 = arith.constant 4.000000e+01 : f32
    %sub3A_50 = vector.broadcast %sub3A_49 : f32 to vector<3x16384xf32>
    %sub3A_51 = arith.subf %sub3A_50, %mul3A_48 : vector<3x16384xf32>
    %mul3A_52 = arith.mulf %sub3A_51, %sub3A_11 : vector<3x16384xf32>
    %mul3A_53 = arith.constant 1.000000e+01 : f32
    %mul3A_54 = vector.broadcast %mul3A_53 : f32 to vector<3x16384xf32>
    %mul3A_55 = arith.mulf %mul3A_12, %mul3A_54 : vector<3x16384xf32>
    %slice3A = vector.extract_strided_slice %mul3A_18 {offsets = [0, 0], sizes = [1, 16384], strides = [1, 1]} : vector<3x16384xf32> to vector<1x16384xf32>
    %squeeze3A = vector.shape_cast %slice3A : vector<1x16384xf32> to vector<16384xf32>
    %slice3A_56 = vector.extract_strided_slice %add3A_25 {offsets = [0, 0], sizes = [1, 16384], strides = [1, 1]} : vector<3x16384xf32> to vector<1x16384xf32>
    %squeeze3A_57 = vector.shape_cast %slice3A_56 : vector<1x16384xf32> to vector<16384xf32>
    %slice3A_58 = vector.extract_strided_slice %add3A_32 {offsets = [0, 0], sizes = [1, 16384], strides = [1, 1]} : vector<3x16384xf32> to vector<1x16384xf32>
    %squeeze3A_59 = vector.shape_cast %slice3A_58 : vector<1x16384xf32> to vector<16384xf32>
    %slice3A_60 = vector.extract_strided_slice %mul3A_35 {offsets = [0, 0], sizes = [1, 16384], strides = [1, 1]} : vector<3x16384xf32> to vector<1x16384xf32>
    %squeeze3A_61 = vector.shape_cast %slice3A_60 : vector<1x16384xf32> to vector<16384xf32>
    %broadcast_in_dim3A = vector.shape_cast %squeeze3A : vector<16384xf32> to vector<1x16384xf32>
    %broadcast_in_dim3A_62 = vector.broadcast %broadcast_in_dim3A : vector<1x16384xf32> to vector<16x16384xf32>
    %broadcast_in_dim3A_63 = vector.shape_cast %squeeze3A_57 : vector<16384xf32> to vector<1x16384xf32>
    %broadcast_in_dim3A_64 = vector.broadcast %broadcast_in_dim3A_63 : vector<1x16384xf32> to vector<16x16384xf32>
    %broadcast_in_dim3A_65 = vector.shape_cast %squeeze3A_59 : vector<16384xf32> to vector<1x16384xf32>
    %broadcast_in_dim3A_66 = vector.broadcast %broadcast_in_dim3A_65 : vector<1x16384xf32> to vector<16x16384xf32>
    %broadcast_in_dim3A_67 = vector.shape_cast %squeeze3A_61 : vector<16384xf32> to vector<1x16384xf32>
    %broadcast_in_dim3A_68 = vector.broadcast %broadcast_in_dim3A_67 : vector<1x16384xf32> to vector<16x16384xf32>
    %concatenate3A = tpu.concatenate %broadcast_in_dim3A_62, %broadcast_in_dim3A_64, %broadcast_in_dim3A_66, %broadcast_in_dim3A_68 in 0 : vector<16x16384xf32>, vector<16x16384xf32>, vector<16x16384xf32>, vector<16x16384xf32> -> vector<64x16384xf32>
    %slice3A_69 = vector.extract_strided_slice %mul3A_38 {offsets = [0, 0], sizes = [1, 16384], strides = [1, 1]} : vector<3x16384xf32> to vector<1x16384xf32>
    %squeeze3A_70 = vector.shape_cast %slice3A_69 : vector<1x16384xf32> to vector<16384xf32>
    %slice3A_71 = vector.extract_strided_slice %mul3A_45 {offsets = [0, 0], sizes = [1, 16384], strides = [1, 1]} : vector<3x16384xf32> to vector<1x16384xf32>
    %squeeze3A_72 = vector.shape_cast %slice3A_71 : vector<1x16384xf32> to vector<16384xf32>
    %slice3A_73 = vector.extract_strided_slice %mul3A_52 {offsets = [0, 0], sizes = [1, 16384], strides = [1, 1]} : vector<3x16384xf32> to vector<1x16384xf32>
    %squeeze3A_74 = vector.shape_cast %slice3A_73 : vector<1x16384xf32> to vector<16384xf32>
    %slice3A_75 = vector.extract_strided_slice %mul3A_55 {offsets = [0, 0], sizes = [1, 16384], strides = [1, 1]} : vector<3x16384xf32> to vector<1x16384xf32>
    %squeeze3A_76 = vector.shape_cast %slice3A_75 : vector<1x16384xf32> to vector<16384xf32>
    %broadcast_in_dim3A_77 = vector.shape_cast %squeeze3A_70 : vector<16384xf32> to vector<1x16384xf32>
    %broadcast_in_dim3A_78 = vector.broadcast %broadcast_in_dim3A_77 : vector<1x16384xf32> to vector<16x16384xf32>
    %broadcast_in_dim3A_79 = vector.shape_cast %squeeze3A_72 : vector<16384xf32> to vector<1x16384xf32>
    %broadcast_in_dim3A_80 = vector.broadcast %broadcast_in_dim3A_79 : vector<1x16384xf32> to vector<16x16384xf32>
    %broadcast_in_dim3A_81 = vector.shape_cast %squeeze3A_74 : vector<16384xf32> to vector<1x16384xf32>
    %broadcast_in_dim3A_82 = vector.broadcast %broadcast_in_dim3A_81 : vector<1x16384xf32> to vector<16x16384xf32>
    %broadcast_in_dim3A_83 = vector.shape_cast %squeeze3A_76 : vector<16384xf32> to vector<1x16384xf32>
    %broadcast_in_dim3A_84 = vector.broadcast %broadcast_in_dim3A_83 : vector<1x16384xf32> to vector<16x16384xf32>
    %concatenate3A_85 = tpu.concatenate %broadcast_in_dim3A_78, %broadcast_in_dim3A_80, %broadcast_in_dim3A_82, %broadcast_in_dim3A_84 in 0 : vector<16x16384xf32>, vector<16x16384xf32>, vector<16x16384xf32>, vector<16x16384xf32> -> vector<64x16384xf32>
    %slice3A_86 = vector.extract_strided_slice %mul3A_18 {offsets = [1, 0], sizes = [1, 16384], strides = [1, 1]} : vector<3x16384xf32> to vector<1x16384xf32>
    %squeeze3A_87 = vector.shape_cast %slice3A_86 : vector<1x16384xf32> to vector<16384xf32>
    %slice3A_88 = vector.extract_strided_slice %add3A_25 {offsets = [1, 0], sizes = [1, 16384], strides = [1, 1]} : vector<3x16384xf32> to vector<1x16384xf32>
    %squeeze3A_89 = vector.shape_cast %slice3A_88 : vector<1x16384xf32> to vector<16384xf32>
    %slice3A_90 = vector.extract_strided_slice %add3A_32 {offsets = [1, 0], sizes = [1, 16384], strides = [1, 1]} : vector<3x16384xf32> to vector<1x16384xf32>
    %squeeze3A_91 = vector.shape_cast %slice3A_90 : vector<1x16384xf32> to vector<16384xf32>
    %slice3A_92 = vector.extract_strided_slice %mul3A_35 {offsets = [1, 0], sizes = [1, 16384], strides = [1, 1]} : vector<3x16384xf32> to vector<1x16384xf32>
    %squeeze3A_93 = vector.shape_cast %slice3A_92 : vector<1x16384xf32> to vector<16384xf32>
    %broadcast_in_dim3A_94 = vector.shape_cast %squeeze3A_87 : vector<16384xf32> to vector<1x16384xf32>
    %broadcast_in_dim3A_95 = vector.broadcast %broadcast_in_dim3A_94 : vector<1x16384xf32> to vector<4x16384xf32>
    %broadcast_in_dim3A_96 = vector.shape_cast %squeeze3A_89 : vector<16384xf32> to vector<1x16384xf32>
    %broadcast_in_dim3A_97 = vector.broadcast %broadcast_in_dim3A_96 : vector<1x16384xf32> to vector<4x16384xf32>
    %broadcast_in_dim3A_98 = vector.shape_cast %squeeze3A_91 : vector<16384xf32> to vector<1x16384xf32>
    %broadcast_in_dim3A_99 = vector.broadcast %broadcast_in_dim3A_98 : vector<1x16384xf32> to vector<4x16384xf32>
    %broadcast_in_dim3A_100 = vector.shape_cast %squeeze3A_93 : vector<16384xf32> to vector<1x16384xf32>
    %broadcast_in_dim3A_101 = vector.broadcast %broadcast_in_dim3A_100 : vector<1x16384xf32> to vector<4x16384xf32>
    %concatenate3A_102 = tpu.concatenate %broadcast_in_dim3A_95, %broadcast_in_dim3A_97, %broadcast_in_dim3A_99, %broadcast_in_dim3A_101 in 0 : vector<4x16384xf32>, vector<4x16384xf32>, vector<4x16384xf32>, vector<4x16384xf32> -> vector<16x16384xf32>
    %tile3A = tpu.concatenate %concatenate3A_102, %concatenate3A_102, %concatenate3A_102, %concatenate3A_102 in 0 : vector<16x16384xf32>, vector<16x16384xf32>, vector<16x16384xf32>, vector<16x16384xf32> -> vector<64x16384xf32>
    %slice3A_103 = vector.extract_strided_slice %mul3A_38 {offsets = [1, 0], sizes = [1, 16384], strides = [1, 1]} : vector<3x16384xf32> to vector<1x16384xf32>
    %squeeze3A_104 = vector.shape_cast %slice3A_103 : vector<1x16384xf32> to vector<16384xf32>
    %slice3A_105 = vector.extract_strided_slice %mul3A_45 {offsets = [1, 0], sizes = [1, 16384], strides = [1, 1]} : vector<3x16384xf32> to vector<1x16384xf32>
    %squeeze3A_106 = vector.shape_cast %slice3A_105 : vector<1x16384xf32> to vector<16384xf32>
    %slice3A_107 = vector.extract_strided_slice %mul3A_52 {offsets = [1, 0], sizes = [1, 16384], strides = [1, 1]} : vector<3x16384xf32> to vector<1x16384xf32>
    %squeeze3A_108 = vector.shape_cast %slice3A_107 : vector<1x16384xf32> to vector<16384xf32>
    %slice3A_109 = vector.extract_strided_slice %mul3A_55 {offsets = [1, 0], sizes = [1, 16384], strides = [1, 1]} : vector<3x16384xf32> to vector<1x16384xf32>
    %squeeze3A_110 = vector.shape_cast %slice3A_109 : vector<1x16384xf32> to vector<16384xf32>
    %broadcast_in_dim3A_111 = vector.shape_cast %squeeze3A_104 : vector<16384xf32> to vector<1x16384xf32>
    %broadcast_in_dim3A_112 = vector.broadcast %broadcast_in_dim3A_111 : vector<1x16384xf32> to vector<4x16384xf32>
    %broadcast_in_dim3A_113 = vector.shape_cast %squeeze3A_106 : vector<16384xf32> to vector<1x16384xf32>
    %broadcast_in_dim3A_114 = vector.broadcast %broadcast_in_dim3A_113 : vector<1x16384xf32> to vector<4x16384xf32>
    %broadcast_in_dim3A_115 = vector.shape_cast %squeeze3A_108 : vector<16384xf32> to vector<1x16384xf32>
    %broadcast_in_dim3A_116 = vector.broadcast %broadcast_in_dim3A_115 : vector<1x16384xf32> to vector<4x16384xf32>
    %broadcast_in_dim3A_117 = vector.shape_cast %squeeze3A_110 : vector<16384xf32> to vector<1x16384xf32>
    %broadcast_in_dim3A_118 = vector.broadcast %broadcast_in_dim3A_117 : vector<1x16384xf32> to vector<4x16384xf32>
    %concatenate3A_119 = tpu.concatenate %broadcast_in_dim3A_112, %broadcast_in_dim3A_114, %broadcast_in_dim3A_116, %broadcast_in_dim3A_118 in 0 : vector<4x16384xf32>, vector<4x16384xf32>, vector<4x16384xf32>, vector<4x16384xf32> -> vector<16x16384xf32>
    %tile3A_120 = tpu.concatenate %concatenate3A_119, %concatenate3A_119, %concatenate3A_119, %concatenate3A_119 in 0 : vector<16x16384xf32>, vector<16x16384xf32>, vector<16x16384xf32>, vector<16x16384xf32> -> vector<64x16384xf32>
    %slice3A_121 = vector.extract_strided_slice %mul3A_18 {offsets = [2, 0], sizes = [1, 16384], strides = [1, 1]} : vector<3x16384xf32> to vector<1x16384xf32>
    %squeeze3A_122 = vector.shape_cast %slice3A_121 : vector<1x16384xf32> to vector<16384xf32>
    %slice3A_123 = vector.extract_strided_slice %add3A_25 {offsets = [2, 0], sizes = [1, 16384], strides = [1, 1]} : vector<3x16384xf32> to vector<1x16384xf32>
    %squeeze3A_124 = vector.shape_cast %slice3A_123 : vector<1x16384xf32> to vector<16384xf32>
    %slice3A_125 = vector.extract_strided_slice %add3A_32 {offsets = [2, 0], sizes = [1, 16384], strides = [1, 1]} : vector<3x16384xf32> to vector<1x16384xf32>
    %squeeze3A_126 = vector.shape_cast %slice3A_125 : vector<1x16384xf32> to vector<16384xf32>
    %slice3A_127 = vector.extract_strided_slice %mul3A_35 {offsets = [2, 0], sizes = [1, 16384], strides = [1, 1]} : vector<3x16384xf32> to vector<1x16384xf32>
    %squeeze3A_128 = vector.shape_cast %slice3A_127 : vector<1x16384xf32> to vector<16384xf32>
    %stack3A = vector.shape_cast %squeeze3A_122 : vector<16384xf32> to vector<1x16384xf32>
    %stack3A_129 = vector.shape_cast %squeeze3A_124 : vector<16384xf32> to vector<1x16384xf32>
    %stack3A_130 = vector.shape_cast %squeeze3A_126 : vector<16384xf32> to vector<1x16384xf32>
    %stack3A_131 = vector.shape_cast %squeeze3A_128 : vector<16384xf32> to vector<1x16384xf32>
    %stack3A_132 = tpu.concatenate %stack3A, %stack3A_129, %stack3A_130, %stack3A_131 in 0 : vector<1x16384xf32>, vector<1x16384xf32>, vector<1x16384xf32>, vector<1x16384xf32> -> vector<4x16384xf32>
    %tile3A_133 = tpu.concatenate %stack3A_132, %stack3A_132, %stack3A_132, %stack3A_132, %stack3A_132, %stack3A_132, %stack3A_132, %stack3A_132, %stack3A_132, %stack3A_132, %stack3A_132, %stack3A_132, %stack3A_132, %stack3A_132, %stack3A_132, %stack3A_132 in 0 : vector<4x16384xf32>, vector<4x16384xf32>, vector<4x16384xf32>, vector<4x16384xf32>, vector<4x16384xf32>, vector<4x16384xf32>, vector<4x16384xf32>, vector<4x16384xf32>, vector<4x16384xf32>, vector<4x16384xf32>, vector<4x16384xf32>, vector<4x16384xf32>, vector<4x16384xf32>, vector<4x16384xf32>, vector<4x16384xf32>, vector<4x16384xf32> -> vector<64x16384xf32>
    %slice3A_134 = vector.extract_strided_slice %mul3A_38 {offsets = [2, 0], sizes = [1, 16384], strides = [1, 1]} : vector<3x16384xf32> to vector<1x16384xf32>
    %squeeze3A_135 = vector.shape_cast %slice3A_134 : vector<1x16384xf32> to vector<16384xf32>
    %slice3A_136 = vector.extract_strided_slice %mul3A_45 {offsets = [2, 0], sizes = [1, 16384], strides = [1, 1]} : vector<3x16384xf32> to vector<1x16384xf32>
    %squeeze3A_137 = vector.shape_cast %slice3A_136 : vector<1x16384xf32> to vector<16384xf32>
    %slice3A_138 = vector.extract_strided_slice %mul3A_52 {offsets = [2, 0], sizes = [1, 16384], strides = [1, 1]} : vector<3x16384xf32> to vector<1x16384xf32>
    %squeeze3A_139 = vector.shape_cast %slice3A_138 : vector<1x16384xf32> to vector<16384xf32>
    %slice3A_140 = vector.extract_strided_slice %mul3A_55 {offsets = [2, 0], sizes = [1, 16384], strides = [1, 1]} : vector<3x16384xf32> to vector<1x16384xf32>
    %squeeze3A_141 = vector.shape_cast %slice3A_140 : vector<1x16384xf32> to vector<16384xf32>
    %stack3A_142 = vector.shape_cast %squeeze3A_135 : vector<16384xf32> to vector<1x16384xf32>
    %stack3A_143 = vector.shape_cast %squeeze3A_137 : vector<16384xf32> to vector<1x16384xf32>
    %stack3A_144 = vector.shape_cast %squeeze3A_139 : vector<16384xf32> to vector<1x16384xf32>
    %stack3A_145 = vector.shape_cast %squeeze3A_141 : vector<16384xf32> to vector<1x16384xf32>
    %stack3A_146 = tpu.concatenate %stack3A_142, %stack3A_143, %stack3A_144, %stack3A_145 in 0 : vector<1x16384xf32>, vector<1x16384xf32>, vector<1x16384xf32>, vector<1x16384xf32> -> vector<4x16384xf32>
    %tile3A_147 = tpu.concatenate %stack3A_146, %stack3A_146, %stack3A_146, %stack3A_146, %stack3A_146, %stack3A_146, %stack3A_146, %stack3A_146, %stack3A_146, %stack3A_146, %stack3A_146, %stack3A_146, %stack3A_146, %stack3A_146, %stack3A_146, %stack3A_146 in 0 : vector<4x16384xf32>, vector<4x16384xf32>, vector<4x16384xf32>, vector<4x16384xf32>, vector<4x16384xf32>, vector<4x16384xf32>, vector<4x16384xf32>, vector<4x16384xf32>, vector<4x16384xf32>, vector<4x16384xf32>, vector<4x16384xf32>, vector<4x16384xf32>, vector<4x16384xf32>, vector<4x16384xf32>, vector<4x16384xf32>, vector<4x16384xf32> -> vector<64x16384xf32>
    %mul3A_148 = arith.mulf %tile3A, %tile3A_133 : vector<64x16384xf32>
    %mul3A_149 = arith.mulf %concatenate3A_85, %mul3A_148 : vector<64x16384xf32>
    %swap3A = arith.constant 0 : index
    %swap3A_150 = arith.constant 0 : index
    %swap3A_151 = arith.constant 0 : index
    %swap3A_152 = vector.load %arg2[%swap3A, %swap3A_150, %swap3A_151] : memref<3x64x16384xf32, #tpu.memory_space<vmem>>, vector<1x64x16384xf32>
    %swap3A_153 = vector.shape_cast %swap3A_152 : vector<1x64x16384xf32> to vector<64x16384xf32>
    %swap3A_154 = vector.shape_cast %mul3A_149 : vector<64x16384xf32> to vector<1x64x16384xf32>
    tpu.vector_store %arg2[%swap3A, %swap3A_150, %swap3A_151], %swap3A_154 {strides = array<i32>} : memref<3x64x16384xf32, #tpu.memory_space<vmem>>, vector<1x64x16384xf32>,
    %mul3A_155 = arith.mulf %tile3A_120, %tile3A_133 : vector<64x16384xf32>
    %mul3A_156 = arith.mulf %concatenate3A, %mul3A_155 : vector<64x16384xf32>
    %swap3A_157 = arith.constant 1 : index
    %swap3A_158 = arith.constant 0 : index
    %swap3A_159 = arith.constant 0 : index
    %swap3A_160 = vector.load %arg2[%swap3A_157, %swap3A_158, %swap3A_159] : memref<3x64x16384xf32, #tpu.memory_space<vmem>>, vector<1x64x16384xf32>
    %swap3A_161 = vector.shape_cast %swap3A_160 : vector<1x64x16384xf32> to vector<64x16384xf32>
    %swap3A_162 = vector.shape_cast %mul3A_156 : vector<64x16384xf32> to vector<1x64x16384xf32>
    tpu.vector_store %arg2[%swap3A_157, %swap3A_158, %swap3A_159], %swap3A_162 {strides = array<i32>} : memref<3x64x16384xf32, #tpu.memory_space<vmem>>, vector<1x64x16384xf32>,
    %mul3A_163 = arith.mulf %concatenate3A, %tile3A : vector<64x16384xf32>
    %mul3A_164 = arith.mulf %mul3A_163, %tile3A_147 : vector<64x16384xf32>
    %swap3A_165 = arith.constant 2 : index
    %swap3A_166 = arith.constant 0 : index
    %swap3A_167 = arith.constant 0 : index
    %swap3A_168 = vector.load %arg2[%swap3A_165, %swap3A_166, %swap3A_167] : memref<3x64x16384xf32, #tpu.memory_space<vmem>>, vector<1x64x16384xf32>
    %swap3A_169 = vector.shape_cast %swap3A_168 : vector<1x64x16384xf32> to vector<64x16384xf32>
    %swap3A_170 = vector.shape_cast %mul3A_164 : vector<64x16384xf32> to vector<1x64x16384xf32>
    tpu.vector_store %arg2[%swap3A_165, %swap3A_166, %swap3A_167], %swap3A_170 {strides = array<i32>} : memref<3x64x16384xf32, #tpu.memory_space<vmem>>, vector<1x64x16384xf32>,
    return
  }
  func.func @transform_0(%arg0: i32) -> (i32, i32) {
    %c0_i32 = arith.constant 0 : i32
    %c0_i32_0 = arith.constant 0 : i32
    return %c0_i32, %arg0 : i32, i32
  }
  func.func @transform_1(%arg0: i32) -> (i32, i32, i32) {
    %c0_i32 = arith.constant 0 : i32
    %c0_i32_0 = arith.constant 0 : i32
    %c0_i32_1 = arith.constant 0 : i32
    return %c0_i32, %c0_i32_0, %arg0 : i32, i32, i32
  }
}

module attributes {stable_mosaic.version = 14 : i64} {
  func.func @_split_body(%arg0: memref<3x200000xf32, #tpu.memory_space<vmem>>, %arg1: memref<200000xf32, #tpu.memory_space<vmem>>, %arg2: memref<200000xf32, #tpu.memory_space<vmem>>, %arg3: memref<200000xf32, #tpu.memory_space<vmem>>) attributes {dimension_semantics = [], scalar_prefetch = 0 : i64, scratch_operands = 0 : i64, tpu.core_type = #tpu.core_type<tc>} {
    %get3A = arith.constant 0 : index
    %get3A_0 = arith.constant 0 : index
    %get3A_1 = vector.load %arg0[%get3A, %get3A_0] : memref<3x200000xf32, #tpu.memory_space<vmem>>, vector<1x200000xf32>
    %get3A_2 = vector.shape_cast %get3A_1 : vector<1x200000xf32> to vector<200000xf32>
    %swap3A = arith.constant 0 : index
    %swap3A_3 = vector.load %arg1[%swap3A] : memref<200000xf32, #tpu.memory_space<vmem>>, vector<200000xf32>
    tpu.vector_store %arg1[%swap3A], %get3A_2 {strides = array<i32>} : memref<200000xf32, #tpu.memory_space<vmem>>, vector<200000xf32>,
    %get3A_4 = arith.constant 1 : index
    %get3A_5 = arith.constant 0 : index
    %get3A_6 = vector.load %arg0[%get3A_4, %get3A_5] : memref<3x200000xf32, #tpu.memory_space<vmem>>, vector<1x200000xf32>
    %get3A_7 = vector.shape_cast %get3A_6 : vector<1x200000xf32> to vector<200000xf32>
    %swap3A_8 = arith.constant 0 : index
    %swap3A_9 = vector.load %arg2[%swap3A_8] : memref<200000xf32, #tpu.memory_space<vmem>>, vector<200000xf32>
    tpu.vector_store %arg2[%swap3A_8], %get3A_7 {strides = array<i32>} : memref<200000xf32, #tpu.memory_space<vmem>>, vector<200000xf32>,
    %get3A_10 = arith.constant 2 : index
    %get3A_11 = arith.constant 0 : index
    %get3A_12 = vector.load %arg0[%get3A_10, %get3A_11] : memref<3x200000xf32, #tpu.memory_space<vmem>>, vector<1x200000xf32>
    %get3A_13 = vector.shape_cast %get3A_12 : vector<1x200000xf32> to vector<200000xf32>
    %swap3A_14 = arith.constant 0 : index
    %swap3A_15 = vector.load %arg3[%swap3A_14] : memref<200000xf32, #tpu.memory_space<vmem>>, vector<200000xf32>
    tpu.vector_store %arg3[%swap3A_14], %get3A_13 {strides = array<i32>} : memref<200000xf32, #tpu.memory_space<vmem>>, vector<200000xf32>,
    return
  }
}

</mosaic_0001>

<sc_bundles>
// kernel: kernel.5.cloned.1.call-start
scs
__scs_entry_jumppad:
0x0: {  	(pc) =	sbr.rel $0x88, $3  }
0x1: {  	(tag) =	ssettag $0x0;
	lr =	simm.s32 $0x1  }
0x2: {  	[smem:$0x3FA0] =	sst lr;
	_ =	strace $0xD0000000  }
0x3: {  	_ = 	snop  }
0x4: {  	_ = 	snop  }
0x5: {  	_ = 	snop  }
0x6: {  	_ = 	snop  }
0x7: {  	_ = 	snop  }
__scs_overlays_trampoline_lowered:
0x8: {  	[smem:$0x3FAF] =	sst s0  }
0x9: {  	[smem:$0x3FB0] =	sst s1  }
0xa: {  	[smem:$0x3FB1] =	sst s2  }
0xb: {  	[smem:$0x3FB2] =	sst s3  }
0xc: {  	[smem:$0x3FB3] =	sst s4  }
0xd: {  	[smem:$0x3FB4] =	sst s5  }
0xe: {  	[smem:$0x3FB5] =	sst s6  }
0xf: {  	[smem:$0x3FB6] =	sst s7  }
0x10: {  	[smem:$0x3FB7] =	sst s8  }
0x11: {  	[smem:$0x3FB8] =	sst s9;
	s0 =	simm.s32 @!p0 $0x0  }
0x12: {  	s1 =	sld [smem:$0x3F9E];
	s0 =	simm.s32 @p0 $0x1  }
0x13: {  	[smem:$0x3FB9] =	sst s0;
	s0 =	simm.s32 @!p1 $0x0  }
0x14: {  	s2 =	sld [smem:$0x3F9D];
	s0 =	simm.s32 @p1 $0x1  }
0x15: {  	[smem:$0x3FBA] =	sst s0;
	s0 =	simm.s32 @!p2 $0x0  }
0x16: {  	s3 =	sld [smem:$0x3FDB];
	s0 =	simm.s32 @p2 $0x1  }
0x17: {  	s4 =	simm.s32 $0x1BF5;
	[smem:$0x3FBC] =	sst s0  }
0x18: {  	s0 =	sld [smem:$0x3F9F];
	_ =	swait.ge [sflag:s4], $0x0  }
0x19: {  	s7 =	sld [smem:$0x3FA0]  }
0x1a: {  	s8 =	sadd.s32 $0xFFFFE003, lr  }
0x1b: {  	s9 =	sadd.s32 $0xFFFFFEF7, lr;
	s5 =	simm.s32 $0xFFFFFFFF;
	p2 =	slt.u32 s8, $0xFFFFF086  }
0x1c: {  	p1 =	slt.u32 s9, $0xF7A;
	s5 =	simm.s32 @!p2 $0x0  }
0x1d: {  	s5 =	simm.s32 @p1 $0x1;
	p0 =	seq.s32 s7, s2  }
0x1e: {  	s7 =	smul.u32 @!p0 $0xF7A, s2;
	p2 =	seq.s32 @!p0 s5, $0x0  }
0x1f: {  	s9 =	smul.u32 $0xF7A, s1;
	s8 =	simm.s32 @!p0 $0x1BF5;
	p2 =	por !p2, p0  }
0x20: {  	[sflag:s8] =	ssyncset.s32 @!p0 $0xFFFFF086;
	s6 =	sadd.s32 @!p0 s3, s7;
	s7 =	simm.s32 @!p0 $0x108  }
0x21: {  	s3 =	sadd.s32 s3, s9;
	s6 =	sadd.s32 @!p0 $0x88, s6;
	s7 =	simm.s32 @p2 $0x1082  }
0x22: {  	[simem:s7], [sflag:s8] =	dma.local @!p0 [hbm:s6], $0xF7A  }
0x23: {  	s9 =	sor.u32 $0xD0000000, s2;
	s6 =	simm.s32 $0x108;
	_ =	swait.ge @!p0 [sflag:s8], $0x0  }
0x24: {  	s3 =	sadd.s32 $0x88, s3;
	s6 =	simm.s32 @!p1 $0x1082;
	[sflag:s4] =	ssyncset.s32 $0xFFFFF086  }
0x25: {  	[simem:s6], [sflag:s4] =	dma.local [hbm:s3], $0xF7A  }
0x26: {  	[smem:$0x3FA0] =	sst s1;
	(tag) =	ssettag s2;
	_ =	strace s9  }
0x27: {  	s1 =	sld [smem:$0x3FB0]  }
0x28: {  	s2 =	sld [smem:$0x3FB1]  }
0x29: {  	s4 =	sld [smem:$0x3FB3]  }
0x2a: {  	p0 =	seq.s32 s5, $0x0;
	s5 =	sld [smem:$0x3FB4]  }
0x2b: {  	s6 =	sld [smem:$0x3FB5]  }
0x2c: {  	s7 =	sld [smem:$0x3FB6]  }
0x2d: {  	s3 =	simm.s32 $0x108;
	s8 =	sld [smem:$0x3FB7]  }
0x2e: {  	s3 =	simm.s32 @!p0 $0x1082;
	s9 =	sld [smem:$0x3FB8]  }
0x2f: {  	lr =	sadd.s32 s0, s3;
	s0 =	sld [smem:$0x3FAF]  }
0x30: {  	s3 =	sld [smem:$0x3FB2]  }
0x31: {  	[smem:$0x3FBB] =	sst s10  }
0x32: {  	s10 =	sld [smem:$0x3FB9];
	_ =	sdelay $0x3  }
0x33: {  	p0 =	seq.s32 s10, $0x1;
	s10 =	sld [smem:$0x3FBB];
	_ =	sdelay $0x3  }
0x34: {  	[smem:$0x3FBB] =	sst s10  }
0x35: {  	s10 =	sld [smem:$0x3FBA];
	_ =	sdelay $0x3  }
0x36: {  	p1 =	seq.s32 s10, $0x1;
	s10 =	sld [smem:$0x3FBB];
	_ =	sdelay $0x3  }
0x37: {  	[smem:$0x3FBB] =	sst s10  }
0x38: {  	s10 =	sld [smem:$0x3FBC]  }
0x39: {  	_ = 	snop;
	(pc) =	sbr.ind lr, $3  }
0x3a: {  	_ = 	snop  }
0x3b: {  	_ = 	snop  }
0x3c: {  	p2 =	seq.s32 s10, $0x1;
	s10 =	sld [smem:$0x3FBB]  }
0x3d: {  	_ =	shalt  }
0x3e: {  	_ =	shalt  }
0x3f: {  	_ =	shalt  }
0x40: {  	_ =	shalt  }
0x41: {  	_ =	shalt  }
0x42: {  	_ =	shalt  }
0x43: {  	_ =	shalt  }
0x44: {  	_ =	shalt  }
0x45: {  	_ =	shalt  }
0x46: {  	_ =	shalt  }
0x47: {  	_ =	shalt  }
0x48: {  	_ =	shalt  }
0x49: {  	_ =	shalt  }
0x4a: {  	_ =	shalt  }
0x4b: {  	_ =	shalt  }
0x4c: {  	_ =	shalt  }
0x4d: {  	_ =	shalt  }
0x4e: {  	_ =	shalt  }
0x4f: {  	_ =	shalt  }
0x50: {  	_ =	shalt  }
0x51: {  	_ =	shalt  }
0x52: {  	_ =	shalt  }
0x53: {  	_ =	shalt  }
0x54: {  	_ =	shalt  }
0x55: {  	_ =	shalt  }
0x56: {  	_ =	shalt  }
0x57: {  	_ =	shalt  }
0x58: {  	_ =	shalt  }
0x59: {  	_ =	shalt  }
0x5a: {  	_ =	shalt  }
0x5b: {  	_ =	shalt  }
0x5c: {  	_ =	shalt  }
0x5d: {  	_ =	shalt  }
0x5e: {  	_ =	shalt  }
0x5f: {  	_ =	shalt  }
0x60: {  	_ =	shalt  }
0x61: {  	_ =	shalt  }
0x62: {  	_ =	shalt  }
0x63: {  	_ =	shalt  }
0x64: {  	_ =	shalt  }
0x65: {  	_ =	shalt  }
0x66: {  	_ =	shalt  }
0x67: {  	_ =	shalt  }
0x68: {  	_ =	shalt  }
0x69: {  	_ =	shalt  }
0x6a: {  	_ =	shalt  }
0x6b: {  	_ =	shalt  }
0x6c: {  	_ =	shalt  }
0x6d: {  	_ =	shalt  }
0x6e: {  	_ =	shalt  }
0x6f: {  	_ =	shalt  }
0x70: {  	_ =	shalt  }
0x71: {  	_ =	shalt  }
0x72: {  	_ =	shalt  }
0x73: {  	_ =	shalt  }
0x74: {  	_ =	shalt  }
0x75: {  	_ =	shalt  }
0x76: {  	_ =	shalt  }
0x77: {  	_ =	shalt  }
0x78: {  	_ =	shalt  }
0x79: {  	_ =	shalt  }
0x7a: {  	_ =	shalt  }
0x7b: {  	_ =	shalt  }
0x7c: {  	_ =	shalt  }
0x7d: {  	_ =	shalt  }
0x7e: {  	_ =	shalt  }
0x7f: {  	_ =	shalt  }
0x80: {  	_ =	shalt  }
0x81: {  	_ =	shalt  }
0x82: {  	_ =	shalt  }
0x83: {  	_ =	shalt  }
0x84: {  	_ =	shalt  }
0x85: {  	_ =	shalt  }
0x86: {  	_ =	shalt  }
0x87: {  	_ =	shalt  }
.Lfunc_end0:
.L_simem_size_0:
called_computation_lowered:
.L_overlay_start_0:
0x88: {  	s2 =	sld [smem:$0x3FD9]  }
0x89: {  	s3 =	sld [smem:$0x3FFE];
	_ =	sdelay $0x1  }
0x8a: {  	s1 =	srdreg.scid  }
0x8b: {  	s0 =	sand.u32 $0x1, s1  }
0x8c: {  	s14 =	sshll.u32 s0, $0xA;
	s2 =	sadd.s32 s3, s2  }
0x8d: {  	s2 =	sadd.s32 s2, s14  }
0x8e: {  	[smem:$0x3FC7] =	sst s2  }
0x8f: {  	_ = 	snop  }
0x90: {  	s2 =	sld [smem:$0x3FD0];
	_ =	sdelay $0x2  }
0x91: {  	s15 =	simm.s32 $0xA;
	s4 =	simm.s32 $0x10  }
0x92: {  	[smem:s4], [sflag:s15] =	dma.local [hbm:s2], $0x1  }
0x93: {  	_ =	swait.eq [sflag:s15], $0x1  }
0x94: {  	[sflag:s15] =	ssyncset.done $0x0  }
0x95: {  	[sflag:s15] =	ssyncadd.s32 $0xFFFFFFFF  }
0x96: {  	s16 =	sld [smem:$0x10];
	(tm) =	ssettm $0x1  }
0x97: {  	s17 =	sld [smem:$0x3FFB];
	_ =	sdelay $0x3  }
0x98: {  	_ =	strace s17  }
0x99: {  	s3 =	sld [smem:$0x3FFC];
	_ =	sdelay $0x3  }
0x9a: {  	_ =	strace s3  }
0x9b: {  	s3 =	sld [smem:$0x3FFD];
	_ =	sdelay $0x3  }
0x9c: {  	_ =	strace s3  }
0x9d: {  	_ =	strace $0x8FFFFFFF  }
0x9e: {  	s18 =	sld [smem:$0x3FDB];
	_ =	sdelay $0x1  }
0x9f: {  	s19 =	simm.s32 $_scs_section_size  }
0xa0: {  	s5 =	simm.s32 $_size__tile_overlayer_lowered;
	s6 =	simm.s32 $_tile_overlayer_lowered  }
0xa1: {  	s22 =	simm.s32 $0x1BFF;
	s21 =	sshll.u32 s6, $0x1;
	s3 =	sadd.s32 s19, s18  }
0xa2: {  	s7 =	simm.s32 $0x0;
	s20 =	sshll.u32 s5, $0x1;
	s5 =	sadd.s32 s21, s3  }
0xa3: {  	[timem:s7], [sflag:s22] =	dma.local [hbm:s5], s20  }
0xa4: {  	_ =	swait.ge [sflag:s22], s20  }
0xa5: {  	s4 =	ssub.s32 $0x0, s20;
	[sflag:s22] =	ssyncset.done $0x0  }
0xa6: {  	[sflag:s22] =	ssyncadd.s32 s4;
	_ =	sdelay $0x1  }
0xa7: {  	s23 =	simm.s32 $0x1B8B  }
0xa8: {  	_ =	swait.ge [sflag:s23], $0x1  }
0xa9: {  	[sflag:s23] =	ssyncset.done $0x0  }
0xaa: {  	s25 =	simm.s32 $0x1B8E;
	s24 =	sld [smem:$0x3FFE];
	[sflag:s23] =	ssyncadd.s32 $0xFFFFFFFF  }
0xab: {  	s26 =	simm.s32 $execute0_lowered;
	[smem:$0x3FD2] =	sst s25  }
0xac: {  	s5 =	sshll.u32 s26, $0x1;
	_ =	strace $0x80000046;
	[dreg:$0x1] =	wrdreg $0xFFFFFFFF  }
0xad: {  	s28 =	simm.s32 $_size_execute0_lowered;
	s3 =	sadd.s32 s3, s5;
	[dreg:$0x0] =	wrdreg $0x0  }
0xae: {  	s5 =	sshll.u32 s28, $0x1;
	[dreg:$0x2] =	wrdreg s3  }
0xaf: {  	[dreg:$0x3] =	wrdreg s5  }
0xb0: {  	[dreg:$0x4] =	wrdreg $0xC0  }
0xb1: {  	_ =	task [dreg:s7], $0x5FFFF  }
0xb2: {  	[dreg:$0x1] =	wrdreg $0xFFFFFFFF  }
0xb3: {  	[dreg:$0x0] =	wrdreg $0x60  }
0xb4: {  	[dreg:$0x2] =	wrdreg s24  }
0xb5: {  	[dreg:$0x3] =	wrdreg s16  }
0xb6: {  	[dreg:$0x4] =	wrdreg $0x9  }
0xb7: {  	_ =	task.clear_ibuf [dreg:s7], $0x5FFFF;
	_ =	strace $0x90000046  }
0xb8: {  	s29 =	simm.s32 $0x9;
	_ =	strace $0x80000048  }
0xb9: {  	_ =	swait.ge [sflag:s29], $0x1  }
0xba: {  	[sflag:s29] =	ssyncadd.s32 $0xFFFFFFFF  }
0xbb: {  	_ =	strace $0x90000048  }
0xbc: {  	_ =	sfence  }
0xbd: {  	s30 =	sld [smem:$0x0];
	_ =	sdelay $0x2  }
0xbe: {  	s31 =	sshll.u32 s1, $0xD;
	s1 =	sshrl.u32 s1, $0x2  }
0xbf: {  	s3 =	sand.u32 $0x4000, s31;
	s1 =	sadd.s32 s1, s30  }
0xc0: {  	s0 =	sor.u32 s3, s0;
	s1 =	sshll.u32 s1, $0x11  }
0xc1: {  	s0 =	sor.u32 s1, s0  }
0xc2: {  	s0 =	sadd.s32 $0x8F2B, s0  }
0xc3: {  	[sflag:s0] =	ssyncadd.remote.s32 $0x1  }
0xc4: {  	_ =	sfence.sel $0xFFFF  }
0xc5: {  	[dreg:$0x0] =	wrdreg $0xFFFFFFFF;
	(pc) =	sbr.abs _section_cstart, $3  }
0xc6: {  	[dreg:$0x1] =	wrdreg $0xFFFFFFFF  }
0xc7: {  	_ =	task.clear_ibuf [dreg:s7], $0x2FFFF;
	_ =	strace $0x9FFFFFFF  }
0xc8: {  	(tm) =	ssettm $0x7FFFFFFF  }
0xc9: {  	_ =	shalt  }
tec
execute0_lowered:
.L_overlay_start_1:
0x0: {  	(tag) =	ssettag $0x1  }
0x1: {  	s0 =	rddreg [dreg:$0x0]  }
0x2: {  	s1 =	rddreg [dreg:$0x1]  }
0x3: {  	s2 =	simm.s32 $0x0;
	s3 =	srdreg.scid;
	s10 =	stileid.u32  }
0x4: {  	s19 =	simm.s32 $0x100;
	s20 =	simm.s32 $0x200;
	s21 =	simm.s32 $0x400  }
0x5: {  	s22 =	simm.s32 $0x186C00;
	s23 =	simm.s32 $0x5;
	s24 =	simm.s32 $0x80  }
0x6: {  	s25 =	simm.s32 $0x0;
	[smem:$0x7FF] =	sst s2;
	s4 =	sadd.s32 $0xE00, s0  }
0x7: {  	s3 =	sand.u32 $0x1, s3;
	s5 =	sadd.s32 $0x7000, s0;
	s6 =	sadd.s32 $0xD200, s0  }
0x8: {  	s7 =	sshll.u32 s10, $0x1;
	p0 =	slt.u32 s10, $0xD;
	s15 =	sadd.s32 $0x6FA0, s0  }
0x9: {  	s31 =	sadd.s32 $0xD1A0, s0;
	s17 =	sadd.s32 $0x133A0, s0;
	_ =	strace $0x80000047  }
0xa: {  	s8 =	ssub.s32 $0x2, s3;
	s3 =	sor.u32 s3, s7;
	[dreg:$0x3] =	wrdreg s15  }
0xb: {  	s7 =	simm.s32 $0x31;
	[dreg:$0x4] =	wrdreg s31;
	s9 =	sshrl.u32 s8, $0x1  }
.Ltmp0:
0xc: {  	s7 =	simm.s32 @!p0 $0x30;
	s30 =	sshll.u32 s3, $0x4;
	(pc) =	sbr.rel .LBB2_1-.Ltmp0, $4  }
0xd: {  	s11 =	sshll.u32 s3, $0x7;
	s12 =	sshll.u32 s3, $0xA;
	p0 =	sne.s32 s3, $0x1F  }
0xe: {  	s18 =	ssub.s32 s8, s9;
	s8 =	sadd.s32 s4, s30;
	s13 =	sand.u32 $0x1, s7  }
0xf: {  	s9 =	sadd.s32 s5, s30;
	s10 =	sadd.s32 s6, s30;
	s14 =	sxor.u32 $0x1, s13  }
0x10: {  	s13 =	sadd.s32 $0x3, s13;
	s18 =	smax.u32 s18, $0x1;
	s14 =	sadd.s32 $0x3, s14  }
.LBB2_11:
0x11: {  	s25 =	sadd.s32 $0x1, s25  }
0x12: {  	p1 =	sne.s32 s25, s18  }
.Ltmp1:
0x13: {  	_ = 	snop;
	(pc) =	sbr.rel @!p1 .LBB2_12-.Ltmp1, $1  }
0x14: {  	_ =	sdelay $0x3  }
.LBB2_1:
0x15: {  	[tilespmem:s2], [sflag:$0x1] =	stream.linear.gather [hbm4b:s8+s2], $0x80, $0x38;
	[tilespmem:$0x4300] =	vst v63  }
0x16: {  	_ = 	snop  }
0x17: {  	[tilespmem:s19], [sflag:$0x1] =	stream.linear.gather [hbm4b:s9+s2], $0x80, $0x38;
	[tilespmem:$0x4300] =	vst v63  }
0x18: {  	p1 =	por $0x0, $0x0;
	s29 =	simm.s32 $0x0  }
0x19: {  	[tilespmem:s20], [sflag:$0x1] =	stream.linear.gather [hbm4b:s10+s2], $0x80, $0x38;
	[tilespmem:$0x4300] =	vst v63  }
.LBB2_2:
0x1a: {  	s26 =	sadd.s32 $0x1, s29  }
0x1b: {  	p2 =	sge.u32 s26, s7  }
0x1c: {  	s0 =	sshll.u32 @!p2 s26, $0xC  }
0x1d: {  	s28 =	sand.u32 $0x1, s29;
	s0 =	sor.u32 @!p2 s11, s0  }
0x1e: {  	s3 =	sxor.u32 @!p2 $0x1, s28;
	s15 =	simm.s32 @!p2 $0x0;
	s0 =	sshrl.u32 @!p2 s0, $0x3  }
0x1f: {  	s30 =	sadd.s32 @!p2 $0x1, s3;
	s3 =	sshll.u32 @!p2 s3, $0x7;
	s31 =	sadd.s32 @!p2 s4, s0  }
0x20: {  	[tilespmem:s3], [sflag:s30] =	stream.linear.gather @!p2 [hbm4b:s31+s15], $0x80, $0x38;
	[tilespmem:$0x4300] =	vst v63  }
0x21: {  	s16 =	sadd.s32 @!p2 s5, s0;
	s31 =	sor.u32 @!p2 $0x100, s3  }
0x22: {  	[tilespmem:s31], [sflag:s30] =	stream.linear.gather @!p2 [hbm4b:s16+s15], $0x80, $0x38;
	[tilespmem:$0x4300] =	vst v63  }
0x23: {  	s0 =	sadd.s32 @!p2 s6, s0;
	s3 =	sor.u32 @!p2 $0x200, s3  }
0x24: {  	[tilespmem:s3], [sflag:s30] =	stream.linear.gather @!p2 [hbm4b:s0+s15], $0x80, $0x38;
	[tilespmem:$0x4300] =	vst v63  }
0x25: {  	s0 =	sadd.s32 $0x1, s28  }
0x26: {  	_ =	swait.ge [sflag:s0], $0x80  }
0x27: {  	[sflag:s0] =	ssyncset.done $0x0  }
0x28: {  	[sflag:s0] =	ssyncadd.s32 $0xFFFFFF80  }
0x29: {  	_ =	swait.ge [sflag:s0], $0x80  }
0x2a: {  	s3 =	simm.s32 $0x1;
	[sflag:s0] =	ssyncset.done $0x0  }
0x2b: {  	s3 =	simm.s32 @!p1 $0x0;
	[sflag:s0] =	ssyncadd.s32 $0xFFFFFF80  }
0x2c: {  	s16 =	sshll.u32 s3, $0x7;
	_ =	swait.ge [sflag:s0], $0x80  }
0x2d: {  	p2 =	slt.u32 s29, $0x2;
	v1 =	vmov s16;
	[sflag:s0] =	ssyncset.done $0x0  }
0x2e: {  	[sflag:s0] =	ssyncadd.s32 $0xFFFFFF80;
	s0 =	sadd.s32 @!p2 $0x3, s28  }
0x2f: {  	_ =	swait.ge @!p2 [sflag:s0], $0x2000  }
0x30: {  	[sflag:s0] =	ssyncset.done @!p2 $0x0  }
0x31: {  	s30 =	simm.s32 $0x0;
	[sflag:s0] =	ssyncadd.s32 @!p2 $0xFFFFE000  }
0x32: {  	v0 =	vld.idx.msk [tilespmem:v1+s30+$0x100 ss:$0x1], $0xffff  }
0x33: {  	v2 =	vld.idx.msk [tilespmem:v1+s30+$0x0 ss:$0x1], $0xffff  }
0x34: {  	v3 =	vld.idx.msk [tilespmem:v1+s30+$0x200 ss:$0x1], $0xffff;
	_ =	sdelay $0x2  }
0x35: {  	v0 =	vmul.f32 $2.000000000e+01, v0  }
0x36: {  	v2 =	vmul.f32 $2.000000000e+01, v2  }
0x37: {  	v3 =	vmul.f32 $2.000000000e+01, v3;
	v4 =	vtrunc.f32 v0  }
0x38: {  	v5 =	vtrunc.f32 v2;
	v4 =	vcvt.f32.s32 v4  }
0x39: {  	v6 =	vtrunc.f32 v3;
	v5 =	vcvt.f32.s32 v5  }
0x3a: {  	v6 =	vcvt.f32.s32 v6;
	v4 =	vcvt.s32.f32 v4  }
0x3b: {  	v5 =	vcvt.s32.f32 v5  }
0x3c: {  	v0 =	vsub.f32 v0, v4;
	v4 =	vcvt.s32.f32 v6  }
0x3d: {  	v2 =	vsub.f32 v2, v5  }
0x3e: {  	v5 =	vadd.f32 $1.000000000e+00, v0;
	v3 =	vsub.f32 v3, v4  }
0x3f: {  	v4 =	vadd.f32 $1.000000000e+00, v2;
	vm0 =	vlt.f32 v0, $0.0e+00  }
0x40: {  	vm1 =	vlt.f32 v2, $0.0e+00;
	v0 =	vsel vm0, v5, v0;
	v5 =	vadd.f32 $1.000000000e+00, v3  }
0x41: {  	v6 =	vsel vm1, v4, v2;
	vm15 =	vlt.f32 v3, $0.0e+00;
	v2 =	vsub.f32 $1.000000000e+00, v0  }
0x42: {  	v4 =	vsub.f32 $1.000000000e+00, v6;
	v3 =	vsel vm15, v5, v3;
	v5 =	vmul.f32 v0, v0  }
0x43: {  	v10 =	vmul.f32 v2, v2;
	v7 =	vsub.f32 $1.000000000e+00, v3;
	v8 =	vmul.f32 v3, v3  }
0x44: {  	v9 =	vmul.f32 v4, v4;
	v13 =	vmul.f32 v5, v0  }
0x45: {  	v15 =	vmul.f32 v8, v3;
	v14 =	vmul.f32 v7, v7  }
0x46: {  	v11 =	vmul.f32 v9, v4;
	v4 =	vmul.f32 v10, v2  }
0x47: {  	v2 =	vmul.f32 v14, v7;
	v0 =	vmul.f32 $5.000000000e-01, v15  }
0x48: {  	s15 =	sshll.u32 s3, $0xD;
	v3 =	vmul.f32 $5.000000000e-01, v13;
	v12 =	vmul.f32 $1.666666720e-01, v11  }
0x49: {  	s0 =	sor.u32 $0x300, s15;
	v7 =	vmul.f32 $1.666666720e-01, v4;
	v8 =	vsub.f32 v0, v8;
	v16 =	vmul.f32 $5.000000000e-01, v2  }
0x4a: {  	v18 =	vmul.f32 $5.000000000e-01, v4;
	v5 =	vsub.f32 v3, v5;
	v0 =	vmov s0  }
0x4b: {  	v17 =	vmul.f32 v7, v12;
	v3 =	vadd.f32 $6.666666860e-01, v8;
	v16 =	vsub.f32 v16, v14  }
0x4c: {  	v2 =	vmul.f32 $1.666666720e-01, v2;
	v14 =	vmul.f32 v6, v6;
	v8 =	vadd.f32 $6.666666860e-01, v5  }
0x4d: {  	v5 =	vmul.f32 $1.666666720e-01, v15;
	v4 =	vadd.f32 $6.666666860e-01, v16;
	v19 =	vmul.f32 v3, v17  }
0x4e: {  	v18 =	vsub.f32 v18, v10;
	v16 =	vmul.f32 v2, v17;
	v15 =	vmul.f32 v8, v12  }
0x4f: {  	v10 =	vmul.f32 v14, v6;
	[tilespmem:v0+s30+$0x80 ss:$0x1] =	vst.idx.msk $0xffff, v19;
	v20 =	vmul.f32 v4, v17  }
0x50: {  	s16 =	sshll.u32 s28, $0xD;
	v6 =	vadd.f32 $6.666666860e-01, v18;
	[tilespmem:v0+s30+$0x0 ss:$0x1] =	vst.idx.msk $0xffff, v16;
	v19 =	vmul.f32 v17, v5;
	v17 =	vmul.f32 v15, v2  }
0x51: {  	s31 =	sor.u32 $0x300, s16;
	s0 =	simm.s32 $0x40;
	v18 =	vmul.f32 v3, v15;
	v16 =	vmul.f32 v4, v15;
	[tilespmem:v0+s30+$0x100 ss:$0x1] =	vst.idx.msk $0xffff, v20  }
.LBB2_3:
0x52: {  	p2 =	sne.s32 s0, $0x1C0;
	v20 =	vmul.f32 $5.000000000e-01, v10;
	[tilespmem:v0+s30+$0x180 ss:$0x1] =	vst.idx.msk $0xffff, v19;
	v19 =	vmul.f32 v6, v12;
	s3 =	smov.u32 s0;
	s0 =	sadd.s32 $0x40, s0  }
0x53: {  	v21 =	vmul.f32 $5.000000000e-01, v11;
	v11 =	vmul.f32 $1.666666720e-01, v13;
	[tilespmem:v0+s30+$0x200 ss:$0x1] =	vst.idx.msk $0xffff, v17  }
0x54: {  	v13 =	vmul.f32 v15, v5;
	s3 =	sshra.s32 s3, $0x2;
	[tilespmem:v0+s30+$0x280 ss:$0x1] =	vst.idx.msk $0xffff, v18;
	v15 =	vmul.f32 v19, v2  }
0x55: {  	v17 =	vmul.f32 v4, v19;
	[tilespmem:v0+s30+$0x300 ss:$0x1] =	vst.idx.msk $0xffff, v16;
	v16 =	vmul.f32 v19, v3  }
0x56: {  	v10 =	vmul.f32 $1.666666720e-01, v10;
	v14 =	vsub.f32 v20, v14;
	[tilespmem:v0+s30+$0x380 ss:$0x1] =	vst.idx.msk $0xffff, v13;
	v13 =	vmul.f32 v19, v5  }
0x57: {  	v9 =	vsub.f32 v21, v9;
	v12 =	vmul.f32 v11, v12;
	[tilespmem:v0+s30+$0x400 ss:$0x1] =	vst.idx.msk $0xffff, v15  }
0x58: {  	v14 =	vadd.f32 $6.666666860e-01, v14;
	v15 =	vmul.f32 v7, v10;
	[tilespmem:v0+s30+$0x480 ss:$0x1] =	vst.idx.msk $0xffff, v16;
	v16 =	vmul.f32 v8, v10  }
0x59: {  	v9 =	vadd.f32 $6.666666860e-01, v9;
	v18 =	vmul.f32 v3, v12;
	[tilespmem:v0+s30+$0x500 ss:$0x1] =	vst.idx.msk $0xffff, v17;
	v17 =	vmul.f32 v2, v12  }
0x5a: {  	v19 =	vmul.f32 v7, v14;
	[tilespmem:v0+s30+$0x580 ss:$0x1] =	vst.idx.msk $0xffff, v13;
	v13 =	vmul.f32 v5, v12  }
0x5b: {  	v12 =	vmul.f32 v4, v12;
	[tilespmem:v0+s30+$0x600 ss:$0x1] =	vst.idx.msk $0xffff, v17;
	v17 =	vmul.f32 v8, v14  }
0x5c: {  	v20 =	vmul.f32 v3, v19;
	[tilespmem:v0+s30+$0x680 ss:$0x1] =	vst.idx.msk $0xffff, v18;
	v18 =	vmul.f32 v2, v19  }
0x5d: {  	[tilespmem:v0+s30+$0x700 ss:$0x1] =	vst.idx.msk $0xffff, v12;
	v12 =	vmul.f32 v4, v19;
	v19 =	vmul.f32 v19, v5  }
0x5e: {  	v21 =	vmul.f32 v3, v17;
	[tilespmem:v0+s30+$0x780 ss:$0x1] =	vst.idx.msk $0xffff, v13;
	v13 =	vmul.f32 v17, v2  }
0x5f: {  	v22 =	vmul.f32 v6, v14;
	[tilespmem:v0+s30+$0x800 ss:$0x1] =	vst.idx.msk $0xffff, v18;
	v18 =	vmul.f32 v4, v17  }
0x60: {  	v14 =	vmul.f32 v14, v11;
	v17 =	vmul.f32 v17, v5;
	[tilespmem:v0+s30+$0x880 ss:$0x1] =	vst.idx.msk $0xffff, v20  }
0x61: {  	v20 =	vmul.f32 v22, v5;
	[tilespmem:v0+s30+$0x900 ss:$0x1] =	vst.idx.msk $0xffff, v12;
	v12 =	vmul.f32 v22, v3  }
0x62: {  	v23 =	vmul.f32 v3, v14;
	[tilespmem:v0+s30+$0x980 ss:$0x1] =	vst.idx.msk $0xffff, v19;
	v19 =	vmul.f32 v2, v14  }
0x63: {  	[tilespmem:v0+s30+$0xA00 ss:$0x1] =	vst.idx.msk $0xffff, v13;
	v13 =	vmul.f32 v4, v14;
	v14 =	vmul.f32 v14, v5  }
0x64: {  	[tilespmem:v0+s30+$0xA80 ss:$0x1] =	vst.idx.msk $0xffff, v21;
	v21 =	vmul.f32 v22, v2;
	v22 =	vmul.f32 v4, v22  }
0x65: {  	v7 =	vmul.f32 v9, v7;
	v8 =	vmul.f32 v8, v9;
	[tilespmem:v0+s30+$0xB00 ss:$0x1] =	vst.idx.msk $0xffff, v18  }
0x66: {  	[tilespmem:v0+s30+$0xB80 ss:$0x1] =	vst.idx.msk $0xffff, v17;
	v17 =	vmul.f32 v6, v9;
	v9 =	vmul.f32 v9, v11  }
0x67: {  	v18 =	vmul.f32 v7, v2;
	[tilespmem:v0+s30+$0xC00 ss:$0x1] =	vst.idx.msk $0xffff, v21;
	v21 =	vmul.f32 v3, v7  }
0x68: {  	[tilespmem:v0+s30+$0xC80 ss:$0x1] =	vst.idx.msk $0xffff, v12;
	v12 =	vmul.f32 v4, v7;
	v7 =	vmul.f32 v7, v5  }
0x69: {  	v24 =	vmul.f32 v3, v8;
	[tilespmem:v0+s30+$0xD00 ss:$0x1] =	vst.idx.msk $0xffff, v22;
	v22 =	vmul.f32 v8, v2  }
0x6a: {  	[tilespmem:v0+s30+$0xD80 ss:$0x1] =	vst.idx.msk $0xffff, v20;
	v20 =	vmul.f32 v4, v8;
	v8 =	vmul.f32 v8, v5  }
0x6b: {  	v25 =	vmul.f32 v17, v3;
	[tilespmem:v0+s30+$0xE00 ss:$0x1] =	vst.idx.msk $0xffff, v19;
	v19 =	vmul.f32 v17, v2  }
0x6c: {  	[tilespmem:v0+s30+$0xE80 ss:$0x1] =	vst.idx.msk $0xffff, v23;
	v23 =	vmul.f32 v4, v17;
	v17 =	vmul.f32 v17, v5  }
0x6d: {  	v26 =	vmul.f32 v4, v9;
	[tilespmem:v0+s30+$0xF00 ss:$0x1] =	vst.idx.msk $0xffff, v13;
	v13 =	vmul.f32 v9, v2  }
0x6e: {  	v27 =	vmul.f32 v2, v15;
	[tilespmem:v0+s30+$0xF80 ss:$0x1] =	vst.idx.msk $0xffff, v14;
	v14 =	vmul.f32 v9, v5  }
0x6f: {  	v9 =	vmul.f32 v3, v9;
	[tilespmem:v0+s30+$0x1000 ss:$0x1] =	vst.idx.msk $0xffff, v18;
	v18 =	vmul.f32 v3, v15  }
0x70: {  	[tilespmem:v0+s30+$0x1080 ss:$0x1] =	vst.idx.msk $0xffff, v21;
	v21 =	vmul.f32 v4, v15;
	v15 =	vmul.f32 v15, v5  }
0x71: {  	v28 =	vmul.f32 v3, v16;
	[tilespmem:v0+s30+$0x1100 ss:$0x1] =	vst.idx.msk $0xffff, v12;
	v12 =	vmul.f32 v16, v2  }
0x72: {  	[tilespmem:v0+s30+$0x1180 ss:$0x1] =	vst.idx.msk $0xffff, v7;
	v7 =	vmul.f32 v4, v16;
	v16 =	vmul.f32 v16, v5  }
0x73: {  	v6 =	vmul.f32 v6, v10;
	v10 =	vmul.f32 v11, v10;
	[tilespmem:v0+s30+$0x1200 ss:$0x1] =	vst.idx.msk $0xffff, v22  }
0x74: {  	[tilespmem:v0+s30+$0x1280 ss:$0x1] =	vst.idx.msk $0xffff, v24  }
0x75: {  	v11 =	vmul.f32 v6, v2;
	[tilespmem:v0+s30+$0x1300 ss:$0x1] =	vst.idx.msk $0xffff, v20;
	v20 =	vmul.f32 v6, v3  }
0x76: {  	[tilespmem:v0+s30+$0x1380 ss:$0x1] =	vst.idx.msk $0xffff, v8;
	v8 =	vmul.f32 v4, v6;
	v6 =	vmul.f32 v6, v5  }
0x77: {  	v2 =	vmul.f32 v2, v10;
	v3 =	vmul.f32 v3, v10;
	[tilespmem:v0+s30+$0x1400 ss:$0x1] =	vst.idx.msk $0xffff, v19  }
0x78: {  	v4 =	vmul.f32 v4, v10;
	v5 =	vmul.f32 v5, v10;
	[tilespmem:v0+s30+$0x1480 ss:$0x1] =	vst.idx.msk $0xffff, v25  }
0x79: {  	[tilespmem:v0+s30+$0x1500 ss:$0x1] =	vst.idx.msk $0xffff, v23  }
0x7a: {  	[tilespmem:v0+s30+$0x1580 ss:$0x1] =	vst.idx.msk $0xffff, v17  }
0x7b: {  	[tilespmem:v0+s30+$0x1600 ss:$0x1] =	vst.idx.msk $0xffff, v13  }
0x7c: {  	[tilespmem:v0+s30+$0x1680 ss:$0x1] =	vst.idx.msk $0xffff, v9  }
0x7d: {  	[tilespmem:v0+s30+$0x1700 ss:$0x1] =	vst.idx.msk $0xffff, v26  }
0x7e: {  	[tilespmem:v0+s30+$0x1780 ss:$0x1] =	vst.idx.msk $0xffff, v14  }
0x7f: {  	[tilespmem:v0+s30+$0x1800 ss:$0x1] =	vst.idx.msk $0xffff, v27  }
0x80: {  	[tilespmem:v0+s30+$0x1880 ss:$0x1] =	vst.idx.msk $0xffff, v18  }
0x81: {  	[tilespmem:v0+s30+$0x1900 ss:$0x1] =	vst.idx.msk $0xffff, v21  }
0x82: {  	[tilespmem:v0+s30+$0x1980 ss:$0x1] =	vst.idx.msk $0xffff, v15  }
0x83: {  	[tilespmem:v0+s30+$0x1A00 ss:$0x1] =	vst.idx.msk $0xffff, v12  }
0x84: {  	[tilespmem:v0+s30+$0x1A80 ss:$0x1] =	vst.idx.msk $0xffff, v28  }
0x85: {  	[tilespmem:v0+s30+$0x1B00 ss:$0x1] =	vst.idx.msk $0xffff, v7  }
0x86: {  	[tilespmem:v0+s30+$0x1B80 ss:$0x1] =	vst.idx.msk $0xffff, v16  }
0x87: {  	[tilespmem:v0+s30+$0x1C00 ss:$0x1] =	vst.idx.msk $0xffff, v11  }
0x88: {  	[tilespmem:v0+s30+$0x1C80 ss:$0x1] =	vst.idx.msk $0xffff, v20  }
0x89: {  	[tilespmem:v0+s30+$0x1D00 ss:$0x1] =	vst.idx.msk $0xffff, v8  }
0x8a: {  	[tilespmem:v0+s30+$0x1D80 ss:$0x1] =	vst.idx.msk $0xffff, v6  }
0x8b: {  	[tilespmem:v0+s30+$0x1E00 ss:$0x1] =	vst.idx.msk $0xffff, v2  }
0x8c: {  	[tilespmem:v0+s30+$0x1E80 ss:$0x1] =	vst.idx.msk $0xffff, v3  }
0x8d: {  	[tilespmem:v0+s30+$0x1F00 ss:$0x1] =	vst.idx.msk $0xffff, v4  }
0x8e: {  	[tilespmem:v0+s30+$0x1F80 ss:$0x1] =	vst.idx.msk $0xffff, v5;
	s30 =	smov.u32 s3  }
0x8f: {  	v2 =	vld.idx.msk [tilespmem:v1+s30+$0x100 ss:$0x1], $0xffff  }
0x90: {  	v3 =	vld.idx.msk [tilespmem:v1+s30+$0x0 ss:$0x1], $0xffff  }
0x91: {  	v4 =	vld.idx.msk [tilespmem:v1+s30+$0x200 ss:$0x1], $0xffff;
	_ =	sdelay $0x3  }
0x92: {  	v2 =	vmul.f32 $2.000000000e+01, v2  }
0x93: {  	v3 =	vmul.f32 $2.000000000e+01, v3  }
0x94: {  	v5 =	vtrunc.f32 v2;
	v4 =	vmul.f32 $2.000000000e+01, v4  }
0x95: {  	v6 =	vtrunc.f32 v3;
	v5 =	vcvt.f32.s32 v5  }
0x96: {  	v6 =	vcvt.f32.s32 v6;
	v7 =	vtrunc.f32 v4  }
0x97: {  	v5 =	vcvt.s32.f32 v5;
	v7 =	vcvt.f32.s32 v7  }
0x98: {  	v6 =	vcvt.s32.f32 v6  }
0x99: {  	v2 =	vsub.f32 v2, v5;
	v5 =	vcvt.s32.f32 v7  }
0x9a: {  	v3 =	vsub.f32 v3, v6  }
0x9b: {  	v6 =	vadd.f32 $1.000000000e+00, v2;
	v4 =	vsub.f32 v4, v5  }
0x9c: {  	vm0 =	vlt.f32 v2, $0.0e+00;
	v5 =	vadd.f32 $1.000000000e+00, v3  }
0x9d: {  	vm1 =	vlt.f32 v3, $0.0e+00;
	v2 =	vsel vm0, v6, v2;
	v6 =	vadd.f32 $1.000000000e+00, v4  }
0x9e: {  	vm0 =	vlt.f32 v4, $0.0e+00;
	v10 =	vsel vm1, v5, v3;
	v3 =	vsub.f32 $1.000000000e+00, v2  }
0x9f: {  	v4 =	vsel vm0, v6, v4;
	v5 =	vsub.f32 $1.000000000e+00, v10;
	v6 =	vmul.f32 v2, v2  }
0xa0: {  	v15 =	vmul.f32 v3, v3;
	v7 =	vsub.f32 $1.000000000e+00, v4;
	v8 =	vmul.f32 v4, v4  }
0xa1: {  	v9 =	vmul.f32 v5, v5;
	v13 =	vmul.f32 v6, v2  }
0xa2: {  	v16 =	vmul.f32 v8, v4;
	v4 =	vmul.f32 v7, v7  }
0xa3: {  	v2 =	vmul.f32 v15, v3;
	v11 =	vmul.f32 v9, v5  }
0xa4: {  	v3 =	vmul.f32 v4, v7;
	v5 =	vmul.f32 $5.000000000e-01, v16  }
0xa5: {  	v14 =	vmul.f32 $5.000000000e-01, v13;
	v12 =	vmul.f32 $1.666666720e-01, v11  }
0xa6: {  	v7 =	vmul.f32 $1.666666720e-01, v2;
	v5 =	vsub.f32 v5, v8;
	v8 =	vmul.f32 $5.000000000e-01, v3  }
0xa7: {  	v17 =	vmul.f32 $5.000000000e-01, v2;
	v6 =	vsub.f32 v14, v6;
	v2 =	vmul.f32 $1.666666720e-01, v3  }
0xa8: {  	v18 =	vmul.f32 v7, v12;
	v3 =	vadd.f32 $6.666666860e-01, v5;
	v4 =	vsub.f32 v8, v4  }
0xa9: {  	v14 =	vmul.f32 v10, v10;
	v8 =	vadd.f32 $6.666666860e-01, v6;
	v5 =	vsub.f32 v17, v15  }
.Ltmp2:
0xaa: {  	v17 =	vmul.f32 v2, v18;
	v4 =	vadd.f32 $6.666666860e-01, v4;
	v19 =	vmul.f32 v3, v18;
	(pc) =	sbr.rel @p2 .LBB2_3-.Ltmp2, $4  }
0xab: {  	v6 =	vadd.f32 $6.666666860e-01, v5;
	v5 =	vmul.f32 $1.666666720e-01, v16;
	v15 =	vmul.f32 v8, v12  }
0xac: {  	v10 =	vmul.f32 v14, v10;
	v16 =	vmul.f32 v4, v18;
	[tilespmem:v0+s30+$0x80 ss:$0x1] =	vst.idx.msk $0xffff, v19  }
0xad: {  	v19 =	vmul.f32 v18, v5;
	[tilespmem:v0+s30+$0x0 ss:$0x1] =	vst.idx.msk $0xffff, v17;
	v17 =	vmul.f32 v15, v2  }
0xae: {  	v18 =	vmul.f32 v3, v15;
	[tilespmem:v0+s30+$0x100 ss:$0x1] =	vst.idx.msk $0xffff, v16;
	v16 =	vmul.f32 v4, v15  }
0xaf: {  	_ =	sdelay $0x3  }
0xb0: {  	[tilespmem:v0+s30+$0x180 ss:$0x1] =	vst.idx.msk $0xffff, v19  }
0xb1: {  	v1 =	vmul.f32 v6, v12;
	[tilespmem:v0+s30+$0x200 ss:$0x1] =	vst.idx.msk $0xffff, v17  }
0xb2: {  	v48 =	vmul.f32 $5.000000000e-01, v10;
	v15 =	vmul.f32 v15, v5;
	[tilespmem:v0+s30+$0x280 ss:$0x1] =	vst.idx.msk $0xffff, v18  }
0xb3: {  	v13 =	vmul.f32 $1.666666720e-01, v13;
	v49 =	vmul.f32 v1, v2;
	[tilespmem:v0+s30+$0x300 ss:$0x1] =	vst.idx.msk $0xffff, v16  }
0xb4: {  	v50 =	vmul.f32 v1, v3;
	v51 =	vmul.f32 v4, v1;
	[tilespmem:v0+s30+$0x380 ss:$0x1] =	vst.idx.msk $0xffff, v15  }
0xb5: {  	v14 =	vsub.f32 v48, v14;
	v52 =	vmul.f32 v13, v12;
	[tilespmem:v0+s30+$0x400 ss:$0x1] =	vst.idx.msk $0xffff, v49  }
0xb6: {  	v1 =	vmul.f32 v1, v5;
	[tilespmem:v0+s30+$0x480 ss:$0x1] =	vst.idx.msk $0xffff, v50  }
0xb7: {  	v14 =	vadd.f32 $6.666666860e-01, v14;
	v53 =	vmul.f32 v2, v52;
	[tilespmem:v0+s30+$0x500 ss:$0x1] =	vst.idx.msk $0xffff, v51  }
0xb8: {  	v54 =	vmul.f32 v3, v52;
	[tilespmem:v0+s30+$0x580 ss:$0x1] =	vst.idx.msk $0xffff, v1  }
0xb9: {  	v56 =	vmul.f32 v4, v52;
	v55 =	vmul.f32 v7, v14;
	[tilespmem:v0+s30+$0x600 ss:$0x1] =	vst.idx.msk $0xffff, v53  }
0xba: {  	v12 =	vmul.f32 v5, v52;
	[tilespmem:v0+s30+$0x680 ss:$0x1] =	vst.idx.msk $0xffff, v54  }
0xbb: {  	v57 =	vmul.f32 v2, v55;
	[tilespmem:v0+s30+$0x700 ss:$0x1] =	vst.idx.msk $0xffff, v56  }
0xbc: {  	v58 =	vmul.f32 v3, v55;
	[tilespmem:v0+s30+$0x780 ss:$0x1] =	vst.idx.msk $0xffff, v12  }
0xbd: {  	v59 =	vmul.f32 v8, v14;
	v60 =	vmul.f32 v4, v55;
	[tilespmem:v0+s30+$0x800 ss:$0x1] =	vst.idx.msk $0xffff, v57  }
0xbe: {  	v1 =	vmul.f32 v55, v5;
	[tilespmem:v0+s30+$0x880 ss:$0x1] =	vst.idx.msk $0xffff, v58  }
0xbf: {  	v61 =	vmul.f32 v59, v2;
	[tilespmem:v0+s30+$0x900 ss:$0x1] =	vst.idx.msk $0xffff, v60  }
0xc0: {  	v62 =	vmul.f32 v3, v59;
	[tilespmem:v0+s30+$0x980 ss:$0x1] =	vst.idx.msk $0xffff, v1  }
0xc1: {  	v20 =	vmul.f32 v6, v14;
	v63 =	vmul.f32 v4, v59;
	[tilespmem:v0+s30+$0xA00 ss:$0x1] =	vst.idx.msk $0xffff, v61  }
0xc2: {  	v11 =	vmul.f32 $5.000000000e-01, v11;
	v12 =	vmul.f32 v59, v5;
	[tilespmem:v0+s30+$0xA80 ss:$0x1] =	vst.idx.msk $0xffff, v62  }
0xc3: {  	v21 =	vmul.f32 v20, v2;
	[tilespmem:v0+s30+$0xB00 ss:$0x1] =	vst.idx.msk $0xffff, v63  }
0xc4: {  	v22 =	vsub.f32 v11, v9;
	v23 =	vmul.f32 v20, v3;
	[tilespmem:v0+s30+$0xB80 ss:$0x1] =	vst.idx.msk $0xffff, v12  }
0xc5: {  	v24 =	vmul.f32 v14, v13;
	v25 =	vmul.f32 v4, v20;
	[tilespmem:v0+s30+$0xC00 ss:$0x1] =	vst.idx.msk $0xffff, v21  }
0xc6: {  	v26 =	vmul.f32 v20, v5;
	[tilespmem:v0+s30+$0xC80 ss:$0x1] =	vst.idx.msk $0xffff, v23  }
0xc7: {  	v27 =	vmul.f32 v2, v24;
	v1 =	vadd.f32 $6.666666860e-01, v22;
	[tilespmem:v0+s30+$0xD00 ss:$0x1] =	vst.idx.msk $0xffff, v25  }
0xc8: {  	v28 =	vmul.f32 v3, v24;
	[tilespmem:v0+s30+$0xD80 ss:$0x1] =	vst.idx.msk $0xffff, v26  }
0xc9: {  	v29 =	vmul.f32 v4, v24;
	v30 =	vmul.f32 v1, v7;
	[tilespmem:v0+s30+$0xE00 ss:$0x1] =	vst.idx.msk $0xffff, v27  }
0xca: {  	v31 =	vmul.f32 v24, v5;
	[tilespmem:v0+s30+$0xE80 ss:$0x1] =	vst.idx.msk $0xffff, v28  }
0xcb: {  	v32 =	vmul.f32 v30, v2;
	[tilespmem:v0+s30+$0xF00 ss:$0x1] =	vst.idx.msk $0xffff, v29  }
0xcc: {  	v33 =	vmul.f32 v3, v30;
	[tilespmem:v0+s30+$0xF80 ss:$0x1] =	vst.idx.msk $0xffff, v31  }
0xcd: {  	v34 =	vmul.f32 v8, v1;
	v35 =	vmul.f32 v4, v30;
	[tilespmem:v0+s30+$0x1000 ss:$0x1] =	vst.idx.msk $0xffff, v32  }
0xce: {  	v36 =	vmul.f32 v30, v5;
	[tilespmem:v0+s30+$0x1080 ss:$0x1] =	vst.idx.msk $0xffff, v33  }
0xcf: {  	v37 =	vmul.f32 v34, v2;
	[tilespmem:v0+s30+$0x1100 ss:$0x1] =	vst.idx.msk $0xffff, v35  }
0xd0: {  	v38 =	vmul.f32 v3, v34;
	[tilespmem:v0+s30+$0x1180 ss:$0x1] =	vst.idx.msk $0xffff, v36  }
0xd1: {  	v39 =	vmul.f32 v6, v1;
	v40 =	vmul.f32 v4, v34;
	[tilespmem:v0+s30+$0x1200 ss:$0x1] =	vst.idx.msk $0xffff, v37  }
0xd2: {  	v9 =	vmul.f32 v34, v5;
	[tilespmem:v0+s30+$0x1280 ss:$0x1] =	vst.idx.msk $0xffff, v38  }
0xd3: {  	v41 =	vmul.f32 v39, v2;
	[tilespmem:v0+s30+$0x1300 ss:$0x1] =	vst.idx.msk $0xffff, v40  }
0xd4: {  	v42 =	vmul.f32 v39, v3;
	[tilespmem:v0+s30+$0x1380 ss:$0x1] =	vst.idx.msk $0xffff, v9  }
0xd5: {  	v1 =	vmul.f32 v1, v13;
	v43 =	vmul.f32 v4, v39;
	[tilespmem:v0+s30+$0x1400 ss:$0x1] =	vst.idx.msk $0xffff, v41  }
0xd6: {  	v11 =	vmul.f32 v39, v5;
	[tilespmem:v0+s30+$0x1480 ss:$0x1] =	vst.idx.msk $0xffff, v42  }
0xd7: {  	v44 =	vmul.f32 $1.666666720e-01, v10;
	v45 =	vmul.f32 v1, v2;
	[tilespmem:v0+s30+$0x1500 ss:$0x1] =	vst.idx.msk $0xffff, v43  }
0xd8: {  	v46 =	vmul.f32 v3, v1;
	[tilespmem:v0+s30+$0x1580 ss:$0x1] =	vst.idx.msk $0xffff, v11  }
0xd9: {  	v47 =	vmul.f32 v7, v44;
	v48 =	vmul.f32 v4, v1;
	[tilespmem:v0+s30+$0x1600 ss:$0x1] =	vst.idx.msk $0xffff, v45  }
0xda: {  	v1 =	vmul.f32 v1, v5;
	[tilespmem:v0+s30+$0x1680 ss:$0x1] =	vst.idx.msk $0xffff, v46  }
0xdb: {  	v49 =	vmul.f32 v2, v47;
	[tilespmem:v0+s30+$0x1700 ss:$0x1] =	vst.idx.msk $0xffff, v48  }
0xdc: {  	v50 =	vmul.f32 v3, v47;
	[tilespmem:v0+s30+$0x1780 ss:$0x1] =	vst.idx.msk $0xffff, v1  }
0xdd: {  	v52 =	vmul.f32 v4, v47;
	v51 =	vmul.f32 v8, v44;
	[tilespmem:v0+s30+$0x1800 ss:$0x1] =	vst.idx.msk $0xffff, v49  }
0xde: {  	v7 =	vmul.f32 v47, v5;
	[tilespmem:v0+s30+$0x1880 ss:$0x1] =	vst.idx.msk $0xffff, v50  }
0xdf: {  	v53 =	vmul.f32 v51, v2;
	[tilespmem:v0+s30+$0x1900 ss:$0x1] =	vst.idx.msk $0xffff, v52  }
0xe0: {  	v54 =	vmul.f32 v3, v51;
	[tilespmem:v0+s30+$0x1980 ss:$0x1] =	vst.idx.msk $0xffff, v7  }
0xe1: {  	v55 =	vmul.f32 v4, v51;
	v56 =	vmul.f32 v6, v44;
	[tilespmem:v0+s30+$0x1A00 ss:$0x1] =	vst.idx.msk $0xffff, v53  }
0xe2: {  	v1 =	vmul.f32 v51, v5;
	[tilespmem:v0+s30+$0x1A80 ss:$0x1] =	vst.idx.msk $0xffff, v54  }
0xe3: {  	v57 =	vmul.f32 v56, v2;
	[tilespmem:v0+s30+$0x1B00 ss:$0x1] =	vst.idx.msk $0xffff, v55  }
0xe4: {  	v58 =	vmul.f32 v56, v3;
	[tilespmem:v0+s30+$0x1B80 ss:$0x1] =	vst.idx.msk $0xffff, v1  }
0xe5: {  	v59 =	vmul.f32 v13, v44;
	v60 =	vmul.f32 v4, v56;
	[tilespmem:v0+s30+$0x1C00 ss:$0x1] =	vst.idx.msk $0xffff, v57  }
0xe6: {  	v6 =	vmul.f32 v56, v5;
	[tilespmem:v0+s30+$0x1C80 ss:$0x1] =	vst.idx.msk $0xffff, v58  }
0xe7: {  	v61 =	vmul.f32 v2, v59;
	[tilespmem:v0+s30+$0x1D00 ss:$0x1] =	vst.idx.msk $0xffff, v60  }
0xe8: {  	p2 =	sne.s32 s26, s7;
	v62 =	vmul.f32 v3, v59;
	[tilespmem:v0+s30+$0x1D80 ss:$0x1] =	vst.idx.msk $0xffff, v6  }
.Ltmp3:
0xe9: {  	s0 =	sshll.u32 s29, $0xF;
	v63 =	vmul.f32 v4, v59;
	[tilespmem:v0+s30+$0x1E00 ss:$0x1] =	vst.idx.msk $0xffff, v61;
	(pc) =	sbr.rel @p2 .LBB2_2-.Ltmp3, $4  }
0xea: {  	s0 =	sor.u32 s12, s0;
	v1 =	vmul.f32 v5, v59;
	[tilespmem:v0+s30+$0x1E80 ss:$0x1] =	vst.idx.msk $0xffff, v62  }
0xeb: {  	s3 =	sadd.s32 $0x3, s28;
	s0 =	sshrl.u32 s0, $0x3;
	[tilespmem:v0+s30+$0x1F00 ss:$0x1] =	vst.idx.msk $0xffff, v63  }
0xec: {  	p1 =	por !p1, !p1;
	s29 =	smov.u32 s26;
	s0 =	sadd.s32 s1, s0;
	[tilespmem:v0+s30+$0x1F80 ss:$0x1] =	vst.idx.msk $0xffff, v1  }
0xed: {  	[hbm4b:s0+s21] =	stream.strided.scatter [tilespmem:s31], [sflag:s3], $0x2000, s22, s21, $0x38;
	[tilespmem:$0x4300] =	vst v63  }
0xee: {  	_ =	swait.ge [sflag:s13], $0x2000  }
.Ltmp4:
0xef: {  	[sflag:s13] =	ssyncset.done $0x0;
	(pc) =	sbr.rel @p0 .LBB2_11-.Ltmp4, $4  }
0xf0: {  	[sflag:s13] =	ssyncadd.s32 $0xFFFFE000  }
0xf1: {  	_ =	swait.ge [sflag:s14], $0x2000  }
0xf2: {  	[sflag:s14] =	ssyncset.done $0x0  }
0xf3: {  	[sflag:s14] =	ssyncadd.s32 $0xFFFFE000  }
0xf4: {  	s26 =	simm.s32 $0x0;
	s0 =	rddreg [dreg:$0x3]  }
0xf5: {  	[tilespmem:s26], [sflag:$0x5] =	stream.linear.gather [hbm4b:s0+s26], $0x40, $0x38;
	[tilespmem:$0x4300] =	vst v63  }
0xf6: {  	_ =	swait.ge [sflag:s23], $0x40  }
0xf7: {  	[sflag:s23] =	ssyncset.done $0x0  }
0xf8: {  	s31 =	rddreg [dreg:$0x4];
	[sflag:s23] =	ssyncadd.s32 $0xFFFFFFC0  }
0xf9: {  	[tilespmem:s19], [sflag:$0x5] =	stream.linear.gather [hbm4b:s31+s26], $0x40, $0x38;
	[tilespmem:$0x4300] =	vst v63  }
0xfa: {  	_ =	swait.ge [sflag:s23], $0x40  }
0xfb: {  	[sflag:s23] =	ssyncset.done $0x0  }
0xfc: {  	[sflag:s23] =	ssyncadd.s32 $0xFFFFFFC0  }
0xfd: {  	[tilespmem:s20], [sflag:$0x5] =	stream.linear.gather [hbm4b:s17+s26], $0x40, $0x38;
	[tilespmem:$0x4300] =	vst v63  }
0xfe: {  	_ =	swait.ge [sflag:s23], $0x40  }
0xff: {  	[sflag:s23] =	ssyncset.done $0x0  }
0x100: {  	s28 =	simm.s32 $0x0;
	[sflag:s23] =	ssyncadd.s32 $0xFFFFFFC0  }
0x101: {  	v0 =	vld [tilespmem:s28+$0x100];
	_ =	sdelay $0x4  }
0x102: {  	v0 =	vmul.f32 $2.000000000e+01, v0  }
0x103: {  	v1 =	vld [tilespmem:s28+$0x0]  }
0x104: {  	v2 =	vtrunc.f32 v0  }
0x105: {  	v3 =	vld [tilespmem:s28+$0x200];
	v2 =	vcvt.f32.s32 v2;
	_ =	sdelay $0x1  }
0x106: {  	v2 =	vcvt.s32.f32 v2  }
0x107: {  	v1 =	vmul.f32 $2.000000000e+01, v1  }
0x108: {  	v0 =	vsub.f32 v0, v2  }
0x109: {  	v3 =	vmul.f32 $2.000000000e+01, v3;
	v2 =	vtrunc.f32 v1  }
0x10a: {  	v2 =	vcvt.f32.s32 v2;
	v4 =	vadd.f32 $1.000000000e+00, v0  }
0x10b: {  	v5 =	vtrunc.f32 v3;
	vm0 =	vlt.f32 v0, $0.0e+00  }
0x10c: {  	v2 =	vcvt.s32.f32 v2;
	v0 =	vsel vm0, v4, v0;
	v4 =	vcvt.f32.s32 v5  }
0x10d: {  	v5 =	vsub.f32 $1.000000000e+00, v0  }
0x10e: {  	v1 =	vsub.f32 v1, v2;
	v2 =	vcvt.s32.f32 v4  }
0x10f: {  	v4 =	vmul.f32 v5, v5  }
0x110: {  	v6 =	vadd.f32 $1.000000000e+00, v1;
	v2 =	vsub.f32 v3, v2  }
0x111: {  	vm14 =	vlt.f32 v1, $0.0e+00;
	v3 =	vmul.f32 v4, v5  }
0x112: {  	v5 =	vmul.f32 v0, v0;
	v1 =	vsel vm14, v6, v1;
	v6 =	vadd.f32 $1.000000000e+00, v2  }
0x113: {  	vm15 =	vlt.f32 v2, $0.0e+00;
	v7 =	vmul.f32 v1, v1  }
0x114: {  	v8 =	vmul.f32 $5.000000000e-01, v3;
	v9 =	vmul.f32 v5, v0;
	v0 =	vsel vm15, v6, v2  }
0x115: {  	v2 =	vsub.f32 $1.000000000e+00, v1;
	v1 =	vmul.f32 v7, v1;
	v6 =	vmul.f32 v0, v0  }
0x116: {  	v4 =	vsub.f32 v8, v4;
	v8 =	vmul.f32 $5.000000000e-01, v9;
	v17 =	vmul.f32 $1.666666720e-01, v9  }
0x117: {  	v11 =	vsub.f32 $1.000000000e+00, v0;
	v10 =	vmul.f32 v2, v2;
	v12 =	vmul.f32 $1.666666720e-01, v1  }
0x118: {  	v1 =	vmul.f32 $5.000000000e-01, v1;
	v4 =	vadd.f32 $6.666666860e-01, v4;
	v13 =	vmul.f32 v6, v0  }
0x119: {  	v14 =	vmul.f32 v11, v11;
	v2 =	vmul.f32 v10, v2  }
0x11a: {  	v1 =	vsub.f32 v1, v7;
	v0 =	vmul.f32 $1.666666720e-01, v13;
	v15 =	vmul.f32 v4, v12  }
0x11b: {  	v5 =	vsub.f32 v8, v5;
	v11 =	vmul.f32 v14, v11;
	v16 =	vmul.f32 $5.000000000e-01, v2  }
0x11c: {  	v8 =	vmul.f32 $5.000000000e-01, v13;
	v2 =	vmul.f32 $1.666666720e-01, v2;
	v1 =	vadd.f32 $6.666666860e-01, v1  }
0x11d: {  	v18 =	vmul.f32 v15, v0;
	v7 =	vsub.f32 v16, v10;
	v10 =	vmul.f32 $1.666666720e-01, v3  }
0x11e: {  	v3 =	vadd.f32 $6.666666860e-01, v5;
	v5 =	vmul.f32 $5.000000000e-01, v11;
	v13 =	vmul.f32 v4, v2  }
0x11f: {  	v16 =	vmul.f32 v4, v1;
	v9 =	vmul.f32 v1, v17;
	v7 =	vadd.f32 $6.666666860e-01, v7  }
0x120: {  	v32 =	vmul.f32 v3, v2;
	v33 =	vmul.f32 v10, v1  }
0x121: {  	v34 =	vmul.f32 v3, v1;
	v19 =	vmul.f32 v7, v10  }
0x122: {  	v20 =	vmul.f32 v3, v7;
	v21 =	vmul.f32 v4, v7  }
0x123: {  	v22 =	vmul.f32 v7, v17;
	v4 =	vsub.f32 v8, v6;
	v8 =	vmul.f32 v3, v12  }
0x124: {  	v7 =	vmul.f32 v10, v2;
	v3 =	vmul.f32 $1.666666720e-01, v11  }
0x125: {  	v6 =	vsub.f32 v5, v14;
	v5 =	vmul.f32 v17, v2;
	v2 =	vmul.f32 v17, v12  }
0x126: {  	v1 =	vadd.f32 $6.666666860e-01, v4;
	v4 =	vmul.f32 v10, v12;
	v11 =	vmul.f32 v13, v3  }
0x127: {  	[tilespmem:s28+$0x2080] =	vst v18;
	v18 =	vmul.f32 v20, v3;
	v35 =	vmul.f32 v20, v0  }
0x128: {  	v36 =	vmul.f32 v21, v3;
	v31 =	vmul.f32 v21, v0;
	[tilespmem:s28+$0x700] =	vst v11  }
0x129: {  	v6 =	vadd.f32 $6.666666860e-01, v6;
	v29 =	vmul.f32 v22, v3;
	v28 =	vmul.f32 v22, v0;
	[tilespmem:s28+$0x1500] =	vst v18  }
0x12a: {  	v26 =	vmul.f32 v15, v3;
	v10 =	vmul.f32 v13, v1;
	[tilespmem:s28+$0x1680] =	vst v35  }
0x12b: {  	v23 =	vmul.f32 v32, v3;
	v12 =	vmul.f32 v6, v13;
	[tilespmem:s28+$0x1700] =	vst v36  }
0x12c: {  	v11 =	vmul.f32 v16, v1;
	v14 =	vmul.f32 v6, v16;
	[tilespmem:s28+$0x780] =	vst v10  }
0x12d: {  	v17 =	vmul.f32 v6, v19;
	v37 =	vmul.f32 v6, v21;
	[tilespmem:s28+$0x800] =	vst v12  }
0x12e: {  	v30 =	vmul.f32 v1, v22;
	v27 =	vmul.f32 v6, v22;
	[tilespmem:s28+$0xF80] =	vst v11  }
0x12f: {  	v25 =	vmul.f32 v15, v1;
	v24 =	vmul.f32 v6, v15;
	[tilespmem:s28+$0x1000] =	vst v14  }
0x130: {  	v22 =	vmul.f32 v1, v32;
	v10 =	vmul.f32 v13, v0;
	[tilespmem:s28+$0x1400] =	vst v17  }
0x131: {  	v18 =	vmul.f32 v3, v33;
	v13 =	vmul.f32 v16, v3;
	[tilespmem:s28+$0x1800] =	vst v37  }
0x132: {  	v15 =	vmul.f32 v33, v0;
	v12 =	vmul.f32 v16, v0;
	[tilespmem:s28+$0x880] =	vst v10  }
0x133: {  	v16 =	vmul.f32 v19, v3;
	v11 =	vmul.f32 v1, v20;
	[tilespmem:s28+$0xF00] =	vst v13  }
0x134: {  	v17 =	vmul.f32 v6, v32;
	v14 =	vmul.f32 v32, v0;
	[tilespmem:s28+$0x1080] =	vst v12  }
0x135: {  	v10 =	vmul.f32 v1, v19;
	v13 =	vmul.f32 v19, v0;
	[tilespmem:s28+$0x1300] =	vst v16  }
0x136: {  	v19 =	vmul.f32 v6, v20;
	v12 =	vmul.f32 v21, v1;
	[tilespmem:s28+$0x1580] =	vst v11  }
0x137: {  	v20 =	vmul.f32 v6, v7;
	v21 =	vmul.f32 v6, v5;
	[tilespmem:s28+$0x1380] =	vst v10  }
0x138: {  	v16 =	vmul.f32 v6, v33;
	v11 =	vmul.f32 v1, v34;
	[tilespmem:s28+$0x1480] =	vst v13  }
0x139: {  	[tilespmem:s28+$0x1600] =	vst v19;
	v19 =	vmul.f32 v1, v33;
	v13 =	vmul.f32 v34, v3  }
0x13a: {  	s29 =	simm.s32 $0x10;
	s0 =	simm.s32 $0x80;
	[tilespmem:s28+$0x1780] =	vst v12;
	v12 =	vmul.f32 v6, v34;
	v10 =	vmul.f32 v34, v0  }
.LBB2_7:
0x13b: {  	p1 =	sne.s32 s0, $0xC0;
	v32 =	vld [tilespmem:s29+$0x100];
	v33 =	vmul.f32 v3, v9;
	v34 =	vmul.f32 v1, v9;
	[tilespmem:s28+$0x1880] =	vst v31  }
0x13c: {  	v31 =	vmul.f32 v6, v9;
	v35 =	vmul.f32 v9, v0;
	[tilespmem:s28+$0x1900] =	vst v29  }
0x13d: {  	v29 =	vmul.f32 v6, v4;
	[tilespmem:s28+$0x1980] =	vst v30;
	v30 =	vmul.f32 v8, v3  }
0x13e: {  	v36 =	vmul.f32 v6, v8;
	[tilespmem:s28+$0x1A00] =	vst v27;
	v27 =	vmul.f32 v1, v8  }
0x13f: {  	v37 =	vmul.f32 v6, v2;
	[tilespmem:s28+$0x1A80] =	vst v28;
	v28 =	vmul.f32 v8, v0  }
0x140: {  	v38 =	vmul.f32 v3, v7;
	v32 =	vmul.f32 $2.000000000e+01, v32;
	[tilespmem:s28+$0x1F00] =	vst v26  }
0x141: {  	v39 =	vmul.f32 v1, v7;
	v6 =	vmul.f32 v7, v0;
	v26 =	vld [tilespmem:s29+$0x0];
	[tilespmem:s28+$0x1F80] =	vst v25  }
0x142: {  	v9 =	vmul.f32 v3, v5;
	v7 =	vtrunc.f32 v32;
	[tilespmem:s28+$0x2000] =	vst v24  }
0x143: {  	v7 =	vcvt.f32.s32 v7;
	v24 =	vld [tilespmem:s29+$0x200];
	[tilespmem:s28+$0x400] =	vst v20;
	v20 =	vmul.f32 v1, v5  }
0x144: {  	v8 =	vmul.f32 v0, v5;
	v5 =	vmul.f32 v3, v4;
	[tilespmem:s28+$0x500] =	vst v23  }
0x145: {  	v23 =	vcvt.s32.f32 v7;
	[tilespmem:s28+$0x580] =	vst v22;
	v7 =	vmul.f32 v1, v4  }
0x146: {  	v4 =	vmul.f32 v4, v0;
	v22 =	vmul.f32 $2.000000000e+01, v26;
	[tilespmem:s28+$0x600] =	vst v17  }
0x147: {  	v17 =	vmul.f32 v1, v2;
	v23 =	vsub.f32 v32, v23;
	[tilespmem:s28+$0x680] =	vst v14;
	v14 =	vmul.f32 v3, v2  }
0x148: {  	v1 =	vtrunc.f32 v22;
	v3 =	vmul.f32 $2.000000000e+01, v24;
	[tilespmem:s28+$0xA00] =	vst v21  }
0x149: {  	v1 =	vcvt.f32.s32 v1;
	v21 =	vadd.f32 $1.000000000e+00, v23;
	[tilespmem:s28+$0xB00] =	vst v18;
	v18 =	vmul.f32 v0, v2  }
0x14a: {  	vm0 =	vlt.f32 v23, $0.0e+00;
	v0 =	vtrunc.f32 v3;
	[tilespmem:s28+$0xB80] =	vst v19  }
0x14b: {  	v1 =	vcvt.s32.f32 v1;
	v2 =	vsel vm0, v21, v23;
	v0 =	vcvt.f32.s32 v0;
	[tilespmem:s28+$0xC00] =	vst v16  }
0x14c: {  	v16 =	vsub.f32 $1.000000000e+00, v2;
	v19 =	vmul.f32 v2, v2;
	[tilespmem:s28+$0xC80] =	vst v15  }
0x14d: {  	v1 =	vsub.f32 v22, v1;
	v0 =	vcvt.s32.f32 v0;
	[tilespmem:s28+$0xD00] =	vst v13  }
0x14e: {  	v2 =	vmul.f32 v19, v2;
	v13 =	vmul.f32 v16, v16;
	[tilespmem:s28+$0xD80] =	vst v11  }
0x14f: {  	v11 =	vadd.f32 $1.000000000e+00, v1;
	v0 =	vsub.f32 v3, v0;
	[tilespmem:s28+$0xE00] =	vst v12  }
0x150: {  	vm0 =	vlt.f32 v1, $0.0e+00;
	v3 =	vmul.f32 v13, v16;
	v12 =	vmul.f32 $5.000000000e-01, v2;
	[tilespmem:s28+$0xE80] =	vst v10  }
0x151: {  	v2 =	vmul.f32 $1.666666720e-01, v2;
	v1 =	vsel vm0, v11, v1;
	v10 =	vadd.f32 $1.000000000e+00, v0;
	[tilespmem:s28+$0x1100] =	vst v33  }
0x152: {  	vm0 =	vlt.f32 v0, $0.0e+00;
	v11 =	vmul.f32 v1, v1;
	v15 =	vmul.f32 $5.000000000e-01, v3;
	[tilespmem:s28+$0x1180] =	vst v34  }
0x153: {  	v12 =	vsub.f32 v12, v19;
	v0 =	vsel vm0, v10, v0;
	v10 =	vsub.f32 $1.000000000e+00, v1;
	[tilespmem:s28+$0x1200] =	vst v31  }
0x154: {  	v1 =	vmul.f32 v11, v1;
	v13 =	vsub.f32 v15, v13;
	v15 =	vmul.f32 v0, v0;
	[tilespmem:s28+$0x1280] =	vst v35  }
0x155: {  	v12 =	vadd.f32 $6.666666860e-01, v12;
	v19 =	vsub.f32 $1.000000000e+00, v0;
	v16 =	vmul.f32 v10, v10;
	[tilespmem:s28+$0x1C00] =	vst v29  }
0x156: {  	v21 =	vmul.f32 $1.666666720e-01, v1;
	v13 =	vadd.f32 $6.666666860e-01, v13;
	v22 =	vmul.f32 v15, v0;
	[tilespmem:s28+$0x1D00] =	vst v30  }
0x157: {  	v23 =	vmul.f32 v19, v19;
	v10 =	vmul.f32 v16, v10;
	[tilespmem:s28+$0x1D80] =	vst v27  }
0x158: {  	v0 =	vmul.f32 $1.666666720e-01, v22;
	v24 =	vmul.f32 v13, v21;
	[tilespmem:s28+$0x1E00] =	vst v36  }
0x159: {  	v1 =	vmul.f32 $5.000000000e-01, v1;
	v25 =	vmul.f32 $5.000000000e-01, v10;
	[tilespmem:s28+$0x1E80] =	vst v28  }
0x15a: {  	v19 =	vmul.f32 v23, v19;
	v26 =	vmul.f32 v24, v0;
	[tilespmem:s28+$0x2200] =	vst v37  }
0x15b: {  	v1 =	vsub.f32 v1, v11;
	v11 =	vsub.f32 v25, v16;
	v16 =	vmul.f32 $5.000000000e-01, v22;
	[tilespmem:s28+$0x300] =	vst v38  }
0x15c: {  	v10 =	vmul.f32 $1.666666720e-01, v10;
	v22 =	vmul.f32 $5.000000000e-01, v19;
	[tilespmem:s29+$0x2080] =	vst v26  }
0x15d: {  	v25 =	vadd.f32 $6.666666860e-01, v1;
	v26 =	vmul.f32 $1.666666720e-01, v3;
	v11 =	vadd.f32 $6.666666860e-01, v11;
	[tilespmem:s28+$0x380] =	vst v39  }
0x15e: {  	v1 =	vsub.f32 v16, v15;
	v3 =	vsub.f32 v22, v23;
	v15 =	vmul.f32 v13, v10;
	[tilespmem:s28+$0x480] =	vst v6  }
0x15f: {  	v16 =	vmul.f32 v13, v25;
	v22 =	vmul.f32 v11, v26;
	[tilespmem:s28+$0x900] =	vst v9  }
0x160: {  	v6 =	vadd.f32 $6.666666860e-01, v3;
	v23 =	vmul.f32 v12, v11;
	v13 =	vmul.f32 v13, v11;
	[tilespmem:s28+$0x980] =	vst v20  }
0x161: {  	v32 =	vmul.f32 v12, v10;
	v1 =	vadd.f32 $6.666666860e-01, v1;
	v11 =	vmul.f32 v11, v2;
	[tilespmem:s28+$0xA80] =	vst v8  }
0x162: {  	v34 =	vmul.f32 v12, v25;
	v33 =	vmul.f32 v26, v25;
	[tilespmem:s28+$0x1B00] =	vst v5  }
0x163: {  	v9 =	vmul.f32 v25, v2;
	v8 =	vmul.f32 v12, v21;
	[tilespmem:s28+$0x1B80] =	vst v7  }
0x164: {  	v5 =	vmul.f32 v2, v10;
	v7 =	vmul.f32 v26, v10;
	[tilespmem:s28+$0x1C80] =	vst v4  }
0x165: {  	v3 =	vmul.f32 $1.666666720e-01, v19;
	v4 =	vmul.f32 v26, v21;
	[tilespmem:s28+$0x2180] =	vst v17  }
0x166: {  	v2 =	vmul.f32 v2, v21;
	v10 =	vmul.f32 v15, v1;
	[tilespmem:s28+$0x2100] =	vst v14  }
0x167: {  	v12 =	vmul.f32 v15, v3;
	v14 =	vmul.f32 v6, v15;
	[tilespmem:s28+$0x2280] =	vst v18;
	s28 =	smov.u32 s29  }
0x168: {  	[tilespmem:s28+$0x780] =	vst v10;
	v10 =	vmul.f32 v15, v0;
	v15 =	vmul.f32 v16, v3  }
0x169: {  	v17 =	vmul.f32 v6, v16;
	[tilespmem:s28+$0x700] =	vst v12;
	v12 =	vmul.f32 v16, v1  }
0x16a: {  	[tilespmem:s28+$0x800] =	vst v14;
	v14 =	vmul.f32 v16, v0;
	v16 =	vmul.f32 v22, v3  }
0x16b: {  	v18 =	vmul.f32 v6, v22;
	[tilespmem:s28+$0x880] =	vst v10;
	v10 =	vmul.f32 v1, v22  }
0x16c: {  	v19 =	vmul.f32 v23, v3;
	[tilespmem:s28+$0xF00] =	vst v15;
	v15 =	vmul.f32 v22, v0  }
0x16d: {  	v35 =	vmul.f32 v6, v23;
	[tilespmem:s28+$0xF80] =	vst v12;
	v12 =	vmul.f32 v1, v23  }
0x16e: {  	v36 =	vmul.f32 v23, v0;
	v37 =	vmul.f32 v13, v3;
	[tilespmem:s28+$0x1000] =	vst v17  }
0x16f: {  	v38 =	vmul.f32 v13, v1;
	v39 =	vmul.f32 v6, v13;
	[tilespmem:s28+$0x1080] =	vst v14  }
0x170: {  	v31 =	vmul.f32 v13, v0;
	v29 =	vmul.f32 v11, v3;
	[tilespmem:s28+$0x1300] =	vst v16  }
0x171: {  	v30 =	vmul.f32 v1, v11;
	v27 =	vmul.f32 v6, v11;
	[tilespmem:s28+$0x1380] =	vst v10  }
0x172: {  	v28 =	vmul.f32 v11, v0;
	v26 =	vmul.f32 v24, v3;
	[tilespmem:s28+$0x1400] =	vst v18  }
0x173: {  	v25 =	vmul.f32 v24, v1;
	v24 =	vmul.f32 v6, v24;
	[tilespmem:s28+$0x1480] =	vst v15  }
0x174: {  	v20 =	vmul.f32 v6, v7;
	v23 =	vmul.f32 v32, v3;
	[tilespmem:s28+$0x1500] =	vst v19  }
0x175: {  	v22 =	vmul.f32 v1, v32;
	v17 =	vmul.f32 v6, v32;
	[tilespmem:s28+$0x1580] =	vst v12  }
.Ltmp5:
0x176: {  	v21 =	vmul.f32 v6, v5;
	v14 =	vmul.f32 v32, v0;
	[tilespmem:s28+$0x1600] =	vst v35;
	(pc) =	sbr.rel @p1 .LBB2_7-.Ltmp5, $4  }
0x177: {  	v18 =	vmul.f32 v3, v33;
	v19 =	vmul.f32 v1, v33;
	[tilespmem:s28+$0x1680] =	vst v36  }
0x178: {  	v16 =	vmul.f32 v6, v33;
	v15 =	vmul.f32 v33, v0;
	[tilespmem:s28+$0x1700] =	vst v37  }
0x179: {  	v13 =	vmul.f32 v34, v3;
	v11 =	vmul.f32 v1, v34;
	[tilespmem:s28+$0x1780] =	vst v38  }
0x17a: {  	s29 =	sshra.s32 s0, $0x2;
	s0 =	sadd.s32 $0x40, s0;
	v10 =	vmul.f32 v34, v0;
	v12 =	vmul.f32 v6, v34;
	[tilespmem:s28+$0x1800] =	vst v39  }
0x17b: {  	v32 =	vld [tilespmem:s29+$0x100];
	[tilespmem:s28+$0x1880] =	vst v31  }
0x17c: {  	[tilespmem:s28+$0x1900] =	vst v29  }
0x17d: {  	[tilespmem:s28+$0x1980] =	vst v30  }
0x17e: {  	[tilespmem:s28+$0x1A00] =	vst v27  }
0x17f: {  	[tilespmem:s28+$0x1A80] =	vst v28  }
0x180: {  	[tilespmem:s28+$0x1F00] =	vst v26;
	v62 =	vmul.f32 $2.000000000e+01, v32  }
0x181: {  	v26 =	vld [tilespmem:s29+$0x0];
	[tilespmem:s28+$0x1F80] =	vst v25  }
0x182: {  	[tilespmem:s28+$0x2000] =	vst v24;
	v63 =	vtrunc.f32 v62  }
0x183: {  	v25 =	vld [tilespmem:s29+$0x200];
	[tilespmem:s28+$0x400] =	vst v20;
	v24 =	vcvt.f32.s32 v63  }
0x184: {  	[tilespmem:s28+$0x500] =	vst v23  }
0x185: {  	[tilespmem:s28+$0x580] =	vst v22;
	v24 =	vcvt.s32.f32 v24  }
0x186: {  	[tilespmem:s28+$0x600] =	vst v17;
	v28 =	vmul.f32 $2.000000000e+01, v26  }
0x187: {  	[tilespmem:s28+$0x680] =	vst v14;
	v29 =	vsub.f32 v62, v24  }
0x188: {  	[tilespmem:s28+$0xA00] =	vst v21;
	v31 =	vmul.f32 $2.000000000e+01, v25;
	v30 =	vtrunc.f32 v28  }
0x189: {  	[tilespmem:s28+$0xB00] =	vst v18;
	v14 =	vcvt.f32.s32 v30;
	v32 =	vadd.f32 $1.000000000e+00, v29  }
0x18a: {  	[tilespmem:s28+$0xB80] =	vst v19;
	v33 =	vtrunc.f32 v31;
	vm0 =	vlt.f32 v29, $0.0e+00  }
0x18b: {  	[tilespmem:s28+$0xC00] =	vst v16;
	v18 =	vcvt.f32.s32 v33;
	v14 =	vcvt.s32.f32 v14;
	v17 =	vsel vm0, v32, v29  }
0x18c: {  	[tilespmem:s28+$0xC80] =	vst v15;
	v34 =	vsub.f32 $1.000000000e+00, v17  }
0x18d: {  	[tilespmem:s28+$0xD00] =	vst v13;
	v35 =	vcvt.s32.f32 v18;
	v14 =	vsub.f32 v28, v14  }
0x18e: {  	v36 =	vmul.f32 v3, v9;
	[tilespmem:s28+$0xD80] =	vst v11;
	v37 =	vmul.f32 v34, v34  }
0x18f: {  	v38 =	vmul.f32 v1, v9;
	[tilespmem:s28+$0xE00] =	vst v12;
	v15 =	vsub.f32 v31, v35;
	v39 =	vadd.f32 $1.000000000e+00, v14  }
0x190: {  	v40 =	vmul.f32 v6, v9;
	[tilespmem:s28+$0xE80] =	vst v10;
	vm14 =	vlt.f32 v14, $0.0e+00;
	v16 =	vmul.f32 v37, v34  }
0x191: {  	v41 =	vmul.f32 v9, v0;
	[tilespmem:s28+$0x1100] =	vst v36;
	v43 =	vadd.f32 $1.000000000e+00, v15;
	v42 =	vsel vm14, v39, v14  }
0x192: {  	[tilespmem:s28+$0x1180] =	vst v38;
	vm15 =	vlt.f32 v15, $0.0e+00;
	v44 =	vmul.f32 v42, v42;
	v45 =	vmul.f32 $5.000000000e-01, v16  }
0x193: {  	v46 =	vmul.f32 v6, v4;
	v47 =	vmul.f32 v8, v3;
	[tilespmem:s28+$0x1200] =	vst v40;
	v14 =	vsel vm15, v43, v15  }
0x194: {  	[tilespmem:s28+$0x1280] =	vst v41;
	v50 =	vmul.f32 v14, v14;
	v48 =	vmul.f32 v44, v42;
	v49 =	vsub.f32 v45, v37  }
0x195: {  	v51 =	vmul.f32 v1, v8;
	v52 =	vmul.f32 v6, v8;
	[tilespmem:s28+$0x1C00] =	vst v46  }
0x196: {  	[tilespmem:s28+$0x1D00] =	vst v47;
	v53 =	vmul.f32 v50, v14;
	v9 =	vmul.f32 $1.666666720e-01, v48;
	v11 =	vadd.f32 $6.666666860e-01, v49  }
0x197: {  	v54 =	vmul.f32 v8, v0;
	v55 =	vmul.f32 v6, v2;
	[tilespmem:s28+$0x1D80] =	vst v51  }
0x198: {  	[tilespmem:s28+$0x1E00] =	vst v52;
	v6 =	vmul.f32 $1.666666720e-01, v53;
	v19 =	vmul.f32 v11, v9  }
0x199: {  	v56 =	vmul.f32 v3, v7;
	v57 =	vmul.f32 v1, v7;
	[tilespmem:s28+$0x1E80] =	vst v54  }
0x19a: {  	v58 =	vmul.f32 v7, v0;
	[tilespmem:s28+$0x2200] =	vst v55;
	v59 =	vmul.f32 v19, v6  }
0x19b: {  	v60 =	vmul.f32 v3, v5;
	v61 =	vmul.f32 v1, v5;
	[tilespmem:s28+$0x300] =	vst v56;
	v10 =	vsub.f32 $1.000000000e+00, v42  }
0x19c: {  	v36 =	vmul.f32 v1, v2;
	v40 =	vmul.f32 v0, v2;
	v14 =	vsub.f32 $1.000000000e+00, v14;
	[tilespmem:s29+$0x2080] =	vst v59  }
0x19d: {  	v63 =	vmul.f32 v3, v4;
	v29 =	vmul.f32 v10, v10;
	[tilespmem:s28+$0x380] =	vst v57  }
0x19e: {  	v30 =	vmul.f32 v4, v0;
	v31 =	vmul.f32 v14, v14;
	[tilespmem:s28+$0x480] =	vst v58  }
0x19f: {  	v62 =	vmul.f32 v0, v5;
	v33 =	vmul.f32 v29, v10;
	[tilespmem:s28+$0x900] =	vst v60  }
0x1a0: {  	v35 =	vmul.f32 $5.000000000e-01, v53;
	v34 =	vmul.f32 v31, v14;
	[tilespmem:s28+$0x980] =	vst v61  }
0x1a1: {  	v28 =	vmul.f32 v1, v4;
	v37 =	vmul.f32 $5.000000000e-01, v48;
	[tilespmem:s28+$0xA80] =	vst v62  }
0x1a2: {  	v38 =	vmul.f32 $1.666666720e-01, v33;
	v14 =	vsub.f32 v35, v50;
	v39 =	vmul.f32 $5.000000000e-01, v34;
	[tilespmem:s28+$0x1B00] =	vst v63  }
0x1a3: {  	v32 =	vmul.f32 v3, v2;
	v41 =	vmul.f32 v17, v17;
	v13 =	vsub.f32 v37, v44;
	[tilespmem:s28+$0x1B80] =	vst v28  }
0x1a4: {  	v0 =	vadd.f32 $6.666666860e-01, v14;
	v42 =	vsub.f32 v39, v31;
	v43 =	vmul.f32 v11, v38;
	[tilespmem:s28+$0x1C80] =	vst v30  }
0x1a5: {  	v47 =	vmul.f32 v41, v17;
	v1 =	vmul.f32 $1.666666720e-01, v34;
	[tilespmem:s28+$0x2180] =	vst v36  }
0x1a6: {  	v45 =	vadd.f32 $6.666666860e-01, v13;
	v8 =	vadd.f32 $6.666666860e-01, v42;
	v46 =	vmul.f32 v43, v0;
	[tilespmem:s28+$0x2100] =	vst v32  }
0x1a7: {  	v52 =	vmul.f32 $5.000000000e-01, v47;
	v48 =	vmul.f32 v43, v1;
	[tilespmem:s28+$0x2280] =	vst v40  }
0x1a8: {  	v50 =	vmul.f32 v11, v45;
	v51 =	vmul.f32 v8, v43;
	[tilespmem:s29+$0x780] =	vst v46  }
0x1a9: {  	v12 =	vmul.f32 v43, v6;
	[tilespmem:s29+$0x700] =	vst v48  }
0x1aa: {  	v53 =	vmul.f32 $1.666666720e-01, v16;
	v10 =	vsub.f32 v52, v41;
	v54 =	vmul.f32 v50, v1;
	[tilespmem:s29+$0x800] =	vst v51  }
0x1ab: {  	v55 =	vmul.f32 v50, v0;
	[tilespmem:s29+$0x880] =	vst v12  }
0x1ac: {  	v10 =	vadd.f32 $6.666666860e-01, v10;
	v25 =	vmul.f32 v53, v38;
	v4 =	vmul.f32 v50, v6;
	[tilespmem:s29+$0xF00] =	vst v54  }
0x1ad: {  	v44 =	vmul.f32 $5.000000000e-01, v33;
	v24 =	vmul.f32 v19, v1;
	[tilespmem:s29+$0xF80] =	vst v55  }
0x1ae: {  	v27 =	vmul.f32 v10, v38;
	v26 =	vmul.f32 v19, v0;
	[tilespmem:s29+$0x1080] =	vst v4  }
0x1af: {  	v49 =	vsub.f32 v44, v29;
	v29 =	vmul.f32 v8, v25;
	[tilespmem:s29+$0x1F00] =	vst v24  }
0x1b0: {  	v31 =	vmul.f32 v0, v27;
	v34 =	vmul.f32 v53, v45;
	[tilespmem:s29+$0x1F80] =	vst v26  }
0x1b1: {  	v33 =	vmul.f32 v8, v27;
	[tilespmem:s29+$0x400] =	vst v29  }
0x1b2: {  	v37 =	vmul.f32 v0, v34;
	[tilespmem:s29+$0x580] =	vst v31  }
0x1b3: {  	v39 =	vmul.f32 v8, v34;
	[tilespmem:s29+$0x600] =	vst v33  }
0x1b4: {  	v57 =	vmul.f32 v8, v50;
	[tilespmem:s29+$0xB80] =	vst v37  }
0x1b5: {  	v2 =	vadd.f32 $6.666666860e-01, v49;
	v28 =	vmul.f32 v8, v19;
	[tilespmem:s29+$0xC00] =	vst v39  }
0x1b6: {  	v30 =	vmul.f32 v27, v1;
	[tilespmem:s29+$0x1000] =	vst v57  }
0x1b7: {  	v56 =	vmul.f32 v2, v53;
	v36 =	vmul.f32 v1, v34;
	[tilespmem:s29+$0x2000] =	vst v28  }
0x1b8: {  	v40 =	vmul.f32 v34, v6;
	[tilespmem:s29+$0x500] =	vst v30  }
0x1b9: {  	v58 =	vmul.f32 v56, v1;
	[tilespmem:s29+$0xB00] =	vst v36  }
0x1ba: {  	v59 =	vmul.f32 v0, v56;
	[tilespmem:s29+$0xC80] =	vst v40  }
0x1bb: {  	v11 =	vmul.f32 v11, v2;
	v61 =	vmul.f32 v8, v56;
	[tilespmem:s29+$0x1300] =	vst v58  }
0x1bc: {  	v12 =	vmul.f32 v56, v6;
	[tilespmem:s29+$0x1380] =	vst v59  }
0x1bd: {  	v3 =	vmul.f32 $1.666666720e-01, v47;
	v17 =	vmul.f32 v11, v1;
	[tilespmem:s29+$0x1400] =	vst v61  }
0x1be: {  	v18 =	vmul.f32 v11, v0;
	[tilespmem:s29+$0x1480] =	vst v12  }
0x1bf: {  	v43 =	vmul.f32 v45, v3;
	v20 =	vmul.f32 v8, v11;
	[tilespmem:s29+$0x1700] =	vst v17  }
0x1c0: {  	v11 =	vmul.f32 v11, v6;
	[tilespmem:s29+$0x1780] =	vst v18  }
0x1c1: {  	v46 =	vmul.f32 v1, v43;
	[tilespmem:s29+$0x1800] =	vst v20  }
0x1c2: {  	v47 =	vmul.f32 v0, v43;
	[tilespmem:s29+$0x1880] =	vst v11  }
0x1c3: {  	v49 =	vmul.f32 v8, v43;
	[tilespmem:s29+$0x1100] =	vst v46  }
0x1c4: {  	v60 =	vmul.f32 v10, v2;
	v5 =	vmul.f32 v43, v6;
	[tilespmem:s29+$0x1180] =	vst v47  }
0x1c5: {  	v56 =	vmul.f32 v1, v25;
	[tilespmem:s29+$0x1200] =	vst v49  }
0x1c6: {  	v62 =	vmul.f32 v60, v1;
	[tilespmem:s29+$0x1280] =	vst v5  }
0x1c7: {  	v63 =	vmul.f32 v0, v60;
	[tilespmem:s29+$0x300] =	vst v56  }
0x1c8: {  	v2 =	vmul.f32 v2, v3;
	v16 =	vmul.f32 v8, v60;
	[tilespmem:s29+$0x1500] =	vst v62  }
0x1c9: {  	v4 =	vmul.f32 v60, v6;
	[tilespmem:s29+$0x1580] =	vst v63  }
0x1ca: {  	v21 =	vmul.f32 v2, v1;
	[tilespmem:s29+$0x1600] =	vst v16  }
0x1cb: {  	v22 =	vmul.f32 v0, v2;
	[tilespmem:s29+$0x1680] =	vst v4  }
0x1cc: {  	v32 =	vmul.f32 v3, v38;
	v23 =	vmul.f32 v8, v2;
	[tilespmem:s29+$0x1900] =	vst v21  }
0x1cd: {  	v38 =	vmul.f32 v10, v45;
	v2 =	vmul.f32 v2, v6;
	[tilespmem:s29+$0x1980] =	vst v22  }
0x1ce: {  	v35 =	vmul.f32 v8, v32;
	[tilespmem:s29+$0x1A00] =	vst v23  }
0x1cf: {  	v41 =	vmul.f32 v38, v1;
	[tilespmem:s29+$0x1A80] =	vst v2  }
0x1d0: {  	v42 =	vmul.f32 v0, v38;
	[tilespmem:s29+$0xA00] =	vst v35  }
0x1d1: {  	v10 =	vmul.f32 v10, v9;
	v44 =	vmul.f32 v8, v38;
	[tilespmem:s29+$0xD00] =	vst v41  }
0x1d2: {  	v45 =	vmul.f32 v38, v6;
	[tilespmem:s29+$0xD80] =	vst v42  }
0x1d3: {  	v51 =	vmul.f32 v10, v1;
	[tilespmem:s29+$0xE00] =	vst v44  }
0x1d4: {  	v3 =	vmul.f32 v3, v9;
	v52 =	vmul.f32 v0, v10;
	[tilespmem:s29+$0xE80] =	vst v45  }
0x1d5: {  	v48 =	vmul.f32 v53, v9;
	v53 =	vmul.f32 v8, v10;
	[tilespmem:s29+$0x1D00] =	vst v51  }
0x1d6: {  	v54 =	vmul.f32 v10, v6;
	[tilespmem:s29+$0x1D80] =	vst v52  }
0x1d7: {  	v55 =	vmul.f32 v8, v3;
	[tilespmem:s29+$0x1E00] =	vst v53  }
0x1d8: {  	v57 =	vmul.f32 v0, v25;
	[tilespmem:s29+$0x1E80] =	vst v54  }
0x1d9: {  	v60 =	vmul.f32 v0, v32;
	[tilespmem:s29+$0x2200] =	vst v55  }
0x1da: {  	v50 =	vmul.f32 v8, v48;
	[tilespmem:s29+$0x380] =	vst v57  }
0x1db: {  	v58 =	vmul.f32 v25, v6;
	[tilespmem:s29+$0x980] =	vst v60  }
0x1dc: {  	v59 =	vmul.f32 v1, v32;
	[tilespmem:s29+$0x1C00] =	vst v50  }
0x1dd: {  	v61 =	vmul.f32 v1, v48;
	[tilespmem:s29+$0x480] =	vst v58  }
0x1de: {  	v1 =	vmul.f32 v1, v3;
	[tilespmem:s29+$0x900] =	vst v59  }
0x1df: {  	v2 =	vmul.f32 v27, v6;
	[tilespmem:s29+$0x1B00] =	vst v61  }
0x1e0: {  	s0 =	simm.s32 $0x0;
	v4 =	vmul.f32 v6, v32;
	[tilespmem:s29+$0x2100] =	vst v1  }
0x1e1: {  	s0 =	smul.u32 $0x186C00, s0;
	v62 =	vmul.f32 v0, v48;
	[tilespmem:s29+$0x680] =	vst v2  }
0x1e2: {  	s3 =	sand.u32 $0x380, s26;
	v0 =	vmul.f32 v0, v3;
	[tilespmem:s29+$0xA80] =	vst v4  }
0x1e3: {  	s0 =	sor.u32 s3, s0;
	v63 =	vmul.f32 v6, v3;
	[tilespmem:s29+$0x1B80] =	vst v62  }
0x1e4: {  	s16 =	simm.s32 $0x0;
	s0 =	sadd.s32 $0x186800, s0;
	v2 =	vmul.f32 v48, v6;
	[tilespmem:s29+$0x2180] =	vst v0  }
0x1e5: {  	s16 =	smul.u32 $0x186C00, s16;
	s3 =	simm.s32 $0x80;
	s30 =	sshrl.u32 s0, $0x3;
	[tilespmem:s29+$0x2280] =	vst v63  }
0x1e6: {  	s31 =	sand.u32 $0x380, s3;
	s0 =	simm.s32 $0x300;
	s15 =	sadd.s32 s1, s30;
	[tilespmem:s29+$0x1C80] =	vst v2  }
0x1e7: {  	[hbm4b:s15+s24] =	stream.strided.scatter [tilespmem:s0], [sflag:$0x5], $0x0, s21, s24, $0x38;
	[tilespmem:$0x4300] =	vst v63  }
0x1e8: {  	s26 =	simm.s32 $0x2;
	s28 =	sor.u32 s31, s16  }
0x1e9: {  	[hbm4b:s15+s2] =	stream.linear.scatter [tilespmem:s0], [sflag:$0x5], $0x40, $0x38;
	[tilespmem:$0x4300] =	vst v63  }
.LBB2_9:
0x1ea: {  	p1 =	sne.s32 s26, $0x3F;
	s15 =	sadd.s32 $0x186800, s28;
	_ =	swait.ge [sflag:s23], $0x40  }
0x1eb: {  	s15 =	sshrl.u32 s15, $0x3;
	[sflag:s23] =	ssyncset.done $0x0  }
0x1ec: {  	s0 =	sadd.s32 $0x80, s0;
	s15 =	sadd.s32 s1, s15;
	[sflag:s23] =	ssyncadd.s32 $0xFFFFFFC0  }
0x1ed: {  	[hbm4b:s15+s24] =	stream.strided.scatter [tilespmem:s0], [sflag:$0x5], $0x0, s21, s24, $0x38;
	[tilespmem:$0x4300] =	vst v63  }
.Ltmp6:
0x1ee: {  	_ = 	snop;
	(pc) =	sbr.rel @p1 .LBB2_9-.Ltmp6, $4  }
0x1ef: {  	s16 =	sshrl.u32 s26, $0x3;
	s3 =	sadd.s32 $0x80, s3  }
0x1f0: {  	s16 =	smul.u32 $0x186C00, s16;
	s28 =	sand.u32 $0x380, s3  }
0x1f1: {  	[hbm4b:s15+s2] =	stream.linear.scatter [tilespmem:s0], [sflag:$0x5], $0x40, $0x38;
	[tilespmem:$0x4300] =	vst v63  }
0x1f2: {  	s26 =	sadd.s32 $0x1, s26;
	s28 =	sor.u32 s28, s16  }
0x1f3: {  	s3 =	sadd.s32 $0x186800, s28;
	_ =	swait.ge [sflag:s23], $0x40  }
0x1f4: {  	s3 =	sshrl.u32 s3, $0x3;
	[sflag:s23] =	ssyncset.done $0x0  }
0x1f5: {  	s0 =	sadd.s32 $0x80, s0;
	s3 =	sadd.s32 s1, s3;
	[sflag:s23] =	ssyncadd.s32 $0xFFFFFFC0  }
0x1f6: {  	[hbm4b:s3+s24] =	stream.strided.scatter [tilespmem:s0], [sflag:$0x5], $0x0, s21, s24, $0x38;
	[tilespmem:$0x4300] =	vst v63  }
.Ltmp7:
0x1f7: {  	_ = 	snop;
	(pc) =	sbr.rel .LBB2_11-.Ltmp7, $4  }
0x1f8: {  	[hbm4b:s3+s2] =	stream.linear.scatter [tilespmem:s0], [sflag:$0x5], $0x40, $0x38;
	[tilespmem:$0x4300] =	vst v63  }
0x1f9: {  	_ =	swait.ge [sflag:s23], $0x40  }
0x1fa: {  	[sflag:s23] =	ssyncset.done $0x0  }
0x1fb: {  	[sflag:s23] =	ssyncadd.s32 $0xFFFFFFC0  }
.LBB2_12:
0x1fc: {  	_ =	sfence.sel $0x180000  }
0x1fd: {  	[bflag:$0x0] =	sbarrier.arrive $0xFFFF  }
0x1fe: {  	_ =	strace $0x90000047  }
0x1ff: {  	s0 =	stileid.u32;
	[bflag:$0x2] =	sbarrier.arrive $0xFFFF  }
0x200: {  	p0 =	sne.s32 s0, $0x0;
	s0 =	rddreg [dreg:$0x2]  }
0x201: {  	s0 =	sadd.s32 @!p0 $0x100000, s0  }
0x202: {  	[sflag:s0] =	ssyncadd.tile.s32 @!p0 $0x1;
	_ =	shalt  }
.Lfunc_end2:
_tile_overlayer_lowered:
.L_overlay_start_2:
0x203: {  	(tag) =	ssettag $0x2  }
0x204: {  	s0 =	rddreg [dreg:$0x0];
	s2 =	stileid.u32  }
0x205: {  	s1 =	rddreg [dreg:$0x1];
	p0 =	sne.s32 s2, $0x0  }
0x206: {  	s3 =	rddreg [dreg:$0x2];
	[bflag:$0x3] =	sbarrier.arrive $0xFFFF;
	s2 =	simm.s32 @!p0 $0x1C05  }
0x207: {  	[timem:s3], [sflag:s2] =	dma.local @!p0 [hbm:s0], s1  }
0x208: {  	s0 =	simm.s32 @!p0 $0x5  }
0x209: {  	_ =	swait.ge @!p0 [sflag:s0], s1  }
0x20a: {  	s1 =	ssub.s32 @!p0 $0x0, s1;
	[sflag:s0] =	ssyncset.done @!p0 $0x0  }
0x20b: {  	[sflag:s0] =	ssyncadd.s32 @!p0 s1  }
0x20c: {  	[bflag:$0x3] =	sbarrier.arrive $0xFFFF  }
0x20d: {  	_ =	shalt  }

</sc_bundles>
